<compile_context>
chip_gen: v7x
topology: tpu7x:2x2x1
jax: 0.10.2.dev20260603
libtpu: 0.0.44.dev20260713+nightly
codegen_flags: <defaults>
</compile_context>

<pallas_src>
import functools

import jax
import jax.numpy as jnp
from jax import lax
from jax.experimental import pallas as pl
from jax.experimental.pallas import tpu as pltpu
from jax.experimental.pallas import tpu_sc as plsc



def _proj_body(x_ref, w_ref, b_ref, o_ref):
    res = jnp.dot(x_ref[...], w_ref[...], preferred_element_type=jnp.float32)
    res = jnp.maximum(res + b_ref[...], 0.0)
    n = res.shape[0]
    hh = res.shape[1] // 2
    o_ref[pl.ds(0, n)] = res[:, :hh]
    o_ref[pl.ds(n, n)] = res[:, hh:]


def _mlp_body(ha_ref, hb_ref, fa_ref, fb_ref, eps_ref, w1_ref, b1_ref,
              w2_ref, b2_ref, o_ref):
    hblk = jnp.concatenate([ha_ref[...], hb_ref[...]], axis=1)
    agg = jnp.concatenate([fa_ref[...], fb_ref[...]], axis=1)
    t = (1.0 + eps_ref[0, 0]) * hblk + agg
    u = jnp.dot(t, w1_ref[...], preferred_element_type=jnp.float32) + b1_ref[...]
    u = jnp.maximum(u, 0.0)
    o_ref[...] = jnp.dot(u, w2_ref[...], preferred_element_type=jnp.float32) + b2_ref[...]


def _bn_body(v_ref, g_ref, b_ref, o_ref):
    v = v_ref[...]
    n = v.shape[0]
    hh = v.shape[1] // 2
    mean = jnp.sum(v, axis=0, keepdims=True) / n
    c = v - mean
    var = jnp.sum(c * c, axis=0, keepdims=True) / n
    out = g_ref[...] * c * lax.rsqrt(var + 1e-5) + b_ref[...]
    out = jnp.maximum(out, 0.0)
    o_ref[pl.ds(0, n)] = out[:, :hh]
    o_ref[pl.ds(n, n)] = out[:, hh:]


def _pool_body(seed_ref, hcat_ref, w1_ref, w2_ref, wa_ref, cw_ref, cb_ref,
               alpha_ref, logit_ref):
    n = hcat_ref.shape[0] // 2
    hh = hcat_ref.shape[1]
    ha = hcat_ref[pl.ds(0, n)]
    hb = hcat_ref[pl.ds(n, n)]
    hmean = jnp.concatenate(
        [jnp.sum(ha, axis=0, keepdims=True),
         jnp.sum(hb, axis=0, keepdims=True)], axis=1) / n
    seed = seed_ref[0]
    in_range = (seed >= 0) & (seed < n)
    safe = jnp.clip(seed, 0, n - 1)
    hrow = jnp.concatenate(
        [hcat_ref[pl.ds(safe, 1), :], hcat_ref[pl.ds(safe + n, 1), :]],
        axis=1)
    hs = jnp.where(in_range, hrow, hmean)
    z = jnp.tanh(
        jnp.dot(ha, w1_ref[pl.ds(0, hh), :], preferred_element_type=jnp.float32)
        + jnp.dot(hb, w1_ref[pl.ds(hh, hh), :], preferred_element_type=jnp.float32)
        + jnp.dot(hs, w2_ref[...], preferred_element_type=jnp.float32))
    e = jnp.dot(z, wa_ref[...], preferred_element_type=jnp.float32)
    e = jnp.where(e >= 0.0, e, 0.2 * e)
    m = jnp.max(e)
    a = jnp.exp(e - m)
    alpha = a / jnp.sum(a)
    alpha_ref[...] = alpha
    r = jnp.concatenate(
        [jnp.sum(alpha * ha, axis=0, keepdims=True),
         jnp.sum(alpha * hb, axis=0, keepdims=True)], axis=1)
    logit_ref[...] = (
        jnp.dot(r, cw_ref[...], preferred_element_type=jnp.float32) + cb_ref[...])



def _proj(x, w, b):
    n, _ = x.shape
    h = w.shape[1]
    return pl.pallas_call(
        _proj_body,
        out_shape=jax.ShapeDtypeStruct((2 * n, h // 2), jnp.float32),
    )(x, w, b.reshape(1, h))


def _mlp(hcat, flat, eps_i, w1, b1, w2, b2):
    n2, hh = hcat.shape
    n = n2 // 2
    h = 2 * hh
    br = 400
    nb = n // br
    grid = (nb,)
    return pl.pallas_call(
        _mlp_body,
        grid=grid,
        in_specs=[
            pl.BlockSpec((br, hh), lambda i: (i, 0)),
            pl.BlockSpec((br, hh), lambda i: (nb + i, 0)),
            pl.BlockSpec((br, hh), lambda i: (i, 0)),
            pl.BlockSpec((br, hh), lambda i: (nb + i, 0)),
            pl.BlockSpec((1, 1), lambda i: (0, 0), memory_space=pltpu.SMEM),
            pl.BlockSpec((h, h), lambda i: (0, 0)),
            pl.BlockSpec((1, h), lambda i: (0, 0)),
            pl.BlockSpec((h, h), lambda i: (0, 0)),
            pl.BlockSpec((1, h), lambda i: (0, 0)),
        ],
        out_specs=pl.BlockSpec((br, h), lambda i: (i, 0)),
        out_shape=jax.ShapeDtypeStruct((n, h), jnp.float32),
    )(hcat, hcat, flat, flat, eps_i.reshape(1, 1), w1, b1.reshape(1, h),
      w2, b2.reshape(1, h))


def _bn(v, gamma, beta):
    n, h = v.shape
    return pl.pallas_call(
        _bn_body,
        out_shape=jax.ShapeDtypeStruct((2 * n, h // 2), jnp.float32),
    )(v, gamma.reshape(1, h), beta.reshape(1, h))


def _pool(seed, hcat, w1, w2, wa, cw, cb):
    n = hcat.shape[0] // 2
    return pl.pallas_call(
        _pool_body,
        in_specs=[
            pl.BlockSpec(memory_space=pltpu.SMEM),
            pl.BlockSpec(),
            pl.BlockSpec(),
            pl.BlockSpec(),
            pl.BlockSpec(),
            pl.BlockSpec(),
            pl.BlockSpec(),
        ],
        out_shape=(
            jax.ShapeDtypeStruct((n, 1), jnp.float32),
            jax.ShapeDtypeStruct((1, 1), jnp.float32),
        ),
    )(seed, hcat, w1, w2, wa, cw, cb.reshape(1, 1))



def _segment_sum_sc(hcat, packed, n):
    n2, hh = hcat.shape
    nck, ch = packed.shape
    e = nck * ch // 2
    info = plsc.get_sparse_core_info()
    nc, ns = info.num_cores, info.num_subcores
    cpt = e // ns // ch
    nbuf = 5
    rpt = -(-n // ns)
    rpt = -(-rpt // ch) * ch
    np_ = rpt * ns
    nz = rpt // ch

    t1 = n - (ns - 1) * rpt
    t2 = rpt - t1

    mesh = plsc.VectorSubcoreMesh(core_axis_name="c", subcore_axis_name="s")

    @functools.partial(
        pl.kernel,
        out_type=jax.ShapeDtypeStruct((nc * np_, hh), jnp.float32),
        mesh=mesh,
        scratch_types=(
            [pltpu.VMEM((cpt, ch), jnp.int32)]
            + [pltpu.VMEM((ch,), jnp.int32) for _ in range(2 * nbuf)]
            + [pltpu.VMEM((ch, hh), jnp.float32) for _ in range(nbuf)]
            + [pltpu.VMEM_SHARED((np_, hh), jnp.float32)]
            + [pltpu.SemaphoreType.DMA for _ in range(nbuf)]
        ),
        compiler_params=pltpu.CompilerParams(use_tc_tiling_on_sc=False),
    )
    def seg(h_hbm, packed_hbm, out_hbm, packed_v, *rest):
        srcb = rest[:nbuf]
        dstb = rest[nbuf:2 * nbuf]
        bufs = rest[2 * nbuf:3 * nbuf]
        acc = rest[3 * nbuf]
        sems = rest[3 * nbuf + 1:]
        cid = lax.axis_index("c")
        sid = lax.axis_index("s")

        pltpu.sync_copy(packed_hbm.at[pl.ds((cid * ns + sid) * cpt, cpt)],
                        packed_v)

        zero16 = jnp.zeros((16,), jnp.float32)

        def zrow(r, carry):
            for c in range(hh // 16):
                bufs[0][r, pl.ds(c * 16, 16)] = zero16
            return carry

        lax.fori_loop(0, ch, zrow, 0)
        for j in range(nz):
            pltpu.sync_copy(bufs[0], acc.at[pl.ds(sid * rpt + j * ch, ch)])
        plsc.subcore_barrier()

        def eloop(t, carry):
            g = t * nbuf
            descs = []
            for k in range(nbuf):
                for j in range(ch // 16):
                    p = packed_v[g + k, pl.ds(j * 16, 16)]
                    srcb[k][pl.ds(j * 16, 16)] = p & 0xFFFF
                    dstb[k][pl.ds(j * 16, 16)] = lax.shift_right_logical(p, 16)
                descs.append(
                    pltpu.async_copy(h_hbm.at[srcb[k]], bufs[k], sems[k]))
            for k in range(nbuf):
                descs[k].wait()
                pltpu.sync_copy(bufs[k], acc.at[dstb[k]], add=True)
            return carry

        lax.fori_loop(0, cpt // nbuf, eloop, 0)
        plsc.subcore_barrier()

        row0 = sid * rpt
        pltpu.sync_copy(acc.at[pl.ds(row0, rpt)],
                        out_hbm.at[pl.ds(cid * np_ + row0, rpt)])

    flat2 = seg(hcat, packed)
    return jnp.concatenate([flat2[:n], flat2[np_:np_ + n]], axis=0)



def kernel(x, edge_index, seed_idx, proj_W, proj_b, eps, lin1_W, lin1_b,
           lin2_W, lin2_b, bn_gamma, bn_beta, W1, W2, w_attn, cls_W, cls_b):
    n = x.shape[0]
    num_layers = eps.shape[0]
    ei = edge_index.astype(jnp.int32)
    src = ei[0]
    dst = ei[1]
    ch = 80
    e = src.shape[0]
    packed = (jnp.concatenate([src, src + n])
              | (jnp.concatenate([dst, dst]) << 16)).reshape(2 * e // ch, ch)
    seed = jnp.asarray(seed_idx, jnp.int32).reshape(1)

    hcat = _proj(x, proj_W, proj_b)
    for i in range(num_layers):
        flat = _segment_sum_sc(hcat, packed, n)
        v = _mlp(hcat, flat, eps[i], lin1_W[i], lin1_b[i], lin2_W[i],
                 lin2_b[i])
        hcat = _bn(v, bn_gamma[i], bn_beta[i])

    alpha2, logit2 = _pool(seed, hcat, W1, W2, w_attn, cls_W, cls_b)
    return (logit2.reshape(1), alpha2[:, 0])

# --- scband reference (transcript-rebuilt; emitter-appended) ---
"""Pipeline reference for scband-gnnseed-attention-42374147342558 (READ-ONLY COPY).

The authoritative reference and input builder live on the scoring server;
editing this copy changes nothing except your own understanding.
"""

import jax, jax.numpy as jnp
import numpy as np

N = 10000
E = 320000
D = 128
H = 192
L = 3


def setup_inputs(seed: int = 0) -> dict:
    key = jax.random.key(seed)
    ks = jax.random.split(key, 24)
    inp = {}
    inp['x'] = jax.random.normal(ks[0], (N, D), dtype=jnp.float32)
    inp['edge_index'] = jax.random.randint(ks[1], (2, E), 0, N)
    inp['seed_idx'] = 42
    s = 0.05
    inp['proj_W'] = jax.random.normal(ks[2], (D, H), dtype=jnp.float32) * s
    inp['proj_b'] = jnp.zeros((H,), dtype=jnp.float32)
    inp['eps'] = jnp.zeros((L,), dtype=jnp.float32)
    inp['lin1_W'] = jax.random.normal(ks[3], (L, H, H), dtype=jnp.float32) * s
    inp['lin1_b'] = jnp.zeros((L, H), dtype=jnp.float32)
    inp['lin2_W'] = jax.random.normal(ks[4], (L, H, H), dtype=jnp.float32) * s
    inp['lin2_b'] = jnp.zeros((L, H), dtype=jnp.float32)
    inp['bn_gamma'] = jnp.ones((L, H), dtype=jnp.float32)
    inp['bn_beta'] = jnp.zeros((L, H), dtype=jnp.float32)
    inp['W1'] = jax.random.normal(ks[5], (H, H), dtype=jnp.float32) * s
    inp['W2'] = jax.random.normal(ks[6], (H, H), dtype=jnp.float32) * s
    inp['w_attn'] = jax.random.normal(ks[7], (H, 1), dtype=jnp.float32) * s
    inp['cls_W'] = jax.random.normal(ks[8], (H, 1), dtype=jnp.float32) * s
    inp['cls_b'] = jnp.zeros((1,), dtype=jnp.float32)
    return inp


def reference(x, edge_index, seed_idx, proj_W, proj_b, eps, lin1_W, lin1_b, lin2_W, lin2_b, bn_gamma, bn_beta, W1, W2, w_attn, cls_W, cls_b):
    src = edge_index[0]
    dst = edge_index[1]
    n = x.shape[0]
    h = jax.nn.relu(x @ proj_W + proj_b)
    for i in range(L):
        # GINConv: mlp((1+eps)*h + sum_{j in N(i)} h_j)  (scatter-add aggregation)
        agg = jax.ops.segment_sum(h[src], dst, num_segments=n)
        out = (1.0 + eps[i]) * h + agg
        # MLP: Linear -> ReLU -> Dropout(eval, identity) -> Linear
        out = jax.nn.relu(out @ lin1_W[i] + lin1_b[i])
        out = out @ lin2_W[i] + lin2_b[i]
        # BatchNorm over node dimension (training-mode batch stats, biased var)
        mean = jnp.mean(out, axis=0)
        var = jnp.var(out, axis=0)
        out = bn_gamma[i] * (out - mean) / jnp.sqrt(var + 1e-5) + bn_beta[i]
        h = jax.nn.relu(out)
        # dropout is identity in eval
    h_g = h
    in_range = (seed_idx >= 0) & (seed_idx < n)
    safe_idx = jnp.clip(seed_idx, 0, n - 1)
    h_seed = jnp.where(in_range, h_g[safe_idx], h_g.mean(axis=0))
    z = jnp.tanh(h_g @ W1 + h_seed @ W2)
    e = jax.nn.leaky_relu(z @ w_attn, negative_slope=0.2)[:, 0]
    alpha = jax.nn.softmax(e, axis=0)
    readout = jnp.sum(alpha[:, None] * h_g, axis=0)
    logit = readout @ cls_W + cls_b
    return (logit, alpha)

if __name__ == "__main__":
    import jax
    _d = setup_inputs()
    print(jax.jit(kernel)(*tuple(_d.values())))

</pallas_src>

<mosaic_0001>
#map = affine_map<(d0, d1) -> (0, 0)>
module attributes {stable_mosaic.version = 14 : i64} {
  func.func @seg(%arg0: i32, %arg1: i32, %arg2: memref<20000x96xf32, #tpu.memory_space<hbm>>, %arg3: memref<8000x80xi32, #tpu.memory_space<hbm>>, %arg4: memref<20480x96xf32, #tpu.memory_space<hbm>>, %arg5: memref<250x80xi32, #tpu.memory_space<vmem>>, %arg6: memref<80xi32, #tpu.memory_space<vmem>>, %arg7: memref<80xi32, #tpu.memory_space<vmem>>, %arg8: memref<80xi32, #tpu.memory_space<vmem>>, %arg9: memref<80xi32, #tpu.memory_space<vmem>>, %arg10: memref<80xi32, #tpu.memory_space<vmem>>, %arg11: memref<80xi32, #tpu.memory_space<vmem>>, %arg12: memref<80xi32, #tpu.memory_space<vmem>>, %arg13: memref<80xi32, #tpu.memory_space<vmem>>, %arg14: memref<80xi32, #tpu.memory_space<vmem>>, %arg15: memref<80xi32, #tpu.memory_space<vmem>>, %arg16: memref<80x96xf32, #tpu.memory_space<vmem>>, %arg17: memref<80x96xf32, #tpu.memory_space<vmem>>, %arg18: memref<80x96xf32, #tpu.memory_space<vmem>>, %arg19: memref<80x96xf32, #tpu.memory_space<vmem>>, %arg20: memref<80x96xf32, #tpu.memory_space<vmem>>, %arg21: memref<10240x96xf32, #tpu.memory_space<vmem_shared>>, %arg22: memref<!tpu.dma_semaphore, #tpu.memory_space<semaphore_mem>>, %arg23: memref<!tpu.dma_semaphore, #tpu.memory_space<semaphore_mem>>, %arg24: memref<!tpu.dma_semaphore, #tpu.memory_space<semaphore_mem>>, %arg25: memref<!tpu.dma_semaphore, #tpu.memory_space<semaphore_mem>>, %arg26: memref<!tpu.dma_semaphore, #tpu.memory_space<semaphore_mem>>) attributes {dimension_semantics = [#tpu.dimension_semantics<core_parallel>, #tpu.dimension_semantics<subcore_parallel>], iteration_bounds = array<i64: 2, 16>, scalar_prefetch = 0 : i64, scratch_operands = 22 : i64, tpu.core_type = #tpu.core_type<sc_vector_subcore>, window_params = [{transform_indices = #map}, {transform_indices = #map}, {transform_indices = #map}]} {
    %mul3A = arith.constant 16 : i32
    %mul3A_0 = arith.muli %arg0, %mul3A : i32
    %add3A = arith.addi %mul3A_0, %arg1 : i32
    %mul3A_1 = arith.constant 250 : i32
    %mul3A_2 = arith.muli %add3A, %mul3A_1 : i32
    "tpu.region"() ({
      %run_scoped3A = tpu.sem_alloc : memref<!tpu.dma_semaphore, #tpu.memory_space<semaphore_mem>>
      %dma_start3A = arith.constant 0 : i32
      %dma_start3A_53 = tpu.memref_slice %arg3[%mul3A_2, %dma_start3A] : memref<8000x80xi32, #tpu.memory_space<hbm>> -> memref<250x80xi32, #tpu.memory_space<hbm>>
      %dma_start3A_54 = arith.constant 0 : i32
      %dma_start3A_55 = tpu.memref_slice %arg3[%mul3A_2, %dma_start3A_54] : memref<8000x80xi32, #tpu.memory_space<hbm>> -> memref<250x80xi32, #tpu.memory_space<hbm>>
      tpu.enqueue_dma source(%dma_start3A_55 : memref<250x80xi32, #tpu.memory_space<hbm>>) target(%arg5 : memref<250x80xi32, #tpu.memory_space<vmem>>) target_semaphore(%run_scoped3A : memref<!tpu.dma_semaphore, #tpu.memory_space<semaphore_mem>>)
      %dma_wait3A = arith.constant 0 : i32
      %dma_wait3A_56 = tpu.memref_slice %arg3[%mul3A_2, %dma_wait3A] : memref<8000x80xi32, #tpu.memory_space<hbm>> -> memref<250x80xi32, #tpu.memory_space<hbm>>
      %dma_wait3A_57 = arith.constant 0 : i32
      %dma_wait3A_58 = tpu.memref_slice %arg3[%mul3A_2, %dma_wait3A_57] : memref<8000x80xi32, #tpu.memory_space<hbm>> -> memref<250x80xi32, #tpu.memory_space<hbm>>
      tpu.wait_dma2 semaphore(%run_scoped3A : memref<!tpu.dma_semaphore, #tpu.memory_space<semaphore_mem>>) src(%dma_wait3A_58 : memref<250x80xi32, #tpu.memory_space<hbm>>) dst(%arg5 : memref<250x80xi32, #tpu.memory_space<vmem>>)
      tpu.yield
    }) : () -> ()
    %broadcast_in_dim3A = arith.constant 0.000000e+00 : f32
    %broadcast_in_dim3A_3 = vector.broadcast %broadcast_in_dim3A : f32 to vector<16xf32>
    %scan3A = arith.constant 0 : i32
    %scan3A_4 = arith.constant 0 : i32
    %scan3A_5 = arith.constant 80 : i32
    %scan3A_6 = arith.addi %scan3A_4, %scan3A_5 : i32
    %scan3A_7 = arith.constant 1 : i32
    scf.for %scan3A_53 = %scan3A_4 to %scan3A_6 step %scan3A_7  : i32 {
      %swap3A = arith.index_cast %scan3A_53 : i32 to index
      %swap3A_54 = arith.constant 0 : index
      %swap3A_55 = tpu.vector_load %arg16[%swap3A, %swap3A_54] {strides = array<i32>} : memref<80x96xf32, #tpu.memory_space<vmem>>, vector<1x16xf32>,
      %swap3A_56 = vector.shape_cast %swap3A_55 : vector<1x16xf32> to vector<16xf32>
      %swap3A_57 = vector.shape_cast %broadcast_in_dim3A_3 : vector<16xf32> to vector<1x16xf32>
      tpu.vector_store %arg16[%swap3A, %swap3A_54], %swap3A_57 {strides = array<i32>} : memref<80x96xf32, #tpu.memory_space<vmem>>, vector<1x16xf32>,
      %swap3A_58 = arith.index_cast %scan3A_53 : i32 to index
      %swap3A_59 = arith.constant 16 : index
      %swap3A_60 = tpu.vector_load %arg16[%swap3A_58, %swap3A_59] {strides = array<i32>} : memref<80x96xf32, #tpu.memory_space<vmem>>, vector<1x16xf32>,
      %swap3A_61 = vector.shape_cast %swap3A_60 : vector<1x16xf32> to vector<16xf32>
      %swap3A_62 = vector.shape_cast %broadcast_in_dim3A_3 : vector<16xf32> to vector<1x16xf32>
      tpu.vector_store %arg16[%swap3A_58, %swap3A_59], %swap3A_62 {strides = array<i32>} : memref<80x96xf32, #tpu.memory_space<vmem>>, vector<1x16xf32>,
      %swap3A_63 = arith.index_cast %scan3A_53 : i32 to index
      %swap3A_64 = arith.constant 32 : index
      %swap3A_65 = tpu.vector_load %arg16[%swap3A_63, %swap3A_64] {strides = array<i32>} : memref<80x96xf32, #tpu.memory_space<vmem>>, vector<1x16xf32>,
      %swap3A_66 = vector.shape_cast %swap3A_65 : vector<1x16xf32> to vector<16xf32>
      %swap3A_67 = vector.shape_cast %broadcast_in_dim3A_3 : vector<16xf32> to vector<1x16xf32>
      tpu.vector_store %arg16[%swap3A_63, %swap3A_64], %swap3A_67 {strides = array<i32>} : memref<80x96xf32, #tpu.memory_space<vmem>>, vector<1x16xf32>,
      %swap3A_68 = arith.index_cast %scan3A_53 : i32 to index
      %swap3A_69 = arith.constant 48 : index
      %swap3A_70 = tpu.vector_load %arg16[%swap3A_68, %swap3A_69] {strides = array<i32>} : memref<80x96xf32, #tpu.memory_space<vmem>>, vector<1x16xf32>,
      %swap3A_71 = vector.shape_cast %swap3A_70 : vector<1x16xf32> to vector<16xf32>
      %swap3A_72 = vector.shape_cast %broadcast_in_dim3A_3 : vector<16xf32> to vector<1x16xf32>
      tpu.vector_store %arg16[%swap3A_68, %swap3A_69], %swap3A_72 {strides = array<i32>} : memref<80x96xf32, #tpu.memory_space<vmem>>, vector<1x16xf32>,
      %swap3A_73 = arith.index_cast %scan3A_53 : i32 to index
      %swap3A_74 = arith.constant 64 : index
      %swap3A_75 = tpu.vector_load %arg16[%swap3A_73, %swap3A_74] {strides = array<i32>} : memref<80x96xf32, #tpu.memory_space<vmem>>, vector<1x16xf32>,
      %swap3A_76 = vector.shape_cast %swap3A_75 : vector<1x16xf32> to vector<16xf32>
      %swap3A_77 = vector.shape_cast %broadcast_in_dim3A_3 : vector<16xf32> to vector<1x16xf32>
      tpu.vector_store %arg16[%swap3A_73, %swap3A_74], %swap3A_77 {strides = array<i32>} : memref<80x96xf32, #tpu.memory_space<vmem>>, vector<1x16xf32>,
      %swap3A_78 = arith.index_cast %scan3A_53 : i32 to index
      %swap3A_79 = arith.constant 80 : index
      %swap3A_80 = tpu.vector_load %arg16[%swap3A_78, %swap3A_79] {strides = array<i32>} : memref<80x96xf32, #tpu.memory_space<vmem>>, vector<1x16xf32>,
      %swap3A_81 = vector.shape_cast %swap3A_80 : vector<1x16xf32> to vector<16xf32>
      %swap3A_82 = vector.shape_cast %broadcast_in_dim3A_3 : vector<16xf32> to vector<1x16xf32>
      tpu.vector_store %arg16[%swap3A_78, %swap3A_79], %swap3A_82 {strides = array<i32>} : memref<80x96xf32, #tpu.memory_space<vmem>>, vector<1x16xf32>,
    }
    %scan3A_8 = arith.constant 80 : i32
    %mul3A_9 = arith.constant 640 : i32
    %mul3A_10 = arith.muli %arg1, %mul3A_9 : i32
    %add3A_11 = arith.constant 0 : i32
    %add3A_12 = arith.addi %mul3A_10, %add3A_11 : i32
    "tpu.region"() ({
      %run_scoped3A = tpu.sem_alloc : memref<!tpu.dma_semaphore, #tpu.memory_space<semaphore_mem>>
      %dma_start3A = arith.constant 0 : i32
      %dma_start3A_53 = tpu.memref_slice %arg21[%add3A_12, %dma_start3A] : memref<10240x96xf32, #tpu.memory_space<vmem_shared>> -> memref<80x96xf32, #tpu.memory_space<vmem_shared>>
      %dma_start3A_54 = arith.constant 0 : i32
      %dma_start3A_55 = tpu.memref_slice %arg21[%add3A_12, %dma_start3A_54] : memref<10240x96xf32, #tpu.memory_space<vmem_shared>> -> memref<80x96xf32, #tpu.memory_space<vmem_shared>>
      tpu.enqueue_dma source(%arg16 : memref<80x96xf32, #tpu.memory_space<vmem>>) target(%dma_start3A_55 : memref<80x96xf32, #tpu.memory_space<vmem_shared>>) target_semaphore(%run_scoped3A : memref<!tpu.dma_semaphore, #tpu.memory_space<semaphore_mem>>)
      %dma_wait3A = arith.constant 0 : i32
      %dma_wait3A_56 = tpu.memref_slice %arg21[%add3A_12, %dma_wait3A] : memref<10240x96xf32, #tpu.memory_space<vmem_shared>> -> memref<80x96xf32, #tpu.memory_space<vmem_shared>>
      %dma_wait3A_57 = arith.constant 0 : i32
      %dma_wait3A_58 = tpu.memref_slice %arg21[%add3A_12, %dma_wait3A_57] : memref<10240x96xf32, #tpu.memory_space<vmem_shared>> -> memref<80x96xf32, #tpu.memory_space<vmem_shared>>
      tpu.wait_dma2 semaphore(%run_scoped3A : memref<!tpu.dma_semaphore, #tpu.memory_space<semaphore_mem>>) src(%arg16 : memref<80x96xf32, #tpu.memory_space<vmem>>) dst(%dma_wait3A_58 : memref<80x96xf32, #tpu.memory_space<vmem_shared>>)
      tpu.yield
    }) : () -> ()
    %mul3A_13 = arith.constant 640 : i32
    %mul3A_14 = arith.muli %arg1, %mul3A_13 : i32
    %add3A_15 = arith.constant 80 : i32
    %add3A_16 = arith.addi %mul3A_14, %add3A_15 : i32
    "tpu.region"() ({
      %run_scoped3A = tpu.sem_alloc : memref<!tpu.dma_semaphore, #tpu.memory_space<semaphore_mem>>
      %dma_start3A = arith.constant 0 : i32
      %dma_start3A_53 = tpu.memref_slice %arg21[%add3A_16, %dma_start3A] : memref<10240x96xf32, #tpu.memory_space<vmem_shared>> -> memref<80x96xf32, #tpu.memory_space<vmem_shared>>
      %dma_start3A_54 = arith.constant 0 : i32
      %dma_start3A_55 = tpu.memref_slice %arg21[%add3A_16, %dma_start3A_54] : memref<10240x96xf32, #tpu.memory_space<vmem_shared>> -> memref<80x96xf32, #tpu.memory_space<vmem_shared>>
      tpu.enqueue_dma source(%arg16 : memref<80x96xf32, #tpu.memory_space<vmem>>) target(%dma_start3A_55 : memref<80x96xf32, #tpu.memory_space<vmem_shared>>) target_semaphore(%run_scoped3A : memref<!tpu.dma_semaphore, #tpu.memory_space<semaphore_mem>>)
      %dma_wait3A = arith.constant 0 : i32
      %dma_wait3A_56 = tpu.memref_slice %arg21[%add3A_16, %dma_wait3A] : memref<10240x96xf32, #tpu.memory_space<vmem_shared>> -> memref<80x96xf32, #tpu.memory_space<vmem_shared>>
      %dma_wait3A_57 = arith.constant 0 : i32
      %dma_wait3A_58 = tpu.memref_slice %arg21[%add3A_16, %dma_wait3A_57] : memref<10240x96xf32, #tpu.memory_space<vmem_shared>> -> memref<80x96xf32, #tpu.memory_space<vmem_shared>>
      tpu.wait_dma2 semaphore(%run_scoped3A : memref<!tpu.dma_semaphore, #tpu.memory_space<semaphore_mem>>) src(%arg16 : memref<80x96xf32, #tpu.memory_space<vmem>>) dst(%dma_wait3A_58 : memref<80x96xf32, #tpu.memory_space<vmem_shared>>)
      tpu.yield
    }) : () -> ()
    %mul3A_17 = arith.constant 640 : i32
    %mul3A_18 = arith.muli %arg1, %mul3A_17 : i32
    %add3A_19 = arith.constant 160 : i32
    %add3A_20 = arith.addi %mul3A_18, %add3A_19 : i32
    "tpu.region"() ({
      %run_scoped3A = tpu.sem_alloc : memref<!tpu.dma_semaphore, #tpu.memory_space<semaphore_mem>>
      %dma_start3A = arith.constant 0 : i32
      %dma_start3A_53 = tpu.memref_slice %arg21[%add3A_20, %dma_start3A] : memref<10240x96xf32, #tpu.memory_space<vmem_shared>> -> memref<80x96xf32, #tpu.memory_space<vmem_shared>>
      %dma_start3A_54 = arith.constant 0 : i32
      %dma_start3A_55 = tpu.memref_slice %arg21[%add3A_20, %dma_start3A_54] : memref<10240x96xf32, #tpu.memory_space<vmem_shared>> -> memref<80x96xf32, #tpu.memory_space<vmem_shared>>
      tpu.enqueue_dma source(%arg16 : memref<80x96xf32, #tpu.memory_space<vmem>>) target(%dma_start3A_55 : memref<80x96xf32, #tpu.memory_space<vmem_shared>>) target_semaphore(%run_scoped3A : memref<!tpu.dma_semaphore, #tpu.memory_space<semaphore_mem>>)
      %dma_wait3A = arith.constant 0 : i32
      %dma_wait3A_56 = tpu.memref_slice %arg21[%add3A_20, %dma_wait3A] : memref<10240x96xf32, #tpu.memory_space<vmem_shared>> -> memref<80x96xf32, #tpu.memory_space<vmem_shared>>
      %dma_wait3A_57 = arith.constant 0 : i32
      %dma_wait3A_58 = tpu.memref_slice %arg21[%add3A_20, %dma_wait3A_57] : memref<10240x96xf32, #tpu.memory_space<vmem_shared>> -> memref<80x96xf32, #tpu.memory_space<vmem_shared>>
      tpu.wait_dma2 semaphore(%run_scoped3A : memref<!tpu.dma_semaphore, #tpu.memory_space<semaphore_mem>>) src(%arg16 : memref<80x96xf32, #tpu.memory_space<vmem>>) dst(%dma_wait3A_58 : memref<80x96xf32, #tpu.memory_space<vmem_shared>>)
      tpu.yield
    }) : () -> ()
    %mul3A_21 = arith.constant 640 : i32
    %mul3A_22 = arith.muli %arg1, %mul3A_21 : i32
    %add3A_23 = arith.constant 240 : i32
    %add3A_24 = arith.addi %mul3A_22, %add3A_23 : i32
    "tpu.region"() ({
      %run_scoped3A = tpu.sem_alloc : memref<!tpu.dma_semaphore, #tpu.memory_space<semaphore_mem>>
      %dma_start3A = arith.constant 0 : i32
      %dma_start3A_53 = tpu.memref_slice %arg21[%add3A_24, %dma_start3A] : memref<10240x96xf32, #tpu.memory_space<vmem_shared>> -> memref<80x96xf32, #tpu.memory_space<vmem_shared>>
      %dma_start3A_54 = arith.constant 0 : i32
      %dma_start3A_55 = tpu.memref_slice %arg21[%add3A_24, %dma_start3A_54] : memref<10240x96xf32, #tpu.memory_space<vmem_shared>> -> memref<80x96xf32, #tpu.memory_space<vmem_shared>>
      tpu.enqueue_dma source(%arg16 : memref<80x96xf32, #tpu.memory_space<vmem>>) target(%dma_start3A_55 : memref<80x96xf32, #tpu.memory_space<vmem_shared>>) target_semaphore(%run_scoped3A : memref<!tpu.dma_semaphore, #tpu.memory_space<semaphore_mem>>)
      %dma_wait3A = arith.constant 0 : i32
      %dma_wait3A_56 = tpu.memref_slice %arg21[%add3A_24, %dma_wait3A] : memref<10240x96xf32, #tpu.memory_space<vmem_shared>> -> memref<80x96xf32, #tpu.memory_space<vmem_shared>>
      %dma_wait3A_57 = arith.constant 0 : i32
      %dma_wait3A_58 = tpu.memref_slice %arg21[%add3A_24, %dma_wait3A_57] : memref<10240x96xf32, #tpu.memory_space<vmem_shared>> -> memref<80x96xf32, #tpu.memory_space<vmem_shared>>
      tpu.wait_dma2 semaphore(%run_scoped3A : memref<!tpu.dma_semaphore, #tpu.memory_space<semaphore_mem>>) src(%arg16 : memref<80x96xf32, #tpu.memory_space<vmem>>) dst(%dma_wait3A_58 : memref<80x96xf32, #tpu.memory_space<vmem_shared>>)
      tpu.yield
    }) : () -> ()
    %mul3A_25 = arith.constant 640 : i32
    %mul3A_26 = arith.muli %arg1, %mul3A_25 : i32
    %add3A_27 = arith.constant 320 : i32
    %add3A_28 = arith.addi %mul3A_26, %add3A_27 : i32
    "tpu.region"() ({
      %run_scoped3A = tpu.sem_alloc : memref<!tpu.dma_semaphore, #tpu.memory_space<semaphore_mem>>
      %dma_start3A = arith.constant 0 : i32
      %dma_start3A_53 = tpu.memref_slice %arg21[%add3A_28, %dma_start3A] : memref<10240x96xf32, #tpu.memory_space<vmem_shared>> -> memref<80x96xf32, #tpu.memory_space<vmem_shared>>
      %dma_start3A_54 = arith.constant 0 : i32
      %dma_start3A_55 = tpu.memref_slice %arg21[%add3A_28, %dma_start3A_54] : memref<10240x96xf32, #tpu.memory_space<vmem_shared>> -> memref<80x96xf32, #tpu.memory_space<vmem_shared>>
      tpu.enqueue_dma source(%arg16 : memref<80x96xf32, #tpu.memory_space<vmem>>) target(%dma_start3A_55 : memref<80x96xf32, #tpu.memory_space<vmem_shared>>) target_semaphore(%run_scoped3A : memref<!tpu.dma_semaphore, #tpu.memory_space<semaphore_mem>>)
      %dma_wait3A = arith.constant 0 : i32
      %dma_wait3A_56 = tpu.memref_slice %arg21[%add3A_28, %dma_wait3A] : memref<10240x96xf32, #tpu.memory_space<vmem_shared>> -> memref<80x96xf32, #tpu.memory_space<vmem_shared>>
      %dma_wait3A_57 = arith.constant 0 : i32
      %dma_wait3A_58 = tpu.memref_slice %arg21[%add3A_28, %dma_wait3A_57] : memref<10240x96xf32, #tpu.memory_space<vmem_shared>> -> memref<80x96xf32, #tpu.memory_space<vmem_shared>>
      tpu.wait_dma2 semaphore(%run_scoped3A : memref<!tpu.dma_semaphore, #tpu.memory_space<semaphore_mem>>) src(%arg16 : memref<80x96xf32, #tpu.memory_space<vmem>>) dst(%dma_wait3A_58 : memref<80x96xf32, #tpu.memory_space<vmem_shared>>)
      tpu.yield
    }) : () -> ()
    %mul3A_29 = arith.constant 640 : i32
    %mul3A_30 = arith.muli %arg1, %mul3A_29 : i32
    %add3A_31 = arith.constant 400 : i32
    %add3A_32 = arith.addi %mul3A_30, %add3A_31 : i32
    "tpu.region"() ({
      %run_scoped3A = tpu.sem_alloc : memref<!tpu.dma_semaphore, #tpu.memory_space<semaphore_mem>>
      %dma_start3A = arith.constant 0 : i32
      %dma_start3A_53 = tpu.memref_slice %arg21[%add3A_32, %dma_start3A] : memref<10240x96xf32, #tpu.memory_space<vmem_shared>> -> memref<80x96xf32, #tpu.memory_space<vmem_shared>>
      %dma_start3A_54 = arith.constant 0 : i32
      %dma_start3A_55 = tpu.memref_slice %arg21[%add3A_32, %dma_start3A_54] : memref<10240x96xf32, #tpu.memory_space<vmem_shared>> -> memref<80x96xf32, #tpu.memory_space<vmem_shared>>
      tpu.enqueue_dma source(%arg16 : memref<80x96xf32, #tpu.memory_space<vmem>>) target(%dma_start3A_55 : memref<80x96xf32, #tpu.memory_space<vmem_shared>>) target_semaphore(%run_scoped3A : memref<!tpu.dma_semaphore, #tpu.memory_space<semaphore_mem>>)
      %dma_wait3A = arith.constant 0 : i32
      %dma_wait3A_56 = tpu.memref_slice %arg21[%add3A_32, %dma_wait3A] : memref<10240x96xf32, #tpu.memory_space<vmem_shared>> -> memref<80x96xf32, #tpu.memory_space<vmem_shared>>
      %dma_wait3A_57 = arith.constant 0 : i32
      %dma_wait3A_58 = tpu.memref_slice %arg21[%add3A_32, %dma_wait3A_57] : memref<10240x96xf32, #tpu.memory_space<vmem_shared>> -> memref<80x96xf32, #tpu.memory_space<vmem_shared>>
      tpu.wait_dma2 semaphore(%run_scoped3A : memref<!tpu.dma_semaphore, #tpu.memory_space<semaphore_mem>>) src(%arg16 : memref<80x96xf32, #tpu.memory_space<vmem>>) dst(%dma_wait3A_58 : memref<80x96xf32, #tpu.memory_space<vmem_shared>>)
      tpu.yield
    }) : () -> ()
    %mul3A_33 = arith.constant 640 : i32
    %mul3A_34 = arith.muli %arg1, %mul3A_33 : i32
    %add3A_35 = arith.constant 480 : i32
    %add3A_36 = arith.addi %mul3A_34, %add3A_35 : i32
    "tpu.region"() ({
      %run_scoped3A = tpu.sem_alloc : memref<!tpu.dma_semaphore, #tpu.memory_space<semaphore_mem>>
      %dma_start3A = arith.constant 0 : i32
      %dma_start3A_53 = tpu.memref_slice %arg21[%add3A_36, %dma_start3A] : memref<10240x96xf32, #tpu.memory_space<vmem_shared>> -> memref<80x96xf32, #tpu.memory_space<vmem_shared>>
      %dma_start3A_54 = arith.constant 0 : i32
      %dma_start3A_55 = tpu.memref_slice %arg21[%add3A_36, %dma_start3A_54] : memref<10240x96xf32, #tpu.memory_space<vmem_shared>> -> memref<80x96xf32, #tpu.memory_space<vmem_shared>>
      tpu.enqueue_dma source(%arg16 : memref<80x96xf32, #tpu.memory_space<vmem>>) target(%dma_start3A_55 : memref<80x96xf32, #tpu.memory_space<vmem_shared>>) target_semaphore(%run_scoped3A : memref<!tpu.dma_semaphore, #tpu.memory_space<semaphore_mem>>)
      %dma_wait3A = arith.constant 0 : i32
      %dma_wait3A_56 = tpu.memref_slice %arg21[%add3A_36, %dma_wait3A] : memref<10240x96xf32, #tpu.memory_space<vmem_shared>> -> memref<80x96xf32, #tpu.memory_space<vmem_shared>>
      %dma_wait3A_57 = arith.constant 0 : i32
      %dma_wait3A_58 = tpu.memref_slice %arg21[%add3A_36, %dma_wait3A_57] : memref<10240x96xf32, #tpu.memory_space<vmem_shared>> -> memref<80x96xf32, #tpu.memory_space<vmem_shared>>
      tpu.wait_dma2 semaphore(%run_scoped3A : memref<!tpu.dma_semaphore, #tpu.memory_space<semaphore_mem>>) src(%arg16 : memref<80x96xf32, #tpu.memory_space<vmem>>) dst(%dma_wait3A_58 : memref<80x96xf32, #tpu.memory_space<vmem_shared>>)
      tpu.yield
    }) : () -> ()
    %mul3A_37 = arith.constant 640 : i32
    %mul3A_38 = arith.muli %arg1, %mul3A_37 : i32
    %add3A_39 = arith.constant 560 : i32
    %add3A_40 = arith.addi %mul3A_38, %add3A_39 : i32
    "tpu.region"() ({
      %run_scoped3A = tpu.sem_alloc : memref<!tpu.dma_semaphore, #tpu.memory_space<semaphore_mem>>
      %dma_start3A = arith.constant 0 : i32
      %dma_start3A_53 = tpu.memref_slice %arg21[%add3A_40, %dma_start3A] : memref<10240x96xf32, #tpu.memory_space<vmem_shared>> -> memref<80x96xf32, #tpu.memory_space<vmem_shared>>
      %dma_start3A_54 = arith.constant 0 : i32
      %dma_start3A_55 = tpu.memref_slice %arg21[%add3A_40, %dma_start3A_54] : memref<10240x96xf32, #tpu.memory_space<vmem_shared>> -> memref<80x96xf32, #tpu.memory_space<vmem_shared>>
      tpu.enqueue_dma source(%arg16 : memref<80x96xf32, #tpu.memory_space<vmem>>) target(%dma_start3A_55 : memref<80x96xf32, #tpu.memory_space<vmem_shared>>) target_semaphore(%run_scoped3A : memref<!tpu.dma_semaphore, #tpu.memory_space<semaphore_mem>>)
      %dma_wait3A = arith.constant 0 : i32
      %dma_wait3A_56 = tpu.memref_slice %arg21[%add3A_40, %dma_wait3A] : memref<10240x96xf32, #tpu.memory_space<vmem_shared>> -> memref<80x96xf32, #tpu.memory_space<vmem_shared>>
      %dma_wait3A_57 = arith.constant 0 : i32
      %dma_wait3A_58 = tpu.memref_slice %arg21[%add3A_40, %dma_wait3A_57] : memref<10240x96xf32, #tpu.memory_space<vmem_shared>> -> memref<80x96xf32, #tpu.memory_space<vmem_shared>>
      tpu.wait_dma2 semaphore(%run_scoped3A : memref<!tpu.dma_semaphore, #tpu.memory_space<semaphore_mem>>) src(%arg16 : memref<80x96xf32, #tpu.memory_space<vmem>>) dst(%dma_wait3A_58 : memref<80x96xf32, #tpu.memory_space<vmem_shared>>)
      tpu.yield
    }) : () -> ()
    %barrier3A = arith.constant 0 : index
    tpu.barrier barrier_id(%barrier3A)
    %scan3A_41 = arith.constant 0 : i32
    %scan3A_42 = arith.constant 0 : i32
    %scan3A_43 = arith.constant 50 : i32
    %scan3A_44 = arith.addi %scan3A_42, %scan3A_43 : i32
    %scan3A_45 = arith.constant 1 : i32
    scf.for %scan3A_53 = %scan3A_42 to %scan3A_44 step %scan3A_45  : i32 {
      %mul3A_54 = arith.constant 5 : i32
      %mul3A_55 = arith.muli %scan3A_53, %mul3A_54 : i32
      %add3A_56 = arith.constant 0 : i32
      %add3A_57 = arith.addi %mul3A_55, %add3A_56 : i32
      %get3A = arith.index_cast %add3A_57 : i32 to index
      %get3A_58 = arith.constant 0 : index
      %get3A_59 = tpu.vector_load %arg5[%get3A, %get3A_58] {strides = array<i32>} : memref<250x80xi32, #tpu.memory_space<vmem>>, vector<1x16xi32>,
      %get3A_60 = vector.shape_cast %get3A_59 : vector<1x16xi32> to vector<16xi32>
      %and3A = arith.constant 65535 : i32
      %and3A_61 = vector.broadcast %and3A : i32 to vector<16xi32>
      %and3A_62 = arith.andi %get3A_60, %and3A_61 : vector<16xi32>
      %swap3A = arith.constant 0 : index
      %swap3A_63 = tpu.vector_load %arg6[%swap3A] {strides = array<i32>} : memref<80xi32, #tpu.memory_space<vmem>>, vector<16xi32>,
      %swap3A_64 = vector.shape_cast %swap3A_63 : vector<16xi32> to vector<16xi32>
      %swap3A_65 = vector.shape_cast %and3A_62 : vector<16xi32> to vector<16xi32>
      tpu.vector_store %arg6[%swap3A], %swap3A_65 {strides = array<i32>} : memref<80xi32, #tpu.memory_space<vmem>>, vector<16xi32>,
      %shift_right_logical3A = arith.constant 16 : i32
      %shift_right_logical3A_66 = vector.broadcast %shift_right_logical3A : i32 to vector<16xi32>
      %shift_right_logical3A_67 = arith.shrui %get3A_60, %shift_right_logical3A_66 : vector<16xi32>
      %swap3A_68 = arith.constant 0 : index
      %swap3A_69 = tpu.vector_load %arg11[%swap3A_68] {strides = array<i32>} : memref<80xi32, #tpu.memory_space<vmem>>, vector<16xi32>,
      %swap3A_70 = vector.shape_cast %swap3A_69 : vector<16xi32> to vector<16xi32>
      %swap3A_71 = vector.shape_cast %shift_right_logical3A_67 : vector<16xi32> to vector<16xi32>
      tpu.vector_store %arg11[%swap3A_68], %swap3A_71 {strides = array<i32>} : memref<80xi32, #tpu.memory_space<vmem>>, vector<16xi32>,
      %add3A_72 = arith.constant 0 : i32
      %add3A_73 = arith.addi %mul3A_55, %add3A_72 : i32
      %get3A_74 = arith.index_cast %add3A_73 : i32 to index
      %get3A_75 = arith.constant 16 : index
      %get3A_76 = tpu.vector_load %arg5[%get3A_74, %get3A_75] {strides = array<i32>} : memref<250x80xi32, #tpu.memory_space<vmem>>, vector<1x16xi32>,
      %get3A_77 = vector.shape_cast %get3A_76 : vector<1x16xi32> to vector<16xi32>
      %and3A_78 = arith.constant 65535 : i32
      %and3A_79 = vector.broadcast %and3A_78 : i32 to vector<16xi32>
      %and3A_80 = arith.andi %get3A_77, %and3A_79 : vector<16xi32>
      %swap3A_81 = arith.constant 16 : index
      %swap3A_82 = tpu.vector_load %arg6[%swap3A_81] {strides = array<i32>} : memref<80xi32, #tpu.memory_space<vmem>>, vector<16xi32>,
      %swap3A_83 = vector.shape_cast %swap3A_82 : vector<16xi32> to vector<16xi32>
      %swap3A_84 = vector.shape_cast %and3A_80 : vector<16xi32> to vector<16xi32>
      tpu.vector_store %arg6[%swap3A_81], %swap3A_84 {strides = array<i32>} : memref<80xi32, #tpu.memory_space<vmem>>, vector<16xi32>,
      %shift_right_logical3A_85 = arith.constant 16 : i32
      %shift_right_logical3A_86 = vector.broadcast %shift_right_logical3A_85 : i32 to vector<16xi32>
      %shift_right_logical3A_87 = arith.shrui %get3A_77, %shift_right_logical3A_86 : vector<16xi32>
      %swap3A_88 = arith.constant 16 : index
      %swap3A_89 = tpu.vector_load %arg11[%swap3A_88] {strides = array<i32>} : memref<80xi32, #tpu.memory_space<vmem>>, vector<16xi32>,
      %swap3A_90 = vector.shape_cast %swap3A_89 : vector<16xi32> to vector<16xi32>
      %swap3A_91 = vector.shape_cast %shift_right_logical3A_87 : vector<16xi32> to vector<16xi32>
      tpu.vector_store %arg11[%swap3A_88], %swap3A_91 {strides = array<i32>} : memref<80xi32, #tpu.memory_space<vmem>>, vector<16xi32>,
      %add3A_92 = arith.constant 0 : i32
      %add3A_93 = arith.addi %mul3A_55, %add3A_92 : i32
      %get3A_94 = arith.index_cast %add3A_93 : i32 to index
      %get3A_95 = arith.constant 32 : index
      %get3A_96 = tpu.vector_load %arg5[%get3A_94, %get3A_95] {strides = array<i32>} : memref<250x80xi32, #tpu.memory_space<vmem>>, vector<1x16xi32>,
      %get3A_97 = vector.shape_cast %get3A_96 : vector<1x16xi32> to vector<16xi32>
      %and3A_98 = arith.constant 65535 : i32
      %and3A_99 = vector.broadcast %and3A_98 : i32 to vector<16xi32>
      %and3A_100 = arith.andi %get3A_97, %and3A_99 : vector<16xi32>
      %swap3A_101 = arith.constant 32 : index
      %swap3A_102 = tpu.vector_load %arg6[%swap3A_101] {strides = array<i32>} : memref<80xi32, #tpu.memory_space<vmem>>, vector<16xi32>,
      %swap3A_103 = vector.shape_cast %swap3A_102 : vector<16xi32> to vector<16xi32>
      %swap3A_104 = vector.shape_cast %and3A_100 : vector<16xi32> to vector<16xi32>
      tpu.vector_store %arg6[%swap3A_101], %swap3A_104 {strides = array<i32>} : memref<80xi32, #tpu.memory_space<vmem>>, vector<16xi32>,
      %shift_right_logical3A_105 = arith.constant 16 : i32
      %shift_right_logical3A_106 = vector.broadcast %shift_right_logical3A_105 : i32 to vector<16xi32>
      %shift_right_logical3A_107 = arith.shrui %get3A_97, %shift_right_logical3A_106 : vector<16xi32>
      %swap3A_108 = arith.constant 32 : index
      %swap3A_109 = tpu.vector_load %arg11[%swap3A_108] {strides = array<i32>} : memref<80xi32, #tpu.memory_space<vmem>>, vector<16xi32>,
      %swap3A_110 = vector.shape_cast %swap3A_109 : vector<16xi32> to vector<16xi32>
      %swap3A_111 = vector.shape_cast %shift_right_logical3A_107 : vector<16xi32> to vector<16xi32>
      tpu.vector_store %arg11[%swap3A_108], %swap3A_111 {strides = array<i32>} : memref<80xi32, #tpu.memory_space<vmem>>, vector<16xi32>,
      %add3A_112 = arith.constant 0 : i32
      %add3A_113 = arith.addi %mul3A_55, %add3A_112 : i32
      %get3A_114 = arith.index_cast %add3A_113 : i32 to index
      %get3A_115 = arith.constant 48 : index
      %get3A_116 = tpu.vector_load %arg5[%get3A_114, %get3A_115] {strides = array<i32>} : memref<250x80xi32, #tpu.memory_space<vmem>>, vector<1x16xi32>,
      %get3A_117 = vector.shape_cast %get3A_116 : vector<1x16xi32> to vector<16xi32>
      %and3A_118 = arith.constant 65535 : i32
      %and3A_119 = vector.broadcast %and3A_118 : i32 to vector<16xi32>
      %and3A_120 = arith.andi %get3A_117, %and3A_119 : vector<16xi32>
      %swap3A_121 = arith.constant 48 : index
      %swap3A_122 = tpu.vector_load %arg6[%swap3A_121] {strides = array<i32>} : memref<80xi32, #tpu.memory_space<vmem>>, vector<16xi32>,
      %swap3A_123 = vector.shape_cast %swap3A_122 : vector<16xi32> to vector<16xi32>
      %swap3A_124 = vector.shape_cast %and3A_120 : vector<16xi32> to vector<16xi32>
      tpu.vector_store %arg6[%swap3A_121], %swap3A_124 {strides = array<i32>} : memref<80xi32, #tpu.memory_space<vmem>>, vector<16xi32>,
      %shift_right_logical3A_125 = arith.constant 16 : i32
      %shift_right_logical3A_126 = vector.broadcast %shift_right_logical3A_125 : i32 to vector<16xi32>
      %shift_right_logical3A_127 = arith.shrui %get3A_117, %shift_right_logical3A_126 : vector<16xi32>
      %swap3A_128 = arith.constant 48 : index
      %swap3A_129 = tpu.vector_load %arg11[%swap3A_128] {strides = array<i32>} : memref<80xi32, #tpu.memory_space<vmem>>, vector<16xi32>,
      %swap3A_130 = vector.shape_cast %swap3A_129 : vector<16xi32> to vector<16xi32>
      %swap3A_131 = vector.shape_cast %shift_right_logical3A_127 : vector<16xi32> to vector<16xi32>
      tpu.vector_store %arg11[%swap3A_128], %swap3A_131 {strides = array<i32>} : memref<80xi32, #tpu.memory_space<vmem>>, vector<16xi32>,
      %add3A_132 = arith.constant 0 : i32
      %add3A_133 = arith.addi %mul3A_55, %add3A_132 : i32
      %get3A_134 = arith.index_cast %add3A_133 : i32 to index
      %get3A_135 = arith.constant 64 : index
      %get3A_136 = tpu.vector_load %arg5[%get3A_134, %get3A_135] {strides = array<i32>} : memref<250x80xi32, #tpu.memory_space<vmem>>, vector<1x16xi32>,
      %get3A_137 = vector.shape_cast %get3A_136 : vector<1x16xi32> to vector<16xi32>
      %and3A_138 = arith.constant 65535 : i32
      %and3A_139 = vector.broadcast %and3A_138 : i32 to vector<16xi32>
      %and3A_140 = arith.andi %get3A_137, %and3A_139 : vector<16xi32>
      %swap3A_141 = arith.constant 64 : index
      %swap3A_142 = tpu.vector_load %arg6[%swap3A_141] {strides = array<i32>} : memref<80xi32, #tpu.memory_space<vmem>>, vector<16xi32>,
      %swap3A_143 = vector.shape_cast %swap3A_142 : vector<16xi32> to vector<16xi32>
      %swap3A_144 = vector.shape_cast %and3A_140 : vector<16xi32> to vector<16xi32>
      tpu.vector_store %arg6[%swap3A_141], %swap3A_144 {strides = array<i32>} : memref<80xi32, #tpu.memory_space<vmem>>, vector<16xi32>,
      %shift_right_logical3A_145 = arith.constant 16 : i32
      %shift_right_logical3A_146 = vector.broadcast %shift_right_logical3A_145 : i32 to vector<16xi32>
      %shift_right_logical3A_147 = arith.shrui %get3A_137, %shift_right_logical3A_146 : vector<16xi32>
      %swap3A_148 = arith.constant 64 : index
      %swap3A_149 = tpu.vector_load %arg11[%swap3A_148] {strides = array<i32>} : memref<80xi32, #tpu.memory_space<vmem>>, vector<16xi32>,
      %swap3A_150 = vector.shape_cast %swap3A_149 : vector<16xi32> to vector<16xi32>
      %swap3A_151 = vector.shape_cast %shift_right_logical3A_147 : vector<16xi32> to vector<16xi32>
      tpu.vector_store %arg11[%swap3A_148], %swap3A_151 {strides = array<i32>} : memref<80xi32, #tpu.memory_space<vmem>>, vector<16xi32>,
      %dma_start3A = arith.constant 0 : i32
      %dma_start3A_152 = arith.constant 0 : i32
      %dma_start3A_153 = tpu.memref_slice %arg2[%dma_start3A, %dma_start3A_152] : memref<20000x96xf32, #tpu.memory_space<hbm>> -> memref<20000x96xf32, #tpu.memory_space<hbm>>
      tpu.enqueue_indirect_dma source(%dma_start3A_153 : memref<20000x96xf32, #tpu.memory_space<hbm>>) target(%arg16 : memref<80x96xf32, #tpu.memory_space<vmem>>) offsets(%arg6 : memref<80xi32, #tpu.memory_space<vmem>>) semaphore(%arg22 : memref<!tpu.dma_semaphore, #tpu.memory_space<semaphore_mem>>)
      %add3A_154 = arith.constant 1 : i32
      %add3A_155 = arith.addi %mul3A_55, %add3A_154 : i32
      %get3A_156 = arith.index_cast %add3A_155 : i32 to index
      %get3A_157 = arith.constant 0 : index
      %get3A_158 = tpu.vector_load %arg5[%get3A_156, %get3A_157] {strides = array<i32>} : memref<250x80xi32, #tpu.memory_space<vmem>>, vector<1x16xi32>,
      %get3A_159 = vector.shape_cast %get3A_158 : vector<1x16xi32> to vector<16xi32>
      %and3A_160 = arith.constant 65535 : i32
      %and3A_161 = vector.broadcast %and3A_160 : i32 to vector<16xi32>
      %and3A_162 = arith.andi %get3A_159, %and3A_161 : vector<16xi32>
      %swap3A_163 = arith.constant 0 : index
      %swap3A_164 = tpu.vector_load %arg7[%swap3A_163] {strides = array<i32>} : memref<80xi32, #tpu.memory_space<vmem>>, vector<16xi32>,
      %swap3A_165 = vector.shape_cast %swap3A_164 : vector<16xi32> to vector<16xi32>
      %swap3A_166 = vector.shape_cast %and3A_162 : vector<16xi32> to vector<16xi32>
      tpu.vector_store %arg7[%swap3A_163], %swap3A_166 {strides = array<i32>} : memref<80xi32, #tpu.memory_space<vmem>>, vector<16xi32>,
      %shift_right_logical3A_167 = arith.constant 16 : i32
      %shift_right_logical3A_168 = vector.broadcast %shift_right_logical3A_167 : i32 to vector<16xi32>
      %shift_right_logical3A_169 = arith.shrui %get3A_159, %shift_right_logical3A_168 : vector<16xi32>
      %swap3A_170 = arith.constant 0 : index
      %swap3A_171 = tpu.vector_load %arg12[%swap3A_170] {strides = array<i32>} : memref<80xi32, #tpu.memory_space<vmem>>, vector<16xi32>,
      %swap3A_172 = vector.shape_cast %swap3A_171 : vector<16xi32> to vector<16xi32>
      %swap3A_173 = vector.shape_cast %shift_right_logical3A_169 : vector<16xi32> to vector<16xi32>
      tpu.vector_store %arg12[%swap3A_170], %swap3A_173 {strides = array<i32>} : memref<80xi32, #tpu.memory_space<vmem>>, vector<16xi32>,
      %add3A_174 = arith.constant 1 : i32
      %add3A_175 = arith.addi %mul3A_55, %add3A_174 : i32
      %get3A_176 = arith.index_cast %add3A_175 : i32 to index
      %get3A_177 = arith.constant 16 : index
      %get3A_178 = tpu.vector_load %arg5[%get3A_176, %get3A_177] {strides = array<i32>} : memref<250x80xi32, #tpu.memory_space<vmem>>, vector<1x16xi32>,
      %get3A_179 = vector.shape_cast %get3A_178 : vector<1x16xi32> to vector<16xi32>
      %and3A_180 = arith.constant 65535 : i32
      %and3A_181 = vector.broadcast %and3A_180 : i32 to vector<16xi32>
      %and3A_182 = arith.andi %get3A_179, %and3A_181 : vector<16xi32>
      %swap3A_183 = arith.constant 16 : index
      %swap3A_184 = tpu.vector_load %arg7[%swap3A_183] {strides = array<i32>} : memref<80xi32, #tpu.memory_space<vmem>>, vector<16xi32>,
      %swap3A_185 = vector.shape_cast %swap3A_184 : vector<16xi32> to vector<16xi32>
      %swap3A_186 = vector.shape_cast %and3A_182 : vector<16xi32> to vector<16xi32>
      tpu.vector_store %arg7[%swap3A_183], %swap3A_186 {strides = array<i32>} : memref<80xi32, #tpu.memory_space<vmem>>, vector<16xi32>,
      %shift_right_logical3A_187 = arith.constant 16 : i32
      %shift_right_logical3A_188 = vector.broadcast %shift_right_logical3A_187 : i32 to vector<16xi32>
      %shift_right_logical3A_189 = arith.shrui %get3A_179, %shift_right_logical3A_188 : vector<16xi32>
      %swap3A_190 = arith.constant 16 : index
      %swap3A_191 = tpu.vector_load %arg12[%swap3A_190] {strides = array<i32>} : memref<80xi32, #tpu.memory_space<vmem>>, vector<16xi32>,
      %swap3A_192 = vector.shape_cast %swap3A_191 : vector<16xi32> to vector<16xi32>
      %swap3A_193 = vector.shape_cast %shift_right_logical3A_189 : vector<16xi32> to vector<16xi32>
      tpu.vector_store %arg12[%swap3A_190], %swap3A_193 {strides = array<i32>} : memref<80xi32, #tpu.memory_space<vmem>>, vector<16xi32>,
      %add3A_194 = arith.constant 1 : i32
      %add3A_195 = arith.addi %mul3A_55, %add3A_194 : i32
      %get3A_196 = arith.index_cast %add3A_195 : i32 to index
      %get3A_197 = arith.constant 32 : index
      %get3A_198 = tpu.vector_load %arg5[%get3A_196, %get3A_197] {strides = array<i32>} : memref<250x80xi32, #tpu.memory_space<vmem>>, vector<1x16xi32>,
      %get3A_199 = vector.shape_cast %get3A_198 : vector<1x16xi32> to vector<16xi32>
      %and3A_200 = arith.constant 65535 : i32
      %and3A_201 = vector.broadcast %and3A_200 : i32 to vector<16xi32>
      %and3A_202 = arith.andi %get3A_199, %and3A_201 : vector<16xi32>
      %swap3A_203 = arith.constant 32 : index
      %swap3A_204 = tpu.vector_load %arg7[%swap3A_203] {strides = array<i32>} : memref<80xi32, #tpu.memory_space<vmem>>, vector<16xi32>,
      %swap3A_205 = vector.shape_cast %swap3A_204 : vector<16xi32> to vector<16xi32>
      %swap3A_206 = vector.shape_cast %and3A_202 : vector<16xi32> to vector<16xi32>
      tpu.vector_store %arg7[%swap3A_203], %swap3A_206 {strides = array<i32>} : memref<80xi32, #tpu.memory_space<vmem>>, vector<16xi32>,
      %shift_right_logical3A_207 = arith.constant 16 : i32
      %shift_right_logical3A_208 = vector.broadcast %shift_right_logical3A_207 : i32 to vector<16xi32>
      %shift_right_logical3A_209 = arith.shrui %get3A_199, %shift_right_logical3A_208 : vector<16xi32>
      %swap3A_210 = arith.constant 32 : index
      %swap3A_211 = tpu.vector_load %arg12[%swap3A_210] {strides = array<i32>} : memref<80xi32, #tpu.memory_space<vmem>>, vector<16xi32>,
      %swap3A_212 = vector.shape_cast %swap3A_211 : vector<16xi32> to vector<16xi32>
      %swap3A_213 = vector.shape_cast %shift_right_logical3A_209 : vector<16xi32> to vector<16xi32>
      tpu.vector_store %arg12[%swap3A_210], %swap3A_213 {strides = array<i32>} : memref<80xi32, #tpu.memory_space<vmem>>, vector<16xi32>,
      %add3A_214 = arith.constant 1 : i32
      %add3A_215 = arith.addi %mul3A_55, %add3A_214 : i32
      %get3A_216 = arith.index_cast %add3A_215 : i32 to index
      %get3A_217 = arith.constant 48 : index
      %get3A_218 = tpu.vector_load %arg5[%get3A_216, %get3A_217] {strides = array<i32>} : memref<250x80xi32, #tpu.memory_space<vmem>>, vector<1x16xi32>,
      %get3A_219 = vector.shape_cast %get3A_218 : vector<1x16xi32> to vector<16xi32>
      %and3A_220 = arith.constant 65535 : i32
      %and3A_221 = vector.broadcast %and3A_220 : i32 to vector<16xi32>
      %and3A_222 = arith.andi %get3A_219, %and3A_221 : vector<16xi32>
      %swap3A_223 = arith.constant 48 : index
      %swap3A_224 = tpu.vector_load %arg7[%swap3A_223] {strides = array<i32>} : memref<80xi32, #tpu.memory_space<vmem>>, vector<16xi32>,
      %swap3A_225 = vector.shape_cast %swap3A_224 : vector<16xi32> to vector<16xi32>
      %swap3A_226 = vector.shape_cast %and3A_222 : vector<16xi32> to vector<16xi32>
      tpu.vector_store %arg7[%swap3A_223], %swap3A_226 {strides = array<i32>} : memref<80xi32, #tpu.memory_space<vmem>>, vector<16xi32>,
      %shift_right_logical3A_227 = arith.constant 16 : i32
      %shift_right_logical3A_228 = vector.broadcast %shift_right_logical3A_227 : i32 to vector<16xi32>
      %shift_right_logical3A_229 = arith.shrui %get3A_219, %shift_right_logical3A_228 : vector<16xi32>
      %swap3A_230 = arith.constant 48 : index
      %swap3A_231 = tpu.vector_load %arg12[%swap3A_230] {strides = array<i32>} : memref<80xi32, #tpu.memory_space<vmem>>, vector<16xi32>,
      %swap3A_232 = vector.shape_cast %swap3A_231 : vector<16xi32> to vector<16xi32>
      %swap3A_233 = vector.shape_cast %shift_right_logical3A_229 : vector<16xi32> to vector<16xi32>
      tpu.vector_store %arg12[%swap3A_230], %swap3A_233 {strides = array<i32>} : memref<80xi32, #tpu.memory_space<vmem>>, vector<16xi32>,
      %add3A_234 = arith.constant 1 : i32
      %add3A_235 = arith.addi %mul3A_55, %add3A_234 : i32
      %get3A_236 = arith.index_cast %add3A_235 : i32 to index
      %get3A_237 = arith.constant 64 : index
      %get3A_238 = tpu.vector_load %arg5[%get3A_236, %get3A_237] {strides = array<i32>} : memref<250x80xi32, #tpu.memory_space<vmem>>, vector<1x16xi32>,
      %get3A_239 = vector.shape_cast %get3A_238 : vector<1x16xi32> to vector<16xi32>
      %and3A_240 = arith.constant 65535 : i32
      %and3A_241 = vector.broadcast %and3A_240 : i32 to vector<16xi32>
      %and3A_242 = arith.andi %get3A_239, %and3A_241 : vector<16xi32>
      %swap3A_243 = arith.constant 64 : index
      %swap3A_244 = tpu.vector_load %arg7[%swap3A_243] {strides = array<i32>} : memref<80xi32, #tpu.memory_space<vmem>>, vector<16xi32>,
      %swap3A_245 = vector.shape_cast %swap3A_244 : vector<16xi32> to vector<16xi32>
      %swap3A_246 = vector.shape_cast %and3A_242 : vector<16xi32> to vector<16xi32>
      tpu.vector_store %arg7[%swap3A_243], %swap3A_246 {strides = array<i32>} : memref<80xi32, #tpu.memory_space<vmem>>, vector<16xi32>,
      %shift_right_logical3A_247 = arith.constant 16 : i32
      %shift_right_logical3A_248 = vector.broadcast %shift_right_logical3A_247 : i32 to vector<16xi32>
      %shift_right_logical3A_249 = arith.shrui %get3A_239, %shift_right_logical3A_248 : vector<16xi32>
      %swap3A_250 = arith.constant 64 : index
      %swap3A_251 = tpu.vector_load %arg12[%swap3A_250] {strides = array<i32>} : memref<80xi32, #tpu.memory_space<vmem>>, vector<16xi32>,
      %swap3A_252 = vector.shape_cast %swap3A_251 : vector<16xi32> to vector<16xi32>
      %swap3A_253 = vector.shape_cast %shift_right_logical3A_249 : vector<16xi32> to vector<16xi32>
      tpu.vector_store %arg12[%swap3A_250], %swap3A_253 {strides = array<i32>} : memref<80xi32, #tpu.memory_space<vmem>>, vector<16xi32>,
      %dma_start3A_254 = arith.constant 0 : i32
      %dma_start3A_255 = arith.constant 0 : i32
      %dma_start3A_256 = tpu.memref_slice %arg2[%dma_start3A_254, %dma_start3A_255] : memref<20000x96xf32, #tpu.memory_space<hbm>> -> memref<20000x96xf32, #tpu.memory_space<hbm>>
      tpu.enqueue_indirect_dma source(%dma_start3A_256 : memref<20000x96xf32, #tpu.memory_space<hbm>>) target(%arg17 : memref<80x96xf32, #tpu.memory_space<vmem>>) offsets(%arg7 : memref<80xi32, #tpu.memory_space<vmem>>) semaphore(%arg23 : memref<!tpu.dma_semaphore, #tpu.memory_space<semaphore_mem>>)
      %add3A_257 = arith.constant 2 : i32
      %add3A_258 = arith.addi %mul3A_55, %add3A_257 : i32
      %get3A_259 = arith.index_cast %add3A_258 : i32 to index
      %get3A_260 = arith.constant 0 : index
      %get3A_261 = tpu.vector_load %arg5[%get3A_259, %get3A_260] {strides = array<i32>} : memref<250x80xi32, #tpu.memory_space<vmem>>, vector<1x16xi32>,
      %get3A_262 = vector.shape_cast %get3A_261 : vector<1x16xi32> to vector<16xi32>
      %and3A_263 = arith.constant 65535 : i32
      %and3A_264 = vector.broadcast %and3A_263 : i32 to vector<16xi32>
      %and3A_265 = arith.andi %get3A_262, %and3A_264 : vector<16xi32>
      %swap3A_266 = arith.constant 0 : index
      %swap3A_267 = tpu.vector_load %arg8[%swap3A_266] {strides = array<i32>} : memref<80xi32, #tpu.memory_space<vmem>>, vector<16xi32>,
      %swap3A_268 = vector.shape_cast %swap3A_267 : vector<16xi32> to vector<16xi32>
      %swap3A_269 = vector.shape_cast %and3A_265 : vector<16xi32> to vector<16xi32>
      tpu.vector_store %arg8[%swap3A_266], %swap3A_269 {strides = array<i32>} : memref<80xi32, #tpu.memory_space<vmem>>, vector<16xi32>,
      %shift_right_logical3A_270 = arith.constant 16 : i32
      %shift_right_logical3A_271 = vector.broadcast %shift_right_logical3A_270 : i32 to vector<16xi32>
      %shift_right_logical3A_272 = arith.shrui %get3A_262, %shift_right_logical3A_271 : vector<16xi32>
      %swap3A_273 = arith.constant 0 : index
      %swap3A_274 = tpu.vector_load %arg13[%swap3A_273] {strides = array<i32>} : memref<80xi32, #tpu.memory_space<vmem>>, vector<16xi32>,
      %swap3A_275 = vector.shape_cast %swap3A_274 : vector<16xi32> to vector<16xi32>
      %swap3A_276 = vector.shape_cast %shift_right_logical3A_272 : vector<16xi32> to vector<16xi32>
      tpu.vector_store %arg13[%swap3A_273], %swap3A_276 {strides = array<i32>} : memref<80xi32, #tpu.memory_space<vmem>>, vector<16xi32>,
      %add3A_277 = arith.constant 2 : i32
      %add3A_278 = arith.addi %mul3A_55, %add3A_277 : i32
      %get3A_279 = arith.index_cast %add3A_278 : i32 to index
      %get3A_280 = arith.constant 16 : index
      %get3A_281 = tpu.vector_load %arg5[%get3A_279, %get3A_280] {strides = array<i32>} : memref<250x80xi32, #tpu.memory_space<vmem>>, vector<1x16xi32>,
      %get3A_282 = vector.shape_cast %get3A_281 : vector<1x16xi32> to vector<16xi32>
      %and3A_283 = arith.constant 65535 : i32
      %and3A_284 = vector.broadcast %and3A_283 : i32 to vector<16xi32>
      %and3A_285 = arith.andi %get3A_282, %and3A_284 : vector<16xi32>
      %swap3A_286 = arith.constant 16 : index
      %swap3A_287 = tpu.vector_load %arg8[%swap3A_286] {strides = array<i32>} : memref<80xi32, #tpu.memory_space<vmem>>, vector<16xi32>,
      %swap3A_288 = vector.shape_cast %swap3A_287 : vector<16xi32> to vector<16xi32>
      %swap3A_289 = vector.shape_cast %and3A_285 : vector<16xi32> to vector<16xi32>
      tpu.vector_store %arg8[%swap3A_286], %swap3A_289 {strides = array<i32>} : memref<80xi32, #tpu.memory_space<vmem>>, vector<16xi32>,
      %shift_right_logical3A_290 = arith.constant 16 : i32
      %shift_right_logical3A_291 = vector.broadcast %shift_right_logical3A_290 : i32 to vector<16xi32>
      %shift_right_logical3A_292 = arith.shrui %get3A_282, %shift_right_logical3A_291 : vector<16xi32>
      %swap3A_293 = arith.constant 16 : index
      %swap3A_294 = tpu.vector_load %arg13[%swap3A_293] {strides = array<i32>} : memref<80xi32, #tpu.memory_space<vmem>>, vector<16xi32>,
      %swap3A_295 = vector.shape_cast %swap3A_294 : vector<16xi32> to vector<16xi32>
      %swap3A_296 = vector.shape_cast %shift_right_logical3A_292 : vector<16xi32> to vector<16xi32>
      tpu.vector_store %arg13[%swap3A_293], %swap3A_296 {strides = array<i32>} : memref<80xi32, #tpu.memory_space<vmem>>, vector<16xi32>,
      %add3A_297 = arith.constant 2 : i32
      %add3A_298 = arith.addi %mul3A_55, %add3A_297 : i32
      %get3A_299 = arith.index_cast %add3A_298 : i32 to index
      %get3A_300 = arith.constant 32 : index
      %get3A_301 = tpu.vector_load %arg5[%get3A_299, %get3A_300] {strides = array<i32>} : memref<250x80xi32, #tpu.memory_space<vmem>>, vector<1x16xi32>,
      %get3A_302 = vector.shape_cast %get3A_301 : vector<1x16xi32> to vector<16xi32>
      %and3A_303 = arith.constant 65535 : i32
      %and3A_304 = vector.broadcast %and3A_303 : i32 to vector<16xi32>
      %and3A_305 = arith.andi %get3A_302, %and3A_304 : vector<16xi32>
      %swap3A_306 = arith.constant 32 : index
      %swap3A_307 = tpu.vector_load %arg8[%swap3A_306] {strides = array<i32>} : memref<80xi32, #tpu.memory_space<vmem>>, vector<16xi32>,
      %swap3A_308 = vector.shape_cast %swap3A_307 : vector<16xi32> to vector<16xi32>
      %swap3A_309 = vector.shape_cast %and3A_305 : vector<16xi32> to vector<16xi32>
      tpu.vector_store %arg8[%swap3A_306], %swap3A_309 {strides = array<i32>} : memref<80xi32, #tpu.memory_space<vmem>>, vector<16xi32>,
      %shift_right_logical3A_310 = arith.constant 16 : i32
      %shift_right_logical3A_311 = vector.broadcast %shift_right_logical3A_310 : i32 to vector<16xi32>
      %shift_right_logical3A_312 = arith.shrui %get3A_302, %shift_right_logical3A_311 : vector<16xi32>
      %swap3A_313 = arith.constant 32 : index
      %swap3A_314 = tpu.vector_load %arg13[%swap3A_313] {strides = array<i32>} : memref<80xi32, #tpu.memory_space<vmem>>, vector<16xi32>,
      %swap3A_315 = vector.shape_cast %swap3A_314 : vector<16xi32> to vector<16xi32>
      %swap3A_316 = vector.shape_cast %shift_right_logical3A_312 : vector<16xi32> to vector<16xi32>
      tpu.vector_store %arg13[%swap3A_313], %swap3A_316 {strides = array<i32>} : memref<80xi32, #tpu.memory_space<vmem>>, vector<16xi32>,
      %add3A_317 = arith.constant 2 : i32
      %add3A_318 = arith.addi %mul3A_55, %add3A_317 : i32
      %get3A_319 = arith.index_cast %add3A_318 : i32 to index
      %get3A_320 = arith.constant 48 : index
      %get3A_321 = tpu.vector_load %arg5[%get3A_319, %get3A_320] {strides = array<i32>} : memref<250x80xi32, #tpu.memory_space<vmem>>, vector<1x16xi32>,
      %get3A_322 = vector.shape_cast %get3A_321 : vector<1x16xi32> to vector<16xi32>
      %and3A_323 = arith.constant 65535 : i32
      %and3A_324 = vector.broadcast %and3A_323 : i32 to vector<16xi32>
      %and3A_325 = arith.andi %get3A_322, %and3A_324 : vector<16xi32>
      %swap3A_326 = arith.constant 48 : index
      %swap3A_327 = tpu.vector_load %arg8[%swap3A_326] {strides = array<i32>} : memref<80xi32, #tpu.memory_space<vmem>>, vector<16xi32>,
      %swap3A_328 = vector.shape_cast %swap3A_327 : vector<16xi32> to vector<16xi32>
      %swap3A_329 = vector.shape_cast %and3A_325 : vector<16xi32> to vector<16xi32>
      tpu.vector_store %arg8[%swap3A_326], %swap3A_329 {strides = array<i32>} : memref<80xi32, #tpu.memory_space<vmem>>, vector<16xi32>,
      %shift_right_logical3A_330 = arith.constant 16 : i32
      %shift_right_logical3A_331 = vector.broadcast %shift_right_logical3A_330 : i32 to vector<16xi32>
      %shift_right_logical3A_332 = arith.shrui %get3A_322, %shift_right_logical3A_331 : vector<16xi32>
      %swap3A_333 = arith.constant 48 : index
      %swap3A_334 = tpu.vector_load %arg13[%swap3A_333] {strides = array<i32>} : memref<80xi32, #tpu.memory_space<vmem>>, vector<16xi32>,
      %swap3A_335 = vector.shape_cast %swap3A_334 : vector<16xi32> to vector<16xi32>
      %swap3A_336 = vector.shape_cast %shift_right_logical3A_332 : vector<16xi32> to vector<16xi32>
      tpu.vector_store %arg13[%swap3A_333], %swap3A_336 {strides = array<i32>} : memref<80xi32, #tpu.memory_space<vmem>>, vector<16xi32>,
      %add3A_337 = arith.constant 2 : i32
      %add3A_338 = arith.addi %mul3A_55, %add3A_337 : i32
      %get3A_339 = arith.index_cast %add3A_338 : i32 to index
      %get3A_340 = arith.constant 64 : index
      %get3A_341 = tpu.vector_load %arg5[%get3A_339, %get3A_340] {strides = array<i32>} : memref<250x80xi32, #tpu.memory_space<vmem>>, vector<1x16xi32>,
      %get3A_342 = vector.shape_cast %get3A_341 : vector<1x16xi32> to vector<16xi32>
      %and3A_343 = arith.constant 65535 : i32
      %and3A_344 = vector.broadcast %and3A_343 : i32 to vector<16xi32>
      %and3A_345 = arith.andi %get3A_342, %and3A_344 : vector<16xi32>
      %swap3A_346 = arith.constant 64 : index
      %swap3A_347 = tpu.vector_load %arg8[%swap3A_346] {strides = array<i32>} : memref<80xi32, #tpu.memory_space<vmem>>, vector<16xi32>,
      %swap3A_348 = vector.shape_cast %swap3A_347 : vector<16xi32> to vector<16xi32>
      %swap3A_349 = vector.shape_cast %and3A_345 : vector<16xi32> to vector<16xi32>
      tpu.vector_store %arg8[%swap3A_346], %swap3A_349 {strides = array<i32>} : memref<80xi32, #tpu.memory_space<vmem>>, vector<16xi32>,
      %shift_right_logical3A_350 = arith.constant 16 : i32
      %shift_right_logical3A_351 = vector.broadcast %shift_right_logical3A_350 : i32 to vector<16xi32>
      %shift_right_logical3A_352 = arith.shrui %get3A_342, %shift_right_logical3A_351 : vector<16xi32>
      %swap3A_353 = arith.constant 64 : index
      %swap3A_354 = tpu.vector_load %arg13[%swap3A_353] {strides = array<i32>} : memref<80xi32, #tpu.memory_space<vmem>>, vector<16xi32>,
      %swap3A_355 = vector.shape_cast %swap3A_354 : vector<16xi32> to vector<16xi32>
      %swap3A_356 = vector.shape_cast %shift_right_logical3A_352 : vector<16xi32> to vector<16xi32>
      tpu.vector_store %arg13[%swap3A_353], %swap3A_356 {strides = array<i32>} : memref<80xi32, #tpu.memory_space<vmem>>, vector<16xi32>,
      %dma_start3A_357 = arith.constant 0 : i32
      %dma_start3A_358 = arith.constant 0 : i32
      %dma_start3A_359 = tpu.memref_slice %arg2[%dma_start3A_357, %dma_start3A_358] : memref<20000x96xf32, #tpu.memory_space<hbm>> -> memref<20000x96xf32, #tpu.memory_space<hbm>>
      tpu.enqueue_indirect_dma source(%dma_start3A_359 : memref<20000x96xf32, #tpu.memory_space<hbm>>) target(%arg18 : memref<80x96xf32, #tpu.memory_space<vmem>>) offsets(%arg8 : memref<80xi32, #tpu.memory_space<vmem>>) semaphore(%arg24 : memref<!tpu.dma_semaphore, #tpu.memory_space<semaphore_mem>>)
      %add3A_360 = arith.constant 3 : i32
      %add3A_361 = arith.addi %mul3A_55, %add3A_360 : i32
      %get3A_362 = arith.index_cast %add3A_361 : i32 to index
      %get3A_363 = arith.constant 0 : index
      %get3A_364 = tpu.vector_load %arg5[%get3A_362, %get3A_363] {strides = array<i32>} : memref<250x80xi32, #tpu.memory_space<vmem>>, vector<1x16xi32>,
      %get3A_365 = vector.shape_cast %get3A_364 : vector<1x16xi32> to vector<16xi32>
      %and3A_366 = arith.constant 65535 : i32
      %and3A_367 = vector.broadcast %and3A_366 : i32 to vector<16xi32>
      %and3A_368 = arith.andi %get3A_365, %and3A_367 : vector<16xi32>
      %swap3A_369 = arith.constant 0 : index
      %swap3A_370 = tpu.vector_load %arg9[%swap3A_369] {strides = array<i32>} : memref<80xi32, #tpu.memory_space<vmem>>, vector<16xi32>,
      %swap3A_371 = vector.shape_cast %swap3A_370 : vector<16xi32> to vector<16xi32>
      %swap3A_372 = vector.shape_cast %and3A_368 : vector<16xi32> to vector<16xi32>
      tpu.vector_store %arg9[%swap3A_369], %swap3A_372 {strides = array<i32>} : memref<80xi32, #tpu.memory_space<vmem>>, vector<16xi32>,
      %shift_right_logical3A_373 = arith.constant 16 : i32
      %shift_right_logical3A_374 = vector.broadcast %shift_right_logical3A_373 : i32 to vector<16xi32>
      %shift_right_logical3A_375 = arith.shrui %get3A_365, %shift_right_logical3A_374 : vector<16xi32>
      %swap3A_376 = arith.constant 0 : index
      %swap3A_377 = tpu.vector_load %arg14[%swap3A_376] {strides = array<i32>} : memref<80xi32, #tpu.memory_space<vmem>>, vector<16xi32>,
      %swap3A_378 = vector.shape_cast %swap3A_377 : vector<16xi32> to vector<16xi32>
      %swap3A_379 = vector.shape_cast %shift_right_logical3A_375 : vector<16xi32> to vector<16xi32>
      tpu.vector_store %arg14[%swap3A_376], %swap3A_379 {strides = array<i32>} : memref<80xi32, #tpu.memory_space<vmem>>, vector<16xi32>,
      %add3A_380 = arith.constant 3 : i32
      %add3A_381 = arith.addi %mul3A_55, %add3A_380 : i32
      %get3A_382 = arith.index_cast %add3A_381 : i32 to index
      %get3A_383 = arith.constant 16 : index
      %get3A_384 = tpu.vector_load %arg5[%get3A_382, %get3A_383] {strides = array<i32>} : memref<250x80xi32, #tpu.memory_space<vmem>>, vector<1x16xi32>,
      %get3A_385 = vector.shape_cast %get3A_384 : vector<1x16xi32> to vector<16xi32>
      %and3A_386 = arith.constant 65535 : i32
      %and3A_387 = vector.broadcast %and3A_386 : i32 to vector<16xi32>
      %and3A_388 = arith.andi %get3A_385, %and3A_387 : vector<16xi32>
      %swap3A_389 = arith.constant 16 : index
      %swap3A_390 = tpu.vector_load %arg9[%swap3A_389] {strides = array<i32>} : memref<80xi32, #tpu.memory_space<vmem>>, vector<16xi32>,
      %swap3A_391 = vector.shape_cast %swap3A_390 : vector<16xi32> to vector<16xi32>
      %swap3A_392 = vector.shape_cast %and3A_388 : vector<16xi32> to vector<16xi32>
      tpu.vector_store %arg9[%swap3A_389], %swap3A_392 {strides = array<i32>} : memref<80xi32, #tpu.memory_space<vmem>>, vector<16xi32>,
      %shift_right_logical3A_393 = arith.constant 16 : i32
      %shift_right_logical3A_394 = vector.broadcast %shift_right_logical3A_393 : i32 to vector<16xi32>
      %shift_right_logical3A_395 = arith.shrui %get3A_385, %shift_right_logical3A_394 : vector<16xi32>
      %swap3A_396 = arith.constant 16 : index
      %swap3A_397 = tpu.vector_load %arg14[%swap3A_396] {strides = array<i32>} : memref<80xi32, #tpu.memory_space<vmem>>, vector<16xi32>,
      %swap3A_398 = vector.shape_cast %swap3A_397 : vector<16xi32> to vector<16xi32>
      %swap3A_399 = vector.shape_cast %shift_right_logical3A_395 : vector<16xi32> to vector<16xi32>
      tpu.vector_store %arg14[%swap3A_396], %swap3A_399 {strides = array<i32>} : memref<80xi32, #tpu.memory_space<vmem>>, vector<16xi32>,
      %add3A_400 = arith.constant 3 : i32
      %add3A_401 = arith.addi %mul3A_55, %add3A_400 : i32
      %get3A_402 = arith.index_cast %add3A_401 : i32 to index
      %get3A_403 = arith.constant 32 : index
      %get3A_404 = tpu.vector_load %arg5[%get3A_402, %get3A_403] {strides = array<i32>} : memref<250x80xi32, #tpu.memory_space<vmem>>, vector<1x16xi32>,
      %get3A_405 = vector.shape_cast %get3A_404 : vector<1x16xi32> to vector<16xi32>
      %and3A_406 = arith.constant 65535 : i32
      %and3A_407 = vector.broadcast %and3A_406 : i32 to vector<16xi32>
      %and3A_408 = arith.andi %get3A_405, %and3A_407 : vector<16xi32>
      %swap3A_409 = arith.constant 32 : index
      %swap3A_410 = tpu.vector_load %arg9[%swap3A_409] {strides = array<i32>} : memref<80xi32, #tpu.memory_space<vmem>>, vector<16xi32>,
      %swap3A_411 = vector.shape_cast %swap3A_410 : vector<16xi32> to vector<16xi32>
      %swap3A_412 = vector.shape_cast %and3A_408 : vector<16xi32> to vector<16xi32>
      tpu.vector_store %arg9[%swap3A_409], %swap3A_412 {strides = array<i32>} : memref<80xi32, #tpu.memory_space<vmem>>, vector<16xi32>,
      %shift_right_logical3A_413 = arith.constant 16 : i32
      %shift_right_logical3A_414 = vector.broadcast %shift_right_logical3A_413 : i32 to vector<16xi32>
      %shift_right_logical3A_415 = arith.shrui %get3A_405, %shift_right_logical3A_414 : vector<16xi32>
      %swap3A_416 = arith.constant 32 : index
      %swap3A_417 = tpu.vector_load %arg14[%swap3A_416] {strides = array<i32>} : memref<80xi32, #tpu.memory_space<vmem>>, vector<16xi32>,
      %swap3A_418 = vector.shape_cast %swap3A_417 : vector<16xi32> to vector<16xi32>
      %swap3A_419 = vector.shape_cast %shift_right_logical3A_415 : vector<16xi32> to vector<16xi32>
      tpu.vector_store %arg14[%swap3A_416], %swap3A_419 {strides = array<i32>} : memref<80xi32, #tpu.memory_space<vmem>>, vector<16xi32>,
      %add3A_420 = arith.constant 3 : i32
      %add3A_421 = arith.addi %mul3A_55, %add3A_420 : i32
      %get3A_422 = arith.index_cast %add3A_421 : i32 to index
      %get3A_423 = arith.constant 48 : index
      %get3A_424 = tpu.vector_load %arg5[%get3A_422, %get3A_423] {strides = array<i32>} : memref<250x80xi32, #tpu.memory_space<vmem>>, vector<1x16xi32>,
      %get3A_425 = vector.shape_cast %get3A_424 : vector<1x16xi32> to vector<16xi32>
      %and3A_426 = arith.constant 65535 : i32
      %and3A_427 = vector.broadcast %and3A_426 : i32 to vector<16xi32>
      %and3A_428 = arith.andi %get3A_425, %and3A_427 : vector<16xi32>
      %swap3A_429 = arith.constant 48 : index
      %swap3A_430 = tpu.vector_load %arg9[%swap3A_429] {strides = array<i32>} : memref<80xi32, #tpu.memory_space<vmem>>, vector<16xi32>,
      %swap3A_431 = vector.shape_cast %swap3A_430 : vector<16xi32> to vector<16xi32>
      %swap3A_432 = vector.shape_cast %and3A_428 : vector<16xi32> to vector<16xi32>
      tpu.vector_store %arg9[%swap3A_429], %swap3A_432 {strides = array<i32>} : memref<80xi32, #tpu.memory_space<vmem>>, vector<16xi32>,
      %shift_right_logical3A_433 = arith.constant 16 : i32
      %shift_right_logical3A_434 = vector.broadcast %shift_right_logical3A_433 : i32 to vector<16xi32>
      %shift_right_logical3A_435 = arith.shrui %get3A_425, %shift_right_logical3A_434 : vector<16xi32>
      %swap3A_436 = arith.constant 48 : index
      %swap3A_437 = tpu.vector_load %arg14[%swap3A_436] {strides = array<i32>} : memref<80xi32, #tpu.memory_space<vmem>>, vector<16xi32>,
      %swap3A_438 = vector.shape_cast %swap3A_437 : vector<16xi32> to vector<16xi32>
      %swap3A_439 = vector.shape_cast %shift_right_logical3A_435 : vector<16xi32> to vector<16xi32>
      tpu.vector_store %arg14[%swap3A_436], %swap3A_439 {strides = array<i32>} : memref<80xi32, #tpu.memory_space<vmem>>, vector<16xi32>,
      %add3A_440 = arith.constant 3 : i32
      %add3A_441 = arith.addi %mul3A_55, %add3A_440 : i32
      %get3A_442 = arith.index_cast %add3A_441 : i32 to index
      %get3A_443 = arith.constant 64 : index
      %get3A_444 = tpu.vector_load %arg5[%get3A_442, %get3A_443] {strides = array<i32>} : memref<250x80xi32, #tpu.memory_space<vmem>>, vector<1x16xi32>,
      %get3A_445 = vector.shape_cast %get3A_444 : vector<1x16xi32> to vector<16xi32>
      %and3A_446 = arith.constant 65535 : i32
      %and3A_447 = vector.broadcast %and3A_446 : i32 to vector<16xi32>
      %and3A_448 = arith.andi %get3A_445, %and3A_447 : vector<16xi32>
      %swap3A_449 = arith.constant 64 : index
      %swap3A_450 = tpu.vector_load %arg9[%swap3A_449] {strides = array<i32>} : memref<80xi32, #tpu.memory_space<vmem>>, vector<16xi32>,
      %swap3A_451 = vector.shape_cast %swap3A_450 : vector<16xi32> to vector<16xi32>
      %swap3A_452 = vector.shape_cast %and3A_448 : vector<16xi32> to vector<16xi32>
      tpu.vector_store %arg9[%swap3A_449], %swap3A_452 {strides = array<i32>} : memref<80xi32, #tpu.memory_space<vmem>>, vector<16xi32>,
      %shift_right_logical3A_453 = arith.constant 16 : i32
      %shift_right_logical3A_454 = vector.broadcast %shift_right_logical3A_453 : i32 to vector<16xi32>
      %shift_right_logical3A_455 = arith.shrui %get3A_445, %shift_right_logical3A_454 : vector<16xi32>
      %swap3A_456 = arith.constant 64 : index
      %swap3A_457 = tpu.vector_load %arg14[%swap3A_456] {strides = array<i32>} : memref<80xi32, #tpu.memory_space<vmem>>, vector<16xi32>,
      %swap3A_458 = vector.shape_cast %swap3A_457 : vector<16xi32> to vector<16xi32>
      %swap3A_459 = vector.shape_cast %shift_right_logical3A_455 : vector<16xi32> to vector<16xi32>
      tpu.vector_store %arg14[%swap3A_456], %swap3A_459 {strides = array<i32>} : memref<80xi32, #tpu.memory_space<vmem>>, vector<16xi32>,
      %dma_start3A_460 = arith.constant 0 : i32
      %dma_start3A_461 = arith.constant 0 : i32
      %dma_start3A_462 = tpu.memref_slice %arg2[%dma_start3A_460, %dma_start3A_461] : memref<20000x96xf32, #tpu.memory_space<hbm>> -> memref<20000x96xf32, #tpu.memory_space<hbm>>
      tpu.enqueue_indirect_dma source(%dma_start3A_462 : memref<20000x96xf32, #tpu.memory_space<hbm>>) target(%arg19 : memref<80x96xf32, #tpu.memory_space<vmem>>) offsets(%arg9 : memref<80xi32, #tpu.memory_space<vmem>>) semaphore(%arg25 : memref<!tpu.dma_semaphore, #tpu.memory_space<semaphore_mem>>)
      %add3A_463 = arith.constant 4 : i32
      %add3A_464 = arith.addi %mul3A_55, %add3A_463 : i32
      %get3A_465 = arith.index_cast %add3A_464 : i32 to index
      %get3A_466 = arith.constant 0 : index
      %get3A_467 = tpu.vector_load %arg5[%get3A_465, %get3A_466] {strides = array<i32>} : memref<250x80xi32, #tpu.memory_space<vmem>>, vector<1x16xi32>,
      %get3A_468 = vector.shape_cast %get3A_467 : vector<1x16xi32> to vector<16xi32>
      %and3A_469 = arith.constant 65535 : i32
      %and3A_470 = vector.broadcast %and3A_469 : i32 to vector<16xi32>
      %and3A_471 = arith.andi %get3A_468, %and3A_470 : vector<16xi32>
      %swap3A_472 = arith.constant 0 : index
      %swap3A_473 = tpu.vector_load %arg10[%swap3A_472] {strides = array<i32>} : memref<80xi32, #tpu.memory_space<vmem>>, vector<16xi32>,
      %swap3A_474 = vector.shape_cast %swap3A_473 : vector<16xi32> to vector<16xi32>
      %swap3A_475 = vector.shape_cast %and3A_471 : vector<16xi32> to vector<16xi32>
      tpu.vector_store %arg10[%swap3A_472], %swap3A_475 {strides = array<i32>} : memref<80xi32, #tpu.memory_space<vmem>>, vector<16xi32>,
      %shift_right_logical3A_476 = arith.constant 16 : i32
      %shift_right_logical3A_477 = vector.broadcast %shift_right_logical3A_476 : i32 to vector<16xi32>
      %shift_right_logical3A_478 = arith.shrui %get3A_468, %shift_right_logical3A_477 : vector<16xi32>
      %swap3A_479 = arith.constant 0 : index
      %swap3A_480 = tpu.vector_load %arg15[%swap3A_479] {strides = array<i32>} : memref<80xi32, #tpu.memory_space<vmem>>, vector<16xi32>,
      %swap3A_481 = vector.shape_cast %swap3A_480 : vector<16xi32> to vector<16xi32>
      %swap3A_482 = vector.shape_cast %shift_right_logical3A_478 : vector<16xi32> to vector<16xi32>
      tpu.vector_store %arg15[%swap3A_479], %swap3A_482 {strides = array<i32>} : memref<80xi32, #tpu.memory_space<vmem>>, vector<16xi32>,
      %add3A_483 = arith.constant 4 : i32
      %add3A_484 = arith.addi %mul3A_55, %add3A_483 : i32
      %get3A_485 = arith.index_cast %add3A_484 : i32 to index
      %get3A_486 = arith.constant 16 : index
      %get3A_487 = tpu.vector_load %arg5[%get3A_485, %get3A_486] {strides = array<i32>} : memref<250x80xi32, #tpu.memory_space<vmem>>, vector<1x16xi32>,
      %get3A_488 = vector.shape_cast %get3A_487 : vector<1x16xi32> to vector<16xi32>
      %and3A_489 = arith.constant 65535 : i32
      %and3A_490 = vector.broadcast %and3A_489 : i32 to vector<16xi32>
      %and3A_491 = arith.andi %get3A_488, %and3A_490 : vector<16xi32>
      %swap3A_492 = arith.constant 16 : index
      %swap3A_493 = tpu.vector_load %arg10[%swap3A_492] {strides = array<i32>} : memref<80xi32, #tpu.memory_space<vmem>>, vector<16xi32>,
      %swap3A_494 = vector.shape_cast %swap3A_493 : vector<16xi32> to vector<16xi32>
      %swap3A_495 = vector.shape_cast %and3A_491 : vector<16xi32> to vector<16xi32>
      tpu.vector_store %arg10[%swap3A_492], %swap3A_495 {strides = array<i32>} : memref<80xi32, #tpu.memory_space<vmem>>, vector<16xi32>,
      %shift_right_logical3A_496 = arith.constant 16 : i32
      %shift_right_logical3A_497 = vector.broadcast %shift_right_logical3A_496 : i32 to vector<16xi32>
      %shift_right_logical3A_498 = arith.shrui %get3A_488, %shift_right_logical3A_497 : vector<16xi32>
      %swap3A_499 = arith.constant 16 : index
      %swap3A_500 = tpu.vector_load %arg15[%swap3A_499] {strides = array<i32>} : memref<80xi32, #tpu.memory_space<vmem>>, vector<16xi32>,
      %swap3A_501 = vector.shape_cast %swap3A_500 : vector<16xi32> to vector<16xi32>
      %swap3A_502 = vector.shape_cast %shift_right_logical3A_498 : vector<16xi32> to vector<16xi32>
      tpu.vector_store %arg15[%swap3A_499], %swap3A_502 {strides = array<i32>} : memref<80xi32, #tpu.memory_space<vmem>>, vector<16xi32>,
      %add3A_503 = arith.constant 4 : i32
      %add3A_504 = arith.addi %mul3A_55, %add3A_503 : i32
      %get3A_505 = arith.index_cast %add3A_504 : i32 to index
      %get3A_506 = arith.constant 32 : index
      %get3A_507 = tpu.vector_load %arg5[%get3A_505, %get3A_506] {strides = array<i32>} : memref<250x80xi32, #tpu.memory_space<vmem>>, vector<1x16xi32>,
      %get3A_508 = vector.shape_cast %get3A_507 : vector<1x16xi32> to vector<16xi32>
      %and3A_509 = arith.constant 65535 : i32
      %and3A_510 = vector.broadcast %and3A_509 : i32 to vector<16xi32>
      %and3A_511 = arith.andi %get3A_508, %and3A_510 : vector<16xi32>
      %swap3A_512 = arith.constant 32 : index
      %swap3A_513 = tpu.vector_load %arg10[%swap3A_512] {strides = array<i32>} : memref<80xi32, #tpu.memory_space<vmem>>, vector<16xi32>,
      %swap3A_514 = vector.shape_cast %swap3A_513 : vector<16xi32> to vector<16xi32>
      %swap3A_515 = vector.shape_cast %and3A_511 : vector<16xi32> to vector<16xi32>
      tpu.vector_store %arg10[%swap3A_512], %swap3A_515 {strides = array<i32>} : memref<80xi32, #tpu.memory_space<vmem>>, vector<16xi32>,
      %shift_right_logical3A_516 = arith.constant 16 : i32
      %shift_right_logical3A_517 = vector.broadcast %shift_right_logical3A_516 : i32 to vector<16xi32>
      %shift_right_logical3A_518 = arith.shrui %get3A_508, %shift_right_logical3A_517 : vector<16xi32>
      %swap3A_519 = arith.constant 32 : index
      %swap3A_520 = tpu.vector_load %arg15[%swap3A_519] {strides = array<i32>} : memref<80xi32, #tpu.memory_space<vmem>>, vector<16xi32>,
      %swap3A_521 = vector.shape_cast %swap3A_520 : vector<16xi32> to vector<16xi32>
      %swap3A_522 = vector.shape_cast %shift_right_logical3A_518 : vector<16xi32> to vector<16xi32>
      tpu.vector_store %arg15[%swap3A_519], %swap3A_522 {strides = array<i32>} : memref<80xi32, #tpu.memory_space<vmem>>, vector<16xi32>,
      %add3A_523 = arith.constant 4 : i32
      %add3A_524 = arith.addi %mul3A_55, %add3A_523 : i32
      %get3A_525 = arith.index_cast %add3A_524 : i32 to index
      %get3A_526 = arith.constant 48 : index
      %get3A_527 = tpu.vector_load %arg5[%get3A_525, %get3A_526] {strides = array<i32>} : memref<250x80xi32, #tpu.memory_space<vmem>>, vector<1x16xi32>,
      %get3A_528 = vector.shape_cast %get3A_527 : vector<1x16xi32> to vector<16xi32>
      %and3A_529 = arith.constant 65535 : i32
      %and3A_530 = vector.broadcast %and3A_529 : i32 to vector<16xi32>
      %and3A_531 = arith.andi %get3A_528, %and3A_530 : vector<16xi32>
      %swap3A_532 = arith.constant 48 : index
      %swap3A_533 = tpu.vector_load %arg10[%swap3A_532] {strides = array<i32>} : memref<80xi32, #tpu.memory_space<vmem>>, vector<16xi32>,
      %swap3A_534 = vector.shape_cast %swap3A_533 : vector<16xi32> to vector<16xi32>
      %swap3A_535 = vector.shape_cast %and3A_531 : vector<16xi32> to vector<16xi32>
      tpu.vector_store %arg10[%swap3A_532], %swap3A_535 {strides = array<i32>} : memref<80xi32, #tpu.memory_space<vmem>>, vector<16xi32>,
      %shift_right_logical3A_536 = arith.constant 16 : i32
      %shift_right_logical3A_537 = vector.broadcast %shift_right_logical3A_536 : i32 to vector<16xi32>
      %shift_right_logical3A_538 = arith.shrui %get3A_528, %shift_right_logical3A_537 : vector<16xi32>
      %swap3A_539 = arith.constant 48 : index
      %swap3A_540 = tpu.vector_load %arg15[%swap3A_539] {strides = array<i32>} : memref<80xi32, #tpu.memory_space<vmem>>, vector<16xi32>,
      %swap3A_541 = vector.shape_cast %swap3A_540 : vector<16xi32> to vector<16xi32>
      %swap3A_542 = vector.shape_cast %shift_right_logical3A_538 : vector<16xi32> to vector<16xi32>
      tpu.vector_store %arg15[%swap3A_539], %swap3A_542 {strides = array<i32>} : memref<80xi32, #tpu.memory_space<vmem>>, vector<16xi32>,
      %add3A_543 = arith.constant 4 : i32
      %add3A_544 = arith.addi %mul3A_55, %add3A_543 : i32
      %get3A_545 = arith.index_cast %add3A_544 : i32 to index
      %get3A_546 = arith.constant 64 : index
      %get3A_547 = tpu.vector_load %arg5[%get3A_545, %get3A_546] {strides = array<i32>} : memref<250x80xi32, #tpu.memory_space<vmem>>, vector<1x16xi32>,
      %get3A_548 = vector.shape_cast %get3A_547 : vector<1x16xi32> to vector<16xi32>
      %and3A_549 = arith.constant 65535 : i32
      %and3A_550 = vector.broadcast %and3A_549 : i32 to vector<16xi32>
      %and3A_551 = arith.andi %get3A_548, %and3A_550 : vector<16xi32>
      %swap3A_552 = arith.constant 64 : index
      %swap3A_553 = tpu.vector_load %arg10[%swap3A_552] {strides = array<i32>} : memref<80xi32, #tpu.memory_space<vmem>>, vector<16xi32>,
      %swap3A_554 = vector.shape_cast %swap3A_553 : vector<16xi32> to vector<16xi32>
      %swap3A_555 = vector.shape_cast %and3A_551 : vector<16xi32> to vector<16xi32>
      tpu.vector_store %arg10[%swap3A_552], %swap3A_555 {strides = array<i32>} : memref<80xi32, #tpu.memory_space<vmem>>, vector<16xi32>,
      %shift_right_logical3A_556 = arith.constant 16 : i32
      %shift_right_logical3A_557 = vector.broadcast %shift_right_logical3A_556 : i32 to vector<16xi32>
      %shift_right_logical3A_558 = arith.shrui %get3A_548, %shift_right_logical3A_557 : vector<16xi32>
      %swap3A_559 = arith.constant 64 : index
      %swap3A_560 = tpu.vector_load %arg15[%swap3A_559] {strides = array<i32>} : memref<80xi32, #tpu.memory_space<vmem>>, vector<16xi32>,
      %swap3A_561 = vector.shape_cast %swap3A_560 : vector<16xi32> to vector<16xi32>
      %swap3A_562 = vector.shape_cast %shift_right_logical3A_558 : vector<16xi32> to vector<16xi32>
      tpu.vector_store %arg15[%swap3A_559], %swap3A_562 {strides = array<i32>} : memref<80xi32, #tpu.memory_space<vmem>>, vector<16xi32>,
      %dma_start3A_563 = arith.constant 0 : i32
      %dma_start3A_564 = arith.constant 0 : i32
      %dma_start3A_565 = tpu.memref_slice %arg2[%dma_start3A_563, %dma_start3A_564] : memref<20000x96xf32, #tpu.memory_space<hbm>> -> memref<20000x96xf32, #tpu.memory_space<hbm>>
      tpu.enqueue_indirect_dma source(%dma_start3A_565 : memref<20000x96xf32, #tpu.memory_space<hbm>>) target(%arg20 : memref<80x96xf32, #tpu.memory_space<vmem>>) offsets(%arg10 : memref<80xi32, #tpu.memory_space<vmem>>) semaphore(%arg26 : memref<!tpu.dma_semaphore, #tpu.memory_space<semaphore_mem>>)
      %dma_wait3A = arith.constant 0 : i32
      %dma_wait3A_566 = arith.constant 0 : i32
      %dma_wait3A_567 = tpu.memref_slice %arg2[%dma_wait3A, %dma_wait3A_566] : memref<20000x96xf32, #tpu.memory_space<hbm>> -> memref<20000x96xf32, #tpu.memory_space<hbm>>
      tpu.wait_indirect_dma semaphore(%arg22 : memref<!tpu.dma_semaphore, #tpu.memory_space<semaphore_mem>>) src(%dma_wait3A_567 : memref<20000x96xf32, #tpu.memory_space<hbm>>) dst(%arg16 : memref<80x96xf32, #tpu.memory_space<vmem>>)
      "tpu.region"() ({
        %run_scoped3A = tpu.sem_alloc : memref<!tpu.dma_semaphore, #tpu.memory_space<semaphore_mem>>
        %dma_start3A_580 = arith.constant 0 : i32
        %dma_start3A_581 = arith.constant 0 : i32
        %dma_start3A_582 = tpu.memref_slice %arg21[%dma_start3A_580, %dma_start3A_581] : memref<10240x96xf32, #tpu.memory_space<vmem_shared>> -> memref<10240x96xf32, #tpu.memory_space<vmem_shared>>
        tpu.enqueue_indirect_dma source(%arg16 : memref<80x96xf32, #tpu.memory_space<vmem>>) target(%dma_start3A_582 : memref<10240x96xf32, #tpu.memory_space<vmem_shared>>) offsets(%arg11 : memref<80xi32, #tpu.memory_space<vmem>>) semaphore(%run_scoped3A : memref<!tpu.dma_semaphore, #tpu.memory_space<semaphore_mem>>) {add = true}
        %dma_wait3A_583 = arith.constant 0 : i32
        %dma_wait3A_584 = arith.constant 0 : i32
        %dma_wait3A_585 = tpu.memref_slice %arg21[%dma_wait3A_583, %dma_wait3A_584] : memref<10240x96xf32, #tpu.memory_space<vmem_shared>> -> memref<10240x96xf32, #tpu.memory_space<vmem_shared>>
        tpu.wait_indirect_dma semaphore(%run_scoped3A : memref<!tpu.dma_semaphore, #tpu.memory_space<semaphore_mem>>) src(%arg16 : memref<80x96xf32, #tpu.memory_space<vmem>>) dst(%dma_wait3A_585 : memref<10240x96xf32, #tpu.memory_space<vmem_shared>>)
        tpu.yield
      }) : () -> ()
      %dma_wait3A_568 = arith.constant 0 : i32
      %dma_wait3A_569 = arith.constant 0 : i32
      %dma_wait3A_570 = tpu.memref_slice %arg2[%dma_wait3A_568, %dma_wait3A_569] : memref<20000x96xf32, #tpu.memory_space<hbm>> -> memref<20000x96xf32, #tpu.memory_space<hbm>>
      tpu.wait_indirect_dma semaphore(%arg23 : memref<!tpu.dma_semaphore, #tpu.memory_space<semaphore_mem>>) src(%dma_wait3A_570 : memref<20000x96xf32, #tpu.memory_space<hbm>>) dst(%arg17 : memref<80x96xf32, #tpu.memory_space<vmem>>)
      "tpu.region"() ({
        %run_scoped3A = tpu.sem_alloc : memref<!tpu.dma_semaphore, #tpu.memory_space<semaphore_mem>>
        %dma_start3A_580 = arith.constant 0 : i32
        %dma_start3A_581 = arith.constant 0 : i32
        %dma_start3A_582 = tpu.memref_slice %arg21[%dma_start3A_580, %dma_start3A_581] : memref<10240x96xf32, #tpu.memory_space<vmem_shared>> -> memref<10240x96xf32, #tpu.memory_space<vmem_shared>>
        tpu.enqueue_indirect_dma source(%arg17 : memref<80x96xf32, #tpu.memory_space<vmem>>) target(%dma_start3A_582 : memref<10240x96xf32, #tpu.memory_space<vmem_shared>>) offsets(%arg12 : memref<80xi32, #tpu.memory_space<vmem>>) semaphore(%run_scoped3A : memref<!tpu.dma_semaphore, #tpu.memory_space<semaphore_mem>>) {add = true}
        %dma_wait3A_583 = arith.constant 0 : i32
        %dma_wait3A_584 = arith.constant 0 : i32
        %dma_wait3A_585 = tpu.memref_slice %arg21[%dma_wait3A_583, %dma_wait3A_584] : memref<10240x96xf32, #tpu.memory_space<vmem_shared>> -> memref<10240x96xf32, #tpu.memory_space<vmem_shared>>
        tpu.wait_indirect_dma semaphore(%run_scoped3A : memref<!tpu.dma_semaphore, #tpu.memory_space<semaphore_mem>>) src(%arg17 : memref<80x96xf32, #tpu.memory_space<vmem>>) dst(%dma_wait3A_585 : memref<10240x96xf32, #tpu.memory_space<vmem_shared>>)
        tpu.yield
      }) : () -> ()
      %dma_wait3A_571 = arith.constant 0 : i32
      %dma_wait3A_572 = arith.constant 0 : i32
      %dma_wait3A_573 = tpu.memref_slice %arg2[%dma_wait3A_571, %dma_wait3A_572] : memref<20000x96xf32, #tpu.memory_space<hbm>> -> memref<20000x96xf32, #tpu.memory_space<hbm>>
      tpu.wait_indirect_dma semaphore(%arg24 : memref<!tpu.dma_semaphore, #tpu.memory_space<semaphore_mem>>) src(%dma_wait3A_573 : memref<20000x96xf32, #tpu.memory_space<hbm>>) dst(%arg18 : memref<80x96xf32, #tpu.memory_space<vmem>>)
      "tpu.region"() ({
        %run_scoped3A = tpu.sem_alloc : memref<!tpu.dma_semaphore, #tpu.memory_space<semaphore_mem>>
        %dma_start3A_580 = arith.constant 0 : i32
        %dma_start3A_581 = arith.constant 0 : i32
        %dma_start3A_582 = tpu.memref_slice %arg21[%dma_start3A_580, %dma_start3A_581] : memref<10240x96xf32, #tpu.memory_space<vmem_shared>> -> memref<10240x96xf32, #tpu.memory_space<vmem_shared>>
        tpu.enqueue_indirect_dma source(%arg18 : memref<80x96xf32, #tpu.memory_space<vmem>>) target(%dma_start3A_582 : memref<10240x96xf32, #tpu.memory_space<vmem_shared>>) offsets(%arg13 : memref<80xi32, #tpu.memory_space<vmem>>) semaphore(%run_scoped3A : memref<!tpu.dma_semaphore, #tpu.memory_space<semaphore_mem>>) {add = true}
        %dma_wait3A_583 = arith.constant 0 : i32
        %dma_wait3A_584 = arith.constant 0 : i32
        %dma_wait3A_585 = tpu.memref_slice %arg21[%dma_wait3A_583, %dma_wait3A_584] : memref<10240x96xf32, #tpu.memory_space<vmem_shared>> -> memref<10240x96xf32, #tpu.memory_space<vmem_shared>>
        tpu.wait_indirect_dma semaphore(%run_scoped3A : memref<!tpu.dma_semaphore, #tpu.memory_space<semaphore_mem>>) src(%arg18 : memref<80x96xf32, #tpu.memory_space<vmem>>) dst(%dma_wait3A_585 : memref<10240x96xf32, #tpu.memory_space<vmem_shared>>)
        tpu.yield
      }) : () -> ()
      %dma_wait3A_574 = arith.constant 0 : i32
      %dma_wait3A_575 = arith.constant 0 : i32
      %dma_wait3A_576 = tpu.memref_slice %arg2[%dma_wait3A_574, %dma_wait3A_575] : memref<20000x96xf32, #tpu.memory_space<hbm>> -> memref<20000x96xf32, #tpu.memory_space<hbm>>
      tpu.wait_indirect_dma semaphore(%arg25 : memref<!tpu.dma_semaphore, #tpu.memory_space<semaphore_mem>>) src(%dma_wait3A_576 : memref<20000x96xf32, #tpu.memory_space<hbm>>) dst(%arg19 : memref<80x96xf32, #tpu.memory_space<vmem>>)
      "tpu.region"() ({
        %run_scoped3A = tpu.sem_alloc : memref<!tpu.dma_semaphore, #tpu.memory_space<semaphore_mem>>
        %dma_start3A_580 = arith.constant 0 : i32
        %dma_start3A_581 = arith.constant 0 : i32
        %dma_start3A_582 = tpu.memref_slice %arg21[%dma_start3A_580, %dma_start3A_581] : memref<10240x96xf32, #tpu.memory_space<vmem_shared>> -> memref<10240x96xf32, #tpu.memory_space<vmem_shared>>
        tpu.enqueue_indirect_dma source(%arg19 : memref<80x96xf32, #tpu.memory_space<vmem>>) target(%dma_start3A_582 : memref<10240x96xf32, #tpu.memory_space<vmem_shared>>) offsets(%arg14 : memref<80xi32, #tpu.memory_space<vmem>>) semaphore(%run_scoped3A : memref<!tpu.dma_semaphore, #tpu.memory_space<semaphore_mem>>) {add = true}
        %dma_wait3A_583 = arith.constant 0 : i32
        %dma_wait3A_584 = arith.constant 0 : i32
        %dma_wait3A_585 = tpu.memref_slice %arg21[%dma_wait3A_583, %dma_wait3A_584] : memref<10240x96xf32, #tpu.memory_space<vmem_shared>> -> memref<10240x96xf32, #tpu.memory_space<vmem_shared>>
        tpu.wait_indirect_dma semaphore(%run_scoped3A : memref<!tpu.dma_semaphore, #tpu.memory_space<semaphore_mem>>) src(%arg19 : memref<80x96xf32, #tpu.memory_space<vmem>>) dst(%dma_wait3A_585 : memref<10240x96xf32, #tpu.memory_space<vmem_shared>>)
        tpu.yield
      }) : () -> ()
      %dma_wait3A_577 = arith.constant 0 : i32
      %dma_wait3A_578 = arith.constant 0 : i32
      %dma_wait3A_579 = tpu.memref_slice %arg2[%dma_wait3A_577, %dma_wait3A_578] : memref<20000x96xf32, #tpu.memory_space<hbm>> -> memref<20000x96xf32, #tpu.memory_space<hbm>>
      tpu.wait_indirect_dma semaphore(%arg26 : memref<!tpu.dma_semaphore, #tpu.memory_space<semaphore_mem>>) src(%dma_wait3A_579 : memref<20000x96xf32, #tpu.memory_space<hbm>>) dst(%arg20 : memref<80x96xf32, #tpu.memory_space<vmem>>)
      "tpu.region"() ({
        %run_scoped3A = tpu.sem_alloc : memref<!tpu.dma_semaphore, #tpu.memory_space<semaphore_mem>>
        %dma_start3A_580 = arith.constant 0 : i32
        %dma_start3A_581 = arith.constant 0 : i32
        %dma_start3A_582 = tpu.memref_slice %arg21[%dma_start3A_580, %dma_start3A_581] : memref<10240x96xf32, #tpu.memory_space<vmem_shared>> -> memref<10240x96xf32, #tpu.memory_space<vmem_shared>>
        tpu.enqueue_indirect_dma source(%arg20 : memref<80x96xf32, #tpu.memory_space<vmem>>) target(%dma_start3A_582 : memref<10240x96xf32, #tpu.memory_space<vmem_shared>>) offsets(%arg15 : memref<80xi32, #tpu.memory_space<vmem>>) semaphore(%run_scoped3A : memref<!tpu.dma_semaphore, #tpu.memory_space<semaphore_mem>>) {add = true}
        %dma_wait3A_583 = arith.constant 0 : i32
        %dma_wait3A_584 = arith.constant 0 : i32
        %dma_wait3A_585 = tpu.memref_slice %arg21[%dma_wait3A_583, %dma_wait3A_584] : memref<10240x96xf32, #tpu.memory_space<vmem_shared>> -> memref<10240x96xf32, #tpu.memory_space<vmem_shared>>
        tpu.wait_indirect_dma semaphore(%run_scoped3A : memref<!tpu.dma_semaphore, #tpu.memory_space<semaphore_mem>>) src(%arg20 : memref<80x96xf32, #tpu.memory_space<vmem>>) dst(%dma_wait3A_585 : memref<10240x96xf32, #tpu.memory_space<vmem_shared>>)
        tpu.yield
      }) : () -> ()
    }
    %scan3A_46 = arith.constant 50 : i32
    %barrier3A_47 = arith.constant 0 : index
    tpu.barrier barrier_id(%barrier3A_47)
    %mul3A_48 = arith.constant 640 : i32
    %mul3A_49 = arith.muli %arg1, %mul3A_48 : i32
    %mul3A_50 = arith.constant 10240 : i32
    %mul3A_51 = arith.muli %arg0, %mul3A_50 : i32
    %add3A_52 = arith.addi %mul3A_51, %mul3A_49 : i32
    "tpu.region"() ({
      %run_scoped3A = tpu.sem_alloc : memref<!tpu.dma_semaphore, #tpu.memory_space<semaphore_mem>>
      %dma_start3A = arith.constant 0 : i32
      %dma_start3A_53 = tpu.memref_slice %arg4[%add3A_52, %dma_start3A] : memref<20480x96xf32, #tpu.memory_space<hbm>> -> memref<640x96xf32, #tpu.memory_space<hbm>>
      %dma_start3A_54 = arith.constant 0 : i32
      %dma_start3A_55 = tpu.memref_slice %arg21[%mul3A_49, %dma_start3A_54] : memref<10240x96xf32, #tpu.memory_space<vmem_shared>> -> memref<640x96xf32, #tpu.memory_space<vmem_shared>>
      tpu.enqueue_dma source(%dma_start3A_55 : memref<640x96xf32, #tpu.memory_space<vmem_shared>>) target(%dma_start3A_53 : memref<640x96xf32, #tpu.memory_space<hbm>>) target_semaphore(%run_scoped3A : memref<!tpu.dma_semaphore, #tpu.memory_space<semaphore_mem>>)
      %dma_wait3A = arith.constant 0 : i32
      %dma_wait3A_56 = tpu.memref_slice %arg4[%add3A_52, %dma_wait3A] : memref<20480x96xf32, #tpu.memory_space<hbm>> -> memref<640x96xf32, #tpu.memory_space<hbm>>
      %dma_wait3A_57 = arith.constant 0 : i32
      %dma_wait3A_58 = tpu.memref_slice %arg21[%mul3A_49, %dma_wait3A_57] : memref<10240x96xf32, #tpu.memory_space<vmem_shared>> -> memref<640x96xf32, #tpu.memory_space<vmem_shared>>
      tpu.wait_dma2 semaphore(%run_scoped3A : memref<!tpu.dma_semaphore, #tpu.memory_space<semaphore_mem>>) src(%dma_wait3A_58 : memref<640x96xf32, #tpu.memory_space<vmem_shared>>) dst(%dma_wait3A_56 : memref<640x96xf32, #tpu.memory_space<hbm>>)
      tpu.yield
    }) : () -> ()
    return
  }
}

#map = affine_map<(d0, d1) -> (0, 0)>
module attributes {stable_mosaic.version = 14 : i64} {
  func.func @seg(%arg0: i32, %arg1: i32, %arg2: memref<20000x96xf32, #tpu.memory_space<hbm>>, %arg3: memref<8000x80xi32, #tpu.memory_space<hbm>>, %arg4: memref<20480x96xf32, #tpu.memory_space<hbm>>, %arg5: memref<250x80xi32, #tpu.memory_space<vmem>>, %arg6: memref<80xi32, #tpu.memory_space<vmem>>, %arg7: memref<80xi32, #tpu.memory_space<vmem>>, %arg8: memref<80xi32, #tpu.memory_space<vmem>>, %arg9: memref<80xi32, #tpu.memory_space<vmem>>, %arg10: memref<80xi32, #tpu.memory_space<vmem>>, %arg11: memref<80xi32, #tpu.memory_space<vmem>>, %arg12: memref<80xi32, #tpu.memory_space<vmem>>, %arg13: memref<80xi32, #tpu.memory_space<vmem>>, %arg14: memref<80xi32, #tpu.memory_space<vmem>>, %arg15: memref<80xi32, #tpu.memory_space<vmem>>, %arg16: memref<80x96xf32, #tpu.memory_space<vmem>>, %arg17: memref<80x96xf32, #tpu.memory_space<vmem>>, %arg18: memref<80x96xf32, #tpu.memory_space<vmem>>, %arg19: memref<80x96xf32, #tpu.memory_space<vmem>>, %arg20: memref<80x96xf32, #tpu.memory_space<vmem>>, %arg21: memref<10240x96xf32, #tpu.memory_space<vmem_shared>>, %arg22: memref<!tpu.dma_semaphore, #tpu.memory_space<semaphore_mem>>, %arg23: memref<!tpu.dma_semaphore, #tpu.memory_space<semaphore_mem>>, %arg24: memref<!tpu.dma_semaphore, #tpu.memory_space<semaphore_mem>>, %arg25: memref<!tpu.dma_semaphore, #tpu.memory_space<semaphore_mem>>, %arg26: memref<!tpu.dma_semaphore, #tpu.memory_space<semaphore_mem>>) attributes {dimension_semantics = [#tpu.dimension_semantics<core_parallel>, #tpu.dimension_semantics<subcore_parallel>], iteration_bounds = array<i64: 2, 16>, scalar_prefetch = 0 : i64, scratch_operands = 22 : i64, tpu.core_type = #tpu.core_type<sc_vector_subcore>, window_params = [{transform_indices = #map}, {transform_indices = #map}, {transform_indices = #map}]} {
    %mul3A = arith.constant 16 : i32
    %mul3A_0 = arith.muli %arg0, %mul3A : i32
    %add3A = arith.addi %mul3A_0, %arg1 : i32
    %mul3A_1 = arith.constant 250 : i32
    %mul3A_2 = arith.muli %add3A, %mul3A_1 : i32
    "tpu.region"() ({
      %run_scoped3A = tpu.sem_alloc : memref<!tpu.dma_semaphore, #tpu.memory_space<semaphore_mem>>
      %dma_start3A = arith.constant 0 : i32
      %dma_start3A_53 = tpu.memref_slice %arg3[%mul3A_2, %dma_start3A] : memref<8000x80xi32, #tpu.memory_space<hbm>> -> memref<250x80xi32, #tpu.memory_space<hbm>>
      %dma_start3A_54 = arith.constant 0 : i32
      %dma_start3A_55 = tpu.memref_slice %arg3[%mul3A_2, %dma_start3A_54] : memref<8000x80xi32, #tpu.memory_space<hbm>> -> memref<250x80xi32, #tpu.memory_space<hbm>>
      tpu.enqueue_dma source(%dma_start3A_55 : memref<250x80xi32, #tpu.memory_space<hbm>>) target(%arg5 : memref<250x80xi32, #tpu.memory_space<vmem>>) target_semaphore(%run_scoped3A : memref<!tpu.dma_semaphore, #tpu.memory_space<semaphore_mem>>)
      %dma_wait3A = arith.constant 0 : i32
      %dma_wait3A_56 = tpu.memref_slice %arg3[%mul3A_2, %dma_wait3A] : memref<8000x80xi32, #tpu.memory_space<hbm>> -> memref<250x80xi32, #tpu.memory_space<hbm>>
      %dma_wait3A_57 = arith.constant 0 : i32
      %dma_wait3A_58 = tpu.memref_slice %arg3[%mul3A_2, %dma_wait3A_57] : memref<8000x80xi32, #tpu.memory_space<hbm>> -> memref<250x80xi32, #tpu.memory_space<hbm>>
      tpu.wait_dma2 semaphore(%run_scoped3A : memref<!tpu.dma_semaphore, #tpu.memory_space<semaphore_mem>>) src(%dma_wait3A_58 : memref<250x80xi32, #tpu.memory_space<hbm>>) dst(%arg5 : memref<250x80xi32, #tpu.memory_space<vmem>>)
      tpu.yield
    }) : () -> ()
    %broadcast_in_dim3A = arith.constant 0.000000e+00 : f32
    %broadcast_in_dim3A_3 = vector.broadcast %broadcast_in_dim3A : f32 to vector<16xf32>
    %scan3A = arith.constant 0 : i32
    %scan3A_4 = arith.constant 0 : i32
    %scan3A_5 = arith.constant 80 : i32
    %scan3A_6 = arith.addi %scan3A_4, %scan3A_5 : i32
    %scan3A_7 = arith.constant 1 : i32
    scf.for %scan3A_53 = %scan3A_4 to %scan3A_6 step %scan3A_7  : i32 {
      %swap3A = arith.index_cast %scan3A_53 : i32 to index
      %swap3A_54 = arith.constant 0 : index
      %swap3A_55 = tpu.vector_load %arg16[%swap3A, %swap3A_54] {strides = array<i32>} : memref<80x96xf32, #tpu.memory_space<vmem>>, vector<1x16xf32>,
      %swap3A_56 = vector.shape_cast %swap3A_55 : vector<1x16xf32> to vector<16xf32>
      %swap3A_57 = vector.shape_cast %broadcast_in_dim3A_3 : vector<16xf32> to vector<1x16xf32>
      tpu.vector_store %arg16[%swap3A, %swap3A_54], %swap3A_57 {strides = array<i32>} : memref<80x96xf32, #tpu.memory_space<vmem>>, vector<1x16xf32>,
      %swap3A_58 = arith.index_cast %scan3A_53 : i32 to index
      %swap3A_59 = arith.constant 16 : index
      %swap3A_60 = tpu.vector_load %arg16[%swap3A_58, %swap3A_59] {strides = array<i32>} : memref<80x96xf32, #tpu.memory_space<vmem>>, vector<1x16xf32>,
      %swap3A_61 = vector.shape_cast %swap3A_60 : vector<1x16xf32> to vector<16xf32>
      %swap3A_62 = vector.shape_cast %broadcast_in_dim3A_3 : vector<16xf32> to vector<1x16xf32>
      tpu.vector_store %arg16[%swap3A_58, %swap3A_59], %swap3A_62 {strides = array<i32>} : memref<80x96xf32, #tpu.memory_space<vmem>>, vector<1x16xf32>,
      %swap3A_63 = arith.index_cast %scan3A_53 : i32 to index
      %swap3A_64 = arith.constant 32 : index
      %swap3A_65 = tpu.vector_load %arg16[%swap3A_63, %swap3A_64] {strides = array<i32>} : memref<80x96xf32, #tpu.memory_space<vmem>>, vector<1x16xf32>,
      %swap3A_66 = vector.shape_cast %swap3A_65 : vector<1x16xf32> to vector<16xf32>
      %swap3A_67 = vector.shape_cast %broadcast_in_dim3A_3 : vector<16xf32> to vector<1x16xf32>
      tpu.vector_store %arg16[%swap3A_63, %swap3A_64], %swap3A_67 {strides = array<i32>} : memref<80x96xf32, #tpu.memory_space<vmem>>, vector<1x16xf32>,
      %swap3A_68 = arith.index_cast %scan3A_53 : i32 to index
      %swap3A_69 = arith.constant 48 : index
      %swap3A_70 = tpu.vector_load %arg16[%swap3A_68, %swap3A_69] {strides = array<i32>} : memref<80x96xf32, #tpu.memory_space<vmem>>, vector<1x16xf32>,
      %swap3A_71 = vector.shape_cast %swap3A_70 : vector<1x16xf32> to vector<16xf32>
      %swap3A_72 = vector.shape_cast %broadcast_in_dim3A_3 : vector<16xf32> to vector<1x16xf32>
      tpu.vector_store %arg16[%swap3A_68, %swap3A_69], %swap3A_72 {strides = array<i32>} : memref<80x96xf32, #tpu.memory_space<vmem>>, vector<1x16xf32>,
      %swap3A_73 = arith.index_cast %scan3A_53 : i32 to index
      %swap3A_74 = arith.constant 64 : index
      %swap3A_75 = tpu.vector_load %arg16[%swap3A_73, %swap3A_74] {strides = array<i32>} : memref<80x96xf32, #tpu.memory_space<vmem>>, vector<1x16xf32>,
      %swap3A_76 = vector.shape_cast %swap3A_75 : vector<1x16xf32> to vector<16xf32>
      %swap3A_77 = vector.shape_cast %broadcast_in_dim3A_3 : vector<16xf32> to vector<1x16xf32>
      tpu.vector_store %arg16[%swap3A_73, %swap3A_74], %swap3A_77 {strides = array<i32>} : memref<80x96xf32, #tpu.memory_space<vmem>>, vector<1x16xf32>,
      %swap3A_78 = arith.index_cast %scan3A_53 : i32 to index
      %swap3A_79 = arith.constant 80 : index
      %swap3A_80 = tpu.vector_load %arg16[%swap3A_78, %swap3A_79] {strides = array<i32>} : memref<80x96xf32, #tpu.memory_space<vmem>>, vector<1x16xf32>,
      %swap3A_81 = vector.shape_cast %swap3A_80 : vector<1x16xf32> to vector<16xf32>
      %swap3A_82 = vector.shape_cast %broadcast_in_dim3A_3 : vector<16xf32> to vector<1x16xf32>
      tpu.vector_store %arg16[%swap3A_78, %swap3A_79], %swap3A_82 {strides = array<i32>} : memref<80x96xf32, #tpu.memory_space<vmem>>, vector<1x16xf32>,
    }
    %scan3A_8 = arith.constant 80 : i32
    %mul3A_9 = arith.constant 640 : i32
    %mul3A_10 = arith.muli %arg1, %mul3A_9 : i32
    %add3A_11 = arith.constant 0 : i32
    %add3A_12 = arith.addi %mul3A_10, %add3A_11 : i32
    "tpu.region"() ({
      %run_scoped3A = tpu.sem_alloc : memref<!tpu.dma_semaphore, #tpu.memory_space<semaphore_mem>>
      %dma_start3A = arith.constant 0 : i32
      %dma_start3A_53 = tpu.memref_slice %arg21[%add3A_12, %dma_start3A] : memref<10240x96xf32, #tpu.memory_space<vmem_shared>> -> memref<80x96xf32, #tpu.memory_space<vmem_shared>>
      %dma_start3A_54 = arith.constant 0 : i32
      %dma_start3A_55 = tpu.memref_slice %arg21[%add3A_12, %dma_start3A_54] : memref<10240x96xf32, #tpu.memory_space<vmem_shared>> -> memref<80x96xf32, #tpu.memory_space<vmem_shared>>
      tpu.enqueue_dma source(%arg16 : memref<80x96xf32, #tpu.memory_space<vmem>>) target(%dma_start3A_55 : memref<80x96xf32, #tpu.memory_space<vmem_shared>>) target_semaphore(%run_scoped3A : memref<!tpu.dma_semaphore, #tpu.memory_space<semaphore_mem>>)
      %dma_wait3A = arith.constant 0 : i32
      %dma_wait3A_56 = tpu.memref_slice %arg21[%add3A_12, %dma_wait3A] : memref<10240x96xf32, #tpu.memory_space<vmem_shared>> -> memref<80x96xf32, #tpu.memory_space<vmem_shared>>
      %dma_wait3A_57 = arith.constant 0 : i32
      %dma_wait3A_58 = tpu.memref_slice %arg21[%add3A_12, %dma_wait3A_57] : memref<10240x96xf32, #tpu.memory_space<vmem_shared>> -> memref<80x96xf32, #tpu.memory_space<vmem_shared>>
      tpu.wait_dma2 semaphore(%run_scoped3A : memref<!tpu.dma_semaphore, #tpu.memory_space<semaphore_mem>>) src(%arg16 : memref<80x96xf32, #tpu.memory_space<vmem>>) dst(%dma_wait3A_58 : memref<80x96xf32, #tpu.memory_space<vmem_shared>>)
      tpu.yield
    }) : () -> ()
    %mul3A_13 = arith.constant 640 : i32
    %mul3A_14 = arith.muli %arg1, %mul3A_13 : i32
    %add3A_15 = arith.constant 80 : i32
    %add3A_16 = arith.addi %mul3A_14, %add3A_15 : i32
    "tpu.region"() ({
      %run_scoped3A = tpu.sem_alloc : memref<!tpu.dma_semaphore, #tpu.memory_space<semaphore_mem>>
      %dma_start3A = arith.constant 0 : i32
      %dma_start3A_53 = tpu.memref_slice %arg21[%add3A_16, %dma_start3A] : memref<10240x96xf32, #tpu.memory_space<vmem_shared>> -> memref<80x96xf32, #tpu.memory_space<vmem_shared>>
      %dma_start3A_54 = arith.constant 0 : i32
      %dma_start3A_55 = tpu.memref_slice %arg21[%add3A_16, %dma_start3A_54] : memref<10240x96xf32, #tpu.memory_space<vmem_shared>> -> memref<80x96xf32, #tpu.memory_space<vmem_shared>>
      tpu.enqueue_dma source(%arg16 : memref<80x96xf32, #tpu.memory_space<vmem>>) target(%dma_start3A_55 : memref<80x96xf32, #tpu.memory_space<vmem_shared>>) target_semaphore(%run_scoped3A : memref<!tpu.dma_semaphore, #tpu.memory_space<semaphore_mem>>)
      %dma_wait3A = arith.constant 0 : i32
      %dma_wait3A_56 = tpu.memref_slice %arg21[%add3A_16, %dma_wait3A] : memref<10240x96xf32, #tpu.memory_space<vmem_shared>> -> memref<80x96xf32, #tpu.memory_space<vmem_shared>>
      %dma_wait3A_57 = arith.constant 0 : i32
      %dma_wait3A_58 = tpu.memref_slice %arg21[%add3A_16, %dma_wait3A_57] : memref<10240x96xf32, #tpu.memory_space<vmem_shared>> -> memref<80x96xf32, #tpu.memory_space<vmem_shared>>
      tpu.wait_dma2 semaphore(%run_scoped3A : memref<!tpu.dma_semaphore, #tpu.memory_space<semaphore_mem>>) src(%arg16 : memref<80x96xf32, #tpu.memory_space<vmem>>) dst(%dma_wait3A_58 : memref<80x96xf32, #tpu.memory_space<vmem_shared>>)
      tpu.yield
    }) : () -> ()
    %mul3A_17 = arith.constant 640 : i32
    %mul3A_18 = arith.muli %arg1, %mul3A_17 : i32
    %add3A_19 = arith.constant 160 : i32
    %add3A_20 = arith.addi %mul3A_18, %add3A_19 : i32
    "tpu.region"() ({
      %run_scoped3A = tpu.sem_alloc : memref<!tpu.dma_semaphore, #tpu.memory_space<semaphore_mem>>
      %dma_start3A = arith.constant 0 : i32
      %dma_start3A_53 = tpu.memref_slice %arg21[%add3A_20, %dma_start3A] : memref<10240x96xf32, #tpu.memory_space<vmem_shared>> -> memref<80x96xf32, #tpu.memory_space<vmem_shared>>
      %dma_start3A_54 = arith.constant 0 : i32
      %dma_start3A_55 = tpu.memref_slice %arg21[%add3A_20, %dma_start3A_54] : memref<10240x96xf32, #tpu.memory_space<vmem_shared>> -> memref<80x96xf32, #tpu.memory_space<vmem_shared>>
      tpu.enqueue_dma source(%arg16 : memref<80x96xf32, #tpu.memory_space<vmem>>) target(%dma_start3A_55 : memref<80x96xf32, #tpu.memory_space<vmem_shared>>) target_semaphore(%run_scoped3A : memref<!tpu.dma_semaphore, #tpu.memory_space<semaphore_mem>>)
      %dma_wait3A = arith.constant 0 : i32
      %dma_wait3A_56 = tpu.memref_slice %arg21[%add3A_20, %dma_wait3A] : memref<10240x96xf32, #tpu.memory_space<vmem_shared>> -> memref<80x96xf32, #tpu.memory_space<vmem_shared>>
      %dma_wait3A_57 = arith.constant 0 : i32
      %dma_wait3A_58 = tpu.memref_slice %arg21[%add3A_20, %dma_wait3A_57] : memref<10240x96xf32, #tpu.memory_space<vmem_shared>> -> memref<80x96xf32, #tpu.memory_space<vmem_shared>>
      tpu.wait_dma2 semaphore(%run_scoped3A : memref<!tpu.dma_semaphore, #tpu.memory_space<semaphore_mem>>) src(%arg16 : memref<80x96xf32, #tpu.memory_space<vmem>>) dst(%dma_wait3A_58 : memref<80x96xf32, #tpu.memory_space<vmem_shared>>)
      tpu.yield
    }) : () -> ()
    %mul3A_21 = arith.constant 640 : i32
    %mul3A_22 = arith.muli %arg1, %mul3A_21 : i32
    %add3A_23 = arith.constant 240 : i32
    %add3A_24 = arith.addi %mul3A_22, %add3A_23 : i32
    "tpu.region"() ({
      %run_scoped3A = tpu.sem_alloc : memref<!tpu.dma_semaphore, #tpu.memory_space<semaphore_mem>>
      %dma_start3A = arith.constant 0 : i32
      %dma_start3A_53 = tpu.memref_slice %arg21[%add3A_24, %dma_start3A] : memref<10240x96xf32, #tpu.memory_space<vmem_shared>> -> memref<80x96xf32, #tpu.memory_space<vmem_shared>>
      %dma_start3A_54 = arith.constant 0 : i32
      %dma_start3A_55 = tpu.memref_slice %arg21[%add3A_24, %dma_start3A_54] : memref<10240x96xf32, #tpu.memory_space<vmem_shared>> -> memref<80x96xf32, #tpu.memory_space<vmem_shared>>
      tpu.enqueue_dma source(%arg16 : memref<80x96xf32, #tpu.memory_space<vmem>>) target(%dma_start3A_55 : memref<80x96xf32, #tpu.memory_space<vmem_shared>>) target_semaphore(%run_scoped3A : memref<!tpu.dma_semaphore, #tpu.memory_space<semaphore_mem>>)
      %dma_wait3A = arith.constant 0 : i32
      %dma_wait3A_56 = tpu.memref_slice %arg21[%add3A_24, %dma_wait3A] : memref<10240x96xf32, #tpu.memory_space<vmem_shared>> -> memref<80x96xf32, #tpu.memory_space<vmem_shared>>
      %dma_wait3A_57 = arith.constant 0 : i32
      %dma_wait3A_58 = tpu.memref_slice %arg21[%add3A_24, %dma_wait3A_57] : memref<10240x96xf32, #tpu.memory_space<vmem_shared>> -> memref<80x96xf32, #tpu.memory_space<vmem_shared>>
      tpu.wait_dma2 semaphore(%run_scoped3A : memref<!tpu.dma_semaphore, #tpu.memory_space<semaphore_mem>>) src(%arg16 : memref<80x96xf32, #tpu.memory_space<vmem>>) dst(%dma_wait3A_58 : memref<80x96xf32, #tpu.memory_space<vmem_shared>>)
      tpu.yield
    }) : () -> ()
    %mul3A_25 = arith.constant 640 : i32
    %mul3A_26 = arith.muli %arg1, %mul3A_25 : i32
    %add3A_27 = arith.constant 320 : i32
    %add3A_28 = arith.addi %mul3A_26, %add3A_27 : i32
    "tpu.region"() ({
      %run_scoped3A = tpu.sem_alloc : memref<!tpu.dma_semaphore, #tpu.memory_space<semaphore_mem>>
      %dma_start3A = arith.constant 0 : i32
      %dma_start3A_53 = tpu.memref_slice %arg21[%add3A_28, %dma_start3A] : memref<10240x96xf32, #tpu.memory_space<vmem_shared>> -> memref<80x96xf32, #tpu.memory_space<vmem_shared>>
      %dma_start3A_54 = arith.constant 0 : i32
      %dma_start3A_55 = tpu.memref_slice %arg21[%add3A_28, %dma_start3A_54] : memref<10240x96xf32, #tpu.memory_space<vmem_shared>> -> memref<80x96xf32, #tpu.memory_space<vmem_shared>>
      tpu.enqueue_dma source(%arg16 : memref<80x96xf32, #tpu.memory_space<vmem>>) target(%dma_start3A_55 : memref<80x96xf32, #tpu.memory_space<vmem_shared>>) target_semaphore(%run_scoped3A : memref<!tpu.dma_semaphore, #tpu.memory_space<semaphore_mem>>)
      %dma_wait3A = arith.constant 0 : i32
      %dma_wait3A_56 = tpu.memref_slice %arg21[%add3A_28, %dma_wait3A] : memref<10240x96xf32, #tpu.memory_space<vmem_shared>> -> memref<80x96xf32, #tpu.memory_space<vmem_shared>>
      %dma_wait3A_57 = arith.constant 0 : i32
      %dma_wait3A_58 = tpu.memref_slice %arg21[%add3A_28, %dma_wait3A_57] : memref<10240x96xf32, #tpu.memory_space<vmem_shared>> -> memref<80x96xf32, #tpu.memory_space<vmem_shared>>
      tpu.wait_dma2 semaphore(%run_scoped3A : memref<!tpu.dma_semaphore, #tpu.memory_space<semaphore_mem>>) src(%arg16 : memref<80x96xf32, #tpu.memory_space<vmem>>) dst(%dma_wait3A_58 : memref<80x96xf32, #tpu.memory_space<vmem_shared>>)
      tpu.yield
    }) : () -> ()
    %mul3A_29 = arith.constant 640 : i32
    %mul3A_30 = arith.muli %arg1, %mul3A_29 : i32
    %add3A_31 = arith.constant 400 : i32
    %add3A_32 = arith.addi %mul3A_30, %add3A_31 : i32
    "tpu.region"() ({
      %run_scoped3A = tpu.sem_alloc : memref<!tpu.dma_semaphore, #tpu.memory_space<semaphore_mem>>
      %dma_start3A = arith.constant 0 : i32
      %dma_start3A_53 = tpu.memref_slice %arg21[%add3A_32, %dma_start3A] : memref<10240x96xf32, #tpu.memory_space<vmem_shared>> -> memref<80x96xf32, #tpu.memory_space<vmem_shared>>
      %dma_start3A_54 = arith.constant 0 : i32
      %dma_start3A_55 = tpu.memref_slice %arg21[%add3A_32, %dma_start3A_54] : memref<10240x96xf32, #tpu.memory_space<vmem_shared>> -> memref<80x96xf32, #tpu.memory_space<vmem_shared>>
      tpu.enqueue_dma source(%arg16 : memref<80x96xf32, #tpu.memory_space<vmem>>) target(%dma_start3A_55 : memref<80x96xf32, #tpu.memory_space<vmem_shared>>) target_semaphore(%run_scoped3A : memref<!tpu.dma_semaphore, #tpu.memory_space<semaphore_mem>>)
      %dma_wait3A = arith.constant 0 : i32
      %dma_wait3A_56 = tpu.memref_slice %arg21[%add3A_32, %dma_wait3A] : memref<10240x96xf32, #tpu.memory_space<vmem_shared>> -> memref<80x96xf32, #tpu.memory_space<vmem_shared>>
      %dma_wait3A_57 = arith.constant 0 : i32
      %dma_wait3A_58 = tpu.memref_slice %arg21[%add3A_32, %dma_wait3A_57] : memref<10240x96xf32, #tpu.memory_space<vmem_shared>> -> memref<80x96xf32, #tpu.memory_space<vmem_shared>>
      tpu.wait_dma2 semaphore(%run_scoped3A : memref<!tpu.dma_semaphore, #tpu.memory_space<semaphore_mem>>) src(%arg16 : memref<80x96xf32, #tpu.memory_space<vmem>>) dst(%dma_wait3A_58 : memref<80x96xf32, #tpu.memory_space<vmem_shared>>)
      tpu.yield
    }) : () -> ()
    %mul3A_33 = arith.constant 640 : i32
    %mul3A_34 = arith.muli %arg1, %mul3A_33 : i32
    %add3A_35 = arith.constant 480 : i32
    %add3A_36 = arith.addi %mul3A_34, %add3A_35 : i32
    "tpu.region"() ({
      %run_scoped3A = tpu.sem_alloc : memref<!tpu.dma_semaphore, #tpu.memory_space<semaphore_mem>>
      %dma_start3A = arith.constant 0 : i32
      %dma_start3A_53 = tpu.memref_slice %arg21[%add3A_36, %dma_start3A] : memref<10240x96xf32, #tpu.memory_space<vmem_shared>> -> memref<80x96xf32, #tpu.memory_space<vmem_shared>>
      %dma_start3A_54 = arith.constant 0 : i32
      %dma_start3A_55 = tpu.memref_slice %arg21[%add3A_36, %dma_start3A_54] : memref<10240x96xf32, #tpu.memory_space<vmem_shared>> -> memref<80x96xf32, #tpu.memory_space<vmem_shared>>
      tpu.enqueue_dma source(%arg16 : memref<80x96xf32, #tpu.memory_space<vmem>>) target(%dma_start3A_55 : memref<80x96xf32, #tpu.memory_space<vmem_shared>>) target_semaphore(%run_scoped3A : memref<!tpu.dma_semaphore, #tpu.memory_space<semaphore_mem>>)
      %dma_wait3A = arith.constant 0 : i32
      %dma_wait3A_56 = tpu.memref_slice %arg21[%add3A_36, %dma_wait3A] : memref<10240x96xf32, #tpu.memory_space<vmem_shared>> -> memref<80x96xf32, #tpu.memory_space<vmem_shared>>
      %dma_wait3A_57 = arith.constant 0 : i32
      %dma_wait3A_58 = tpu.memref_slice %arg21[%add3A_36, %dma_wait3A_57] : memref<10240x96xf32, #tpu.memory_space<vmem_shared>> -> memref<80x96xf32, #tpu.memory_space<vmem_shared>>
      tpu.wait_dma2 semaphore(%run_scoped3A : memref<!tpu.dma_semaphore, #tpu.memory_space<semaphore_mem>>) src(%arg16 : memref<80x96xf32, #tpu.memory_space<vmem>>) dst(%dma_wait3A_58 : memref<80x96xf32, #tpu.memory_space<vmem_shared>>)
      tpu.yield
    }) : () -> ()
    %mul3A_37 = arith.constant 640 : i32
    %mul3A_38 = arith.muli %arg1, %mul3A_37 : i32
    %add3A_39 = arith.constant 560 : i32
    %add3A_40 = arith.addi %mul3A_38, %add3A_39 : i32
    "tpu.region"() ({
      %run_scoped3A = tpu.sem_alloc : memref<!tpu.dma_semaphore, #tpu.memory_space<semaphore_mem>>
      %dma_start3A = arith.constant 0 : i32
      %dma_start3A_53 = tpu.memref_slice %arg21[%add3A_40, %dma_start3A] : memref<10240x96xf32, #tpu.memory_space<vmem_shared>> -> memref<80x96xf32, #tpu.memory_space<vmem_shared>>
      %dma_start3A_54 = arith.constant 0 : i32
      %dma_start3A_55 = tpu.memref_slice %arg21[%add3A_40, %dma_start3A_54] : memref<10240x96xf32, #tpu.memory_space<vmem_shared>> -> memref<80x96xf32, #tpu.memory_space<vmem_shared>>
      tpu.enqueue_dma source(%arg16 : memref<80x96xf32, #tpu.memory_space<vmem>>) target(%dma_start3A_55 : memref<80x96xf32, #tpu.memory_space<vmem_shared>>) target_semaphore(%run_scoped3A : memref<!tpu.dma_semaphore, #tpu.memory_space<semaphore_mem>>)
      %dma_wait3A = arith.constant 0 : i32
      %dma_wait3A_56 = tpu.memref_slice %arg21[%add3A_40, %dma_wait3A] : memref<10240x96xf32, #tpu.memory_space<vmem_shared>> -> memref<80x96xf32, #tpu.memory_space<vmem_shared>>
      %dma_wait3A_57 = arith.constant 0 : i32
      %dma_wait3A_58 = tpu.memref_slice %arg21[%add3A_40, %dma_wait3A_57] : memref<10240x96xf32, #tpu.memory_space<vmem_shared>> -> memref<80x96xf32, #tpu.memory_space<vmem_shared>>
      tpu.wait_dma2 semaphore(%run_scoped3A : memref<!tpu.dma_semaphore, #tpu.memory_space<semaphore_mem>>) src(%arg16 : memref<80x96xf32, #tpu.memory_space<vmem>>) dst(%dma_wait3A_58 : memref<80x96xf32, #tpu.memory_space<vmem_shared>>)
      tpu.yield
    }) : () -> ()
    %barrier3A = arith.constant 0 : index
    tpu.barrier barrier_id(%barrier3A)
    %scan3A_41 = arith.constant 0 : i32
    %scan3A_42 = arith.constant 0 : i32
    %scan3A_43 = arith.constant 50 : i32
    %scan3A_44 = arith.addi %scan3A_42, %scan3A_43 : i32
    %scan3A_45 = arith.constant 1 : i32
    scf.for %scan3A_53 = %scan3A_42 to %scan3A_44 step %scan3A_45  : i32 {
      %mul3A_54 = arith.constant 5 : i32
      %mul3A_55 = arith.muli %scan3A_53, %mul3A_54 : i32
      %add3A_56 = arith.constant 0 : i32
      %add3A_57 = arith.addi %mul3A_55, %add3A_56 : i32
      %get3A = arith.index_cast %add3A_57 : i32 to index
      %get3A_58 = arith.constant 0 : index
      %get3A_59 = tpu.vector_load %arg5[%get3A, %get3A_58] {strides = array<i32>} : memref<250x80xi32, #tpu.memory_space<vmem>>, vector<1x16xi32>,
      %get3A_60 = vector.shape_cast %get3A_59 : vector<1x16xi32> to vector<16xi32>
      %and3A = arith.constant 65535 : i32
      %and3A_61 = vector.broadcast %and3A : i32 to vector<16xi32>
      %and3A_62 = arith.andi %get3A_60, %and3A_61 : vector<16xi32>
      %swap3A = arith.constant 0 : index
      %swap3A_63 = tpu.vector_load %arg6[%swap3A] {strides = array<i32>} : memref<80xi32, #tpu.memory_space<vmem>>, vector<16xi32>,
      %swap3A_64 = vector.shape_cast %swap3A_63 : vector<16xi32> to vector<16xi32>
      %swap3A_65 = vector.shape_cast %and3A_62 : vector<16xi32> to vector<16xi32>
      tpu.vector_store %arg6[%swap3A], %swap3A_65 {strides = array<i32>} : memref<80xi32, #tpu.memory_space<vmem>>, vector<16xi32>,
      %shift_right_logical3A = arith.constant 16 : i32
      %shift_right_logical3A_66 = vector.broadcast %shift_right_logical3A : i32 to vector<16xi32>
      %shift_right_logical3A_67 = arith.shrui %get3A_60, %shift_right_logical3A_66 : vector<16xi32>
      %swap3A_68 = arith.constant 0 : index
      %swap3A_69 = tpu.vector_load %arg11[%swap3A_68] {strides = array<i32>} : memref<80xi32, #tpu.memory_space<vmem>>, vector<16xi32>,
      %swap3A_70 = vector.shape_cast %swap3A_69 : vector<16xi32> to vector<16xi32>
      %swap3A_71 = vector.shape_cast %shift_right_logical3A_67 : vector<16xi32> to vector<16xi32>
      tpu.vector_store %arg11[%swap3A_68], %swap3A_71 {strides = array<i32>} : memref<80xi32, #tpu.memory_space<vmem>>, vector<16xi32>,
      %add3A_72 = arith.constant 0 : i32
      %add3A_73 = arith.addi %mul3A_55, %add3A_72 : i32
      %get3A_74 = arith.index_cast %add3A_73 : i32 to index
      %get3A_75 = arith.constant 16 : index
      %get3A_76 = tpu.vector_load %arg5[%get3A_74, %get3A_75] {strides = array<i32>} : memref<250x80xi32, #tpu.memory_space<vmem>>, vector<1x16xi32>,
      %get3A_77 = vector.shape_cast %get3A_76 : vector<1x16xi32> to vector<16xi32>
      %and3A_78 = arith.constant 65535 : i32
      %and3A_79 = vector.broadcast %and3A_78 : i32 to vector<16xi32>
      %and3A_80 = arith.andi %get3A_77, %and3A_79 : vector<16xi32>
      %swap3A_81 = arith.constant 16 : index
      %swap3A_82 = tpu.vector_load %arg6[%swap3A_81] {strides = array<i32>} : memref<80xi32, #tpu.memory_space<vmem>>, vector<16xi32>,
      %swap3A_83 = vector.shape_cast %swap3A_82 : vector<16xi32> to vector<16xi32>
      %swap3A_84 = vector.shape_cast %and3A_80 : vector<16xi32> to vector<16xi32>
      tpu.vector_store %arg6[%swap3A_81], %swap3A_84 {strides = array<i32>} : memref<80xi32, #tpu.memory_space<vmem>>, vector<16xi32>,
      %shift_right_logical3A_85 = arith.constant 16 : i32
      %shift_right_logical3A_86 = vector.broadcast %shift_right_logical3A_85 : i32 to vector<16xi32>
      %shift_right_logical3A_87 = arith.shrui %get3A_77, %shift_right_logical3A_86 : vector<16xi32>
      %swap3A_88 = arith.constant 16 : index
      %swap3A_89 = tpu.vector_load %arg11[%swap3A_88] {strides = array<i32>} : memref<80xi32, #tpu.memory_space<vmem>>, vector<16xi32>,
      %swap3A_90 = vector.shape_cast %swap3A_89 : vector<16xi32> to vector<16xi32>
      %swap3A_91 = vector.shape_cast %shift_right_logical3A_87 : vector<16xi32> to vector<16xi32>
      tpu.vector_store %arg11[%swap3A_88], %swap3A_91 {strides = array<i32>} : memref<80xi32, #tpu.memory_space<vmem>>, vector<16xi32>,
      %add3A_92 = arith.constant 0 : i32
      %add3A_93 = arith.addi %mul3A_55, %add3A_92 : i32
      %get3A_94 = arith.index_cast %add3A_93 : i32 to index
      %get3A_95 = arith.constant 32 : index
      %get3A_96 = tpu.vector_load %arg5[%get3A_94, %get3A_95] {strides = array<i32>} : memref<250x80xi32, #tpu.memory_space<vmem>>, vector<1x16xi32>,
      %get3A_97 = vector.shape_cast %get3A_96 : vector<1x16xi32> to vector<16xi32>
      %and3A_98 = arith.constant 65535 : i32
      %and3A_99 = vector.broadcast %and3A_98 : i32 to vector<16xi32>
      %and3A_100 = arith.andi %get3A_97, %and3A_99 : vector<16xi32>
      %swap3A_101 = arith.constant 32 : index
      %swap3A_102 = tpu.vector_load %arg6[%swap3A_101] {strides = array<i32>} : memref<80xi32, #tpu.memory_space<vmem>>, vector<16xi32>,
      %swap3A_103 = vector.shape_cast %swap3A_102 : vector<16xi32> to vector<16xi32>
      %swap3A_104 = vector.shape_cast %and3A_100 : vector<16xi32> to vector<16xi32>
      tpu.vector_store %arg6[%swap3A_101], %swap3A_104 {strides = array<i32>} : memref<80xi32, #tpu.memory_space<vmem>>, vector<16xi32>,
      %shift_right_logical3A_105 = arith.constant 16 : i32
      %shift_right_logical3A_106 = vector.broadcast %shift_right_logical3A_105 : i32 to vector<16xi32>
      %shift_right_logical3A_107 = arith.shrui %get3A_97, %shift_right_logical3A_106 : vector<16xi32>
      %swap3A_108 = arith.constant 32 : index
      %swap3A_109 = tpu.vector_load %arg11[%swap3A_108] {strides = array<i32>} : memref<80xi32, #tpu.memory_space<vmem>>, vector<16xi32>,
      %swap3A_110 = vector.shape_cast %swap3A_109 : vector<16xi32> to vector<16xi32>
      %swap3A_111 = vector.shape_cast %shift_right_logical3A_107 : vector<16xi32> to vector<16xi32>
      tpu.vector_store %arg11[%swap3A_108], %swap3A_111 {strides = array<i32>} : memref<80xi32, #tpu.memory_space<vmem>>, vector<16xi32>,
      %add3A_112 = arith.constant 0 : i32
      %add3A_113 = arith.addi %mul3A_55, %add3A_112 : i32
      %get3A_114 = arith.index_cast %add3A_113 : i32 to index
      %get3A_115 = arith.constant 48 : index
      %get3A_116 = tpu.vector_load %arg5[%get3A_114, %get3A_115] {strides = array<i32>} : memref<250x80xi32, #tpu.memory_space<vmem>>, vector<1x16xi32>,
      %get3A_117 = vector.shape_cast %get3A_116 : vector<1x16xi32> to vector<16xi32>
      %and3A_118 = arith.constant 65535 : i32
      %and3A_119 = vector.broadcast %and3A_118 : i32 to vector<16xi32>
      %and3A_120 = arith.andi %get3A_117, %and3A_119 : vector<16xi32>
      %swap3A_121 = arith.constant 48 : index
      %swap3A_122 = tpu.vector_load %arg6[%swap3A_121] {strides = array<i32>} : memref<80xi32, #tpu.memory_space<vmem>>, vector<16xi32>,
      %swap3A_123 = vector.shape_cast %swap3A_122 : vector<16xi32> to vector<16xi32>
      %swap3A_124 = vector.shape_cast %and3A_120 : vector<16xi32> to vector<16xi32>
      tpu.vector_store %arg6[%swap3A_121], %swap3A_124 {strides = array<i32>} : memref<80xi32, #tpu.memory_space<vmem>>, vector<16xi32>,
      %shift_right_logical3A_125 = arith.constant 16 : i32
      %shift_right_logical3A_126 = vector.broadcast %shift_right_logical3A_125 : i32 to vector<16xi32>
      %shift_right_logical3A_127 = arith.shrui %get3A_117, %shift_right_logical3A_126 : vector<16xi32>
      %swap3A_128 = arith.constant 48 : index
      %swap3A_129 = tpu.vector_load %arg11[%swap3A_128] {strides = array<i32>} : memref<80xi32, #tpu.memory_space<vmem>>, vector<16xi32>,
      %swap3A_130 = vector.shape_cast %swap3A_129 : vector<16xi32> to vector<16xi32>
      %swap3A_131 = vector.shape_cast %shift_right_logical3A_127 : vector<16xi32> to vector<16xi32>
      tpu.vector_store %arg11[%swap3A_128], %swap3A_131 {strides = array<i32>} : memref<80xi32, #tpu.memory_space<vmem>>, vector<16xi32>,
      %add3A_132 = arith.constant 0 : i32
      %add3A_133 = arith.addi %mul3A_55, %add3A_132 : i32
      %get3A_134 = arith.index_cast %add3A_133 : i32 to index
      %get3A_135 = arith.constant 64 : index
      %get3A_136 = tpu.vector_load %arg5[%get3A_134, %get3A_135] {strides = array<i32>} : memref<250x80xi32, #tpu.memory_space<vmem>>, vector<1x16xi32>,
      %get3A_137 = vector.shape_cast %get3A_136 : vector<1x16xi32> to vector<16xi32>
      %and3A_138 = arith.constant 65535 : i32
      %and3A_139 = vector.broadcast %and3A_138 : i32 to vector<16xi32>
      %and3A_140 = arith.andi %get3A_137, %and3A_139 : vector<16xi32>
      %swap3A_141 = arith.constant 64 : index
      %swap3A_142 = tpu.vector_load %arg6[%swap3A_141] {strides = array<i32>} : memref<80xi32, #tpu.memory_space<vmem>>, vector<16xi32>,
      %swap3A_143 = vector.shape_cast %swap3A_142 : vector<16xi32> to vector<16xi32>
      %swap3A_144 = vector.shape_cast %and3A_140 : vector<16xi32> to vector<16xi32>
      tpu.vector_store %arg6[%swap3A_141], %swap3A_144 {strides = array<i32>} : memref<80xi32, #tpu.memory_space<vmem>>, vector<16xi32>,
      %shift_right_logical3A_145 = arith.constant 16 : i32
      %shift_right_logical3A_146 = vector.broadcast %shift_right_logical3A_145 : i32 to vector<16xi32>
      %shift_right_logical3A_147 = arith.shrui %get3A_137, %shift_right_logical3A_146 : vector<16xi32>
      %swap3A_148 = arith.constant 64 : index
      %swap3A_149 = tpu.vector_load %arg11[%swap3A_148] {strides = array<i32>} : memref<80xi32, #tpu.memory_space<vmem>>, vector<16xi32>,
      %swap3A_150 = vector.shape_cast %swap3A_149 : vector<16xi32> to vector<16xi32>
      %swap3A_151 = vector.shape_cast %shift_right_logical3A_147 : vector<16xi32> to vector<16xi32>
      tpu.vector_store %arg11[%swap3A_148], %swap3A_151 {strides = array<i32>} : memref<80xi32, #tpu.memory_space<vmem>>, vector<16xi32>,
      %dma_start3A = arith.constant 0 : i32
      %dma_start3A_152 = arith.constant 0 : i32
      %dma_start3A_153 = tpu.memref_slice %arg2[%dma_start3A, %dma_start3A_152] : memref<20000x96xf32, #tpu.memory_space<hbm>> -> memref<20000x96xf32, #tpu.memory_space<hbm>>
      tpu.enqueue_indirect_dma source(%dma_start3A_153 : memref<20000x96xf32, #tpu.memory_space<hbm>>) target(%arg16 : memref<80x96xf32, #tpu.memory_space<vmem>>) offsets(%arg6 : memref<80xi32, #tpu.memory_space<vmem>>) semaphore(%arg22 : memref<!tpu.dma_semaphore, #tpu.memory_space<semaphore_mem>>)
      %add3A_154 = arith.constant 1 : i32
      %add3A_155 = arith.addi %mul3A_55, %add3A_154 : i32
      %get3A_156 = arith.index_cast %add3A_155 : i32 to index
      %get3A_157 = arith.constant 0 : index
      %get3A_158 = tpu.vector_load %arg5[%get3A_156, %get3A_157] {strides = array<i32>} : memref<250x80xi32, #tpu.memory_space<vmem>>, vector<1x16xi32>,
      %get3A_159 = vector.shape_cast %get3A_158 : vector<1x16xi32> to vector<16xi32>
      %and3A_160 = arith.constant 65535 : i32
      %and3A_161 = vector.broadcast %and3A_160 : i32 to vector<16xi32>
      %and3A_162 = arith.andi %get3A_159, %and3A_161 : vector<16xi32>
      %swap3A_163 = arith.constant 0 : index
      %swap3A_164 = tpu.vector_load %arg7[%swap3A_163] {strides = array<i32>} : memref<80xi32, #tpu.memory_space<vmem>>, vector<16xi32>,
      %swap3A_165 = vector.shape_cast %swap3A_164 : vector<16xi32> to vector<16xi32>
      %swap3A_166 = vector.shape_cast %and3A_162 : vector<16xi32> to vector<16xi32>
      tpu.vector_store %arg7[%swap3A_163], %swap3A_166 {strides = array<i32>} : memref<80xi32, #tpu.memory_space<vmem>>, vector<16xi32>,
      %shift_right_logical3A_167 = arith.constant 16 : i32
      %shift_right_logical3A_168 = vector.broadcast %shift_right_logical3A_167 : i32 to vector<16xi32>
      %shift_right_logical3A_169 = arith.shrui %get3A_159, %shift_right_logical3A_168 : vector<16xi32>
      %swap3A_170 = arith.constant 0 : index
      %swap3A_171 = tpu.vector_load %arg12[%swap3A_170] {strides = array<i32>} : memref<80xi32, #tpu.memory_space<vmem>>, vector<16xi32>,
      %swap3A_172 = vector.shape_cast %swap3A_171 : vector<16xi32> to vector<16xi32>
      %swap3A_173 = vector.shape_cast %shift_right_logical3A_169 : vector<16xi32> to vector<16xi32>
      tpu.vector_store %arg12[%swap3A_170], %swap3A_173 {strides = array<i32>} : memref<80xi32, #tpu.memory_space<vmem>>, vector<16xi32>,
      %add3A_174 = arith.constant 1 : i32
      %add3A_175 = arith.addi %mul3A_55, %add3A_174 : i32
      %get3A_176 = arith.index_cast %add3A_175 : i32 to index
      %get3A_177 = arith.constant 16 : index
      %get3A_178 = tpu.vector_load %arg5[%get3A_176, %get3A_177] {strides = array<i32>} : memref<250x80xi32, #tpu.memory_space<vmem>>, vector<1x16xi32>,
      %get3A_179 = vector.shape_cast %get3A_178 : vector<1x16xi32> to vector<16xi32>
      %and3A_180 = arith.constant 65535 : i32
      %and3A_181 = vector.broadcast %and3A_180 : i32 to vector<16xi32>
      %and3A_182 = arith.andi %get3A_179, %and3A_181 : vector<16xi32>
      %swap3A_183 = arith.constant 16 : index
      %swap3A_184 = tpu.vector_load %arg7[%swap3A_183] {strides = array<i32>} : memref<80xi32, #tpu.memory_space<vmem>>, vector<16xi32>,
      %swap3A_185 = vector.shape_cast %swap3A_184 : vector<16xi32> to vector<16xi32>
      %swap3A_186 = vector.shape_cast %and3A_182 : vector<16xi32> to vector<16xi32>
      tpu.vector_store %arg7[%swap3A_183], %swap3A_186 {strides = array<i32>} : memref<80xi32, #tpu.memory_space<vmem>>, vector<16xi32>,
      %shift_right_logical3A_187 = arith.constant 16 : i32
      %shift_right_logical3A_188 = vector.broadcast %shift_right_logical3A_187 : i32 to vector<16xi32>
      %shift_right_logical3A_189 = arith.shrui %get3A_179, %shift_right_logical3A_188 : vector<16xi32>
      %swap3A_190 = arith.constant 16 : index
      %swap3A_191 = tpu.vector_load %arg12[%swap3A_190] {strides = array<i32>} : memref<80xi32, #tpu.memory_space<vmem>>, vector<16xi32>,
      %swap3A_192 = vector.shape_cast %swap3A_191 : vector<16xi32> to vector<16xi32>
      %swap3A_193 = vector.shape_cast %shift_right_logical3A_189 : vector<16xi32> to vector<16xi32>
      tpu.vector_store %arg12[%swap3A_190], %swap3A_193 {strides = array<i32>} : memref<80xi32, #tpu.memory_space<vmem>>, vector<16xi32>,
      %add3A_194 = arith.constant 1 : i32
      %add3A_195 = arith.addi %mul3A_55, %add3A_194 : i32
      %get3A_196 = arith.index_cast %add3A_195 : i32 to index
      %get3A_197 = arith.constant 32 : index
      %get3A_198 = tpu.vector_load %arg5[%get3A_196, %get3A_197] {strides = array<i32>} : memref<250x80xi32, #tpu.memory_space<vmem>>, vector<1x16xi32>,
      %get3A_199 = vector.shape_cast %get3A_198 : vector<1x16xi32> to vector<16xi32>
      %and3A_200 = arith.constant 65535 : i32
      %and3A_201 = vector.broadcast %and3A_200 : i32 to vector<16xi32>
      %and3A_202 = arith.andi %get3A_199, %and3A_201 : vector<16xi32>
      %swap3A_203 = arith.constant 32 : index
      %swap3A_204 = tpu.vector_load %arg7[%swap3A_203] {strides = array<i32>} : memref<80xi32, #tpu.memory_space<vmem>>, vector<16xi32>,
      %swap3A_205 = vector.shape_cast %swap3A_204 : vector<16xi32> to vector<16xi32>
      %swap3A_206 = vector.shape_cast %and3A_202 : vector<16xi32> to vector<16xi32>
      tpu.vector_store %arg7[%swap3A_203], %swap3A_206 {strides = array<i32>} : memref<80xi32, #tpu.memory_space<vmem>>, vector<16xi32>,
      %shift_right_logical3A_207 = arith.constant 16 : i32
      %shift_right_logical3A_208 = vector.broadcast %shift_right_logical3A_207 : i32 to vector<16xi32>
      %shift_right_logical3A_209 = arith.shrui %get3A_199, %shift_right_logical3A_208 : vector<16xi32>
      %swap3A_210 = arith.constant 32 : index
      %swap3A_211 = tpu.vector_load %arg12[%swap3A_210] {strides = array<i32>} : memref<80xi32, #tpu.memory_space<vmem>>, vector<16xi32>,
      %swap3A_212 = vector.shape_cast %swap3A_211 : vector<16xi32> to vector<16xi32>
      %swap3A_213 = vector.shape_cast %shift_right_logical3A_209 : vector<16xi32> to vector<16xi32>
      tpu.vector_store %arg12[%swap3A_210], %swap3A_213 {strides = array<i32>} : memref<80xi32, #tpu.memory_space<vmem>>, vector<16xi32>,
      %add3A_214 = arith.constant 1 : i32
      %add3A_215 = arith.addi %mul3A_55, %add3A_214 : i32
      %get3A_216 = arith.index_cast %add3A_215 : i32 to index
      %get3A_217 = arith.constant 48 : index
      %get3A_218 = tpu.vector_load %arg5[%get3A_216, %get3A_217] {strides = array<i32>} : memref<250x80xi32, #tpu.memory_space<vmem>>, vector<1x16xi32>,
      %get3A_219 = vector.shape_cast %get3A_218 : vector<1x16xi32> to vector<16xi32>
      %and3A_220 = arith.constant 65535 : i32
      %and3A_221 = vector.broadcast %and3A_220 : i32 to vector<16xi32>
      %and3A_222 = arith.andi %get3A_219, %and3A_221 : vector<16xi32>
      %swap3A_223 = arith.constant 48 : index
      %swap3A_224 = tpu.vector_load %arg7[%swap3A_223] {strides = array<i32>} : memref<80xi32, #tpu.memory_space<vmem>>, vector<16xi32>,
      %swap3A_225 = vector.shape_cast %swap3A_224 : vector<16xi32> to vector<16xi32>
      %swap3A_226 = vector.shape_cast %and3A_222 : vector<16xi32> to vector<16xi32>
      tpu.vector_store %arg7[%swap3A_223], %swap3A_226 {strides = array<i32>} : memref<80xi32, #tpu.memory_space<vmem>>, vector<16xi32>,
      %shift_right_logical3A_227 = arith.constant 16 : i32
      %shift_right_logical3A_228 = vector.broadcast %shift_right_logical3A_227 : i32 to vector<16xi32>
      %shift_right_logical3A_229 = arith.shrui %get3A_219, %shift_right_logical3A_228 : vector<16xi32>
      %swap3A_230 = arith.constant 48 : index
      %swap3A_231 = tpu.vector_load %arg12[%swap3A_230] {strides = array<i32>} : memref<80xi32, #tpu.memory_space<vmem>>, vector<16xi32>,
      %swap3A_232 = vector.shape_cast %swap3A_231 : vector<16xi32> to vector<16xi32>
      %swap3A_233 = vector.shape_cast %shift_right_logical3A_229 : vector<16xi32> to vector<16xi32>
      tpu.vector_store %arg12[%swap3A_230], %swap3A_233 {strides = array<i32>} : memref<80xi32, #tpu.memory_space<vmem>>, vector<16xi32>,
      %add3A_234 = arith.constant 1 : i32
      %add3A_235 = arith.addi %mul3A_55, %add3A_234 : i32
      %get3A_236 = arith.index_cast %add3A_235 : i32 to index
      %get3A_237 = arith.constant 64 : index
      %get3A_238 = tpu.vector_load %arg5[%get3A_236, %get3A_237] {strides = array<i32>} : memref<250x80xi32, #tpu.memory_space<vmem>>, vector<1x16xi32>,
      %get3A_239 = vector.shape_cast %get3A_238 : vector<1x16xi32> to vector<16xi32>
      %and3A_240 = arith.constant 65535 : i32
      %and3A_241 = vector.broadcast %and3A_240 : i32 to vector<16xi32>
      %and3A_242 = arith.andi %get3A_239, %and3A_241 : vector<16xi32>
      %swap3A_243 = arith.constant 64 : index
      %swap3A_244 = tpu.vector_load %arg7[%swap3A_243] {strides = array<i32>} : memref<80xi32, #tpu.memory_space<vmem>>, vector<16xi32>,
      %swap3A_245 = vector.shape_cast %swap3A_244 : vector<16xi32> to vector<16xi32>
      %swap3A_246 = vector.shape_cast %and3A_242 : vector<16xi32> to vector<16xi32>
      tpu.vector_store %arg7[%swap3A_243], %swap3A_246 {strides = array<i32>} : memref<80xi32, #tpu.memory_space<vmem>>, vector<16xi32>,
      %shift_right_logical3A_247 = arith.constant 16 : i32
      %shift_right_logical3A_248 = vector.broadcast %shift_right_logical3A_247 : i32 to vector<16xi32>
      %shift_right_logical3A_249 = arith.shrui %get3A_239, %shift_right_logical3A_248 : vector<16xi32>
      %swap3A_250 = arith.constant 64 : index
      %swap3A_251 = tpu.vector_load %arg12[%swap3A_250] {strides = array<i32>} : memref<80xi32, #tpu.memory_space<vmem>>, vector<16xi32>,
      %swap3A_252 = vector.shape_cast %swap3A_251 : vector<16xi32> to vector<16xi32>
      %swap3A_253 = vector.shape_cast %shift_right_logical3A_249 : vector<16xi32> to vector<16xi32>
      tpu.vector_store %arg12[%swap3A_250], %swap3A_253 {strides = array<i32>} : memref<80xi32, #tpu.memory_space<vmem>>, vector<16xi32>,
      %dma_start3A_254 = arith.constant 0 : i32
      %dma_start3A_255 = arith.constant 0 : i32
      %dma_start3A_256 = tpu.memref_slice %arg2[%dma_start3A_254, %dma_start3A_255] : memref<20000x96xf32, #tpu.memory_space<hbm>> -> memref<20000x96xf32, #tpu.memory_space<hbm>>
      tpu.enqueue_indirect_dma source(%dma_start3A_256 : memref<20000x96xf32, #tpu.memory_space<hbm>>) target(%arg17 : memref<80x96xf32, #tpu.memory_space<vmem>>) offsets(%arg7 : memref<80xi32, #tpu.memory_space<vmem>>) semaphore(%arg23 : memref<!tpu.dma_semaphore, #tpu.memory_space<semaphore_mem>>)
      %add3A_257 = arith.constant 2 : i32
      %add3A_258 = arith.addi %mul3A_55, %add3A_257 : i32
      %get3A_259 = arith.index_cast %add3A_258 : i32 to index
      %get3A_260 = arith.constant 0 : index
      %get3A_261 = tpu.vector_load %arg5[%get3A_259, %get3A_260] {strides = array<i32>} : memref<250x80xi32, #tpu.memory_space<vmem>>, vector<1x16xi32>,
      %get3A_262 = vector.shape_cast %get3A_261 : vector<1x16xi32> to vector<16xi32>
      %and3A_263 = arith.constant 65535 : i32
      %and3A_264 = vector.broadcast %and3A_263 : i32 to vector<16xi32>
      %and3A_265 = arith.andi %get3A_262, %and3A_264 : vector<16xi32>
      %swap3A_266 = arith.constant 0 : index
      %swap3A_267 = tpu.vector_load %arg8[%swap3A_266] {strides = array<i32>} : memref<80xi32, #tpu.memory_space<vmem>>, vector<16xi32>,
      %swap3A_268 = vector.shape_cast %swap3A_267 : vector<16xi32> to vector<16xi32>
      %swap3A_269 = vector.shape_cast %and3A_265 : vector<16xi32> to vector<16xi32>
      tpu.vector_store %arg8[%swap3A_266], %swap3A_269 {strides = array<i32>} : memref<80xi32, #tpu.memory_space<vmem>>, vector<16xi32>,
      %shift_right_logical3A_270 = arith.constant 16 : i32
      %shift_right_logical3A_271 = vector.broadcast %shift_right_logical3A_270 : i32 to vector<16xi32>
      %shift_right_logical3A_272 = arith.shrui %get3A_262, %shift_right_logical3A_271 : vector<16xi32>
      %swap3A_273 = arith.constant 0 : index
      %swap3A_274 = tpu.vector_load %arg13[%swap3A_273] {strides = array<i32>} : memref<80xi32, #tpu.memory_space<vmem>>, vector<16xi32>,
      %swap3A_275 = vector.shape_cast %swap3A_274 : vector<16xi32> to vector<16xi32>
      %swap3A_276 = vector.shape_cast %shift_right_logical3A_272 : vector<16xi32> to vector<16xi32>
      tpu.vector_store %arg13[%swap3A_273], %swap3A_276 {strides = array<i32>} : memref<80xi32, #tpu.memory_space<vmem>>, vector<16xi32>,
      %add3A_277 = arith.constant 2 : i32
      %add3A_278 = arith.addi %mul3A_55, %add3A_277 : i32
      %get3A_279 = arith.index_cast %add3A_278 : i32 to index
      %get3A_280 = arith.constant 16 : index
      %get3A_281 = tpu.vector_load %arg5[%get3A_279, %get3A_280] {strides = array<i32>} : memref<250x80xi32, #tpu.memory_space<vmem>>, vector<1x16xi32>,
      %get3A_282 = vector.shape_cast %get3A_281 : vector<1x16xi32> to vector<16xi32>
      %and3A_283 = arith.constant 65535 : i32
      %and3A_284 = vector.broadcast %and3A_283 : i32 to vector<16xi32>
      %and3A_285 = arith.andi %get3A_282, %and3A_284 : vector<16xi32>
      %swap3A_286 = arith.constant 16 : index
      %swap3A_287 = tpu.vector_load %arg8[%swap3A_286] {strides = array<i32>} : memref<80xi32, #tpu.memory_space<vmem>>, vector<16xi32>,
      %swap3A_288 = vector.shape_cast %swap3A_287 : vector<16xi32> to vector<16xi32>
      %swap3A_289 = vector.shape_cast %and3A_285 : vector<16xi32> to vector<16xi32>
      tpu.vector_store %arg8[%swap3A_286], %swap3A_289 {strides = array<i32>} : memref<80xi32, #tpu.memory_space<vmem>>, vector<16xi32>,
      %shift_right_logical3A_290 = arith.constant 16 : i32
      %shift_right_logical3A_291 = vector.broadcast %shift_right_logical3A_290 : i32 to vector<16xi32>
      %shift_right_logical3A_292 = arith.shrui %get3A_282, %shift_right_logical3A_291 : vector<16xi32>
      %swap3A_293 = arith.constant 16 : index
      %swap3A_294 = tpu.vector_load %arg13[%swap3A_293] {strides = array<i32>} : memref<80xi32, #tpu.memory_space<vmem>>, vector<16xi32>,
      %swap3A_295 = vector.shape_cast %swap3A_294 : vector<16xi32> to vector<16xi32>
      %swap3A_296 = vector.shape_cast %shift_right_logical3A_292 : vector<16xi32> to vector<16xi32>
      tpu.vector_store %arg13[%swap3A_293], %swap3A_296 {strides = array<i32>} : memref<80xi32, #tpu.memory_space<vmem>>, vector<16xi32>,
      %add3A_297 = arith.constant 2 : i32
      %add3A_298 = arith.addi %mul3A_55, %add3A_297 : i32
      %get3A_299 = arith.index_cast %add3A_298 : i32 to index
      %get3A_300 = arith.constant 32 : index
      %get3A_301 = tpu.vector_load %arg5[%get3A_299, %get3A_300] {strides = array<i32>} : memref<250x80xi32, #tpu.memory_space<vmem>>, vector<1x16xi32>,
      %get3A_302 = vector.shape_cast %get3A_301 : vector<1x16xi32> to vector<16xi32>
      %and3A_303 = arith.constant 65535 : i32
      %and3A_304 = vector.broadcast %and3A_303 : i32 to vector<16xi32>
      %and3A_305 = arith.andi %get3A_302, %and3A_304 : vector<16xi32>
      %swap3A_306 = arith.constant 32 : index
      %swap3A_307 = tpu.vector_load %arg8[%swap3A_306] {strides = array<i32>} : memref<80xi32, #tpu.memory_space<vmem>>, vector<16xi32>,
      %swap3A_308 = vector.shape_cast %swap3A_307 : vector<16xi32> to vector<16xi32>
      %swap3A_309 = vector.shape_cast %and3A_305 : vector<16xi32> to vector<16xi32>
      tpu.vector_store %arg8[%swap3A_306], %swap3A_309 {strides = array<i32>} : memref<80xi32, #tpu.memory_space<vmem>>, vector<16xi32>,
      %shift_right_logical3A_310 = arith.constant 16 : i32
      %shift_right_logical3A_311 = vector.broadcast %shift_right_logical3A_310 : i32 to vector<16xi32>
      %shift_right_logical3A_312 = arith.shrui %get3A_302, %shift_right_logical3A_311 : vector<16xi32>
      %swap3A_313 = arith.constant 32 : index
      %swap3A_314 = tpu.vector_load %arg13[%swap3A_313] {strides = array<i32>} : memref<80xi32, #tpu.memory_space<vmem>>, vector<16xi32>,
      %swap3A_315 = vector.shape_cast %swap3A_314 : vector<16xi32> to vector<16xi32>
      %swap3A_316 = vector.shape_cast %shift_right_logical3A_312 : vector<16xi32> to vector<16xi32>
      tpu.vector_store %arg13[%swap3A_313], %swap3A_316 {strides = array<i32>} : memref<80xi32, #tpu.memory_space<vmem>>, vector<16xi32>,
      %add3A_317 = arith.constant 2 : i32
      %add3A_318 = arith.addi %mul3A_55, %add3A_317 : i32
      %get3A_319 = arith.index_cast %add3A_318 : i32 to index
      %get3A_320 = arith.constant 48 : index
      %get3A_321 = tpu.vector_load %arg5[%get3A_319, %get3A_320] {strides = array<i32>} : memref<250x80xi32, #tpu.memory_space<vmem>>, vector<1x16xi32>,
      %get3A_322 = vector.shape_cast %get3A_321 : vector<1x16xi32> to vector<16xi32>
      %and3A_323 = arith.constant 65535 : i32
      %and3A_324 = vector.broadcast %and3A_323 : i32 to vector<16xi32>
      %and3A_325 = arith.andi %get3A_322, %and3A_324 : vector<16xi32>
      %swap3A_326 = arith.constant 48 : index
      %swap3A_327 = tpu.vector_load %arg8[%swap3A_326] {strides = array<i32>} : memref<80xi32, #tpu.memory_space<vmem>>, vector<16xi32>,
      %swap3A_328 = vector.shape_cast %swap3A_327 : vector<16xi32> to vector<16xi32>
      %swap3A_329 = vector.shape_cast %and3A_325 : vector<16xi32> to vector<16xi32>
      tpu.vector_store %arg8[%swap3A_326], %swap3A_329 {strides = array<i32>} : memref<80xi32, #tpu.memory_space<vmem>>, vector<16xi32>,
      %shift_right_logical3A_330 = arith.constant 16 : i32
      %shift_right_logical3A_331 = vector.broadcast %shift_right_logical3A_330 : i32 to vector<16xi32>
      %shift_right_logical3A_332 = arith.shrui %get3A_322, %shift_right_logical3A_331 : vector<16xi32>
      %swap3A_333 = arith.constant 48 : index
      %swap3A_334 = tpu.vector_load %arg13[%swap3A_333] {strides = array<i32>} : memref<80xi32, #tpu.memory_space<vmem>>, vector<16xi32>,
      %swap3A_335 = vector.shape_cast %swap3A_334 : vector<16xi32> to vector<16xi32>
      %swap3A_336 = vector.shape_cast %shift_right_logical3A_332 : vector<16xi32> to vector<16xi32>
      tpu.vector_store %arg13[%swap3A_333], %swap3A_336 {strides = array<i32>} : memref<80xi32, #tpu.memory_space<vmem>>, vector<16xi32>,
      %add3A_337 = arith.constant 2 : i32
      %add3A_338 = arith.addi %mul3A_55, %add3A_337 : i32
      %get3A_339 = arith.index_cast %add3A_338 : i32 to index
      %get3A_340 = arith.constant 64 : index
      %get3A_341 = tpu.vector_load %arg5[%get3A_339, %get3A_340] {strides = array<i32>} : memref<250x80xi32, #tpu.memory_space<vmem>>, vector<1x16xi32>,
      %get3A_342 = vector.shape_cast %get3A_341 : vector<1x16xi32> to vector<16xi32>
      %and3A_343 = arith.constant 65535 : i32
      %and3A_344 = vector.broadcast %and3A_343 : i32 to vector<16xi32>
      %and3A_345 = arith.andi %get3A_342, %and3A_344 : vector<16xi32>
      %swap3A_346 = arith.constant 64 : index
      %swap3A_347 = tpu.vector_load %arg8[%swap3A_346] {strides = array<i32>} : memref<80xi32, #tpu.memory_space<vmem>>, vector<16xi32>,
      %swap3A_348 = vector.shape_cast %swap3A_347 : vector<16xi32> to vector<16xi32>
      %swap3A_349 = vector.shape_cast %and3A_345 : vector<16xi32> to vector<16xi32>
      tpu.vector_store %arg8[%swap3A_346], %swap3A_349 {strides = array<i32>} : memref<80xi32, #tpu.memory_space<vmem>>, vector<16xi32>,
      %shift_right_logical3A_350 = arith.constant 16 : i32
      %shift_right_logical3A_351 = vector.broadcast %shift_right_logical3A_350 : i32 to vector<16xi32>
      %shift_right_logical3A_352 = arith.shrui %get3A_342, %shift_right_logical3A_351 : vector<16xi32>
      %swap3A_353 = arith.constant 64 : index
      %swap3A_354 = tpu.vector_load %arg13[%swap3A_353] {strides = array<i32>} : memref<80xi32, #tpu.memory_space<vmem>>, vector<16xi32>,
      %swap3A_355 = vector.shape_cast %swap3A_354 : vector<16xi32> to vector<16xi32>
      %swap3A_356 = vector.shape_cast %shift_right_logical3A_352 : vector<16xi32> to vector<16xi32>
      tpu.vector_store %arg13[%swap3A_353], %swap3A_356 {strides = array<i32>} : memref<80xi32, #tpu.memory_space<vmem>>, vector<16xi32>,
      %dma_start3A_357 = arith.constant 0 : i32
      %dma_start3A_358 = arith.constant 0 : i32
      %dma_start3A_359 = tpu.memref_slice %arg2[%dma_start3A_357, %dma_start3A_358] : memref<20000x96xf32, #tpu.memory_space<hbm>> -> memref<20000x96xf32, #tpu.memory_space<hbm>>
      tpu.enqueue_indirect_dma source(%dma_start3A_359 : memref<20000x96xf32, #tpu.memory_space<hbm>>) target(%arg18 : memref<80x96xf32, #tpu.memory_space<vmem>>) offsets(%arg8 : memref<80xi32, #tpu.memory_space<vmem>>) semaphore(%arg24 : memref<!tpu.dma_semaphore, #tpu.memory_space<semaphore_mem>>)
      %add3A_360 = arith.constant 3 : i32
      %add3A_361 = arith.addi %mul3A_55, %add3A_360 : i32
      %get3A_362 = arith.index_cast %add3A_361 : i32 to index
      %get3A_363 = arith.constant 0 : index
      %get3A_364 = tpu.vector_load %arg5[%get3A_362, %get3A_363] {strides = array<i32>} : memref<250x80xi32, #tpu.memory_space<vmem>>, vector<1x16xi32>,
      %get3A_365 = vector.shape_cast %get3A_364 : vector<1x16xi32> to vector<16xi32>
      %and3A_366 = arith.constant 65535 : i32
      %and3A_367 = vector.broadcast %and3A_366 : i32 to vector<16xi32>
      %and3A_368 = arith.andi %get3A_365, %and3A_367 : vector<16xi32>
      %swap3A_369 = arith.constant 0 : index
      %swap3A_370 = tpu.vector_load %arg9[%swap3A_369] {strides = array<i32>} : memref<80xi32, #tpu.memory_space<vmem>>, vector<16xi32>,
      %swap3A_371 = vector.shape_cast %swap3A_370 : vector<16xi32> to vector<16xi32>
      %swap3A_372 = vector.shape_cast %and3A_368 : vector<16xi32> to vector<16xi32>
      tpu.vector_store %arg9[%swap3A_369], %swap3A_372 {strides = array<i32>} : memref<80xi32, #tpu.memory_space<vmem>>, vector<16xi32>,
      %shift_right_logical3A_373 = arith.constant 16 : i32
      %shift_right_logical3A_374 = vector.broadcast %shift_right_logical3A_373 : i32 to vector<16xi32>
      %shift_right_logical3A_375 = arith.shrui %get3A_365, %shift_right_logical3A_374 : vector<16xi32>
      %swap3A_376 = arith.constant 0 : index
      %swap3A_377 = tpu.vector_load %arg14[%swap3A_376] {strides = array<i32>} : memref<80xi32, #tpu.memory_space<vmem>>, vector<16xi32>,
      %swap3A_378 = vector.shape_cast %swap3A_377 : vector<16xi32> to vector<16xi32>
      %swap3A_379 = vector.shape_cast %shift_right_logical3A_375 : vector<16xi32> to vector<16xi32>
      tpu.vector_store %arg14[%swap3A_376], %swap3A_379 {strides = array<i32>} : memref<80xi32, #tpu.memory_space<vmem>>, vector<16xi32>,
      %add3A_380 = arith.constant 3 : i32
      %add3A_381 = arith.addi %mul3A_55, %add3A_380 : i32
      %get3A_382 = arith.index_cast %add3A_381 : i32 to index
      %get3A_383 = arith.constant 16 : index
      %get3A_384 = tpu.vector_load %arg5[%get3A_382, %get3A_383] {strides = array<i32>} : memref<250x80xi32, #tpu.memory_space<vmem>>, vector<1x16xi32>,
      %get3A_385 = vector.shape_cast %get3A_384 : vector<1x16xi32> to vector<16xi32>
      %and3A_386 = arith.constant 65535 : i32
      %and3A_387 = vector.broadcast %and3A_386 : i32 to vector<16xi32>
      %and3A_388 = arith.andi %get3A_385, %and3A_387 : vector<16xi32>
      %swap3A_389 = arith.constant 16 : index
      %swap3A_390 = tpu.vector_load %arg9[%swap3A_389] {strides = array<i32>} : memref<80xi32, #tpu.memory_space<vmem>>, vector<16xi32>,
      %swap3A_391 = vector.shape_cast %swap3A_390 : vector<16xi32> to vector<16xi32>
      %swap3A_392 = vector.shape_cast %and3A_388 : vector<16xi32> to vector<16xi32>
      tpu.vector_store %arg9[%swap3A_389], %swap3A_392 {strides = array<i32>} : memref<80xi32, #tpu.memory_space<vmem>>, vector<16xi32>,
      %shift_right_logical3A_393 = arith.constant 16 : i32
      %shift_right_logical3A_394 = vector.broadcast %shift_right_logical3A_393 : i32 to vector<16xi32>
      %shift_right_logical3A_395 = arith.shrui %get3A_385, %shift_right_logical3A_394 : vector<16xi32>
      %swap3A_396 = arith.constant 16 : index
      %swap3A_397 = tpu.vector_load %arg14[%swap3A_396] {strides = array<i32>} : memref<80xi32, #tpu.memory_space<vmem>>, vector<16xi32>,
      %swap3A_398 = vector.shape_cast %swap3A_397 : vector<16xi32> to vector<16xi32>
      %swap3A_399 = vector.shape_cast %shift_right_logical3A_395 : vector<16xi32> to vector<16xi32>
      tpu.vector_store %arg14[%swap3A_396], %swap3A_399 {strides = array<i32>} : memref<80xi32, #tpu.memory_space<vmem>>, vector<16xi32>,
      %add3A_400 = arith.constant 3 : i32
      %add3A_401 = arith.addi %mul3A_55, %add3A_400 : i32
      %get3A_402 = arith.index_cast %add3A_401 : i32 to index
      %get3A_403 = arith.constant 32 : index
      %get3A_404 = tpu.vector_load %arg5[%get3A_402, %get3A_403] {strides = array<i32>} : memref<250x80xi32, #tpu.memory_space<vmem>>, vector<1x16xi32>,
      %get3A_405 = vector.shape_cast %get3A_404 : vector<1x16xi32> to vector<16xi32>
      %and3A_406 = arith.constant 65535 : i32
      %and3A_407 = vector.broadcast %and3A_406 : i32 to vector<16xi32>
      %and3A_408 = arith.andi %get3A_405, %and3A_407 : vector<16xi32>
      %swap3A_409 = arith.constant 32 : index
      %swap3A_410 = tpu.vector_load %arg9[%swap3A_409] {strides = array<i32>} : memref<80xi32, #tpu.memory_space<vmem>>, vector<16xi32>,
      %swap3A_411 = vector.shape_cast %swap3A_410 : vector<16xi32> to vector<16xi32>
      %swap3A_412 = vector.shape_cast %and3A_408 : vector<16xi32> to vector<16xi32>
      tpu.vector_store %arg9[%swap3A_409], %swap3A_412 {strides = array<i32>} : memref<80xi32, #tpu.memory_space<vmem>>, vector<16xi32>,
      %shift_right_logical3A_413 = arith.constant 16 : i32
      %shift_right_logical3A_414 = vector.broadcast %shift_right_logical3A_413 : i32 to vector<16xi32>
      %shift_right_logical3A_415 = arith.shrui %get3A_405, %shift_right_logical3A_414 : vector<16xi32>
      %swap3A_416 = arith.constant 32 : index
      %swap3A_417 = tpu.vector_load %arg14[%swap3A_416] {strides = array<i32>} : memref<80xi32, #tpu.memory_space<vmem>>, vector<16xi32>,
      %swap3A_418 = vector.shape_cast %swap3A_417 : vector<16xi32> to vector<16xi32>
      %swap3A_419 = vector.shape_cast %shift_right_logical3A_415 : vector<16xi32> to vector<16xi32>
      tpu.vector_store %arg14[%swap3A_416], %swap3A_419 {strides = array<i32>} : memref<80xi32, #tpu.memory_space<vmem>>, vector<16xi32>,
      %add3A_420 = arith.constant 3 : i32
      %add3A_421 = arith.addi %mul3A_55, %add3A_420 : i32
      %get3A_422 = arith.index_cast %add3A_421 : i32 to index
      %get3A_423 = arith.constant 48 : index
      %get3A_424 = tpu.vector_load %arg5[%get3A_422, %get3A_423] {strides = array<i32>} : memref<250x80xi32, #tpu.memory_space<vmem>>, vector<1x16xi32>,
      %get3A_425 = vector.shape_cast %get3A_424 : vector<1x16xi32> to vector<16xi32>
      %and3A_426 = arith.constant 65535 : i32
      %and3A_427 = vector.broadcast %and3A_426 : i32 to vector<16xi32>
      %and3A_428 = arith.andi %get3A_425, %and3A_427 : vector<16xi32>
      %swap3A_429 = arith.constant 48 : index
      %swap3A_430 = tpu.vector_load %arg9[%swap3A_429] {strides = array<i32>} : memref<80xi32, #tpu.memory_space<vmem>>, vector<16xi32>,
      %swap3A_431 = vector.shape_cast %swap3A_430 : vector<16xi32> to vector<16xi32>
      %swap3A_432 = vector.shape_cast %and3A_428 : vector<16xi32> to vector<16xi32>
      tpu.vector_store %arg9[%swap3A_429], %swap3A_432 {strides = array<i32>} : memref<80xi32, #tpu.memory_space<vmem>>, vector<16xi32>,
      %shift_right_logical3A_433 = arith.constant 16 : i32
      %shift_right_logical3A_434 = vector.broadcast %shift_right_logical3A_433 : i32 to vector<16xi32>
      %shift_right_logical3A_435 = arith.shrui %get3A_425, %shift_right_logical3A_434 : vector<16xi32>
      %swap3A_436 = arith.constant 48 : index
      %swap3A_437 = tpu.vector_load %arg14[%swap3A_436] {strides = array<i32>} : memref<80xi32, #tpu.memory_space<vmem>>, vector<16xi32>,
      %swap3A_438 = vector.shape_cast %swap3A_437 : vector<16xi32> to vector<16xi32>
      %swap3A_439 = vector.shape_cast %shift_right_logical3A_435 : vector<16xi32> to vector<16xi32>
      tpu.vector_store %arg14[%swap3A_436], %swap3A_439 {strides = array<i32>} : memref<80xi32, #tpu.memory_space<vmem>>, vector<16xi32>,
      %add3A_440 = arith.constant 3 : i32
      %add3A_441 = arith.addi %mul3A_55, %add3A_440 : i32
      %get3A_442 = arith.index_cast %add3A_441 : i32 to index
      %get3A_443 = arith.constant 64 : index
      %get3A_444 = tpu.vector_load %arg5[%get3A_442, %get3A_443] {strides = array<i32>} : memref<250x80xi32, #tpu.memory_space<vmem>>, vector<1x16xi32>,
      %get3A_445 = vector.shape_cast %get3A_444 : vector<1x16xi32> to vector<16xi32>
      %and3A_446 = arith.constant 65535 : i32
      %and3A_447 = vector.broadcast %and3A_446 : i32 to vector<16xi32>
      %and3A_448 = arith.andi %get3A_445, %and3A_447 : vector<16xi32>
      %swap3A_449 = arith.constant 64 : index
      %swap3A_450 = tpu.vector_load %arg9[%swap3A_449] {strides = array<i32>} : memref<80xi32, #tpu.memory_space<vmem>>, vector<16xi32>,
      %swap3A_451 = vector.shape_cast %swap3A_450 : vector<16xi32> to vector<16xi32>
      %swap3A_452 = vector.shape_cast %and3A_448 : vector<16xi32> to vector<16xi32>
      tpu.vector_store %arg9[%swap3A_449], %swap3A_452 {strides = array<i32>} : memref<80xi32, #tpu.memory_space<vmem>>, vector<16xi32>,
      %shift_right_logical3A_453 = arith.constant 16 : i32
      %shift_right_logical3A_454 = vector.broadcast %shift_right_logical3A_453 : i32 to vector<16xi32>
      %shift_right_logical3A_455 = arith.shrui %get3A_445, %shift_right_logical3A_454 : vector<16xi32>
      %swap3A_456 = arith.constant 64 : index
      %swap3A_457 = tpu.vector_load %arg14[%swap3A_456] {strides = array<i32>} : memref<80xi32, #tpu.memory_space<vmem>>, vector<16xi32>,
      %swap3A_458 = vector.shape_cast %swap3A_457 : vector<16xi32> to vector<16xi32>
      %swap3A_459 = vector.shape_cast %shift_right_logical3A_455 : vector<16xi32> to vector<16xi32>
      tpu.vector_store %arg14[%swap3A_456], %swap3A_459 {strides = array<i32>} : memref<80xi32, #tpu.memory_space<vmem>>, vector<16xi32>,
      %dma_start3A_460 = arith.constant 0 : i32
      %dma_start3A_461 = arith.constant 0 : i32
      %dma_start3A_462 = tpu.memref_slice %arg2[%dma_start3A_460, %dma_start3A_461] : memref<20000x96xf32, #tpu.memory_space<hbm>> -> memref<20000x96xf32, #tpu.memory_space<hbm>>
      tpu.enqueue_indirect_dma source(%dma_start3A_462 : memref<20000x96xf32, #tpu.memory_space<hbm>>) target(%arg19 : memref<80x96xf32, #tpu.memory_space<vmem>>) offsets(%arg9 : memref<80xi32, #tpu.memory_space<vmem>>) semaphore(%arg25 : memref<!tpu.dma_semaphore, #tpu.memory_space<semaphore_mem>>)
      %add3A_463 = arith.constant 4 : i32
      %add3A_464 = arith.addi %mul3A_55, %add3A_463 : i32
      %get3A_465 = arith.index_cast %add3A_464 : i32 to index
      %get3A_466 = arith.constant 0 : index
      %get3A_467 = tpu.vector_load %arg5[%get3A_465, %get3A_466] {strides = array<i32>} : memref<250x80xi32, #tpu.memory_space<vmem>>, vector<1x16xi32>,
      %get3A_468 = vector.shape_cast %get3A_467 : vector<1x16xi32> to vector<16xi32>
      %and3A_469 = arith.constant 65535 : i32
      %and3A_470 = vector.broadcast %and3A_469 : i32 to vector<16xi32>
      %and3A_471 = arith.andi %get3A_468, %and3A_470 : vector<16xi32>
      %swap3A_472 = arith.constant 0 : index
      %swap3A_473 = tpu.vector_load %arg10[%swap3A_472] {strides = array<i32>} : memref<80xi32, #tpu.memory_space<vmem>>, vector<16xi32>,
      %swap3A_474 = vector.shape_cast %swap3A_473 : vector<16xi32> to vector<16xi32>
      %swap3A_475 = vector.shape_cast %and3A_471 : vector<16xi32> to vector<16xi32>
      tpu.vector_store %arg10[%swap3A_472], %swap3A_475 {strides = array<i32>} : memref<80xi32, #tpu.memory_space<vmem>>, vector<16xi32>,
      %shift_right_logical3A_476 = arith.constant 16 : i32
      %shift_right_logical3A_477 = vector.broadcast %shift_right_logical3A_476 : i32 to vector<16xi32>
      %shift_right_logical3A_478 = arith.shrui %get3A_468, %shift_right_logical3A_477 : vector<16xi32>
      %swap3A_479 = arith.constant 0 : index
      %swap3A_480 = tpu.vector_load %arg15[%swap3A_479] {strides = array<i32>} : memref<80xi32, #tpu.memory_space<vmem>>, vector<16xi32>,
      %swap3A_481 = vector.shape_cast %swap3A_480 : vector<16xi32> to vector<16xi32>
      %swap3A_482 = vector.shape_cast %shift_right_logical3A_478 : vector<16xi32> to vector<16xi32>
      tpu.vector_store %arg15[%swap3A_479], %swap3A_482 {strides = array<i32>} : memref<80xi32, #tpu.memory_space<vmem>>, vector<16xi32>,
      %add3A_483 = arith.constant 4 : i32
      %add3A_484 = arith.addi %mul3A_55, %add3A_483 : i32
      %get3A_485 = arith.index_cast %add3A_484 : i32 to index
      %get3A_486 = arith.constant 16 : index
      %get3A_487 = tpu.vector_load %arg5[%get3A_485, %get3A_486] {strides = array<i32>} : memref<250x80xi32, #tpu.memory_space<vmem>>, vector<1x16xi32>,
      %get3A_488 = vector.shape_cast %get3A_487 : vector<1x16xi32> to vector<16xi32>
      %and3A_489 = arith.constant 65535 : i32
      %and3A_490 = vector.broadcast %and3A_489 : i32 to vector<16xi32>
      %and3A_491 = arith.andi %get3A_488, %and3A_490 : vector<16xi32>
      %swap3A_492 = arith.constant 16 : index
      %swap3A_493 = tpu.vector_load %arg10[%swap3A_492] {strides = array<i32>} : memref<80xi32, #tpu.memory_space<vmem>>, vector<16xi32>,
      %swap3A_494 = vector.shape_cast %swap3A_493 : vector<16xi32> to vector<16xi32>
      %swap3A_495 = vector.shape_cast %and3A_491 : vector<16xi32> to vector<16xi32>
      tpu.vector_store %arg10[%swap3A_492], %swap3A_495 {strides = array<i32>} : memref<80xi32, #tpu.memory_space<vmem>>, vector<16xi32>,
      %shift_right_logical3A_496 = arith.constant 16 : i32
      %shift_right_logical3A_497 = vector.broadcast %shift_right_logical3A_496 : i32 to vector<16xi32>
      %shift_right_logical3A_498 = arith.shrui %get3A_488, %shift_right_logical3A_497 : vector<16xi32>
      %swap3A_499 = arith.constant 16 : index
      %swap3A_500 = tpu.vector_load %arg15[%swap3A_499] {strides = array<i32>} : memref<80xi32, #tpu.memory_space<vmem>>, vector<16xi32>,
      %swap3A_501 = vector.shape_cast %swap3A_500 : vector<16xi32> to vector<16xi32>
      %swap3A_502 = vector.shape_cast %shift_right_logical3A_498 : vector<16xi32> to vector<16xi32>
      tpu.vector_store %arg15[%swap3A_499], %swap3A_502 {strides = array<i32>} : memref<80xi32, #tpu.memory_space<vmem>>, vector<16xi32>,
      %add3A_503 = arith.constant 4 : i32
      %add3A_504 = arith.addi %mul3A_55, %add3A_503 : i32
      %get3A_505 = arith.index_cast %add3A_504 : i32 to index
      %get3A_506 = arith.constant 32 : index
      %get3A_507 = tpu.vector_load %arg5[%get3A_505, %get3A_506] {strides = array<i32>} : memref<250x80xi32, #tpu.memory_space<vmem>>, vector<1x16xi32>,
      %get3A_508 = vector.shape_cast %get3A_507 : vector<1x16xi32> to vector<16xi32>
      %and3A_509 = arith.constant 65535 : i32
      %and3A_510 = vector.broadcast %and3A_509 : i32 to vector<16xi32>
      %and3A_511 = arith.andi %get3A_508, %and3A_510 : vector<16xi32>
      %swap3A_512 = arith.constant 32 : index
      %swap3A_513 = tpu.vector_load %arg10[%swap3A_512] {strides = array<i32>} : memref<80xi32, #tpu.memory_space<vmem>>, vector<16xi32>,
      %swap3A_514 = vector.shape_cast %swap3A_513 : vector<16xi32> to vector<16xi32>
      %swap3A_515 = vector.shape_cast %and3A_511 : vector<16xi32> to vector<16xi32>
      tpu.vector_store %arg10[%swap3A_512], %swap3A_515 {strides = array<i32>} : memref<80xi32, #tpu.memory_space<vmem>>, vector<16xi32>,
      %shift_right_logical3A_516 = arith.constant 16 : i32
      %shift_right_logical3A_517 = vector.broadcast %shift_right_logical3A_516 : i32 to vector<16xi32>
      %shift_right_logical3A_518 = arith.shrui %get3A_508, %shift_right_logical3A_517 : vector<16xi32>
      %swap3A_519 = arith.constant 32 : index
      %swap3A_520 = tpu.vector_load %arg15[%swap3A_519] {strides = array<i32>} : memref<80xi32, #tpu.memory_space<vmem>>, vector<16xi32>,
      %swap3A_521 = vector.shape_cast %swap3A_520 : vector<16xi32> to vector<16xi32>
      %swap3A_522 = vector.shape_cast %shift_right_logical3A_518 : vector<16xi32> to vector<16xi32>
      tpu.vector_store %arg15[%swap3A_519], %swap3A_522 {strides = array<i32>} : memref<80xi32, #tpu.memory_space<vmem>>, vector<16xi32>,
      %add3A_523 = arith.constant 4 : i32
      %add3A_524 = arith.addi %mul3A_55, %add3A_523 : i32
      %get3A_525 = arith.index_cast %add3A_524 : i32 to index
      %get3A_526 = arith.constant 48 : index
      %get3A_527 = tpu.vector_load %arg5[%get3A_525, %get3A_526] {strides = array<i32>} : memref<250x80xi32, #tpu.memory_space<vmem>>, vector<1x16xi32>,
      %get3A_528 = vector.shape_cast %get3A_527 : vector<1x16xi32> to vector<16xi32>
      %and3A_529 = arith.constant 65535 : i32
      %and3A_530 = vector.broadcast %and3A_529 : i32 to vector<16xi32>
      %and3A_531 = arith.andi %get3A_528, %and3A_530 : vector<16xi32>
      %swap3A_532 = arith.constant 48 : index
      %swap3A_533 = tpu.vector_load %arg10[%swap3A_532] {strides = array<i32>} : memref<80xi32, #tpu.memory_space<vmem>>, vector<16xi32>,
      %swap3A_534 = vector.shape_cast %swap3A_533 : vector<16xi32> to vector<16xi32>
      %swap3A_535 = vector.shape_cast %and3A_531 : vector<16xi32> to vector<16xi32>
      tpu.vector_store %arg10[%swap3A_532], %swap3A_535 {strides = array<i32>} : memref<80xi32, #tpu.memory_space<vmem>>, vector<16xi32>,
      %shift_right_logical3A_536 = arith.constant 16 : i32
      %shift_right_logical3A_537 = vector.broadcast %shift_right_logical3A_536 : i32 to vector<16xi32>
      %shift_right_logical3A_538 = arith.shrui %get3A_528, %shift_right_logical3A_537 : vector<16xi32>
      %swap3A_539 = arith.constant 48 : index
      %swap3A_540 = tpu.vector_load %arg15[%swap3A_539] {strides = array<i32>} : memref<80xi32, #tpu.memory_space<vmem>>, vector<16xi32>,
      %swap3A_541 = vector.shape_cast %swap3A_540 : vector<16xi32> to vector<16xi32>
      %swap3A_542 = vector.shape_cast %shift_right_logical3A_538 : vector<16xi32> to vector<16xi32>
      tpu.vector_store %arg15[%swap3A_539], %swap3A_542 {strides = array<i32>} : memref<80xi32, #tpu.memory_space<vmem>>, vector<16xi32>,
      %add3A_543 = arith.constant 4 : i32
      %add3A_544 = arith.addi %mul3A_55, %add3A_543 : i32
      %get3A_545 = arith.index_cast %add3A_544 : i32 to index
      %get3A_546 = arith.constant 64 : index
      %get3A_547 = tpu.vector_load %arg5[%get3A_545, %get3A_546] {strides = array<i32>} : memref<250x80xi32, #tpu.memory_space<vmem>>, vector<1x16xi32>,
      %get3A_548 = vector.shape_cast %get3A_547 : vector<1x16xi32> to vector<16xi32>
      %and3A_549 = arith.constant 65535 : i32
      %and3A_550 = vector.broadcast %and3A_549 : i32 to vector<16xi32>
      %and3A_551 = arith.andi %get3A_548, %and3A_550 : vector<16xi32>
      %swap3A_552 = arith.constant 64 : index
      %swap3A_553 = tpu.vector_load %arg10[%swap3A_552] {strides = array<i32>} : memref<80xi32, #tpu.memory_space<vmem>>, vector<16xi32>,
      %swap3A_554 = vector.shape_cast %swap3A_553 : vector<16xi32> to vector<16xi32>
      %swap3A_555 = vector.shape_cast %and3A_551 : vector<16xi32> to vector<16xi32>
      tpu.vector_store %arg10[%swap3A_552], %swap3A_555 {strides = array<i32>} : memref<80xi32, #tpu.memory_space<vmem>>, vector<16xi32>,
      %shift_right_logical3A_556 = arith.constant 16 : i32
      %shift_right_logical3A_557 = vector.broadcast %shift_right_logical3A_556 : i32 to vector<16xi32>
      %shift_right_logical3A_558 = arith.shrui %get3A_548, %shift_right_logical3A_557 : vector<16xi32>
      %swap3A_559 = arith.constant 64 : index
      %swap3A_560 = tpu.vector_load %arg15[%swap3A_559] {strides = array<i32>} : memref<80xi32, #tpu.memory_space<vmem>>, vector<16xi32>,
      %swap3A_561 = vector.shape_cast %swap3A_560 : vector<16xi32> to vector<16xi32>
      %swap3A_562 = vector.shape_cast %shift_right_logical3A_558 : vector<16xi32> to vector<16xi32>
      tpu.vector_store %arg15[%swap3A_559], %swap3A_562 {strides = array<i32>} : memref<80xi32, #tpu.memory_space<vmem>>, vector<16xi32>,
      %dma_start3A_563 = arith.constant 0 : i32
      %dma_start3A_564 = arith.constant 0 : i32
      %dma_start3A_565 = tpu.memref_slice %arg2[%dma_start3A_563, %dma_start3A_564] : memref<20000x96xf32, #tpu.memory_space<hbm>> -> memref<20000x96xf32, #tpu.memory_space<hbm>>
      tpu.enqueue_indirect_dma source(%dma_start3A_565 : memref<20000x96xf32, #tpu.memory_space<hbm>>) target(%arg20 : memref<80x96xf32, #tpu.memory_space<vmem>>) offsets(%arg10 : memref<80xi32, #tpu.memory_space<vmem>>) semaphore(%arg26 : memref<!tpu.dma_semaphore, #tpu.memory_space<semaphore_mem>>)
      %dma_wait3A = arith.constant 0 : i32
      %dma_wait3A_566 = arith.constant 0 : i32
      %dma_wait3A_567 = tpu.memref_slice %arg2[%dma_wait3A, %dma_wait3A_566] : memref<20000x96xf32, #tpu.memory_space<hbm>> -> memref<20000x96xf32, #tpu.memory_space<hbm>>
      tpu.wait_indirect_dma semaphore(%arg22 : memref<!tpu.dma_semaphore, #tpu.memory_space<semaphore_mem>>) src(%dma_wait3A_567 : memref<20000x96xf32, #tpu.memory_space<hbm>>) dst(%arg16 : memref<80x96xf32, #tpu.memory_space<vmem>>)
      "tpu.region"() ({
        %run_scoped3A = tpu.sem_alloc : memref<!tpu.dma_semaphore, #tpu.memory_space<semaphore_mem>>
        %dma_start3A_580 = arith.constant 0 : i32
        %dma_start3A_581 = arith.constant 0 : i32
        %dma_start3A_582 = tpu.memref_slice %arg21[%dma_start3A_580, %dma_start3A_581] : memref<10240x96xf32, #tpu.memory_space<vmem_shared>> -> memref<10240x96xf32, #tpu.memory_space<vmem_shared>>
        tpu.enqueue_indirect_dma source(%arg16 : memref<80x96xf32, #tpu.memory_space<vmem>>) target(%dma_start3A_582 : memref<10240x96xf32, #tpu.memory_space<vmem_shared>>) offsets(%arg11 : memref<80xi32, #tpu.memory_space<vmem>>) semaphore(%run_scoped3A : memref<!tpu.dma_semaphore, #tpu.memory_space<semaphore_mem>>) {add = true}
        %dma_wait3A_583 = arith.constant 0 : i32
        %dma_wait3A_584 = arith.constant 0 : i32
        %dma_wait3A_585 = tpu.memref_slice %arg21[%dma_wait3A_583, %dma_wait3A_584] : memref<10240x96xf32, #tpu.memory_space<vmem_shared>> -> memref<10240x96xf32, #tpu.memory_space<vmem_shared>>
        tpu.wait_indirect_dma semaphore(%run_scoped3A : memref<!tpu.dma_semaphore, #tpu.memory_space<semaphore_mem>>) src(%arg16 : memref<80x96xf32, #tpu.memory_space<vmem>>) dst(%dma_wait3A_585 : memref<10240x96xf32, #tpu.memory_space<vmem_shared>>)
        tpu.yield
      }) : () -> ()
      %dma_wait3A_568 = arith.constant 0 : i32
      %dma_wait3A_569 = arith.constant 0 : i32
      %dma_wait3A_570 = tpu.memref_slice %arg2[%dma_wait3A_568, %dma_wait3A_569] : memref<20000x96xf32, #tpu.memory_space<hbm>> -> memref<20000x96xf32, #tpu.memory_space<hbm>>
      tpu.wait_indirect_dma semaphore(%arg23 : memref<!tpu.dma_semaphore, #tpu.memory_space<semaphore_mem>>) src(%dma_wait3A_570 : memref<20000x96xf32, #tpu.memory_space<hbm>>) dst(%arg17 : memref<80x96xf32, #tpu.memory_space<vmem>>)
      "tpu.region"() ({
        %run_scoped3A = tpu.sem_alloc : memref<!tpu.dma_semaphore, #tpu.memory_space<semaphore_mem>>
        %dma_start3A_580 = arith.constant 0 : i32
        %dma_start3A_581 = arith.constant 0 : i32
        %dma_start3A_582 = tpu.memref_slice %arg21[%dma_start3A_580, %dma_start3A_581] : memref<10240x96xf32, #tpu.memory_space<vmem_shared>> -> memref<10240x96xf32, #tpu.memory_space<vmem_shared>>
        tpu.enqueue_indirect_dma source(%arg17 : memref<80x96xf32, #tpu.memory_space<vmem>>) target(%dma_start3A_582 : memref<10240x96xf32, #tpu.memory_space<vmem_shared>>) offsets(%arg12 : memref<80xi32, #tpu.memory_space<vmem>>) semaphore(%run_scoped3A : memref<!tpu.dma_semaphore, #tpu.memory_space<semaphore_mem>>) {add = true}
        %dma_wait3A_583 = arith.constant 0 : i32
        %dma_wait3A_584 = arith.constant 0 : i32
        %dma_wait3A_585 = tpu.memref_slice %arg21[%dma_wait3A_583, %dma_wait3A_584] : memref<10240x96xf32, #tpu.memory_space<vmem_shared>> -> memref<10240x96xf32, #tpu.memory_space<vmem_shared>>
        tpu.wait_indirect_dma semaphore(%run_scoped3A : memref<!tpu.dma_semaphore, #tpu.memory_space<semaphore_mem>>) src(%arg17 : memref<80x96xf32, #tpu.memory_space<vmem>>) dst(%dma_wait3A_585 : memref<10240x96xf32, #tpu.memory_space<vmem_shared>>)
        tpu.yield
      }) : () -> ()
      %dma_wait3A_571 = arith.constant 0 : i32
      %dma_wait3A_572 = arith.constant 0 : i32
      %dma_wait3A_573 = tpu.memref_slice %arg2[%dma_wait3A_571, %dma_wait3A_572] : memref<20000x96xf32, #tpu.memory_space<hbm>> -> memref<20000x96xf32, #tpu.memory_space<hbm>>
      tpu.wait_indirect_dma semaphore(%arg24 : memref<!tpu.dma_semaphore, #tpu.memory_space<semaphore_mem>>) src(%dma_wait3A_573 : memref<20000x96xf32, #tpu.memory_space<hbm>>) dst(%arg18 : memref<80x96xf32, #tpu.memory_space<vmem>>)
      "tpu.region"() ({
        %run_scoped3A = tpu.sem_alloc : memref<!tpu.dma_semaphore, #tpu.memory_space<semaphore_mem>>
        %dma_start3A_580 = arith.constant 0 : i32
        %dma_start3A_581 = arith.constant 0 : i32
        %dma_start3A_582 = tpu.memref_slice %arg21[%dma_start3A_580, %dma_start3A_581] : memref<10240x96xf32, #tpu.memory_space<vmem_shared>> -> memref<10240x96xf32, #tpu.memory_space<vmem_shared>>
        tpu.enqueue_indirect_dma source(%arg18 : memref<80x96xf32, #tpu.memory_space<vmem>>) target(%dma_start3A_582 : memref<10240x96xf32, #tpu.memory_space<vmem_shared>>) offsets(%arg13 : memref<80xi32, #tpu.memory_space<vmem>>) semaphore(%run_scoped3A : memref<!tpu.dma_semaphore, #tpu.memory_space<semaphore_mem>>) {add = true}
        %dma_wait3A_583 = arith.constant 0 : i32
        %dma_wait3A_584 = arith.constant 0 : i32
        %dma_wait3A_585 = tpu.memref_slice %arg21[%dma_wait3A_583, %dma_wait3A_584] : memref<10240x96xf32, #tpu.memory_space<vmem_shared>> -> memref<10240x96xf32, #tpu.memory_space<vmem_shared>>
        tpu.wait_indirect_dma semaphore(%run_scoped3A : memref<!tpu.dma_semaphore, #tpu.memory_space<semaphore_mem>>) src(%arg18 : memref<80x96xf32, #tpu.memory_space<vmem>>) dst(%dma_wait3A_585 : memref<10240x96xf32, #tpu.memory_space<vmem_shared>>)
        tpu.yield
      }) : () -> ()
      %dma_wait3A_574 = arith.constant 0 : i32
      %dma_wait3A_575 = arith.constant 0 : i32
      %dma_wait3A_576 = tpu.memref_slice %arg2[%dma_wait3A_574, %dma_wait3A_575] : memref<20000x96xf32, #tpu.memory_space<hbm>> -> memref<20000x96xf32, #tpu.memory_space<hbm>>
      tpu.wait_indirect_dma semaphore(%arg25 : memref<!tpu.dma_semaphore, #tpu.memory_space<semaphore_mem>>) src(%dma_wait3A_576 : memref<20000x96xf32, #tpu.memory_space<hbm>>) dst(%arg19 : memref<80x96xf32, #tpu.memory_space<vmem>>)
      "tpu.region"() ({
        %run_scoped3A = tpu.sem_alloc : memref<!tpu.dma_semaphore, #tpu.memory_space<semaphore_mem>>
        %dma_start3A_580 = arith.constant 0 : i32
        %dma_start3A_581 = arith.constant 0 : i32
        %dma_start3A_582 = tpu.memref_slice %arg21[%dma_start3A_580, %dma_start3A_581] : memref<10240x96xf32, #tpu.memory_space<vmem_shared>> -> memref<10240x96xf32, #tpu.memory_space<vmem_shared>>
        tpu.enqueue_indirect_dma source(%arg19 : memref<80x96xf32, #tpu.memory_space<vmem>>) target(%dma_start3A_582 : memref<10240x96xf32, #tpu.memory_space<vmem_shared>>) offsets(%arg14 : memref<80xi32, #tpu.memory_space<vmem>>) semaphore(%run_scoped3A : memref<!tpu.dma_semaphore, #tpu.memory_space<semaphore_mem>>) {add = true}
        %dma_wait3A_583 = arith.constant 0 : i32
        %dma_wait3A_584 = arith.constant 0 : i32
        %dma_wait3A_585 = tpu.memref_slice %arg21[%dma_wait3A_583, %dma_wait3A_584] : memref<10240x96xf32, #tpu.memory_space<vmem_shared>> -> memref<10240x96xf32, #tpu.memory_space<vmem_shared>>
        tpu.wait_indirect_dma semaphore(%run_scoped3A : memref<!tpu.dma_semaphore, #tpu.memory_space<semaphore_mem>>) src(%arg19 : memref<80x96xf32, #tpu.memory_space<vmem>>) dst(%dma_wait3A_585 : memref<10240x96xf32, #tpu.memory_space<vmem_shared>>)
        tpu.yield
      }) : () -> ()
      %dma_wait3A_577 = arith.constant 0 : i32
      %dma_wait3A_578 = arith.constant 0 : i32
      %dma_wait3A_579 = tpu.memref_slice %arg2[%dma_wait3A_577, %dma_wait3A_578] : memref<20000x96xf32, #tpu.memory_space<hbm>> -> memref<20000x96xf32, #tpu.memory_space<hbm>>
      tpu.wait_indirect_dma semaphore(%arg26 : memref<!tpu.dma_semaphore, #tpu.memory_space<semaphore_mem>>) src(%dma_wait3A_579 : memref<20000x96xf32, #tpu.memory_space<hbm>>) dst(%arg20 : memref<80x96xf32, #tpu.memory_space<vmem>>)
      "tpu.region"() ({
        %run_scoped3A = tpu.sem_alloc : memref<!tpu.dma_semaphore, #tpu.memory_space<semaphore_mem>>
        %dma_start3A_580 = arith.constant 0 : i32
        %dma_start3A_581 = arith.constant 0 : i32
        %dma_start3A_582 = tpu.memref_slice %arg21[%dma_start3A_580, %dma_start3A_581] : memref<10240x96xf32, #tpu.memory_space<vmem_shared>> -> memref<10240x96xf32, #tpu.memory_space<vmem_shared>>
        tpu.enqueue_indirect_dma source(%arg20 : memref<80x96xf32, #tpu.memory_space<vmem>>) target(%dma_start3A_582 : memref<10240x96xf32, #tpu.memory_space<vmem_shared>>) offsets(%arg15 : memref<80xi32, #tpu.memory_space<vmem>>) semaphore(%run_scoped3A : memref<!tpu.dma_semaphore, #tpu.memory_space<semaphore_mem>>) {add = true}
        %dma_wait3A_583 = arith.constant 0 : i32
        %dma_wait3A_584 = arith.constant 0 : i32
        %dma_wait3A_585 = tpu.memref_slice %arg21[%dma_wait3A_583, %dma_wait3A_584] : memref<10240x96xf32, #tpu.memory_space<vmem_shared>> -> memref<10240x96xf32, #tpu.memory_space<vmem_shared>>
        tpu.wait_indirect_dma semaphore(%run_scoped3A : memref<!tpu.dma_semaphore, #tpu.memory_space<semaphore_mem>>) src(%arg20 : memref<80x96xf32, #tpu.memory_space<vmem>>) dst(%dma_wait3A_585 : memref<10240x96xf32, #tpu.memory_space<vmem_shared>>)
        tpu.yield
      }) : () -> ()
    }
    %scan3A_46 = arith.constant 50 : i32
    %barrier3A_47 = arith.constant 0 : index
    tpu.barrier barrier_id(%barrier3A_47)
    %mul3A_48 = arith.constant 640 : i32
    %mul3A_49 = arith.muli %arg1, %mul3A_48 : i32
    %mul3A_50 = arith.constant 10240 : i32
    %mul3A_51 = arith.muli %arg0, %mul3A_50 : i32
    %add3A_52 = arith.addi %mul3A_51, %mul3A_49 : i32
    "tpu.region"() ({
      %run_scoped3A = tpu.sem_alloc : memref<!tpu.dma_semaphore, #tpu.memory_space<semaphore_mem>>
      %dma_start3A = arith.constant 0 : i32
      %dma_start3A_53 = tpu.memref_slice %arg4[%add3A_52, %dma_start3A] : memref<20480x96xf32, #tpu.memory_space<hbm>> -> memref<640x96xf32, #tpu.memory_space<hbm>>
      %dma_start3A_54 = arith.constant 0 : i32
      %dma_start3A_55 = tpu.memref_slice %arg21[%mul3A_49, %dma_start3A_54] : memref<10240x96xf32, #tpu.memory_space<vmem_shared>> -> memref<640x96xf32, #tpu.memory_space<vmem_shared>>
      tpu.enqueue_dma source(%dma_start3A_55 : memref<640x96xf32, #tpu.memory_space<vmem_shared>>) target(%dma_start3A_53 : memref<640x96xf32, #tpu.memory_space<hbm>>) target_semaphore(%run_scoped3A : memref<!tpu.dma_semaphore, #tpu.memory_space<semaphore_mem>>)
      %dma_wait3A = arith.constant 0 : i32
      %dma_wait3A_56 = tpu.memref_slice %arg4[%add3A_52, %dma_wait3A] : memref<20480x96xf32, #tpu.memory_space<hbm>> -> memref<640x96xf32, #tpu.memory_space<hbm>>
      %dma_wait3A_57 = arith.constant 0 : i32
      %dma_wait3A_58 = tpu.memref_slice %arg21[%mul3A_49, %dma_wait3A_57] : memref<10240x96xf32, #tpu.memory_space<vmem_shared>> -> memref<640x96xf32, #tpu.memory_space<vmem_shared>>
      tpu.wait_dma2 semaphore(%run_scoped3A : memref<!tpu.dma_semaphore, #tpu.memory_space<semaphore_mem>>) src(%dma_wait3A_58 : memref<640x96xf32, #tpu.memory_space<vmem_shared>>) dst(%dma_wait3A_56 : memref<640x96xf32, #tpu.memory_space<hbm>>)
      tpu.yield
    }) : () -> ()
    return
  }
}

#map = affine_map<(d0, d1) -> (0, 0)>
module attributes {stable_mosaic.version = 14 : i64} {
  func.func @seg(%arg0: i32, %arg1: i32, %arg2: memref<20000x96xf32, #tpu.memory_space<hbm>>, %arg3: memref<8000x80xi32, #tpu.memory_space<hbm>>, %arg4: memref<20480x96xf32, #tpu.memory_space<hbm>>, %arg5: memref<250x80xi32, #tpu.memory_space<vmem>>, %arg6: memref<80xi32, #tpu.memory_space<vmem>>, %arg7: memref<80xi32, #tpu.memory_space<vmem>>, %arg8: memref<80xi32, #tpu.memory_space<vmem>>, %arg9: memref<80xi32, #tpu.memory_space<vmem>>, %arg10: memref<80xi32, #tpu.memory_space<vmem>>, %arg11: memref<80xi32, #tpu.memory_space<vmem>>, %arg12: memref<80xi32, #tpu.memory_space<vmem>>, %arg13: memref<80xi32, #tpu.memory_space<vmem>>, %arg14: memref<80xi32, #tpu.memory_space<vmem>>, %arg15: memref<80xi32, #tpu.memory_space<vmem>>, %arg16: memref<80x96xf32, #tpu.memory_space<vmem>>, %arg17: memref<80x96xf32, #tpu.memory_space<vmem>>, %arg18: memref<80x96xf32, #tpu.memory_space<vmem>>, %arg19: memref<80x96xf32, #tpu.memory_space<vmem>>, %arg20: memref<80x96xf32, #tpu.memory_space<vmem>>, %arg21: memref<10240x96xf32, #tpu.memory_space<vmem_shared>>, %arg22: memref<!tpu.dma_semaphore, #tpu.memory_space<semaphore_mem>>, %arg23: memref<!tpu.dma_semaphore, #tpu.memory_space<semaphore_mem>>, %arg24: memref<!tpu.dma_semaphore, #tpu.memory_space<semaphore_mem>>, %arg25: memref<!tpu.dma_semaphore, #tpu.memory_space<semaphore_mem>>, %arg26: memref<!tpu.dma_semaphore, #tpu.memory_space<semaphore_mem>>) attributes {dimension_semantics = [#tpu.dimension_semantics<core_parallel>, #tpu.dimension_semantics<subcore_parallel>], iteration_bounds = array<i64: 2, 16>, scalar_prefetch = 0 : i64, scratch_operands = 22 : i64, tpu.core_type = #tpu.core_type<sc_vector_subcore>, window_params = [{transform_indices = #map}, {transform_indices = #map}, {transform_indices = #map}]} {
    %mul3A = arith.constant 16 : i32
    %mul3A_0 = arith.muli %arg0, %mul3A : i32
    %add3A = arith.addi %mul3A_0, %arg1 : i32
    %mul3A_1 = arith.constant 250 : i32
    %mul3A_2 = arith.muli %add3A, %mul3A_1 : i32
    "tpu.region"() ({
      %run_scoped3A = tpu.sem_alloc : memref<!tpu.dma_semaphore, #tpu.memory_space<semaphore_mem>>
      %dma_start3A = arith.constant 0 : i32
      %dma_start3A_53 = tpu.memref_slice %arg3[%mul3A_2, %dma_start3A] : memref<8000x80xi32, #tpu.memory_space<hbm>> -> memref<250x80xi32, #tpu.memory_space<hbm>>
      %dma_start3A_54 = arith.constant 0 : i32
      %dma_start3A_55 = tpu.memref_slice %arg3[%mul3A_2, %dma_start3A_54] : memref<8000x80xi32, #tpu.memory_space<hbm>> -> memref<250x80xi32, #tpu.memory_space<hbm>>
      tpu.enqueue_dma source(%dma_start3A_55 : memref<250x80xi32, #tpu.memory_space<hbm>>) target(%arg5 : memref<250x80xi32, #tpu.memory_space<vmem>>) target_semaphore(%run_scoped3A : memref<!tpu.dma_semaphore, #tpu.memory_space<semaphore_mem>>)
      %dma_wait3A = arith.constant 0 : i32
      %dma_wait3A_56 = tpu.memref_slice %arg3[%mul3A_2, %dma_wait3A] : memref<8000x80xi32, #tpu.memory_space<hbm>> -> memref<250x80xi32, #tpu.memory_space<hbm>>
      %dma_wait3A_57 = arith.constant 0 : i32
      %dma_wait3A_58 = tpu.memref_slice %arg3[%mul3A_2, %dma_wait3A_57] : memref<8000x80xi32, #tpu.memory_space<hbm>> -> memref<250x80xi32, #tpu.memory_space<hbm>>
      tpu.wait_dma2 semaphore(%run_scoped3A : memref<!tpu.dma_semaphore, #tpu.memory_space<semaphore_mem>>) src(%dma_wait3A_58 : memref<250x80xi32, #tpu.memory_space<hbm>>) dst(%arg5 : memref<250x80xi32, #tpu.memory_space<vmem>>)
      tpu.yield
    }) : () -> ()
    %broadcast_in_dim3A = arith.constant 0.000000e+00 : f32
    %broadcast_in_dim3A_3 = vector.broadcast %broadcast_in_dim3A : f32 to vector<16xf32>
    %scan3A = arith.constant 0 : i32
    %scan3A_4 = arith.constant 0 : i32
    %scan3A_5 = arith.constant 80 : i32
    %scan3A_6 = arith.addi %scan3A_4, %scan3A_5 : i32
    %scan3A_7 = arith.constant 1 : i32
    scf.for %scan3A_53 = %scan3A_4 to %scan3A_6 step %scan3A_7  : i32 {
      %swap3A = arith.index_cast %scan3A_53 : i32 to index
      %swap3A_54 = arith.constant 0 : index
      %swap3A_55 = tpu.vector_load %arg16[%swap3A, %swap3A_54] {strides = array<i32>} : memref<80x96xf32, #tpu.memory_space<vmem>>, vector<1x16xf32>,
      %swap3A_56 = vector.shape_cast %swap3A_55 : vector<1x16xf32> to vector<16xf32>
      %swap3A_57 = vector.shape_cast %broadcast_in_dim3A_3 : vector<16xf32> to vector<1x16xf32>
      tpu.vector_store %arg16[%swap3A, %swap3A_54], %swap3A_57 {strides = array<i32>} : memref<80x96xf32, #tpu.memory_space<vmem>>, vector<1x16xf32>,
      %swap3A_58 = arith.index_cast %scan3A_53 : i32 to index
      %swap3A_59 = arith.constant 16 : index
      %swap3A_60 = tpu.vector_load %arg16[%swap3A_58, %swap3A_59] {strides = array<i32>} : memref<80x96xf32, #tpu.memory_space<vmem>>, vector<1x16xf32>,
      %swap3A_61 = vector.shape_cast %swap3A_60 : vector<1x16xf32> to vector<16xf32>
      %swap3A_62 = vector.shape_cast %broadcast_in_dim3A_3 : vector<16xf32> to vector<1x16xf32>
      tpu.vector_store %arg16[%swap3A_58, %swap3A_59], %swap3A_62 {strides = array<i32>} : memref<80x96xf32, #tpu.memory_space<vmem>>, vector<1x16xf32>,
      %swap3A_63 = arith.index_cast %scan3A_53 : i32 to index
      %swap3A_64 = arith.constant 32 : index
      %swap3A_65 = tpu.vector_load %arg16[%swap3A_63, %swap3A_64] {strides = array<i32>} : memref<80x96xf32, #tpu.memory_space<vmem>>, vector<1x16xf32>,
      %swap3A_66 = vector.shape_cast %swap3A_65 : vector<1x16xf32> to vector<16xf32>
      %swap3A_67 = vector.shape_cast %broadcast_in_dim3A_3 : vector<16xf32> to vector<1x16xf32>
      tpu.vector_store %arg16[%swap3A_63, %swap3A_64], %swap3A_67 {strides = array<i32>} : memref<80x96xf32, #tpu.memory_space<vmem>>, vector<1x16xf32>,
      %swap3A_68 = arith.index_cast %scan3A_53 : i32 to index
      %swap3A_69 = arith.constant 48 : index
      %swap3A_70 = tpu.vector_load %arg16[%swap3A_68, %swap3A_69] {strides = array<i32>} : memref<80x96xf32, #tpu.memory_space<vmem>>, vector<1x16xf32>,
      %swap3A_71 = vector.shape_cast %swap3A_70 : vector<1x16xf32> to vector<16xf32>
      %swap3A_72 = vector.shape_cast %broadcast_in_dim3A_3 : vector<16xf32> to vector<1x16xf32>
      tpu.vector_store %arg16[%swap3A_68, %swap3A_69], %swap3A_72 {strides = array<i32>} : memref<80x96xf32, #tpu.memory_space<vmem>>, vector<1x16xf32>,
      %swap3A_73 = arith.index_cast %scan3A_53 : i32 to index
      %swap3A_74 = arith.constant 64 : index
      %swap3A_75 = tpu.vector_load %arg16[%swap3A_73, %swap3A_74] {strides = array<i32>} : memref<80x96xf32, #tpu.memory_space<vmem>>, vector<1x16xf32>,
      %swap3A_76 = vector.shape_cast %swap3A_75 : vector<1x16xf32> to vector<16xf32>
      %swap3A_77 = vector.shape_cast %broadcast_in_dim3A_3 : vector<16xf32> to vector<1x16xf32>
      tpu.vector_store %arg16[%swap3A_73, %swap3A_74], %swap3A_77 {strides = array<i32>} : memref<80x96xf32, #tpu.memory_space<vmem>>, vector<1x16xf32>,
      %swap3A_78 = arith.index_cast %scan3A_53 : i32 to index
      %swap3A_79 = arith.constant 80 : index
      %swap3A_80 = tpu.vector_load %arg16[%swap3A_78, %swap3A_79] {strides = array<i32>} : memref<80x96xf32, #tpu.memory_space<vmem>>, vector<1x16xf32>,
      %swap3A_81 = vector.shape_cast %swap3A_80 : vector<1x16xf32> to vector<16xf32>
      %swap3A_82 = vector.shape_cast %broadcast_in_dim3A_3 : vector<16xf32> to vector<1x16xf32>
      tpu.vector_store %arg16[%swap3A_78, %swap3A_79], %swap3A_82 {strides = array<i32>} : memref<80x96xf32, #tpu.memory_space<vmem>>, vector<1x16xf32>,
    }
    %scan3A_8 = arith.constant 80 : i32
    %mul3A_9 = arith.constant 640 : i32
    %mul3A_10 = arith.muli %arg1, %mul3A_9 : i32
    %add3A_11 = arith.constant 0 : i32
    %add3A_12 = arith.addi %mul3A_10, %add3A_11 : i32
    "tpu.region"() ({
      %run_scoped3A = tpu.sem_alloc : memref<!tpu.dma_semaphore, #tpu.memory_space<semaphore_mem>>
      %dma_start3A = arith.constant 0 : i32
      %dma_start3A_53 = tpu.memref_slice %arg21[%add3A_12, %dma_start3A] : memref<10240x96xf32, #tpu.memory_space<vmem_shared>> -> memref<80x96xf32, #tpu.memory_space<vmem_shared>>
      %dma_start3A_54 = arith.constant 0 : i32
      %dma_start3A_55 = tpu.memref_slice %arg21[%add3A_12, %dma_start3A_54] : memref<10240x96xf32, #tpu.memory_space<vmem_shared>> -> memref<80x96xf32, #tpu.memory_space<vmem_shared>>
      tpu.enqueue_dma source(%arg16 : memref<80x96xf32, #tpu.memory_space<vmem>>) target(%dma_start3A_55 : memref<80x96xf32, #tpu.memory_space<vmem_shared>>) target_semaphore(%run_scoped3A : memref<!tpu.dma_semaphore, #tpu.memory_space<semaphore_mem>>)
      %dma_wait3A = arith.constant 0 : i32
      %dma_wait3A_56 = tpu.memref_slice %arg21[%add3A_12, %dma_wait3A] : memref<10240x96xf32, #tpu.memory_space<vmem_shared>> -> memref<80x96xf32, #tpu.memory_space<vmem_shared>>
      %dma_wait3A_57 = arith.constant 0 : i32
      %dma_wait3A_58 = tpu.memref_slice %arg21[%add3A_12, %dma_wait3A_57] : memref<10240x96xf32, #tpu.memory_space<vmem_shared>> -> memref<80x96xf32, #tpu.memory_space<vmem_shared>>
      tpu.wait_dma2 semaphore(%run_scoped3A : memref<!tpu.dma_semaphore, #tpu.memory_space<semaphore_mem>>) src(%arg16 : memref<80x96xf32, #tpu.memory_space<vmem>>) dst(%dma_wait3A_58 : memref<80x96xf32, #tpu.memory_space<vmem_shared>>)
      tpu.yield
    }) : () -> ()
    %mul3A_13 = arith.constant 640 : i32
    %mul3A_14 = arith.muli %arg1, %mul3A_13 : i32
    %add3A_15 = arith.constant 80 : i32
    %add3A_16 = arith.addi %mul3A_14, %add3A_15 : i32
    "tpu.region"() ({
      %run_scoped3A = tpu.sem_alloc : memref<!tpu.dma_semaphore, #tpu.memory_space<semaphore_mem>>
      %dma_start3A = arith.constant 0 : i32
      %dma_start3A_53 = tpu.memref_slice %arg21[%add3A_16, %dma_start3A] : memref<10240x96xf32, #tpu.memory_space<vmem_shared>> -> memref<80x96xf32, #tpu.memory_space<vmem_shared>>
      %dma_start3A_54 = arith.constant 0 : i32
      %dma_start3A_55 = tpu.memref_slice %arg21[%add3A_16, %dma_start3A_54] : memref<10240x96xf32, #tpu.memory_space<vmem_shared>> -> memref<80x96xf32, #tpu.memory_space<vmem_shared>>
      tpu.enqueue_dma source(%arg16 : memref<80x96xf32, #tpu.memory_space<vmem>>) target(%dma_start3A_55 : memref<80x96xf32, #tpu.memory_space<vmem_shared>>) target_semaphore(%run_scoped3A : memref<!tpu.dma_semaphore, #tpu.memory_space<semaphore_mem>>)
      %dma_wait3A = arith.constant 0 : i32
      %dma_wait3A_56 = tpu.memref_slice %arg21[%add3A_16, %dma_wait3A] : memref<10240x96xf32, #tpu.memory_space<vmem_shared>> -> memref<80x96xf32, #tpu.memory_space<vmem_shared>>
      %dma_wait3A_57 = arith.constant 0 : i32
      %dma_wait3A_58 = tpu.memref_slice %arg21[%add3A_16, %dma_wait3A_57] : memref<10240x96xf32, #tpu.memory_space<vmem_shared>> -> memref<80x96xf32, #tpu.memory_space<vmem_shared>>
      tpu.wait_dma2 semaphore(%run_scoped3A : memref<!tpu.dma_semaphore, #tpu.memory_space<semaphore_mem>>) src(%arg16 : memref<80x96xf32, #tpu.memory_space<vmem>>) dst(%dma_wait3A_58 : memref<80x96xf32, #tpu.memory_space<vmem_shared>>)
      tpu.yield
    }) : () -> ()
    %mul3A_17 = arith.constant 640 : i32
    %mul3A_18 = arith.muli %arg1, %mul3A_17 : i32
    %add3A_19 = arith.constant 160 : i32
    %add3A_20 = arith.addi %mul3A_18, %add3A_19 : i32
    "tpu.region"() ({
      %run_scoped3A = tpu.sem_alloc : memref<!tpu.dma_semaphore, #tpu.memory_space<semaphore_mem>>
      %dma_start3A = arith.constant 0 : i32
      %dma_start3A_53 = tpu.memref_slice %arg21[%add3A_20, %dma_start3A] : memref<10240x96xf32, #tpu.memory_space<vmem_shared>> -> memref<80x96xf32, #tpu.memory_space<vmem_shared>>
      %dma_start3A_54 = arith.constant 0 : i32
      %dma_start3A_55 = tpu.memref_slice %arg21[%add3A_20, %dma_start3A_54] : memref<10240x96xf32, #tpu.memory_space<vmem_shared>> -> memref<80x96xf32, #tpu.memory_space<vmem_shared>>
      tpu.enqueue_dma source(%arg16 : memref<80x96xf32, #tpu.memory_space<vmem>>) target(%dma_start3A_55 : memref<80x96xf32, #tpu.memory_space<vmem_shared>>) target_semaphore(%run_scoped3A : memref<!tpu.dma_semaphore, #tpu.memory_space<semaphore_mem>>)
      %dma_wait3A = arith.constant 0 : i32
      %dma_wait3A_56 = tpu.memref_slice %arg21[%add3A_20, %dma_wait3A] : memref<10240x96xf32, #tpu.memory_space<vmem_shared>> -> memref<80x96xf32, #tpu.memory_space<vmem_shared>>
      %dma_wait3A_57 = arith.constant 0 : i32
      %dma_wait3A_58 = tpu.memref_slice %arg21[%add3A_20, %dma_wait3A_57] : memref<10240x96xf32, #tpu.memory_space<vmem_shared>> -> memref<80x96xf32, #tpu.memory_space<vmem_shared>>
      tpu.wait_dma2 semaphore(%run_scoped3A : memref<!tpu.dma_semaphore, #tpu.memory_space<semaphore_mem>>) src(%arg16 : memref<80x96xf32, #tpu.memory_space<vmem>>) dst(%dma_wait3A_58 : memref<80x96xf32, #tpu.memory_space<vmem_shared>>)
      tpu.yield
    }) : () -> ()
    %mul3A_21 = arith.constant 640 : i32
    %mul3A_22 = arith.muli %arg1, %mul3A_21 : i32
    %add3A_23 = arith.constant 240 : i32
    %add3A_24 = arith.addi %mul3A_22, %add3A_23 : i32
    "tpu.region"() ({
      %run_scoped3A = tpu.sem_alloc : memref<!tpu.dma_semaphore, #tpu.memory_space<semaphore_mem>>
      %dma_start3A = arith.constant 0 : i32
      %dma_start3A_53 = tpu.memref_slice %arg21[%add3A_24, %dma_start3A] : memref<10240x96xf32, #tpu.memory_space<vmem_shared>> -> memref<80x96xf32, #tpu.memory_space<vmem_shared>>
      %dma_start3A_54 = arith.constant 0 : i32
      %dma_start3A_55 = tpu.memref_slice %arg21[%add3A_24, %dma_start3A_54] : memref<10240x96xf32, #tpu.memory_space<vmem_shared>> -> memref<80x96xf32, #tpu.memory_space<vmem_shared>>
      tpu.enqueue_dma source(%arg16 : memref<80x96xf32, #tpu.memory_space<vmem>>) target(%dma_start3A_55 : memref<80x96xf32, #tpu.memory_space<vmem_shared>>) target_semaphore(%run_scoped3A : memref<!tpu.dma_semaphore, #tpu.memory_space<semaphore_mem>>)
      %dma_wait3A = arith.constant 0 : i32
      %dma_wait3A_56 = tpu.memref_slice %arg21[%add3A_24, %dma_wait3A] : memref<10240x96xf32, #tpu.memory_space<vmem_shared>> -> memref<80x96xf32, #tpu.memory_space<vmem_shared>>
      %dma_wait3A_57 = arith.constant 0 : i32
      %dma_wait3A_58 = tpu.memref_slice %arg21[%add3A_24, %dma_wait3A_57] : memref<10240x96xf32, #tpu.memory_space<vmem_shared>> -> memref<80x96xf32, #tpu.memory_space<vmem_shared>>
      tpu.wait_dma2 semaphore(%run_scoped3A : memref<!tpu.dma_semaphore, #tpu.memory_space<semaphore_mem>>) src(%arg16 : memref<80x96xf32, #tpu.memory_space<vmem>>) dst(%dma_wait3A_58 : memref<80x96xf32, #tpu.memory_space<vmem_shared>>)
      tpu.yield
    }) : () -> ()
    %mul3A_25 = arith.constant 640 : i32
    %mul3A_26 = arith.muli %arg1, %mul3A_25 : i32
    %add3A_27 = arith.constant 320 : i32
    %add3A_28 = arith.addi %mul3A_26, %add3A_27 : i32
    "tpu.region"() ({
      %run_scoped3A = tpu.sem_alloc : memref<!tpu.dma_semaphore, #tpu.memory_space<semaphore_mem>>
      %dma_start3A = arith.constant 0 : i32
      %dma_start3A_53 = tpu.memref_slice %arg21[%add3A_28, %dma_start3A] : memref<10240x96xf32, #tpu.memory_space<vmem_shared>> -> memref<80x96xf32, #tpu.memory_space<vmem_shared>>
      %dma_start3A_54 = arith.constant 0 : i32
      %dma_start3A_55 = tpu.memref_slice %arg21[%add3A_28, %dma_start3A_54] : memref<10240x96xf32, #tpu.memory_space<vmem_shared>> -> memref<80x96xf32, #tpu.memory_space<vmem_shared>>
      tpu.enqueue_dma source(%arg16 : memref<80x96xf32, #tpu.memory_space<vmem>>) target(%dma_start3A_55 : memref<80x96xf32, #tpu.memory_space<vmem_shared>>) target_semaphore(%run_scoped3A : memref<!tpu.dma_semaphore, #tpu.memory_space<semaphore_mem>>)
      %dma_wait3A = arith.constant 0 : i32
      %dma_wait3A_56 = tpu.memref_slice %arg21[%add3A_28, %dma_wait3A] : memref<10240x96xf32, #tpu.memory_space<vmem_shared>> -> memref<80x96xf32, #tpu.memory_space<vmem_shared>>
      %dma_wait3A_57 = arith.constant 0 : i32
      %dma_wait3A_58 = tpu.memref_slice %arg21[%add3A_28, %dma_wait3A_57] : memref<10240x96xf32, #tpu.memory_space<vmem_shared>> -> memref<80x96xf32, #tpu.memory_space<vmem_shared>>
      tpu.wait_dma2 semaphore(%run_scoped3A : memref<!tpu.dma_semaphore, #tpu.memory_space<semaphore_mem>>) src(%arg16 : memref<80x96xf32, #tpu.memory_space<vmem>>) dst(%dma_wait3A_58 : memref<80x96xf32, #tpu.memory_space<vmem_shared>>)
      tpu.yield
    }) : () -> ()
    %mul3A_29 = arith.constant 640 : i32
    %mul3A_30 = arith.muli %arg1, %mul3A_29 : i32
    %add3A_31 = arith.constant 400 : i32
    %add3A_32 = arith.addi %mul3A_30, %add3A_31 : i32
    "tpu.region"() ({
      %run_scoped3A = tpu.sem_alloc : memref<!tpu.dma_semaphore, #tpu.memory_space<semaphore_mem>>
      %dma_start3A = arith.constant 0 : i32
      %dma_start3A_53 = tpu.memref_slice %arg21[%add3A_32, %dma_start3A] : memref<10240x96xf32, #tpu.memory_space<vmem_shared>> -> memref<80x96xf32, #tpu.memory_space<vmem_shared>>
      %dma_start3A_54 = arith.constant 0 : i32
      %dma_start3A_55 = tpu.memref_slice %arg21[%add3A_32, %dma_start3A_54] : memref<10240x96xf32, #tpu.memory_space<vmem_shared>> -> memref<80x96xf32, #tpu.memory_space<vmem_shared>>
      tpu.enqueue_dma source(%arg16 : memref<80x96xf32, #tpu.memory_space<vmem>>) target(%dma_start3A_55 : memref<80x96xf32, #tpu.memory_space<vmem_shared>>) target_semaphore(%run_scoped3A : memref<!tpu.dma_semaphore, #tpu.memory_space<semaphore_mem>>)
      %dma_wait3A = arith.constant 0 : i32
      %dma_wait3A_56 = tpu.memref_slice %arg21[%add3A_32, %dma_wait3A] : memref<10240x96xf32, #tpu.memory_space<vmem_shared>> -> memref<80x96xf32, #tpu.memory_space<vmem_shared>>
      %dma_wait3A_57 = arith.constant 0 : i32
      %dma_wait3A_58 = tpu.memref_slice %arg21[%add3A_32, %dma_wait3A_57] : memref<10240x96xf32, #tpu.memory_space<vmem_shared>> -> memref<80x96xf32, #tpu.memory_space<vmem_shared>>
      tpu.wait_dma2 semaphore(%run_scoped3A : memref<!tpu.dma_semaphore, #tpu.memory_space<semaphore_mem>>) src(%arg16 : memref<80x96xf32, #tpu.memory_space<vmem>>) dst(%dma_wait3A_58 : memref<80x96xf32, #tpu.memory_space<vmem_shared>>)
      tpu.yield
    }) : () -> ()
    %mul3A_33 = arith.constant 640 : i32
    %mul3A_34 = arith.muli %arg1, %mul3A_33 : i32
    %add3A_35 = arith.constant 480 : i32
    %add3A_36 = arith.addi %mul3A_34, %add3A_35 : i32
    "tpu.region"() ({
      %run_scoped3A = tpu.sem_alloc : memref<!tpu.dma_semaphore, #tpu.memory_space<semaphore_mem>>
      %dma_start3A = arith.constant 0 : i32
      %dma_start3A_53 = tpu.memref_slice %arg21[%add3A_36, %dma_start3A] : memref<10240x96xf32, #tpu.memory_space<vmem_shared>> -> memref<80x96xf32, #tpu.memory_space<vmem_shared>>
      %dma_start3A_54 = arith.constant 0 : i32
      %dma_start3A_55 = tpu.memref_slice %arg21[%add3A_36, %dma_start3A_54] : memref<10240x96xf32, #tpu.memory_space<vmem_shared>> -> memref<80x96xf32, #tpu.memory_space<vmem_shared>>
      tpu.enqueue_dma source(%arg16 : memref<80x96xf32, #tpu.memory_space<vmem>>) target(%dma_start3A_55 : memref<80x96xf32, #tpu.memory_space<vmem_shared>>) target_semaphore(%run_scoped3A : memref<!tpu.dma_semaphore, #tpu.memory_space<semaphore_mem>>)
      %dma_wait3A = arith.constant 0 : i32
      %dma_wait3A_56 = tpu.memref_slice %arg21[%add3A_36, %dma_wait3A] : memref<10240x96xf32, #tpu.memory_space<vmem_shared>> -> memref<80x96xf32, #tpu.memory_space<vmem_shared>>
      %dma_wait3A_57 = arith.constant 0 : i32
      %dma_wait3A_58 = tpu.memref_slice %arg21[%add3A_36, %dma_wait3A_57] : memref<10240x96xf32, #tpu.memory_space<vmem_shared>> -> memref<80x96xf32, #tpu.memory_space<vmem_shared>>
      tpu.wait_dma2 semaphore(%run_scoped3A : memref<!tpu.dma_semaphore, #tpu.memory_space<semaphore_mem>>) src(%arg16 : memref<80x96xf32, #tpu.memory_space<vmem>>) dst(%dma_wait3A_58 : memref<80x96xf32, #tpu.memory_space<vmem_shared>>)
      tpu.yield
    }) : () -> ()
    %mul3A_37 = arith.constant 640 : i32
    %mul3A_38 = arith.muli %arg1, %mul3A_37 : i32
    %add3A_39 = arith.constant 560 : i32
    %add3A_40 = arith.addi %mul3A_38, %add3A_39 : i32
    "tpu.region"() ({
      %run_scoped3A = tpu.sem_alloc : memref<!tpu.dma_semaphore, #tpu.memory_space<semaphore_mem>>
      %dma_start3A = arith.constant 0 : i32
      %dma_start3A_53 = tpu.memref_slice %arg21[%add3A_40, %dma_start3A] : memref<10240x96xf32, #tpu.memory_space<vmem_shared>> -> memref<80x96xf32, #tpu.memory_space<vmem_shared>>
      %dma_start3A_54 = arith.constant 0 : i32
      %dma_start3A_55 = tpu.memref_slice %arg21[%add3A_40, %dma_start3A_54] : memref<10240x96xf32, #tpu.memory_space<vmem_shared>> -> memref<80x96xf32, #tpu.memory_space<vmem_shared>>
      tpu.enqueue_dma source(%arg16 : memref<80x96xf32, #tpu.memory_space<vmem>>) target(%dma_start3A_55 : memref<80x96xf32, #tpu.memory_space<vmem_shared>>) target_semaphore(%run_scoped3A : memref<!tpu.dma_semaphore, #tpu.memory_space<semaphore_mem>>)
      %dma_wait3A = arith.constant 0 : i32
      %dma_wait3A_56 = tpu.memref_slice %arg21[%add3A_40, %dma_wait3A] : memref<10240x96xf32, #tpu.memory_space<vmem_shared>> -> memref<80x96xf32, #tpu.memory_space<vmem_shared>>
      %dma_wait3A_57 = arith.constant 0 : i32
      %dma_wait3A_58 = tpu.memref_slice %arg21[%add3A_40, %dma_wait3A_57] : memref<10240x96xf32, #tpu.memory_space<vmem_shared>> -> memref<80x96xf32, #tpu.memory_space<vmem_shared>>
      tpu.wait_dma2 semaphore(%run_scoped3A : memref<!tpu.dma_semaphore, #tpu.memory_space<semaphore_mem>>) src(%arg16 : memref<80x96xf32, #tpu.memory_space<vmem>>) dst(%dma_wait3A_58 : memref<80x96xf32, #tpu.memory_space<vmem_shared>>)
      tpu.yield
    }) : () -> ()
    %barrier3A = arith.constant 0 : index
    tpu.barrier barrier_id(%barrier3A)
    %scan3A_41 = arith.constant 0 : i32
    %scan3A_42 = arith.constant 0 : i32
    %scan3A_43 = arith.constant 50 : i32
    %scan3A_44 = arith.addi %scan3A_42, %scan3A_43 : i32
    %scan3A_45 = arith.constant 1 : i32
    scf.for %scan3A_53 = %scan3A_42 to %scan3A_44 step %scan3A_45  : i32 {
      %mul3A_54 = arith.constant 5 : i32
      %mul3A_55 = arith.muli %scan3A_53, %mul3A_54 : i32
      %add3A_56 = arith.constant 0 : i32
      %add3A_57 = arith.addi %mul3A_55, %add3A_56 : i32
      %get3A = arith.index_cast %add3A_57 : i32 to index
      %get3A_58 = arith.constant 0 : index
      %get3A_59 = tpu.vector_load %arg5[%get3A, %get3A_58] {strides = array<i32>} : memref<250x80xi32, #tpu.memory_space<vmem>>, vector<1x16xi32>,
      %get3A_60 = vector.shape_cast %get3A_59 : vector<1x16xi32> to vector<16xi32>
      %and3A = arith.constant 65535 : i32
      %and3A_61 = vector.broadcast %and3A : i32 to vector<16xi32>
      %and3A_62 = arith.andi %get3A_60, %and3A_61 : vector<16xi32>
      %swap3A = arith.constant 0 : index
      %swap3A_63 = tpu.vector_load %arg6[%swap3A] {strides = array<i32>} : memref<80xi32, #tpu.memory_space<vmem>>, vector<16xi32>,
      %swap3A_64 = vector.shape_cast %swap3A_63 : vector<16xi32> to vector<16xi32>
      %swap3A_65 = vector.shape_cast %and3A_62 : vector<16xi32> to vector<16xi32>
      tpu.vector_store %arg6[%swap3A], %swap3A_65 {strides = array<i32>} : memref<80xi32, #tpu.memory_space<vmem>>, vector<16xi32>,
      %shift_right_logical3A = arith.constant 16 : i32
      %shift_right_logical3A_66 = vector.broadcast %shift_right_logical3A : i32 to vector<16xi32>
      %shift_right_logical3A_67 = arith.shrui %get3A_60, %shift_right_logical3A_66 : vector<16xi32>
      %swap3A_68 = arith.constant 0 : index
      %swap3A_69 = tpu.vector_load %arg11[%swap3A_68] {strides = array<i32>} : memref<80xi32, #tpu.memory_space<vmem>>, vector<16xi32>,
      %swap3A_70 = vector.shape_cast %swap3A_69 : vector<16xi32> to vector<16xi32>
      %swap3A_71 = vector.shape_cast %shift_right_logical3A_67 : vector<16xi32> to vector<16xi32>
      tpu.vector_store %arg11[%swap3A_68], %swap3A_71 {strides = array<i32>} : memref<80xi32, #tpu.memory_space<vmem>>, vector<16xi32>,
      %add3A_72 = arith.constant 0 : i32
      %add3A_73 = arith.addi %mul3A_55, %add3A_72 : i32
      %get3A_74 = arith.index_cast %add3A_73 : i32 to index
      %get3A_75 = arith.constant 16 : index
      %get3A_76 = tpu.vector_load %arg5[%get3A_74, %get3A_75] {strides = array<i32>} : memref<250x80xi32, #tpu.memory_space<vmem>>, vector<1x16xi32>,
      %get3A_77 = vector.shape_cast %get3A_76 : vector<1x16xi32> to vector<16xi32>
      %and3A_78 = arith.constant 65535 : i32
      %and3A_79 = vector.broadcast %and3A_78 : i32 to vector<16xi32>
      %and3A_80 = arith.andi %get3A_77, %and3A_79 : vector<16xi32>
      %swap3A_81 = arith.constant 16 : index
      %swap3A_82 = tpu.vector_load %arg6[%swap3A_81] {strides = array<i32>} : memref<80xi32, #tpu.memory_space<vmem>>, vector<16xi32>,
      %swap3A_83 = vector.shape_cast %swap3A_82 : vector<16xi32> to vector<16xi32>
      %swap3A_84 = vector.shape_cast %and3A_80 : vector<16xi32> to vector<16xi32>
      tpu.vector_store %arg6[%swap3A_81], %swap3A_84 {strides = array<i32>} : memref<80xi32, #tpu.memory_space<vmem>>, vector<16xi32>,
      %shift_right_logical3A_85 = arith.constant 16 : i32
      %shift_right_logical3A_86 = vector.broadcast %shift_right_logical3A_85 : i32 to vector<16xi32>
      %shift_right_logical3A_87 = arith.shrui %get3A_77, %shift_right_logical3A_86 : vector<16xi32>
      %swap3A_88 = arith.constant 16 : index
      %swap3A_89 = tpu.vector_load %arg11[%swap3A_88] {strides = array<i32>} : memref<80xi32, #tpu.memory_space<vmem>>, vector<16xi32>,
      %swap3A_90 = vector.shape_cast %swap3A_89 : vector<16xi32> to vector<16xi32>
      %swap3A_91 = vector.shape_cast %shift_right_logical3A_87 : vector<16xi32> to vector<16xi32>
      tpu.vector_store %arg11[%swap3A_88], %swap3A_91 {strides = array<i32>} : memref<80xi32, #tpu.memory_space<vmem>>, vector<16xi32>,
      %add3A_92 = arith.constant 0 : i32
      %add3A_93 = arith.addi %mul3A_55, %add3A_92 : i32
      %get3A_94 = arith.index_cast %add3A_93 : i32 to index
      %get3A_95 = arith.constant 32 : index
      %get3A_96 = tpu.vector_load %arg5[%get3A_94, %get3A_95] {strides = array<i32>} : memref<250x80xi32, #tpu.memory_space<vmem>>, vector<1x16xi32>,
      %get3A_97 = vector.shape_cast %get3A_96 : vector<1x16xi32> to vector<16xi32>
      %and3A_98 = arith.constant 65535 : i32
      %and3A_99 = vector.broadcast %and3A_98 : i32 to vector<16xi32>
      %and3A_100 = arith.andi %get3A_97, %and3A_99 : vector<16xi32>
      %swap3A_101 = arith.constant 32 : index
      %swap3A_102 = tpu.vector_load %arg6[%swap3A_101] {strides = array<i32>} : memref<80xi32, #tpu.memory_space<vmem>>, vector<16xi32>,
      %swap3A_103 = vector.shape_cast %swap3A_102 : vector<16xi32> to vector<16xi32>
      %swap3A_104 = vector.shape_cast %and3A_100 : vector<16xi32> to vector<16xi32>
      tpu.vector_store %arg6[%swap3A_101], %swap3A_104 {strides = array<i32>} : memref<80xi32, #tpu.memory_space<vmem>>, vector<16xi32>,
      %shift_right_logical3A_105 = arith.constant 16 : i32
      %shift_right_logical3A_106 = vector.broadcast %shift_right_logical3A_105 : i32 to vector<16xi32>
      %shift_right_logical3A_107 = arith.shrui %get3A_97, %shift_right_logical3A_106 : vector<16xi32>
      %swap3A_108 = arith.constant 32 : index
      %swap3A_109 = tpu.vector_load %arg11[%swap3A_108] {strides = array<i32>} : memref<80xi32, #tpu.memory_space<vmem>>, vector<16xi32>,
      %swap3A_110 = vector.shape_cast %swap3A_109 : vector<16xi32> to vector<16xi32>
      %swap3A_111 = vector.shape_cast %shift_right_logical3A_107 : vector<16xi32> to vector<16xi32>
      tpu.vector_store %arg11[%swap3A_108], %swap3A_111 {strides = array<i32>} : memref<80xi32, #tpu.memory_space<vmem>>, vector<16xi32>,
      %add3A_112 = arith.constant 0 : i32
      %add3A_113 = arith.addi %mul3A_55, %add3A_112 : i32
      %get3A_114 = arith.index_cast %add3A_113 : i32 to index
      %get3A_115 = arith.constant 48 : index
      %get3A_116 = tpu.vector_load %arg5[%get3A_114, %get3A_115] {strides = array<i32>} : memref<250x80xi32, #tpu.memory_space<vmem>>, vector<1x16xi32>,
      %get3A_117 = vector.shape_cast %get3A_116 : vector<1x16xi32> to vector<16xi32>
      %and3A_118 = arith.constant 65535 : i32
      %and3A_119 = vector.broadcast %and3A_118 : i32 to vector<16xi32>
      %and3A_120 = arith.andi %get3A_117, %and3A_119 : vector<16xi32>
      %swap3A_121 = arith.constant 48 : index
      %swap3A_122 = tpu.vector_load %arg6[%swap3A_121] {strides = array<i32>} : memref<80xi32, #tpu.memory_space<vmem>>, vector<16xi32>,
      %swap3A_123 = vector.shape_cast %swap3A_122 : vector<16xi32> to vector<16xi32>
      %swap3A_124 = vector.shape_cast %and3A_120 : vector<16xi32> to vector<16xi32>
      tpu.vector_store %arg6[%swap3A_121], %swap3A_124 {strides = array<i32>} : memref<80xi32, #tpu.memory_space<vmem>>, vector<16xi32>,
      %shift_right_logical3A_125 = arith.constant 16 : i32
      %shift_right_logical3A_126 = vector.broadcast %shift_right_logical3A_125 : i32 to vector<16xi32>
      %shift_right_logical3A_127 = arith.shrui %get3A_117, %shift_right_logical3A_126 : vector<16xi32>
      %swap3A_128 = arith.constant 48 : index
      %swap3A_129 = tpu.vector_load %arg11[%swap3A_128] {strides = array<i32>} : memref<80xi32, #tpu.memory_space<vmem>>, vector<16xi32>,
      %swap3A_130 = vector.shape_cast %swap3A_129 : vector<16xi32> to vector<16xi32>
      %swap3A_131 = vector.shape_cast %shift_right_logical3A_127 : vector<16xi32> to vector<16xi32>
      tpu.vector_store %arg11[%swap3A_128], %swap3A_131 {strides = array<i32>} : memref<80xi32, #tpu.memory_space<vmem>>, vector<16xi32>,
      %add3A_132 = arith.constant 0 : i32
      %add3A_133 = arith.addi %mul3A_55, %add3A_132 : i32
      %get3A_134 = arith.index_cast %add3A_133 : i32 to index
      %get3A_135 = arith.constant 64 : index
      %get3A_136 = tpu.vector_load %arg5[%get3A_134, %get3A_135] {strides = array<i32>} : memref<250x80xi32, #tpu.memory_space<vmem>>, vector<1x16xi32>,
      %get3A_137 = vector.shape_cast %get3A_136 : vector<1x16xi32> to vector<16xi32>
      %and3A_138 = arith.constant 65535 : i32
      %and3A_139 = vector.broadcast %and3A_138 : i32 to vector<16xi32>
      %and3A_140 = arith.andi %get3A_137, %and3A_139 : vector<16xi32>
      %swap3A_141 = arith.constant 64 : index
      %swap3A_142 = tpu.vector_load %arg6[%swap3A_141] {strides = array<i32>} : memref<80xi32, #tpu.memory_space<vmem>>, vector<16xi32>,
      %swap3A_143 = vector.shape_cast %swap3A_142 : vector<16xi32> to vector<16xi32>
      %swap3A_144 = vector.shape_cast %and3A_140 : vector<16xi32> to vector<16xi32>
      tpu.vector_store %arg6[%swap3A_141], %swap3A_144 {strides = array<i32>} : memref<80xi32, #tpu.memory_space<vmem>>, vector<16xi32>,
      %shift_right_logical3A_145 = arith.constant 16 : i32
      %shift_right_logical3A_146 = vector.broadcast %shift_right_logical3A_145 : i32 to vector<16xi32>
      %shift_right_logical3A_147 = arith.shrui %get3A_137, %shift_right_logical3A_146 : vector<16xi32>
      %swap3A_148 = arith.constant 64 : index
      %swap3A_149 = tpu.vector_load %arg11[%swap3A_148] {strides = array<i32>} : memref<80xi32, #tpu.memory_space<vmem>>, vector<16xi32>,
      %swap3A_150 = vector.shape_cast %swap3A_149 : vector<16xi32> to vector<16xi32>
      %swap3A_151 = vector.shape_cast %shift_right_logical3A_147 : vector<16xi32> to vector<16xi32>
      tpu.vector_store %arg11[%swap3A_148], %swap3A_151 {strides = array<i32>} : memref<80xi32, #tpu.memory_space<vmem>>, vector<16xi32>,
      %dma_start3A = arith.constant 0 : i32
      %dma_start3A_152 = arith.constant 0 : i32
      %dma_start3A_153 = tpu.memref_slice %arg2[%dma_start3A, %dma_start3A_152] : memref<20000x96xf32, #tpu.memory_space<hbm>> -> memref<20000x96xf32, #tpu.memory_space<hbm>>
      tpu.enqueue_indirect_dma source(%dma_start3A_153 : memref<20000x96xf32, #tpu.memory_space<hbm>>) target(%arg16 : memref<80x96xf32, #tpu.memory_space<vmem>>) offsets(%arg6 : memref<80xi32, #tpu.memory_space<vmem>>) semaphore(%arg22 : memref<!tpu.dma_semaphore, #tpu.memory_space<semaphore_mem>>)
      %add3A_154 = arith.constant 1 : i32
      %add3A_155 = arith.addi %mul3A_55, %add3A_154 : i32
      %get3A_156 = arith.index_cast %add3A_155 : i32 to index
      %get3A_157 = arith.constant 0 : index
      %get3A_158 = tpu.vector_load %arg5[%get3A_156, %get3A_157] {strides = array<i32>} : memref<250x80xi32, #tpu.memory_space<vmem>>, vector<1x16xi32>,
      %get3A_159 = vector.shape_cast %get3A_158 : vector<1x16xi32> to vector<16xi32>
      %and3A_160 = arith.constant 65535 : i32
      %and3A_161 = vector.broadcast %and3A_160 : i32 to vector<16xi32>
      %and3A_162 = arith.andi %get3A_159, %and3A_161 : vector<16xi32>
      %swap3A_163 = arith.constant 0 : index
      %swap3A_164 = tpu.vector_load %arg7[%swap3A_163] {strides = array<i32>} : memref<80xi32, #tpu.memory_space<vmem>>, vector<16xi32>,
      %swap3A_165 = vector.shape_cast %swap3A_164 : vector<16xi32> to vector<16xi32>
      %swap3A_166 = vector.shape_cast %and3A_162 : vector<16xi32> to vector<16xi32>
      tpu.vector_store %arg7[%swap3A_163], %swap3A_166 {strides = array<i32>} : memref<80xi32, #tpu.memory_space<vmem>>, vector<16xi32>,
      %shift_right_logical3A_167 = arith.constant 16 : i32
      %shift_right_logical3A_168 = vector.broadcast %shift_right_logical3A_167 : i32 to vector<16xi32>
      %shift_right_logical3A_169 = arith.shrui %get3A_159, %shift_right_logical3A_168 : vector<16xi32>
      %swap3A_170 = arith.constant 0 : index
      %swap3A_171 = tpu.vector_load %arg12[%swap3A_170] {strides = array<i32>} : memref<80xi32, #tpu.memory_space<vmem>>, vector<16xi32>,
      %swap3A_172 = vector.shape_cast %swap3A_171 : vector<16xi32> to vector<16xi32>
      %swap3A_173 = vector.shape_cast %shift_right_logical3A_169 : vector<16xi32> to vector<16xi32>
      tpu.vector_store %arg12[%swap3A_170], %swap3A_173 {strides = array<i32>} : memref<80xi32, #tpu.memory_space<vmem>>, vector<16xi32>,
      %add3A_174 = arith.constant 1 : i32
      %add3A_175 = arith.addi %mul3A_55, %add3A_174 : i32
      %get3A_176 = arith.index_cast %add3A_175 : i32 to index
      %get3A_177 = arith.constant 16 : index
      %get3A_178 = tpu.vector_load %arg5[%get3A_176, %get3A_177] {strides = array<i32>} : memref<250x80xi32, #tpu.memory_space<vmem>>, vector<1x16xi32>,
      %get3A_179 = vector.shape_cast %get3A_178 : vector<1x16xi32> to vector<16xi32>
      %and3A_180 = arith.constant 65535 : i32
      %and3A_181 = vector.broadcast %and3A_180 : i32 to vector<16xi32>
      %and3A_182 = arith.andi %get3A_179, %and3A_181 : vector<16xi32>
      %swap3A_183 = arith.constant 16 : index
      %swap3A_184 = tpu.vector_load %arg7[%swap3A_183] {strides = array<i32>} : memref<80xi32, #tpu.memory_space<vmem>>, vector<16xi32>,
      %swap3A_185 = vector.shape_cast %swap3A_184 : vector<16xi32> to vector<16xi32>
      %swap3A_186 = vector.shape_cast %and3A_182 : vector<16xi32> to vector<16xi32>
      tpu.vector_store %arg7[%swap3A_183], %swap3A_186 {strides = array<i32>} : memref<80xi32, #tpu.memory_space<vmem>>, vector<16xi32>,
      %shift_right_logical3A_187 = arith.constant 16 : i32
      %shift_right_logical3A_188 = vector.broadcast %shift_right_logical3A_187 : i32 to vector<16xi32>
      %shift_right_logical3A_189 = arith.shrui %get3A_179, %shift_right_logical3A_188 : vector<16xi32>
      %swap3A_190 = arith.constant 16 : index
      %swap3A_191 = tpu.vector_load %arg12[%swap3A_190] {strides = array<i32>} : memref<80xi32, #tpu.memory_space<vmem>>, vector<16xi32>,
      %swap3A_192 = vector.shape_cast %swap3A_191 : vector<16xi32> to vector<16xi32>
      %swap3A_193 = vector.shape_cast %shift_right_logical3A_189 : vector<16xi32> to vector<16xi32>
      tpu.vector_store %arg12[%swap3A_190], %swap3A_193 {strides = array<i32>} : memref<80xi32, #tpu.memory_space<vmem>>, vector<16xi32>,
      %add3A_194 = arith.constant 1 : i32
      %add3A_195 = arith.addi %mul3A_55, %add3A_194 : i32
      %get3A_196 = arith.index_cast %add3A_195 : i32 to index
      %get3A_197 = arith.constant 32 : index
      %get3A_198 = tpu.vector_load %arg5[%get3A_196, %get3A_197] {strides = array<i32>} : memref<250x80xi32, #tpu.memory_space<vmem>>, vector<1x16xi32>,
      %get3A_199 = vector.shape_cast %get3A_198 : vector<1x16xi32> to vector<16xi32>
      %and3A_200 = arith.constant 65535 : i32
      %and3A_201 = vector.broadcast %and3A_200 : i32 to vector<16xi32>
      %and3A_202 = arith.andi %get3A_199, %and3A_201 : vector<16xi32>
      %swap3A_203 = arith.constant 32 : index
      %swap3A_204 = tpu.vector_load %arg7[%swap3A_203] {strides = array<i32>} : memref<80xi32, #tpu.memory_space<vmem>>, vector<16xi32>,
      %swap3A_205 = vector.shape_cast %swap3A_204 : vector<16xi32> to vector<16xi32>
      %swap3A_206 = vector.shape_cast %and3A_202 : vector<16xi32> to vector<16xi32>
      tpu.vector_store %arg7[%swap3A_203], %swap3A_206 {strides = array<i32>} : memref<80xi32, #tpu.memory_space<vmem>>, vector<16xi32>,
      %shift_right_logical3A_207 = arith.constant 16 : i32
      %shift_right_logical3A_208 = vector.broadcast %shift_right_logical3A_207 : i32 to vector<16xi32>
      %shift_right_logical3A_209 = arith.shrui %get3A_199, %shift_right_logical3A_208 : vector<16xi32>
      %swap3A_210 = arith.constant 32 : index
      %swap3A_211 = tpu.vector_load %arg12[%swap3A_210] {strides = array<i32>} : memref<80xi32, #tpu.memory_space<vmem>>, vector<16xi32>,
      %swap3A_212 = vector.shape_cast %swap3A_211 : vector<16xi32> to vector<16xi32>
      %swap3A_213 = vector.shape_cast %shift_right_logical3A_209 : vector<16xi32> to vector<16xi32>
      tpu.vector_store %arg12[%swap3A_210], %swap3A_213 {strides = array<i32>} : memref<80xi32, #tpu.memory_space<vmem>>, vector<16xi32>,
      %add3A_214 = arith.constant 1 : i32
      %add3A_215 = arith.addi %mul3A_55, %add3A_214 : i32
      %get3A_216 = arith.index_cast %add3A_215 : i32 to index
      %get3A_217 = arith.constant 48 : index
      %get3A_218 = tpu.vector_load %arg5[%get3A_216, %get3A_217] {strides = array<i32>} : memref<250x80xi32, #tpu.memory_space<vmem>>, vector<1x16xi32>,
      %get3A_219 = vector.shape_cast %get3A_218 : vector<1x16xi32> to vector<16xi32>
      %and3A_220 = arith.constant 65535 : i32
      %and3A_221 = vector.broadcast %and3A_220 : i32 to vector<16xi32>
      %and3A_222 = arith.andi %get3A_219, %and3A_221 : vector<16xi32>
      %swap3A_223 = arith.constant 48 : index
      %swap3A_224 = tpu.vector_load %arg7[%swap3A_223] {strides = array<i32>} : memref<80xi32, #tpu.memory_space<vmem>>, vector<16xi32>,
      %swap3A_225 = vector.shape_cast %swap3A_224 : vector<16xi32> to vector<16xi32>
      %swap3A_226 = vector.shape_cast %and3A_222 : vector<16xi32> to vector<16xi32>
      tpu.vector_store %arg7[%swap3A_223], %swap3A_226 {strides = array<i32>} : memref<80xi32, #tpu.memory_space<vmem>>, vector<16xi32>,
      %shift_right_logical3A_227 = arith.constant 16 : i32
      %shift_right_logical3A_228 = vector.broadcast %shift_right_logical3A_227 : i32 to vector<16xi32>
      %shift_right_logical3A_229 = arith.shrui %get3A_219, %shift_right_logical3A_228 : vector<16xi32>
      %swap3A_230 = arith.constant 48 : index
      %swap3A_231 = tpu.vector_load %arg12[%swap3A_230] {strides = array<i32>} : memref<80xi32, #tpu.memory_space<vmem>>, vector<16xi32>,
      %swap3A_232 = vector.shape_cast %swap3A_231 : vector<16xi32> to vector<16xi32>
      %swap3A_233 = vector.shape_cast %shift_right_logical3A_229 : vector<16xi32> to vector<16xi32>
      tpu.vector_store %arg12[%swap3A_230], %swap3A_233 {strides = array<i32>} : memref<80xi32, #tpu.memory_space<vmem>>, vector<16xi32>,
      %add3A_234 = arith.constant 1 : i32
      %add3A_235 = arith.addi %mul3A_55, %add3A_234 : i32
      %get3A_236 = arith.index_cast %add3A_235 : i32 to index
      %get3A_237 = arith.constant 64 : index
      %get3A_238 = tpu.vector_load %arg5[%get3A_236, %get3A_237] {strides = array<i32>} : memref<250x80xi32, #tpu.memory_space<vmem>>, vector<1x16xi32>,
      %get3A_239 = vector.shape_cast %get3A_238 : vector<1x16xi32> to vector<16xi32>
      %and3A_240 = arith.constant 65535 : i32
      %and3A_241 = vector.broadcast %and3A_240 : i32 to vector<16xi32>
      %and3A_242 = arith.andi %get3A_239, %and3A_241 : vector<16xi32>
      %swap3A_243 = arith.constant 64 : index
      %swap3A_244 = tpu.vector_load %arg7[%swap3A_243] {strides = array<i32>} : memref<80xi32, #tpu.memory_space<vmem>>, vector<16xi32>,
      %swap3A_245 = vector.shape_cast %swap3A_244 : vector<16xi32> to vector<16xi32>
      %swap3A_246 = vector.shape_cast %and3A_242 : vector<16xi32> to vector<16xi32>
      tpu.vector_store %arg7[%swap3A_243], %swap3A_246 {strides = array<i32>} : memref<80xi32, #tpu.memory_space<vmem>>, vector<16xi32>,
      %shift_right_logical3A_247 = arith.constant 16 : i32
      %shift_right_logical3A_248 = vector.broadcast %shift_right_logical3A_247 : i32 to vector<16xi32>
      %shift_right_logical3A_249 = arith.shrui %get3A_239, %shift_right_logical3A_248 : vector<16xi32>
      %swap3A_250 = arith.constant 64 : index
      %swap3A_251 = tpu.vector_load %arg12[%swap3A_250] {strides = array<i32>} : memref<80xi32, #tpu.memory_space<vmem>>, vector<16xi32>,
      %swap3A_252 = vector.shape_cast %swap3A_251 : vector<16xi32> to vector<16xi32>
      %swap3A_253 = vector.shape_cast %shift_right_logical3A_249 : vector<16xi32> to vector<16xi32>
      tpu.vector_store %arg12[%swap3A_250], %swap3A_253 {strides = array<i32>} : memref<80xi32, #tpu.memory_space<vmem>>, vector<16xi32>,
      %dma_start3A_254 = arith.constant 0 : i32
      %dma_start3A_255 = arith.constant 0 : i32
      %dma_start3A_256 = tpu.memref_slice %arg2[%dma_start3A_254, %dma_start3A_255] : memref<20000x96xf32, #tpu.memory_space<hbm>> -> memref<20000x96xf32, #tpu.memory_space<hbm>>
      tpu.enqueue_indirect_dma source(%dma_start3A_256 : memref<20000x96xf32, #tpu.memory_space<hbm>>) target(%arg17 : memref<80x96xf32, #tpu.memory_space<vmem>>) offsets(%arg7 : memref<80xi32, #tpu.memory_space<vmem>>) semaphore(%arg23 : memref<!tpu.dma_semaphore, #tpu.memory_space<semaphore_mem>>)
      %add3A_257 = arith.constant 2 : i32
      %add3A_258 = arith.addi %mul3A_55, %add3A_257 : i32
      %get3A_259 = arith.index_cast %add3A_258 : i32 to index
      %get3A_260 = arith.constant 0 : index
      %get3A_261 = tpu.vector_load %arg5[%get3A_259, %get3A_260] {strides = array<i32>} : memref<250x80xi32, #tpu.memory_space<vmem>>, vector<1x16xi32>,
      %get3A_262 = vector.shape_cast %get3A_261 : vector<1x16xi32> to vector<16xi32>
      %and3A_263 = arith.constant 65535 : i32
      %and3A_264 = vector.broadcast %and3A_263 : i32 to vector<16xi32>
      %and3A_265 = arith.andi %get3A_262, %and3A_264 : vector<16xi32>
      %swap3A_266 = arith.constant 0 : index
      %swap3A_267 = tpu.vector_load %arg8[%swap3A_266] {strides = array<i32>} : memref<80xi32, #tpu.memory_space<vmem>>, vector<16xi32>,
      %swap3A_268 = vector.shape_cast %swap3A_267 : vector<16xi32> to vector<16xi32>
      %swap3A_269 = vector.shape_cast %and3A_265 : vector<16xi32> to vector<16xi32>
      tpu.vector_store %arg8[%swap3A_266], %swap3A_269 {strides = array<i32>} : memref<80xi32, #tpu.memory_space<vmem>>, vector<16xi32>,
      %shift_right_logical3A_270 = arith.constant 16 : i32
      %shift_right_logical3A_271 = vector.broadcast %shift_right_logical3A_270 : i32 to vector<16xi32>
      %shift_right_logical3A_272 = arith.shrui %get3A_262, %shift_right_logical3A_271 : vector<16xi32>
      %swap3A_273 = arith.constant 0 : index
      %swap3A_274 = tpu.vector_load %arg13[%swap3A_273] {strides = array<i32>} : memref<80xi32, #tpu.memory_space<vmem>>, vector<16xi32>,
      %swap3A_275 = vector.shape_cast %swap3A_274 : vector<16xi32> to vector<16xi32>
      %swap3A_276 = vector.shape_cast %shift_right_logical3A_272 : vector<16xi32> to vector<16xi32>
      tpu.vector_store %arg13[%swap3A_273], %swap3A_276 {strides = array<i32>} : memref<80xi32, #tpu.memory_space<vmem>>, vector<16xi32>,
      %add3A_277 = arith.constant 2 : i32
      %add3A_278 = arith.addi %mul3A_55, %add3A_277 : i32
      %get3A_279 = arith.index_cast %add3A_278 : i32 to index
      %get3A_280 = arith.constant 16 : index
      %get3A_281 = tpu.vector_load %arg5[%get3A_279, %get3A_280] {strides = array<i32>} : memref<250x80xi32, #tpu.memory_space<vmem>>, vector<1x16xi32>,
      %get3A_282 = vector.shape_cast %get3A_281 : vector<1x16xi32> to vector<16xi32>
      %and3A_283 = arith.constant 65535 : i32
      %and3A_284 = vector.broadcast %and3A_283 : i32 to vector<16xi32>
      %and3A_285 = arith.andi %get3A_282, %and3A_284 : vector<16xi32>
      %swap3A_286 = arith.constant 16 : index
      %swap3A_287 = tpu.vector_load %arg8[%swap3A_286] {strides = array<i32>} : memref<80xi32, #tpu.memory_space<vmem>>, vector<16xi32>,
      %swap3A_288 = vector.shape_cast %swap3A_287 : vector<16xi32> to vector<16xi32>
      %swap3A_289 = vector.shape_cast %and3A_285 : vector<16xi32> to vector<16xi32>
      tpu.vector_store %arg8[%swap3A_286], %swap3A_289 {strides = array<i32>} : memref<80xi32, #tpu.memory_space<vmem>>, vector<16xi32>,
      %shift_right_logical3A_290 = arith.constant 16 : i32
      %shift_right_logical3A_291 = vector.broadcast %shift_right_logical3A_290 : i32 to vector<16xi32>
      %shift_right_logical3A_292 = arith.shrui %get3A_282, %shift_right_logical3A_291 : vector<16xi32>
      %swap3A_293 = arith.constant 16 : index
      %swap3A_294 = tpu.vector_load %arg13[%swap3A_293] {strides = array<i32>} : memref<80xi32, #tpu.memory_space<vmem>>, vector<16xi32>,
      %swap3A_295 = vector.shape_cast %swap3A_294 : vector<16xi32> to vector<16xi32>
      %swap3A_296 = vector.shape_cast %shift_right_logical3A_292 : vector<16xi32> to vector<16xi32>
      tpu.vector_store %arg13[%swap3A_293], %swap3A_296 {strides = array<i32>} : memref<80xi32, #tpu.memory_space<vmem>>, vector<16xi32>,
      %add3A_297 = arith.constant 2 : i32
      %add3A_298 = arith.addi %mul3A_55, %add3A_297 : i32
      %get3A_299 = arith.index_cast %add3A_298 : i32 to index
      %get3A_300 = arith.constant 32 : index
      %get3A_301 = tpu.vector_load %arg5[%get3A_299, %get3A_300] {strides = array<i32>} : memref<250x80xi32, #tpu.memory_space<vmem>>, vector<1x16xi32>,
      %get3A_302 = vector.shape_cast %get3A_301 : vector<1x16xi32> to vector<16xi32>
      %and3A_303 = arith.constant 65535 : i32
      %and3A_304 = vector.broadcast %and3A_303 : i32 to vector<16xi32>
      %and3A_305 = arith.andi %get3A_302, %and3A_304 : vector<16xi32>
      %swap3A_306 = arith.constant 32 : index
      %swap3A_307 = tpu.vector_load %arg8[%swap3A_306] {strides = array<i32>} : memref<80xi32, #tpu.memory_space<vmem>>, vector<16xi32>,
      %swap3A_308 = vector.shape_cast %swap3A_307 : vector<16xi32> to vector<16xi32>
      %swap3A_309 = vector.shape_cast %and3A_305 : vector<16xi32> to vector<16xi32>
      tpu.vector_store %arg8[%swap3A_306], %swap3A_309 {strides = array<i32>} : memref<80xi32, #tpu.memory_space<vmem>>, vector<16xi32>,
      %shift_right_logical3A_310 = arith.constant 16 : i32
      %shift_right_logical3A_311 = vector.broadcast %shift_right_logical3A_310 : i32 to vector<16xi32>
      %shift_right_logical3A_312 = arith.shrui %get3A_302, %shift_right_logical3A_311 : vector<16xi32>
      %swap3A_313 = arith.constant 32 : index
      %swap3A_314 = tpu.vector_load %arg13[%swap3A_313] {strides = array<i32>} : memref<80xi32, #tpu.memory_space<vmem>>, vector<16xi32>,
      %swap3A_315 = vector.shape_cast %swap3A_314 : vector<16xi32> to vector<16xi32>
      %swap3A_316 = vector.shape_cast %shift_right_logical3A_312 : vector<16xi32> to vector<16xi32>
      tpu.vector_store %arg13[%swap3A_313], %swap3A_316 {strides = array<i32>} : memref<80xi32, #tpu.memory_space<vmem>>, vector<16xi32>,
      %add3A_317 = arith.constant 2 : i32
      %add3A_318 = arith.addi %mul3A_55, %add3A_317 : i32
      %get3A_319 = arith.index_cast %add3A_318 : i32 to index
      %get3A_320 = arith.constant 48 : index
      %get3A_321 = tpu.vector_load %arg5[%get3A_319, %get3A_320] {strides = array<i32>} : memref<250x80xi32, #tpu.memory_space<vmem>>, vector<1x16xi32>,
      %get3A_322 = vector.shape_cast %get3A_321 : vector<1x16xi32> to vector<16xi32>
      %and3A_323 = arith.constant 65535 : i32
      %and3A_324 = vector.broadcast %and3A_323 : i32 to vector<16xi32>
      %and3A_325 = arith.andi %get3A_322, %and3A_324 : vector<16xi32>
      %swap3A_326 = arith.constant 48 : index
      %swap3A_327 = tpu.vector_load %arg8[%swap3A_326] {strides = array<i32>} : memref<80xi32, #tpu.memory_space<vmem>>, vector<16xi32>,
      %swap3A_328 = vector.shape_cast %swap3A_327 : vector<16xi32> to vector<16xi32>
      %swap3A_329 = vector.shape_cast %and3A_325 : vector<16xi32> to vector<16xi32>
      tpu.vector_store %arg8[%swap3A_326], %swap3A_329 {strides = array<i32>} : memref<80xi32, #tpu.memory_space<vmem>>, vector<16xi32>,
      %shift_right_logical3A_330 = arith.constant 16 : i32
      %shift_right_logical3A_331 = vector.broadcast %shift_right_logical3A_330 : i32 to vector<16xi32>
      %shift_right_logical3A_332 = arith.shrui %get3A_322, %shift_right_logical3A_331 : vector<16xi32>
      %swap3A_333 = arith.constant 48 : index
      %swap3A_334 = tpu.vector_load %arg13[%swap3A_333] {strides = array<i32>} : memref<80xi32, #tpu.memory_space<vmem>>, vector<16xi32>,
      %swap3A_335 = vector.shape_cast %swap3A_334 : vector<16xi32> to vector<16xi32>
      %swap3A_336 = vector.shape_cast %shift_right_logical3A_332 : vector<16xi32> to vector<16xi32>
      tpu.vector_store %arg13[%swap3A_333], %swap3A_336 {strides = array<i32>} : memref<80xi32, #tpu.memory_space<vmem>>, vector<16xi32>,
      %add3A_337 = arith.constant 2 : i32
      %add3A_338 = arith.addi %mul3A_55, %add3A_337 : i32
      %get3A_339 = arith.index_cast %add3A_338 : i32 to index
      %get3A_340 = arith.constant 64 : index
      %get3A_341 = tpu.vector_load %arg5[%get3A_339, %get3A_340] {strides = array<i32>} : memref<250x80xi32, #tpu.memory_space<vmem>>, vector<1x16xi32>,
      %get3A_342 = vector.shape_cast %get3A_341 : vector<1x16xi32> to vector<16xi32>
      %and3A_343 = arith.constant 65535 : i32
      %and3A_344 = vector.broadcast %and3A_343 : i32 to vector<16xi32>
      %and3A_345 = arith.andi %get3A_342, %and3A_344 : vector<16xi32>
      %swap3A_346 = arith.constant 64 : index
      %swap3A_347 = tpu.vector_load %arg8[%swap3A_346] {strides = array<i32>} : memref<80xi32, #tpu.memory_space<vmem>>, vector<16xi32>,
      %swap3A_348 = vector.shape_cast %swap3A_347 : vector<16xi32> to vector<16xi32>
      %swap3A_349 = vector.shape_cast %and3A_345 : vector<16xi32> to vector<16xi32>
      tpu.vector_store %arg8[%swap3A_346], %swap3A_349 {strides = array<i32>} : memref<80xi32, #tpu.memory_space<vmem>>, vector<16xi32>,
      %shift_right_logical3A_350 = arith.constant 16 : i32
      %shift_right_logical3A_351 = vector.broadcast %shift_right_logical3A_350 : i32 to vector<16xi32>
      %shift_right_logical3A_352 = arith.shrui %get3A_342, %shift_right_logical3A_351 : vector<16xi32>
      %swap3A_353 = arith.constant 64 : index
      %swap3A_354 = tpu.vector_load %arg13[%swap3A_353] {strides = array<i32>} : memref<80xi32, #tpu.memory_space<vmem>>, vector<16xi32>,
      %swap3A_355 = vector.shape_cast %swap3A_354 : vector<16xi32> to vector<16xi32>
      %swap3A_356 = vector.shape_cast %shift_right_logical3A_352 : vector<16xi32> to vector<16xi32>
      tpu.vector_store %arg13[%swap3A_353], %swap3A_356 {strides = array<i32>} : memref<80xi32, #tpu.memory_space<vmem>>, vector<16xi32>,
      %dma_start3A_357 = arith.constant 0 : i32
      %dma_start3A_358 = arith.constant 0 : i32
      %dma_start3A_359 = tpu.memref_slice %arg2[%dma_start3A_357, %dma_start3A_358] : memref<20000x96xf32, #tpu.memory_space<hbm>> -> memref<20000x96xf32, #tpu.memory_space<hbm>>
      tpu.enqueue_indirect_dma source(%dma_start3A_359 : memref<20000x96xf32, #tpu.memory_space<hbm>>) target(%arg18 : memref<80x96xf32, #tpu.memory_space<vmem>>) offsets(%arg8 : memref<80xi32, #tpu.memory_space<vmem>>) semaphore(%arg24 : memref<!tpu.dma_semaphore, #tpu.memory_space<semaphore_mem>>)
      %add3A_360 = arith.constant 3 : i32
      %add3A_361 = arith.addi %mul3A_55, %add3A_360 : i32
      %get3A_362 = arith.index_cast %add3A_361 : i32 to index
      %get3A_363 = arith.constant 0 : index
      %get3A_364 = tpu.vector_load %arg5[%get3A_362, %get3A_363] {strides = array<i32>} : memref<250x80xi32, #tpu.memory_space<vmem>>, vector<1x16xi32>,
      %get3A_365 = vector.shape_cast %get3A_364 : vector<1x16xi32> to vector<16xi32>
      %and3A_366 = arith.constant 65535 : i32
      %and3A_367 = vector.broadcast %and3A_366 : i32 to vector<16xi32>
      %and3A_368 = arith.andi %get3A_365, %and3A_367 : vector<16xi32>
      %swap3A_369 = arith.constant 0 : index
      %swap3A_370 = tpu.vector_load %arg9[%swap3A_369] {strides = array<i32>} : memref<80xi32, #tpu.memory_space<vmem>>, vector<16xi32>,
      %swap3A_371 = vector.shape_cast %swap3A_370 : vector<16xi32> to vector<16xi32>
      %swap3A_372 = vector.shape_cast %and3A_368 : vector<16xi32> to vector<16xi32>
      tpu.vector_store %arg9[%swap3A_369], %swap3A_372 {strides = array<i32>} : memref<80xi32, #tpu.memory_space<vmem>>, vector<16xi32>,
      %shift_right_logical3A_373 = arith.constant 16 : i32
      %shift_right_logical3A_374 = vector.broadcast %shift_right_logical3A_373 : i32 to vector<16xi32>
      %shift_right_logical3A_375 = arith.shrui %get3A_365, %shift_right_logical3A_374 : vector<16xi32>
      %swap3A_376 = arith.constant 0 : index
      %swap3A_377 = tpu.vector_load %arg14[%swap3A_376] {strides = array<i32>} : memref<80xi32, #tpu.memory_space<vmem>>, vector<16xi32>,
      %swap3A_378 = vector.shape_cast %swap3A_377 : vector<16xi32> to vector<16xi32>
      %swap3A_379 = vector.shape_cast %shift_right_logical3A_375 : vector<16xi32> to vector<16xi32>
      tpu.vector_store %arg14[%swap3A_376], %swap3A_379 {strides = array<i32>} : memref<80xi32, #tpu.memory_space<vmem>>, vector<16xi32>,
      %add3A_380 = arith.constant 3 : i32
      %add3A_381 = arith.addi %mul3A_55, %add3A_380 : i32
      %get3A_382 = arith.index_cast %add3A_381 : i32 to index
      %get3A_383 = arith.constant 16 : index
      %get3A_384 = tpu.vector_load %arg5[%get3A_382, %get3A_383] {strides = array<i32>} : memref<250x80xi32, #tpu.memory_space<vmem>>, vector<1x16xi32>,
      %get3A_385 = vector.shape_cast %get3A_384 : vector<1x16xi32> to vector<16xi32>
      %and3A_386 = arith.constant 65535 : i32
      %and3A_387 = vector.broadcast %and3A_386 : i32 to vector<16xi32>
      %and3A_388 = arith.andi %get3A_385, %and3A_387 : vector<16xi32>
      %swap3A_389 = arith.constant 16 : index
      %swap3A_390 = tpu.vector_load %arg9[%swap3A_389] {strides = array<i32>} : memref<80xi32, #tpu.memory_space<vmem>>, vector<16xi32>,
      %swap3A_391 = vector.shape_cast %swap3A_390 : vector<16xi32> to vector<16xi32>
      %swap3A_392 = vector.shape_cast %and3A_388 : vector<16xi32> to vector<16xi32>
      tpu.vector_store %arg9[%swap3A_389], %swap3A_392 {strides = array<i32>} : memref<80xi32, #tpu.memory_space<vmem>>, vector<16xi32>,
      %shift_right_logical3A_393 = arith.constant 16 : i32
      %shift_right_logical3A_394 = vector.broadcast %shift_right_logical3A_393 : i32 to vector<16xi32>
      %shift_right_logical3A_395 = arith.shrui %get3A_385, %shift_right_logical3A_394 : vector<16xi32>
      %swap3A_396 = arith.constant 16 : index
      %swap3A_397 = tpu.vector_load %arg14[%swap3A_396] {strides = array<i32>} : memref<80xi32, #tpu.memory_space<vmem>>, vector<16xi32>,
      %swap3A_398 = vector.shape_cast %swap3A_397 : vector<16xi32> to vector<16xi32>
      %swap3A_399 = vector.shape_cast %shift_right_logical3A_395 : vector<16xi32> to vector<16xi32>
      tpu.vector_store %arg14[%swap3A_396], %swap3A_399 {strides = array<i32>} : memref<80xi32, #tpu.memory_space<vmem>>, vector<16xi32>,
      %add3A_400 = arith.constant 3 : i32
      %add3A_401 = arith.addi %mul3A_55, %add3A_400 : i32
      %get3A_402 = arith.index_cast %add3A_401 : i32 to index
      %get3A_403 = arith.constant 32 : index
      %get3A_404 = tpu.vector_load %arg5[%get3A_402, %get3A_403] {strides = array<i32>} : memref<250x80xi32, #tpu.memory_space<vmem>>, vector<1x16xi32>,
      %get3A_405 = vector.shape_cast %get3A_404 : vector<1x16xi32> to vector<16xi32>
      %and3A_406 = arith.constant 65535 : i32
      %and3A_407 = vector.broadcast %and3A_406 : i32 to vector<16xi32>
      %and3A_408 = arith.andi %get3A_405, %and3A_407 : vector<16xi32>
      %swap3A_409 = arith.constant 32 : index
      %swap3A_410 = tpu.vector_load %arg9[%swap3A_409] {strides = array<i32>} : memref<80xi32, #tpu.memory_space<vmem>>, vector<16xi32>,
      %swap3A_411 = vector.shape_cast %swap3A_410 : vector<16xi32> to vector<16xi32>
      %swap3A_412 = vector.shape_cast %and3A_408 : vector<16xi32> to vector<16xi32>
      tpu.vector_store %arg9[%swap3A_409], %swap3A_412 {strides = array<i32>} : memref<80xi32, #tpu.memory_space<vmem>>, vector<16xi32>,
      %shift_right_logical3A_413 = arith.constant 16 : i32
      %shift_right_logical3A_414 = vector.broadcast %shift_right_logical3A_413 : i32 to vector<16xi32>
      %shift_right_logical3A_415 = arith.shrui %get3A_405, %shift_right_logical3A_414 : vector<16xi32>
      %swap3A_416 = arith.constant 32 : index
      %swap3A_417 = tpu.vector_load %arg14[%swap3A_416] {strides = array<i32>} : memref<80xi32, #tpu.memory_space<vmem>>, vector<16xi32>,
      %swap3A_418 = vector.shape_cast %swap3A_417 : vector<16xi32> to vector<16xi32>
      %swap3A_419 = vector.shape_cast %shift_right_logical3A_415 : vector<16xi32> to vector<16xi32>
      tpu.vector_store %arg14[%swap3A_416], %swap3A_419 {strides = array<i32>} : memref<80xi32, #tpu.memory_space<vmem>>, vector<16xi32>,
      %add3A_420 = arith.constant 3 : i32
      %add3A_421 = arith.addi %mul3A_55, %add3A_420 : i32
      %get3A_422 = arith.index_cast %add3A_421 : i32 to index
      %get3A_423 = arith.constant 48 : index
      %get3A_424 = tpu.vector_load %arg5[%get3A_422, %get3A_423] {strides = array<i32>} : memref<250x80xi32, #tpu.memory_space<vmem>>, vector<1x16xi32>,
      %get3A_425 = vector.shape_cast %get3A_424 : vector<1x16xi32> to vector<16xi32>
      %and3A_426 = arith.constant 65535 : i32
      %and3A_427 = vector.broadcast %and3A_426 : i32 to vector<16xi32>
      %and3A_428 = arith.andi %get3A_425, %and3A_427 : vector<16xi32>
      %swap3A_429 = arith.constant 48 : index
      %swap3A_430 = tpu.vector_load %arg9[%swap3A_429] {strides = array<i32>} : memref<80xi32, #tpu.memory_space<vmem>>, vector<16xi32>,
      %swap3A_431 = vector.shape_cast %swap3A_430 : vector<16xi32> to vector<16xi32>
      %swap3A_432 = vector.shape_cast %and3A_428 : vector<16xi32> to vector<16xi32>
      tpu.vector_store %arg9[%swap3A_429], %swap3A_432 {strides = array<i32>} : memref<80xi32, #tpu.memory_space<vmem>>, vector<16xi32>,
      %shift_right_logical3A_433 = arith.constant 16 : i32
      %shift_right_logical3A_434 = vector.broadcast %shift_right_logical3A_433 : i32 to vector<16xi32>
      %shift_right_logical3A_435 = arith.shrui %get3A_425, %shift_right_logical3A_434 : vector<16xi32>
      %swap3A_436 = arith.constant 48 : index
      %swap3A_437 = tpu.vector_load %arg14[%swap3A_436] {strides = array<i32>} : memref<80xi32, #tpu.memory_space<vmem>>, vector<16xi32>,
      %swap3A_438 = vector.shape_cast %swap3A_437 : vector<16xi32> to vector<16xi32>
      %swap3A_439 = vector.shape_cast %shift_right_logical3A_435 : vector<16xi32> to vector<16xi32>
      tpu.vector_store %arg14[%swap3A_436], %swap3A_439 {strides = array<i32>} : memref<80xi32, #tpu.memory_space<vmem>>, vector<16xi32>,
      %add3A_440 = arith.constant 3 : i32
      %add3A_441 = arith.addi %mul3A_55, %add3A_440 : i32
      %get3A_442 = arith.index_cast %add3A_441 : i32 to index
      %get3A_443 = arith.constant 64 : index
      %get3A_444 = tpu.vector_load %arg5[%get3A_442, %get3A_443] {strides = array<i32>} : memref<250x80xi32, #tpu.memory_space<vmem>>, vector<1x16xi32>,
      %get3A_445 = vector.shape_cast %get3A_444 : vector<1x16xi32> to vector<16xi32>
      %and3A_446 = arith.constant 65535 : i32
      %and3A_447 = vector.broadcast %and3A_446 : i32 to vector<16xi32>
      %and3A_448 = arith.andi %get3A_445, %and3A_447 : vector<16xi32>
      %swap3A_449 = arith.constant 64 : index
      %swap3A_450 = tpu.vector_load %arg9[%swap3A_449] {strides = array<i32>} : memref<80xi32, #tpu.memory_space<vmem>>, vector<16xi32>,
      %swap3A_451 = vector.shape_cast %swap3A_450 : vector<16xi32> to vector<16xi32>
      %swap3A_452 = vector.shape_cast %and3A_448 : vector<16xi32> to vector<16xi32>
      tpu.vector_store %arg9[%swap3A_449], %swap3A_452 {strides = array<i32>} : memref<80xi32, #tpu.memory_space<vmem>>, vector<16xi32>,
      %shift_right_logical3A_453 = arith.constant 16 : i32
      %shift_right_logical3A_454 = vector.broadcast %shift_right_logical3A_453 : i32 to vector<16xi32>
      %shift_right_logical3A_455 = arith.shrui %get3A_445, %shift_right_logical3A_454 : vector<16xi32>
      %swap3A_456 = arith.constant 64 : index
      %swap3A_457 = tpu.vector_load %arg14[%swap3A_456] {strides = array<i32>} : memref<80xi32, #tpu.memory_space<vmem>>, vector<16xi32>,
      %swap3A_458 = vector.shape_cast %swap3A_457 : vector<16xi32> to vector<16xi32>
      %swap3A_459 = vector.shape_cast %shift_right_logical3A_455 : vector<16xi32> to vector<16xi32>
      tpu.vector_store %arg14[%swap3A_456], %swap3A_459 {strides = array<i32>} : memref<80xi32, #tpu.memory_space<vmem>>, vector<16xi32>,
      %dma_start3A_460 = arith.constant 0 : i32
      %dma_start3A_461 = arith.constant 0 : i32
      %dma_start3A_462 = tpu.memref_slice %arg2[%dma_start3A_460, %dma_start3A_461] : memref<20000x96xf32, #tpu.memory_space<hbm>> -> memref<20000x96xf32, #tpu.memory_space<hbm>>
      tpu.enqueue_indirect_dma source(%dma_start3A_462 : memref<20000x96xf32, #tpu.memory_space<hbm>>) target(%arg19 : memref<80x96xf32, #tpu.memory_space<vmem>>) offsets(%arg9 : memref<80xi32, #tpu.memory_space<vmem>>) semaphore(%arg25 : memref<!tpu.dma_semaphore, #tpu.memory_space<semaphore_mem>>)
      %add3A_463 = arith.constant 4 : i32
      %add3A_464 = arith.addi %mul3A_55, %add3A_463 : i32
      %get3A_465 = arith.index_cast %add3A_464 : i32 to index
      %get3A_466 = arith.constant 0 : index
      %get3A_467 = tpu.vector_load %arg5[%get3A_465, %get3A_466] {strides = array<i32>} : memref<250x80xi32, #tpu.memory_space<vmem>>, vector<1x16xi32>,
      %get3A_468 = vector.shape_cast %get3A_467 : vector<1x16xi32> to vector<16xi32>
      %and3A_469 = arith.constant 65535 : i32
      %and3A_470 = vector.broadcast %and3A_469 : i32 to vector<16xi32>
      %and3A_471 = arith.andi %get3A_468, %and3A_470 : vector<16xi32>
      %swap3A_472 = arith.constant 0 : index
      %swap3A_473 = tpu.vector_load %arg10[%swap3A_472] {strides = array<i32>} : memref<80xi32, #tpu.memory_space<vmem>>, vector<16xi32>,
      %swap3A_474 = vector.shape_cast %swap3A_473 : vector<16xi32> to vector<16xi32>
      %swap3A_475 = vector.shape_cast %and3A_471 : vector<16xi32> to vector<16xi32>
      tpu.vector_store %arg10[%swap3A_472], %swap3A_475 {strides = array<i32>} : memref<80xi32, #tpu.memory_space<vmem>>, vector<16xi32>,
      %shift_right_logical3A_476 = arith.constant 16 : i32
      %shift_right_logical3A_477 = vector.broadcast %shift_right_logical3A_476 : i32 to vector<16xi32>
      %shift_right_logical3A_478 = arith.shrui %get3A_468, %shift_right_logical3A_477 : vector<16xi32>
      %swap3A_479 = arith.constant 0 : index
      %swap3A_480 = tpu.vector_load %arg15[%swap3A_479] {strides = array<i32>} : memref<80xi32, #tpu.memory_space<vmem>>, vector<16xi32>,
      %swap3A_481 = vector.shape_cast %swap3A_480 : vector<16xi32> to vector<16xi32>
      %swap3A_482 = vector.shape_cast %shift_right_logical3A_478 : vector<16xi32> to vector<16xi32>
      tpu.vector_store %arg15[%swap3A_479], %swap3A_482 {strides = array<i32>} : memref<80xi32, #tpu.memory_space<vmem>>, vector<16xi32>,
      %add3A_483 = arith.constant 4 : i32
      %add3A_484 = arith.addi %mul3A_55, %add3A_483 : i32
      %get3A_485 = arith.index_cast %add3A_484 : i32 to index
      %get3A_486 = arith.constant 16 : index
      %get3A_487 = tpu.vector_load %arg5[%get3A_485, %get3A_486] {strides = array<i32>} : memref<250x80xi32, #tpu.memory_space<vmem>>, vector<1x16xi32>,
      %get3A_488 = vector.shape_cast %get3A_487 : vector<1x16xi32> to vector<16xi32>
      %and3A_489 = arith.constant 65535 : i32
      %and3A_490 = vector.broadcast %and3A_489 : i32 to vector<16xi32>
      %and3A_491 = arith.andi %get3A_488, %and3A_490 : vector<16xi32>
      %swap3A_492 = arith.constant 16 : index
      %swap3A_493 = tpu.vector_load %arg10[%swap3A_492] {strides = array<i32>} : memref<80xi32, #tpu.memory_space<vmem>>, vector<16xi32>,
      %swap3A_494 = vector.shape_cast %swap3A_493 : vector<16xi32> to vector<16xi32>
      %swap3A_495 = vector.shape_cast %and3A_491 : vector<16xi32> to vector<16xi32>
      tpu.vector_store %arg10[%swap3A_492], %swap3A_495 {strides = array<i32>} : memref<80xi32, #tpu.memory_space<vmem>>, vector<16xi32>,
      %shift_right_logical3A_496 = arith.constant 16 : i32
      %shift_right_logical3A_497 = vector.broadcast %shift_right_logical3A_496 : i32 to vector<16xi32>
      %shift_right_logical3A_498 = arith.shrui %get3A_488, %shift_right_logical3A_497 : vector<16xi32>
      %swap3A_499 = arith.constant 16 : index
      %swap3A_500 = tpu.vector_load %arg15[%swap3A_499] {strides = array<i32>} : memref<80xi32, #tpu.memory_space<vmem>>, vector<16xi32>,
      %swap3A_501 = vector.shape_cast %swap3A_500 : vector<16xi32> to vector<16xi32>
      %swap3A_502 = vector.shape_cast %shift_right_logical3A_498 : vector<16xi32> to vector<16xi32>
      tpu.vector_store %arg15[%swap3A_499], %swap3A_502 {strides = array<i32>} : memref<80xi32, #tpu.memory_space<vmem>>, vector<16xi32>,
      %add3A_503 = arith.constant 4 : i32
      %add3A_504 = arith.addi %mul3A_55, %add3A_503 : i32
      %get3A_505 = arith.index_cast %add3A_504 : i32 to index
      %get3A_506 = arith.constant 32 : index
      %get3A_507 = tpu.vector_load %arg5[%get3A_505, %get3A_506] {strides = array<i32>} : memref<250x80xi32, #tpu.memory_space<vmem>>, vector<1x16xi32>,
      %get3A_508 = vector.shape_cast %get3A_507 : vector<1x16xi32> to vector<16xi32>
      %and3A_509 = arith.constant 65535 : i32
      %and3A_510 = vector.broadcast %and3A_509 : i32 to vector<16xi32>
      %and3A_511 = arith.andi %get3A_508, %and3A_510 : vector<16xi32>
      %swap3A_512 = arith.constant 32 : index
      %swap3A_513 = tpu.vector_load %arg10[%swap3A_512] {strides = array<i32>} : memref<80xi32, #tpu.memory_space<vmem>>, vector<16xi32>,
      %swap3A_514 = vector.shape_cast %swap3A_513 : vector<16xi32> to vector<16xi32>
      %swap3A_515 = vector.shape_cast %and3A_511 : vector<16xi32> to vector<16xi32>
      tpu.vector_store %arg10[%swap3A_512], %swap3A_515 {strides = array<i32>} : memref<80xi32, #tpu.memory_space<vmem>>, vector<16xi32>,
      %shift_right_logical3A_516 = arith.constant 16 : i32
      %shift_right_logical3A_517 = vector.broadcast %shift_right_logical3A_516 : i32 to vector<16xi32>
      %shift_right_logical3A_518 = arith.shrui %get3A_508, %shift_right_logical3A_517 : vector<16xi32>
      %swap3A_519 = arith.constant 32 : index
      %swap3A_520 = tpu.vector_load %arg15[%swap3A_519] {strides = array<i32>} : memref<80xi32, #tpu.memory_space<vmem>>, vector<16xi32>,
      %swap3A_521 = vector.shape_cast %swap3A_520 : vector<16xi32> to vector<16xi32>
      %swap3A_522 = vector.shape_cast %shift_right_logical3A_518 : vector<16xi32> to vector<16xi32>
      tpu.vector_store %arg15[%swap3A_519], %swap3A_522 {strides = array<i32>} : memref<80xi32, #tpu.memory_space<vmem>>, vector<16xi32>,
      %add3A_523 = arith.constant 4 : i32
      %add3A_524 = arith.addi %mul3A_55, %add3A_523 : i32
      %get3A_525 = arith.index_cast %add3A_524 : i32 to index
      %get3A_526 = arith.constant 48 : index
      %get3A_527 = tpu.vector_load %arg5[%get3A_525, %get3A_526] {strides = array<i32>} : memref<250x80xi32, #tpu.memory_space<vmem>>, vector<1x16xi32>,
      %get3A_528 = vector.shape_cast %get3A_527 : vector<1x16xi32> to vector<16xi32>
      %and3A_529 = arith.constant 65535 : i32
      %and3A_530 = vector.broadcast %and3A_529 : i32 to vector<16xi32>
      %and3A_531 = arith.andi %get3A_528, %and3A_530 : vector<16xi32>
      %swap3A_532 = arith.constant 48 : index
      %swap3A_533 = tpu.vector_load %arg10[%swap3A_532] {strides = array<i32>} : memref<80xi32, #tpu.memory_space<vmem>>, vector<16xi32>,
      %swap3A_534 = vector.shape_cast %swap3A_533 : vector<16xi32> to vector<16xi32>
      %swap3A_535 = vector.shape_cast %and3A_531 : vector<16xi32> to vector<16xi32>
      tpu.vector_store %arg10[%swap3A_532], %swap3A_535 {strides = array<i32>} : memref<80xi32, #tpu.memory_space<vmem>>, vector<16xi32>,
      %shift_right_logical3A_536 = arith.constant 16 : i32
      %shift_right_logical3A_537 = vector.broadcast %shift_right_logical3A_536 : i32 to vector<16xi32>
      %shift_right_logical3A_538 = arith.shrui %get3A_528, %shift_right_logical3A_537 : vector<16xi32>
      %swap3A_539 = arith.constant 48 : index
      %swap3A_540 = tpu.vector_load %arg15[%swap3A_539] {strides = array<i32>} : memref<80xi32, #tpu.memory_space<vmem>>, vector<16xi32>,
      %swap3A_541 = vector.shape_cast %swap3A_540 : vector<16xi32> to vector<16xi32>
      %swap3A_542 = vector.shape_cast %shift_right_logical3A_538 : vector<16xi32> to vector<16xi32>
      tpu.vector_store %arg15[%swap3A_539], %swap3A_542 {strides = array<i32>} : memref<80xi32, #tpu.memory_space<vmem>>, vector<16xi32>,
      %add3A_543 = arith.constant 4 : i32
      %add3A_544 = arith.addi %mul3A_55, %add3A_543 : i32
      %get3A_545 = arith.index_cast %add3A_544 : i32 to index
      %get3A_546 = arith.constant 64 : index
      %get3A_547 = tpu.vector_load %arg5[%get3A_545, %get3A_546] {strides = array<i32>} : memref<250x80xi32, #tpu.memory_space<vmem>>, vector<1x16xi32>,
      %get3A_548 = vector.shape_cast %get3A_547 : vector<1x16xi32> to vector<16xi32>
      %and3A_549 = arith.constant 65535 : i32
      %and3A_550 = vector.broadcast %and3A_549 : i32 to vector<16xi32>
      %and3A_551 = arith.andi %get3A_548, %and3A_550 : vector<16xi32>
      %swap3A_552 = arith.constant 64 : index
      %swap3A_553 = tpu.vector_load %arg10[%swap3A_552] {strides = array<i32>} : memref<80xi32, #tpu.memory_space<vmem>>, vector<16xi32>,
      %swap3A_554 = vector.shape_cast %swap3A_553 : vector<16xi32> to vector<16xi32>
      %swap3A_555 = vector.shape_cast %and3A_551 : vector<16xi32> to vector<16xi32>
      tpu.vector_store %arg10[%swap3A_552], %swap3A_555 {strides = array<i32>} : memref<80xi32, #tpu.memory_space<vmem>>, vector<16xi32>,
      %shift_right_logical3A_556 = arith.constant 16 : i32
      %shift_right_logical3A_557 = vector.broadcast %shift_right_logical3A_556 : i32 to vector<16xi32>
      %shift_right_logical3A_558 = arith.shrui %get3A_548, %shift_right_logical3A_557 : vector<16xi32>
      %swap3A_559 = arith.constant 64 : index
      %swap3A_560 = tpu.vector_load %arg15[%swap3A_559] {strides = array<i32>} : memref<80xi32, #tpu.memory_space<vmem>>, vector<16xi32>,
      %swap3A_561 = vector.shape_cast %swap3A_560 : vector<16xi32> to vector<16xi32>
      %swap3A_562 = vector.shape_cast %shift_right_logical3A_558 : vector<16xi32> to vector<16xi32>
      tpu.vector_store %arg15[%swap3A_559], %swap3A_562 {strides = array<i32>} : memref<80xi32, #tpu.memory_space<vmem>>, vector<16xi32>,
      %dma_start3A_563 = arith.constant 0 : i32
      %dma_start3A_564 = arith.constant 0 : i32
      %dma_start3A_565 = tpu.memref_slice %arg2[%dma_start3A_563, %dma_start3A_564] : memref<20000x96xf32, #tpu.memory_space<hbm>> -> memref<20000x96xf32, #tpu.memory_space<hbm>>
      tpu.enqueue_indirect_dma source(%dma_start3A_565 : memref<20000x96xf32, #tpu.memory_space<hbm>>) target(%arg20 : memref<80x96xf32, #tpu.memory_space<vmem>>) offsets(%arg10 : memref<80xi32, #tpu.memory_space<vmem>>) semaphore(%arg26 : memref<!tpu.dma_semaphore, #tpu.memory_space<semaphore_mem>>)
      %dma_wait3A = arith.constant 0 : i32
      %dma_wait3A_566 = arith.constant 0 : i32
      %dma_wait3A_567 = tpu.memref_slice %arg2[%dma_wait3A, %dma_wait3A_566] : memref<20000x96xf32, #tpu.memory_space<hbm>> -> memref<20000x96xf32, #tpu.memory_space<hbm>>
      tpu.wait_indirect_dma semaphore(%arg22 : memref<!tpu.dma_semaphore, #tpu.memory_space<semaphore_mem>>) src(%dma_wait3A_567 : memref<20000x96xf32, #tpu.memory_space<hbm>>) dst(%arg16 : memref<80x96xf32, #tpu.memory_space<vmem>>)
      "tpu.region"() ({
        %run_scoped3A = tpu.sem_alloc : memref<!tpu.dma_semaphore, #tpu.memory_space<semaphore_mem>>
        %dma_start3A_580 = arith.constant 0 : i32
        %dma_start3A_581 = arith.constant 0 : i32
        %dma_start3A_582 = tpu.memref_slice %arg21[%dma_start3A_580, %dma_start3A_581] : memref<10240x96xf32, #tpu.memory_space<vmem_shared>> -> memref<10240x96xf32, #tpu.memory_space<vmem_shared>>
        tpu.enqueue_indirect_dma source(%arg16 : memref<80x96xf32, #tpu.memory_space<vmem>>) target(%dma_start3A_582 : memref<10240x96xf32, #tpu.memory_space<vmem_shared>>) offsets(%arg11 : memref<80xi32, #tpu.memory_space<vmem>>) semaphore(%run_scoped3A : memref<!tpu.dma_semaphore, #tpu.memory_space<semaphore_mem>>) {add = true}
        %dma_wait3A_583 = arith.constant 0 : i32
        %dma_wait3A_584 = arith.constant 0 : i32
        %dma_wait3A_585 = tpu.memref_slice %arg21[%dma_wait3A_583, %dma_wait3A_584] : memref<10240x96xf32, #tpu.memory_space<vmem_shared>> -> memref<10240x96xf32, #tpu.memory_space<vmem_shared>>
        tpu.wait_indirect_dma semaphore(%run_scoped3A : memref<!tpu.dma_semaphore, #tpu.memory_space<semaphore_mem>>) src(%arg16 : memref<80x96xf32, #tpu.memory_space<vmem>>) dst(%dma_wait3A_585 : memref<10240x96xf32, #tpu.memory_space<vmem_shared>>)
        tpu.yield
      }) : () -> ()
      %dma_wait3A_568 = arith.constant 0 : i32
      %dma_wait3A_569 = arith.constant 0 : i32
      %dma_wait3A_570 = tpu.memref_slice %arg2[%dma_wait3A_568, %dma_wait3A_569] : memref<20000x96xf32, #tpu.memory_space<hbm>> -> memref<20000x96xf32, #tpu.memory_space<hbm>>
      tpu.wait_indirect_dma semaphore(%arg23 : memref<!tpu.dma_semaphore, #tpu.memory_space<semaphore_mem>>) src(%dma_wait3A_570 : memref<20000x96xf32, #tpu.memory_space<hbm>>) dst(%arg17 : memref<80x96xf32, #tpu.memory_space<vmem>>)
      "tpu.region"() ({
        %run_scoped3A = tpu.sem_alloc : memref<!tpu.dma_semaphore, #tpu.memory_space<semaphore_mem>>
        %dma_start3A_580 = arith.constant 0 : i32
        %dma_start3A_581 = arith.constant 0 : i32
        %dma_start3A_582 = tpu.memref_slice %arg21[%dma_start3A_580, %dma_start3A_581] : memref<10240x96xf32, #tpu.memory_space<vmem_shared>> -> memref<10240x96xf32, #tpu.memory_space<vmem_shared>>
        tpu.enqueue_indirect_dma source(%arg17 : memref<80x96xf32, #tpu.memory_space<vmem>>) target(%dma_start3A_582 : memref<10240x96xf32, #tpu.memory_space<vmem_shared>>) offsets(%arg12 : memref<80xi32, #tpu.memory_space<vmem>>) semaphore(%run_scoped3A : memref<!tpu.dma_semaphore, #tpu.memory_space<semaphore_mem>>) {add = true}
        %dma_wait3A_583 = arith.constant 0 : i32
        %dma_wait3A_584 = arith.constant 0 : i32
        %dma_wait3A_585 = tpu.memref_slice %arg21[%dma_wait3A_583, %dma_wait3A_584] : memref<10240x96xf32, #tpu.memory_space<vmem_shared>> -> memref<10240x96xf32, #tpu.memory_space<vmem_shared>>
        tpu.wait_indirect_dma semaphore(%run_scoped3A : memref<!tpu.dma_semaphore, #tpu.memory_space<semaphore_mem>>) src(%arg17 : memref<80x96xf32, #tpu.memory_space<vmem>>) dst(%dma_wait3A_585 : memref<10240x96xf32, #tpu.memory_space<vmem_shared>>)
        tpu.yield
      }) : () -> ()
      %dma_wait3A_571 = arith.constant 0 : i32
      %dma_wait3A_572 = arith.constant 0 : i32
      %dma_wait3A_573 = tpu.memref_slice %arg2[%dma_wait3A_571, %dma_wait3A_572] : memref<20000x96xf32, #tpu.memory_space<hbm>> -> memref<20000x96xf32, #tpu.memory_space<hbm>>
      tpu.wait_indirect_dma semaphore(%arg24 : memref<!tpu.dma_semaphore, #tpu.memory_space<semaphore_mem>>) src(%dma_wait3A_573 : memref<20000x96xf32, #tpu.memory_space<hbm>>) dst(%arg18 : memref<80x96xf32, #tpu.memory_space<vmem>>)
      "tpu.region"() ({
        %run_scoped3A = tpu.sem_alloc : memref<!tpu.dma_semaphore, #tpu.memory_space<semaphore_mem>>
        %dma_start3A_580 = arith.constant 0 : i32
        %dma_start3A_581 = arith.constant 0 : i32
        %dma_start3A_582 = tpu.memref_slice %arg21[%dma_start3A_580, %dma_start3A_581] : memref<10240x96xf32, #tpu.memory_space<vmem_shared>> -> memref<10240x96xf32, #tpu.memory_space<vmem_shared>>
        tpu.enqueue_indirect_dma source(%arg18 : memref<80x96xf32, #tpu.memory_space<vmem>>) target(%dma_start3A_582 : memref<10240x96xf32, #tpu.memory_space<vmem_shared>>) offsets(%arg13 : memref<80xi32, #tpu.memory_space<vmem>>) semaphore(%run_scoped3A : memref<!tpu.dma_semaphore, #tpu.memory_space<semaphore_mem>>) {add = true}
        %dma_wait3A_583 = arith.constant 0 : i32
        %dma_wait3A_584 = arith.constant 0 : i32
        %dma_wait3A_585 = tpu.memref_slice %arg21[%dma_wait3A_583, %dma_wait3A_584] : memref<10240x96xf32, #tpu.memory_space<vmem_shared>> -> memref<10240x96xf32, #tpu.memory_space<vmem_shared>>
        tpu.wait_indirect_dma semaphore(%run_scoped3A : memref<!tpu.dma_semaphore, #tpu.memory_space<semaphore_mem>>) src(%arg18 : memref<80x96xf32, #tpu.memory_space<vmem>>) dst(%dma_wait3A_585 : memref<10240x96xf32, #tpu.memory_space<vmem_shared>>)
        tpu.yield
      }) : () -> ()
      %dma_wait3A_574 = arith.constant 0 : i32
      %dma_wait3A_575 = arith.constant 0 : i32
      %dma_wait3A_576 = tpu.memref_slice %arg2[%dma_wait3A_574, %dma_wait3A_575] : memref<20000x96xf32, #tpu.memory_space<hbm>> -> memref<20000x96xf32, #tpu.memory_space<hbm>>
      tpu.wait_indirect_dma semaphore(%arg25 : memref<!tpu.dma_semaphore, #tpu.memory_space<semaphore_mem>>) src(%dma_wait3A_576 : memref<20000x96xf32, #tpu.memory_space<hbm>>) dst(%arg19 : memref<80x96xf32, #tpu.memory_space<vmem>>)
      "tpu.region"() ({
        %run_scoped3A = tpu.sem_alloc : memref<!tpu.dma_semaphore, #tpu.memory_space<semaphore_mem>>
        %dma_start3A_580 = arith.constant 0 : i32
        %dma_start3A_581 = arith.constant 0 : i32
        %dma_start3A_582 = tpu.memref_slice %arg21[%dma_start3A_580, %dma_start3A_581] : memref<10240x96xf32, #tpu.memory_space<vmem_shared>> -> memref<10240x96xf32, #tpu.memory_space<vmem_shared>>
        tpu.enqueue_indirect_dma source(%arg19 : memref<80x96xf32, #tpu.memory_space<vmem>>) target(%dma_start3A_582 : memref<10240x96xf32, #tpu.memory_space<vmem_shared>>) offsets(%arg14 : memref<80xi32, #tpu.memory_space<vmem>>) semaphore(%run_scoped3A : memref<!tpu.dma_semaphore, #tpu.memory_space<semaphore_mem>>) {add = true}
        %dma_wait3A_583 = arith.constant 0 : i32
        %dma_wait3A_584 = arith.constant 0 : i32
        %dma_wait3A_585 = tpu.memref_slice %arg21[%dma_wait3A_583, %dma_wait3A_584] : memref<10240x96xf32, #tpu.memory_space<vmem_shared>> -> memref<10240x96xf32, #tpu.memory_space<vmem_shared>>
        tpu.wait_indirect_dma semaphore(%run_scoped3A : memref<!tpu.dma_semaphore, #tpu.memory_space<semaphore_mem>>) src(%arg19 : memref<80x96xf32, #tpu.memory_space<vmem>>) dst(%dma_wait3A_585 : memref<10240x96xf32, #tpu.memory_space<vmem_shared>>)
        tpu.yield
      }) : () -> ()
      %dma_wait3A_577 = arith.constant 0 : i32
      %dma_wait3A_578 = arith.constant 0 : i32
      %dma_wait3A_579 = tpu.memref_slice %arg2[%dma_wait3A_577, %dma_wait3A_578] : memref<20000x96xf32, #tpu.memory_space<hbm>> -> memref<20000x96xf32, #tpu.memory_space<hbm>>
      tpu.wait_indirect_dma semaphore(%arg26 : memref<!tpu.dma_semaphore, #tpu.memory_space<semaphore_mem>>) src(%dma_wait3A_579 : memref<20000x96xf32, #tpu.memory_space<hbm>>) dst(%arg20 : memref<80x96xf32, #tpu.memory_space<vmem>>)
      "tpu.region"() ({
        %run_scoped3A = tpu.sem_alloc : memref<!tpu.dma_semaphore, #tpu.memory_space<semaphore_mem>>
        %dma_start3A_580 = arith.constant 0 : i32
        %dma_start3A_581 = arith.constant 0 : i32
        %dma_start3A_582 = tpu.memref_slice %arg21[%dma_start3A_580, %dma_start3A_581] : memref<10240x96xf32, #tpu.memory_space<vmem_shared>> -> memref<10240x96xf32, #tpu.memory_space<vmem_shared>>
        tpu.enqueue_indirect_dma source(%arg20 : memref<80x96xf32, #tpu.memory_space<vmem>>) target(%dma_start3A_582 : memref<10240x96xf32, #tpu.memory_space<vmem_shared>>) offsets(%arg15 : memref<80xi32, #tpu.memory_space<vmem>>) semaphore(%run_scoped3A : memref<!tpu.dma_semaphore, #tpu.memory_space<semaphore_mem>>) {add = true}
        %dma_wait3A_583 = arith.constant 0 : i32
        %dma_wait3A_584 = arith.constant 0 : i32
        %dma_wait3A_585 = tpu.memref_slice %arg21[%dma_wait3A_583, %dma_wait3A_584] : memref<10240x96xf32, #tpu.memory_space<vmem_shared>> -> memref<10240x96xf32, #tpu.memory_space<vmem_shared>>
        tpu.wait_indirect_dma semaphore(%run_scoped3A : memref<!tpu.dma_semaphore, #tpu.memory_space<semaphore_mem>>) src(%arg20 : memref<80x96xf32, #tpu.memory_space<vmem>>) dst(%dma_wait3A_585 : memref<10240x96xf32, #tpu.memory_space<vmem_shared>>)
        tpu.yield
      }) : () -> ()
    }
    %scan3A_46 = arith.constant 50 : i32
    %barrier3A_47 = arith.constant 0 : index
    tpu.barrier barrier_id(%barrier3A_47)
    %mul3A_48 = arith.constant 640 : i32
    %mul3A_49 = arith.muli %arg1, %mul3A_48 : i32
    %mul3A_50 = arith.constant 10240 : i32
    %mul3A_51 = arith.muli %arg0, %mul3A_50 : i32
    %add3A_52 = arith.addi %mul3A_51, %mul3A_49 : i32
    "tpu.region"() ({
      %run_scoped3A = tpu.sem_alloc : memref<!tpu.dma_semaphore, #tpu.memory_space<semaphore_mem>>
      %dma_start3A = arith.constant 0 : i32
      %dma_start3A_53 = tpu.memref_slice %arg4[%add3A_52, %dma_start3A] : memref<20480x96xf32, #tpu.memory_space<hbm>> -> memref<640x96xf32, #tpu.memory_space<hbm>>
      %dma_start3A_54 = arith.constant 0 : i32
      %dma_start3A_55 = tpu.memref_slice %arg21[%mul3A_49, %dma_start3A_54] : memref<10240x96xf32, #tpu.memory_space<vmem_shared>> -> memref<640x96xf32, #tpu.memory_space<vmem_shared>>
      tpu.enqueue_dma source(%dma_start3A_55 : memref<640x96xf32, #tpu.memory_space<vmem_shared>>) target(%dma_start3A_53 : memref<640x96xf32, #tpu.memory_space<hbm>>) target_semaphore(%run_scoped3A : memref<!tpu.dma_semaphore, #tpu.memory_space<semaphore_mem>>)
      %dma_wait3A = arith.constant 0 : i32
      %dma_wait3A_56 = tpu.memref_slice %arg4[%add3A_52, %dma_wait3A] : memref<20480x96xf32, #tpu.memory_space<hbm>> -> memref<640x96xf32, #tpu.memory_space<hbm>>
      %dma_wait3A_57 = arith.constant 0 : i32
      %dma_wait3A_58 = tpu.memref_slice %arg21[%mul3A_49, %dma_wait3A_57] : memref<10240x96xf32, #tpu.memory_space<vmem_shared>> -> memref<640x96xf32, #tpu.memory_space<vmem_shared>>
      tpu.wait_dma2 semaphore(%run_scoped3A : memref<!tpu.dma_semaphore, #tpu.memory_space<semaphore_mem>>) src(%dma_wait3A_58 : memref<640x96xf32, #tpu.memory_space<vmem_shared>>) dst(%dma_wait3A_56 : memref<640x96xf32, #tpu.memory_space<hbm>>)
      tpu.yield
    }) : () -> ()
    return
  }
}

module attributes {stable_mosaic.version = 14 : i64} {
  func.func @_proj_body(%arg0: memref<10000x128xf32, #tpu.memory_space<vmem>>, %arg1: memref<128x192xf32, #tpu.memory_space<vmem>>, %arg2: memref<1x192xf32, #tpu.memory_space<vmem>>, %arg3: memref<20000x96xf32, #tpu.memory_space<vmem>>) attributes {dimension_semantics = [], scalar_prefetch = 0 : i64, scratch_operands = 0 : i64, tpu.core_type = #tpu.core_type<tc>} {
    %get3A = arith.constant 0 : index
    %get3A_0 = arith.constant 0 : index
    %get3A_1 = vector.load %arg0[%get3A, %get3A_0] : memref<10000x128xf32, #tpu.memory_space<vmem>>, vector<10000x128xf32>
    %get3A_2 = arith.constant 0 : index
    %get3A_3 = arith.constant 0 : index
    %get3A_4 = vector.load %arg1[%get3A_2, %get3A_3] : memref<128x192xf32, #tpu.memory_space<vmem>>, vector<128x192xf32>
    %dot_general3A = arith.constant dense<0.000000e+00> : vector<10000x192xf32>
    %dot_general3A_5 = tpu.matmul %get3A_1, %get3A_4, %dot_general3A {dimension_numbers = #tpu.dot_dimension_numbers<[1], [0], [0], [1], [0, 0, 1, 1], [], []>, transpose_lhs_hint = false} : vector<10000x128xf32>, vector<128x192xf32>, vector<10000x192xf32> -> vector<10000x192xf32>
    %get3A_6 = arith.constant 0 : index
    %get3A_7 = arith.constant 0 : index
    %get3A_8 = vector.load %arg2[%get3A_6, %get3A_7] : memref<1x192xf32, #tpu.memory_space<vmem>>, vector<1x192xf32>
    %add3A = vector.broadcast %get3A_8 : vector<1x192xf32> to vector<10000x192xf32>
    %add3A_9 = arith.addf %dot_general3A_5, %add3A : vector<10000x192xf32>
    %max3A = arith.constant 0.000000e+00 : f32
    %max3A_10 = vector.broadcast %max3A : f32 to vector<10000x192xf32>
    %max3A_11 = arith.maximumf %add3A_9, %max3A_10 : vector<10000x192xf32>
    %slice3A = vector.extract_strided_slice %max3A_11 {offsets = [0, 0], sizes = [10000, 96], strides = [1, 1]} : vector<10000x192xf32> to vector<10000x96xf32>
    %swap3A = arith.constant 0 : index
    %swap3A_12 = arith.constant 0 : index
    %swap3A_13 = vector.load %arg3[%swap3A, %swap3A_12] : memref<20000x96xf32, #tpu.memory_space<vmem>>, vector<10000x96xf32>
    tpu.vector_store %arg3[%swap3A, %swap3A_12], %slice3A {strides = array<i32>} : memref<20000x96xf32, #tpu.memory_space<vmem>>, vector<10000x96xf32>,
    %slice3A_14 = vector.extract_strided_slice %max3A_11 {offsets = [0, 96], sizes = [10000, 96], strides = [1, 1]} : vector<10000x192xf32> to vector<10000x96xf32>
    %swap3A_15 = arith.constant 10000 : index
    %swap3A_16 = arith.constant 0 : index
    %swap3A_17 = vector.load %arg3[%swap3A_15, %swap3A_16] : memref<20000x96xf32, #tpu.memory_space<vmem>>, vector<10000x96xf32>
    tpu.vector_store %arg3[%swap3A_15, %swap3A_16], %slice3A_14 {strides = array<i32>} : memref<20000x96xf32, #tpu.memory_space<vmem>>, vector<10000x96xf32>,
    return
  }
}

module attributes {stable_mosaic.version = 14 : i64} {
  func.func @_mlp_body(%arg0: i32, %arg1: memref<400x96xf32, #tpu.memory_space<vmem>>, %arg2: memref<400x96xf32, #tpu.memory_space<vmem>>, %arg3: memref<400x96xf32, #tpu.memory_space<vmem>>, %arg4: memref<400x96xf32, #tpu.memory_space<vmem>>, %arg5: memref<1x1xf32, #tpu.memory_space<smem>>, %arg6: memref<192x192xf32, #tpu.memory_space<vmem>>, %arg7: memref<1x192xf32, #tpu.memory_space<vmem>>, %arg8: memref<192x192xf32, #tpu.memory_space<vmem>>, %arg9: memref<1x192xf32, #tpu.memory_space<vmem>>, %arg10: memref<400x192xf32, #tpu.memory_space<vmem>>) attributes {dimension_semantics = [#tpu.dimension_semantics<arbitrary>], iteration_bounds = array<i64: 25>, scalar_prefetch = 0 : i64, scratch_operands = 0 : i64, tpu.core_type = #tpu.core_type<tc>, window_params = [{transform_indices = @transform_0, window_bounds = array<i64: 400, 96>}, {transform_indices = @transform_1, window_bounds = array<i64: 400, 96>}, {transform_indices = @transform_2, window_bounds = array<i64: 400, 96>}, {transform_indices = @transform_3, window_bounds = array<i64: 400, 96>}, {transform_indices = @transform_4, window_bounds = array<i64: 1, 1>}, {pipeline_mode = #tpu.pipeline_mode<synchronous>, transform_indices = @transform_5, window_bounds = array<i64: 192, 192>}, {pipeline_mode = #tpu.pipeline_mode<synchronous>, transform_indices = @transform_6, window_bounds = array<i64: 1, 192>}, {pipeline_mode = #tpu.pipeline_mode<synchronous>, transform_indices = @transform_7, window_bounds = array<i64: 192, 192>}, {pipeline_mode = #tpu.pipeline_mode<synchronous>, transform_indices = @transform_8, window_bounds = array<i64: 1, 192>}, {transform_indices = @transform_9, window_bounds = array<i64: 400, 192>}]} {
    %get3A = arith.constant 0 : index
    %get3A_0 = arith.constant 0 : index
    %get3A_1 = vector.load %arg1[%get3A, %get3A_0] : memref<400x96xf32, #tpu.memory_space<vmem>>, vector<400x96xf32>
    %get3A_2 = arith.constant 0 : index
    %get3A_3 = arith.constant 0 : index
    %get3A_4 = vector.load %arg2[%get3A_2, %get3A_3] : memref<400x96xf32, #tpu.memory_space<vmem>>, vector<400x96xf32>
    %concatenate3A = tpu.concatenate %get3A_1, %get3A_4 in 1 : vector<400x96xf32>, vector<400x96xf32> -> vector<400x192xf32>
    %get3A_5 = arith.constant 0 : index
    %get3A_6 = arith.constant 0 : index
    %get3A_7 = vector.load %arg3[%get3A_5, %get3A_6] : memref<400x96xf32, #tpu.memory_space<vmem>>, vector<400x96xf32>
    %get3A_8 = arith.constant 0 : index
    %get3A_9 = arith.constant 0 : index
    %get3A_10 = vector.load %arg4[%get3A_8, %get3A_9] : memref<400x96xf32, #tpu.memory_space<vmem>>, vector<400x96xf32>
    %concatenate3A_11 = tpu.concatenate %get3A_7, %get3A_10 in 1 : vector<400x96xf32>, vector<400x96xf32> -> vector<400x192xf32>
    %get3A_12 = arith.constant 0 : index
    %get3A_13 = arith.constant 0 : index
    %get3A_14 = memref.load %arg5[%get3A_12, %get3A_13] : memref<1x1xf32, #tpu.memory_space<smem>>
    %add3A = arith.constant 1.000000e+00 : f32
    %add3A_15 = arith.addf %add3A, %get3A_14 : f32
    %mul3A = vector.broadcast %add3A_15 : f32 to vector<400x192xf32>
    %mul3A_16 = arith.mulf %mul3A, %concatenate3A : vector<400x192xf32>
    %add3A_17 = arith.addf %mul3A_16, %concatenate3A_11 : vector<400x192xf32>
    %get3A_18 = arith.constant 0 : index
    %get3A_19 = arith.constant 0 : index
    %get3A_20 = vector.load %arg6[%get3A_18, %get3A_19] : memref<192x192xf32, #tpu.memory_space<vmem>>, vector<192x192xf32>
    %dot_general3A = arith.constant dense<0.000000e+00> : vector<400x192xf32>
    %dot_general3A_21 = tpu.matmul %add3A_17, %get3A_20, %dot_general3A {dimension_numbers = #tpu.dot_dimension_numbers<[1], [0], [0], [1], [0, 0, 1, 1], [], []>, transpose_lhs_hint = false} : vector<400x192xf32>, vector<192x192xf32>, vector<400x192xf32> -> vector<400x192xf32>
    %get3A_22 = arith.constant 0 : index
    %get3A_23 = arith.constant 0 : index
    %get3A_24 = vector.load %arg7[%get3A_22, %get3A_23] : memref<1x192xf32, #tpu.memory_space<vmem>>, vector<1x192xf32>
    %add3A_25 = vector.broadcast %get3A_24 : vector<1x192xf32> to vector<400x192xf32>
    %add3A_26 = arith.addf %dot_general3A_21, %add3A_25 : vector<400x192xf32>
    %max3A = arith.constant 0.000000e+00 : f32
    %max3A_27 = vector.broadcast %max3A : f32 to vector<400x192xf32>
    %max3A_28 = arith.maximumf %add3A_26, %max3A_27 : vector<400x192xf32>
    %get3A_29 = arith.constant 0 : index
    %get3A_30 = arith.constant 0 : index
    %get3A_31 = vector.load %arg8[%get3A_29, %get3A_30] : memref<192x192xf32, #tpu.memory_space<vmem>>, vector<192x192xf32>
    %dot_general3A_32 = arith.constant dense<0.000000e+00> : vector<400x192xf32>
    %dot_general3A_33 = tpu.matmul %max3A_28, %get3A_31, %dot_general3A_32 {dimension_numbers = #tpu.dot_dimension_numbers<[1], [0], [0], [1], [0, 0, 1, 1], [], []>, transpose_lhs_hint = false} : vector<400x192xf32>, vector<192x192xf32>, vector<400x192xf32> -> vector<400x192xf32>
    %get3A_34 = arith.constant 0 : index
    %get3A_35 = arith.constant 0 : index
    %get3A_36 = vector.load %arg9[%get3A_34, %get3A_35] : memref<1x192xf32, #tpu.memory_space<vmem>>, vector<1x192xf32>
    %add3A_37 = vector.broadcast %get3A_36 : vector<1x192xf32> to vector<400x192xf32>
    %add3A_38 = arith.addf %dot_general3A_33, %add3A_37 : vector<400x192xf32>
    %swap3A = arith.constant 0 : index
    %swap3A_39 = arith.constant 0 : index
    %swap3A_40 = vector.load %arg10[%swap3A, %swap3A_39] : memref<400x192xf32, #tpu.memory_space<vmem>>, vector<400x192xf32>
    tpu.vector_store %arg10[%swap3A, %swap3A_39], %add3A_38 {strides = array<i32>} : memref<400x192xf32, #tpu.memory_space<vmem>>, vector<400x192xf32>,
    return
  }
  func.func @transform_0(%arg0: i32) -> (i32, i32) {
    %c0_i32 = arith.constant 0 : i32
    %c0_i32_0 = arith.constant 0 : i32
    return %arg0, %c0_i32 : i32, i32
  }
  func.func @transform_1(%arg0: i32) -> (i32, i32) {
    %add3A = arith.constant 25 : i32
    %add3A_0 = arith.addi %add3A, %arg0 : i32
    %c0_i32 = arith.constant 0 : i32
    %c0_i32_1 = arith.constant 0 : i32
    return %add3A_0, %c0_i32 : i32, i32
  }
  func.func @transform_2(%arg0: i32) -> (i32, i32) {
    %c0_i32 = arith.constant 0 : i32
    %c0_i32_0 = arith.constant 0 : i32
    return %arg0, %c0_i32 : i32, i32
  }
  func.func @transform_3(%arg0: i32) -> (i32, i32) {
    %add3A = arith.constant 25 : i32
    %add3A_0 = arith.addi %add3A, %arg0 : i32
    %c0_i32 = arith.constant 0 : i32
    %c0_i32_1 = arith.constant 0 : i32
    return %add3A_0, %c0_i32 : i32, i32
  }
  func.func @transform_4(%arg0: i32) -> (i32, i32) {
    %c0_i32 = arith.constant 0 : i32
    %c0_i32_0 = arith.constant 0 : i32
    %c0_i32_1 = arith.constant 0 : i32
    return %c0_i32, %c0_i32_0 : i32, i32
  }
  func.func @transform_5(%arg0: i32) -> (i32, i32) {
    %c0_i32 = arith.constant 0 : i32
    %c0_i32_0 = arith.constant 0 : i32
    %c0_i32_1 = arith.constant 0 : i32
    return %c0_i32, %c0_i32_0 : i32, i32
  }
  func.func @transform_6(%arg0: i32) -> (i32, i32) {
    %c0_i32 = arith.constant 0 : i32
    %c0_i32_0 = arith.constant 0 : i32
    %c0_i32_1 = arith.constant 0 : i32
    return %c0_i32, %c0_i32_0 : i32, i32
  }
  func.func @transform_7(%arg0: i32) -> (i32, i32) {
    %c0_i32 = arith.constant 0 : i32
    %c0_i32_0 = arith.constant 0 : i32
    %c0_i32_1 = arith.constant 0 : i32
    return %c0_i32, %c0_i32_0 : i32, i32
  }
  func.func @transform_8(%arg0: i32) -> (i32, i32) {
    %c0_i32 = arith.constant 0 : i32
    %c0_i32_0 = arith.constant 0 : i32
    %c0_i32_1 = arith.constant 0 : i32
    return %c0_i32, %c0_i32_0 : i32, i32
  }
  func.func @transform_9(%arg0: i32) -> (i32, i32) {
    %c0_i32 = arith.constant 0 : i32
    %c0_i32_0 = arith.constant 0 : i32
    return %arg0, %c0_i32 : i32, i32
  }
}

module attributes {stable_mosaic.version = 14 : i64} {
  func.func @_bn_body(%arg0: memref<10000x192xf32, #tpu.memory_space<vmem>>, %arg1: memref<1x192xf32, #tpu.memory_space<vmem>>, %arg2: memref<1x192xf32, #tpu.memory_space<vmem>>, %arg3: memref<20000x96xf32, #tpu.memory_space<vmem>>) attributes {dimension_semantics = [], scalar_prefetch = 0 : i64, scratch_operands = 0 : i64, tpu.core_type = #tpu.core_type<tc>} {
    %get3A = arith.constant 0 : index
    %get3A_0 = arith.constant 0 : index
    %get3A_1 = vector.load %arg0[%get3A, %get3A_0] : memref<10000x192xf32, #tpu.memory_space<vmem>>, vector<10000x192xf32>
    %reduce_sum3A = arith.constant dense<0.000000e+00> : vector<192xf32>
    %reduce_sum3A_2 = vector.multi_reduction <add>, %get3A_1, %reduce_sum3A [0] : vector<10000x192xf32> to vector<192xf32>
    %broadcast_in_dim3A = vector.shape_cast %reduce_sum3A_2 : vector<192xf32> to vector<1x192xf32>
    %div3A = arith.constant 1.000000e+04 : f32
    %div3A_3 = vector.broadcast %div3A : f32 to vector<1x192xf32>
    %div3A_4 = arith.divf %broadcast_in_dim3A, %div3A_3 : vector<1x192xf32>
    %sub3A = vector.broadcast %div3A_4 : vector<1x192xf32> to vector<10000x192xf32>
    %sub3A_5 = arith.subf %get3A_1, %sub3A : vector<10000x192xf32>
    %mul3A = arith.mulf %sub3A_5, %sub3A_5 : vector<10000x192xf32>
    %reduce_sum3A_6 = arith.constant dense<0.000000e+00> : vector<192xf32>
    %reduce_sum3A_7 = vector.multi_reduction <add>, %mul3A, %reduce_sum3A_6 [0] : vector<10000x192xf32> to vector<192xf32>
    %broadcast_in_dim3A_8 = vector.shape_cast %reduce_sum3A_7 : vector<192xf32> to vector<1x192xf32>
    %div3A_9 = arith.constant 1.000000e+04 : f32
    %div3A_10 = vector.broadcast %div3A_9 : f32 to vector<1x192xf32>
    %div3A_11 = arith.divf %broadcast_in_dim3A_8, %div3A_10 : vector<1x192xf32>
    %get3A_12 = arith.constant 0 : index
    %get3A_13 = arith.constant 0 : index
    %get3A_14 = vector.load %arg1[%get3A_12, %get3A_13] : memref<1x192xf32, #tpu.memory_space<vmem>>, vector<1x192xf32>
    %mul3A_15 = vector.broadcast %get3A_14 : vector<1x192xf32> to vector<10000x192xf32>
    %mul3A_16 = arith.mulf %mul3A_15, %sub3A_5 : vector<10000x192xf32>
    %add3A = arith.constant 9.99999974E-6 : f32
    %add3A_17 = vector.broadcast %add3A : f32 to vector<1x192xf32>
    %add3A_18 = arith.addf %div3A_11, %add3A_17 : vector<1x192xf32>
    %rsqrt3A = math.rsqrt %add3A_18 : vector<1x192xf32>
    %mul3A_19 = vector.broadcast %rsqrt3A : vector<1x192xf32> to vector<10000x192xf32>
    %mul3A_20 = arith.mulf %mul3A_16, %mul3A_19 : vector<10000x192xf32>
    %get3A_21 = arith.constant 0 : index
    %get3A_22 = arith.constant 0 : index
    %get3A_23 = vector.load %arg2[%get3A_21, %get3A_22] : memref<1x192xf32, #tpu.memory_space<vmem>>, vector<1x192xf32>
    %add3A_24 = vector.broadcast %get3A_23 : vector<1x192xf32> to vector<10000x192xf32>
    %add3A_25 = arith.addf %mul3A_20, %add3A_24 : vector<10000x192xf32>
    %max3A = arith.constant 0.000000e+00 : f32
    %max3A_26 = vector.broadcast %max3A : f32 to vector<10000x192xf32>
    %max3A_27 = arith.maximumf %add3A_25, %max3A_26 : vector<10000x192xf32>
    %slice3A = vector.extract_strided_slice %max3A_27 {offsets = [0, 0], sizes = [10000, 96], strides = [1, 1]} : vector<10000x192xf32> to vector<10000x96xf32>
    %swap3A = arith.constant 0 : index
    %swap3A_28 = arith.constant 0 : index
    %swap3A_29 = vector.load %arg3[%swap3A, %swap3A_28] : memref<20000x96xf32, #tpu.memory_space<vmem>>, vector<10000x96xf32>
    tpu.vector_store %arg3[%swap3A, %swap3A_28], %slice3A {strides = array<i32>} : memref<20000x96xf32, #tpu.memory_space<vmem>>, vector<10000x96xf32>,
    %slice3A_30 = vector.extract_strided_slice %max3A_27 {offsets = [0, 96], sizes = [10000, 96], strides = [1, 1]} : vector<10000x192xf32> to vector<10000x96xf32>
    %swap3A_31 = arith.constant 10000 : index
    %swap3A_32 = arith.constant 0 : index
    %swap3A_33 = vector.load %arg3[%swap3A_31, %swap3A_32] : memref<20000x96xf32, #tpu.memory_space<vmem>>, vector<10000x96xf32>
    tpu.vector_store %arg3[%swap3A_31, %swap3A_32], %slice3A_30 {strides = array<i32>} : memref<20000x96xf32, #tpu.memory_space<vmem>>, vector<10000x96xf32>,
    return
  }
}

module attributes {stable_mosaic.version = 14 : i64} {
  func.func @_pool_body(%arg0: memref<1xi32, #tpu.memory_space<smem>>, %arg1: memref<20000x96xf32, #tpu.memory_space<vmem>>, %arg2: memref<192x192xf32, #tpu.memory_space<vmem>>, %arg3: memref<192x192xf32, #tpu.memory_space<vmem>>, %arg4: memref<192x1xf32, #tpu.memory_space<vmem>>, %arg5: memref<192x1xf32, #tpu.memory_space<vmem>>, %arg6: memref<1x1xf32, #tpu.memory_space<vmem>>, %arg7: memref<10000x1xf32, #tpu.memory_space<vmem>>, %arg8: memref<1x1xf32, #tpu.memory_space<vmem>>) attributes {dimension_semantics = [], scalar_prefetch = 0 : i64, scratch_operands = 0 : i64, tpu.core_type = #tpu.core_type<tc>} {
    %get3A = arith.constant 0 : index
    %get3A_0 = arith.constant 0 : index
    %get3A_1 = vector.load %arg1[%get3A, %get3A_0] : memref<20000x96xf32, #tpu.memory_space<vmem>>, vector<10000x96xf32>
    %get3A_2 = arith.constant 10000 : index
    %get3A_3 = arith.constant 0 : index
    %get3A_4 = vector.load %arg1[%get3A_2, %get3A_3] : memref<20000x96xf32, #tpu.memory_space<vmem>>, vector<10000x96xf32>
    %reduce_sum3A = arith.constant dense<0.000000e+00> : vector<96xf32>
    %reduce_sum3A_5 = vector.multi_reduction <add>, %get3A_1, %reduce_sum3A [0] : vector<10000x96xf32> to vector<96xf32>
    %broadcast_in_dim3A = vector.shape_cast %reduce_sum3A_5 : vector<96xf32> to vector<1x96xf32>
    %reduce_sum3A_6 = arith.constant dense<0.000000e+00> : vector<96xf32>
    %reduce_sum3A_7 = vector.multi_reduction <add>, %get3A_4, %reduce_sum3A_6 [0] : vector<10000x96xf32> to vector<96xf32>
    %broadcast_in_dim3A_8 = vector.shape_cast %reduce_sum3A_7 : vector<96xf32> to vector<1x96xf32>
    %concatenate3A = tpu.concatenate %broadcast_in_dim3A, %broadcast_in_dim3A_8 in 1 : vector<1x96xf32>, vector<1x96xf32> -> vector<1x192xf32>
    %div3A = arith.constant 1.000000e+04 : f32
    %div3A_9 = vector.broadcast %div3A : f32 to vector<1x192xf32>
    %div3A_10 = arith.divf %concatenate3A, %div3A_9 : vector<1x192xf32>
    %get3A_11 = arith.constant 0 : index
    %get3A_12 = memref.load %arg0[%get3A_11] : memref<1xi32, #tpu.memory_space<smem>>
    %ge3A = arith.constant 0 : i32
    %ge3A_13 = arith.cmpi sge, %get3A_12, %ge3A : i32
    %lt3A = arith.constant 10000 : i32
    %lt3A_14 = arith.cmpi slt, %get3A_12, %lt3A : i32
    %and3A = arith.andi %ge3A_13, %lt3A_14 : i1
    %jit3A = arith.constant 0 : i32
    %jit3A_15 = arith.constant 9999 : i32
    %max3A = arith.maxsi %jit3A, %get3A_12 : i32
    %min3A = arith.minsi %jit3A_15, %max3A : i32
    %get3A_16 = arith.index_cast %min3A : i32 to index
    %get3A_17 = arith.constant 0 : index
    %get3A_18 = vector.load %arg1[%get3A_16, %get3A_17] : memref<20000x96xf32, #tpu.memory_space<vmem>>, vector<1x96xf32>
    %add3A = arith.constant 10000 : i32
    %add3A_19 = arith.addi %min3A, %add3A : i32
    %get3A_20 = arith.index_cast %add3A_19 : i32 to index
    %get3A_21 = arith.constant 0 : index
    %get3A_22 = vector.load %arg1[%get3A_20, %get3A_21] : memref<20000x96xf32, #tpu.memory_space<vmem>>, vector<1x96xf32>
    %concatenate3A_23 = tpu.concatenate %get3A_18, %get3A_22 in 1 : vector<1x96xf32>, vector<1x96xf32> -> vector<1x192xf32>
    %select_n3A = arith.select %and3A, %concatenate3A_23, %div3A_10 : vector<1x192xf32>
    %get3A_24 = arith.constant 0 : index
    %get3A_25 = arith.constant 0 : index
    %get3A_26 = vector.load %arg2[%get3A_24, %get3A_25] : memref<192x192xf32, #tpu.memory_space<vmem>>, vector<96x192xf32>
    %dot_general3A = arith.constant dense<0.000000e+00> : vector<10000x192xf32>
    %dot_general3A_27 = tpu.matmul %get3A_1, %get3A_26, %dot_general3A {dimension_numbers = #tpu.dot_dimension_numbers<[1], [0], [0], [1], [0, 0, 1, 1], [], []>, transpose_lhs_hint = false} : vector<10000x96xf32>, vector<96x192xf32>, vector<10000x192xf32> -> vector<10000x192xf32>
    %get3A_28 = arith.constant 96 : index
    %get3A_29 = arith.constant 0 : index
    %get3A_30 = vector.load %arg2[%get3A_28, %get3A_29] : memref<192x192xf32, #tpu.memory_space<vmem>>, vector<96x192xf32>
    %dot_general3A_31 = arith.constant dense<0.000000e+00> : vector<10000x192xf32>
    %dot_general3A_32 = tpu.matmul %get3A_4, %get3A_30, %dot_general3A_31 {dimension_numbers = #tpu.dot_dimension_numbers<[1], [0], [0], [1], [0, 0, 1, 1], [], []>, transpose_lhs_hint = false} : vector<10000x96xf32>, vector<96x192xf32>, vector<10000x192xf32> -> vector<10000x192xf32>
    %add3A_33 = arith.addf %dot_general3A_27, %dot_general3A_32 : vector<10000x192xf32>
    %get3A_34 = arith.constant 0 : index
    %get3A_35 = arith.constant 0 : index
    %get3A_36 = vector.load %arg3[%get3A_34, %get3A_35] : memref<192x192xf32, #tpu.memory_space<vmem>>, vector<192x192xf32>
    %dot_general3A_37 = arith.constant dense<0.000000e+00> : vector<1x192xf32>
    %dot_general3A_38 = tpu.matmul %select_n3A, %get3A_36, %dot_general3A_37 {dimension_numbers = #tpu.dot_dimension_numbers<[1], [0], [0], [1], [0, 0, 1, 1], [], []>, transpose_lhs_hint = false} : vector<1x192xf32>, vector<192x192xf32>, vector<1x192xf32> -> vector<1x192xf32>
    %add3A_39 = vector.broadcast %dot_general3A_38 : vector<1x192xf32> to vector<10000x192xf32>
    %add3A_40 = arith.addf %add3A_33, %add3A_39 : vector<10000x192xf32>
    %tanh3A = math.tanh %add3A_40 : vector<10000x192xf32>
    %get3A_41 = arith.constant 0 : index
    %get3A_42 = arith.constant 0 : index
    %get3A_43 = vector.load %arg4[%get3A_41, %get3A_42] : memref<192x1xf32, #tpu.memory_space<vmem>>, vector<192x1xf32>
    %dot_general3A_44 = arith.constant dense<0.000000e+00> : vector<10000x1xf32>
    %dot_general3A_45 = tpu.matmul %tanh3A, %get3A_43, %dot_general3A_44 {dimension_numbers = #tpu.dot_dimension_numbers<[1], [0], [0], [1], [0, 0, 1, 1], [], []>, transpose_lhs_hint = false} : vector<10000x192xf32>, vector<192x1xf32>, vector<10000x1xf32> -> vector<10000x1xf32>
    %ge3A_46 = arith.constant 0.000000e+00 : f32
    %ge3A_47 = vector.broadcast %ge3A_46 : f32 to vector<10000x1xf32>
    %ge3A_48 = arith.cmpf oge, %dot_general3A_45, %ge3A_47 : vector<10000x1xf32>
    %mul3A = arith.constant 2.000000e-01 : f32
    %mul3A_49 = vector.broadcast %mul3A : f32 to vector<10000x1xf32>
    %mul3A_50 = arith.mulf %mul3A_49, %dot_general3A_45 : vector<10000x1xf32>
    %select_n3A_51 = arith.select %ge3A_48, %dot_general3A_45, %mul3A_50 : vector<10000x1xi1>, vector<10000x1xf32>
    %reduce_max3A = vector.shape_cast %select_n3A_51 : vector<10000x1xf32> to vector<1x10000x1xf32>
    %reduce_max3A_52 = arith.constant dense<0xFF800000> : vector<1xf32>
    %reduce_max3A_53 = vector.multi_reduction <maximumf>, %reduce_max3A, %reduce_max3A_52 [1, 2] : vector<1x10000x1xf32> to vector<1xf32>
    %reduce_max3A_54 = vector.shape_cast %reduce_max3A_53 : vector<1xf32> to vector<1x1x1xf32>
    %reduce_max3A_55 = vector.extract %reduce_max3A_54[0, 0, 0] : f32 from vector<1x1x1xf32>
    %sub3A = vector.broadcast %reduce_max3A_55 : f32 to vector<10000x1xf32>
    %sub3A_56 = arith.subf %select_n3A_51, %sub3A : vector<10000x1xf32>
    %exp3A = math.exp %sub3A_56 : vector<10000x1xf32>
    %reduce_sum3A_57 = vector.shape_cast %exp3A : vector<10000x1xf32> to vector<1x10000x1xf32>
    %reduce_sum3A_58 = arith.constant dense<0.000000e+00> : vector<1xf32>
    %reduce_sum3A_59 = vector.multi_reduction <add>, %reduce_sum3A_57, %reduce_sum3A_58 [1, 2] : vector<1x10000x1xf32> to vector<1xf32>
    %reduce_sum3A_60 = vector.shape_cast %reduce_sum3A_59 : vector<1xf32> to vector<1x1x1xf32>
    %reduce_sum3A_61 = vector.extract %reduce_sum3A_60[0, 0, 0] : f32 from vector<1x1x1xf32>
    %div3A_62 = vector.broadcast %reduce_sum3A_61 : f32 to vector<10000x1xf32>
    %div3A_63 = arith.divf %exp3A, %div3A_62 : vector<10000x1xf32>
    %swap3A = arith.constant 0 : index
    %swap3A_64 = arith.constant 0 : index
    %swap3A_65 = vector.load %arg7[%swap3A, %swap3A_64] : memref<10000x1xf32, #tpu.memory_space<vmem>>, vector<10000x1xf32>
    tpu.vector_store %arg7[%swap3A, %swap3A_64], %div3A_63 {strides = array<i32>} : memref<10000x1xf32, #tpu.memory_space<vmem>>, vector<10000x1xf32>,
    %mul3A_66 = vector.broadcast %div3A_63 : vector<10000x1xf32> to vector<10000x96xf32>
    %mul3A_67 = arith.mulf %mul3A_66, %get3A_1 : vector<10000x96xf32>
    %reduce_sum3A_68 = arith.constant dense<0.000000e+00> : vector<96xf32>
    %reduce_sum3A_69 = vector.multi_reduction <add>, %mul3A_67, %reduce_sum3A_68 [0] : vector<10000x96xf32> to vector<96xf32>
    %broadcast_in_dim3A_70 = vector.shape_cast %reduce_sum3A_69 : vector<96xf32> to vector<1x96xf32>
    %mul3A_71 = vector.broadcast %div3A_63 : vector<10000x1xf32> to vector<10000x96xf32>
    %mul3A_72 = arith.mulf %mul3A_71, %get3A_4 : vector<10000x96xf32>
    %reduce_sum3A_73 = arith.constant dense<0.000000e+00> : vector<96xf32>
    %reduce_sum3A_74 = vector.multi_reduction <add>, %mul3A_72, %reduce_sum3A_73 [0] : vector<10000x96xf32> to vector<96xf32>
    %broadcast_in_dim3A_75 = vector.shape_cast %reduce_sum3A_74 : vector<96xf32> to vector<1x96xf32>
    %concatenate3A_76 = tpu.concatenate %broadcast_in_dim3A_70, %broadcast_in_dim3A_75 in 1 : vector<1x96xf32>, vector<1x96xf32> -> vector<1x192xf32>
    %get3A_77 = arith.constant 0 : index
    %get3A_78 = arith.constant 0 : index
    %get3A_79 = vector.load %arg5[%get3A_77, %get3A_78] : memref<192x1xf32, #tpu.memory_space<vmem>>, vector<192x1xf32>
    %dot_general3A_80 = arith.constant dense<0.000000e+00> : vector<1x1xf32>
    %dot_general3A_81 = tpu.matmul %concatenate3A_76, %get3A_79, %dot_general3A_80 {dimension_numbers = #tpu.dot_dimension_numbers<[1], [0], [0], [1], [0, 0, 1, 1], [], []>, transpose_lhs_hint = false} : vector<1x192xf32>, vector<192x1xf32>, vector<1x1xf32> -> vector<1x1xf32>
    %get3A_82 = arith.constant 0 : index
    %get3A_83 = arith.constant 0 : index
    %get3A_84 = vector.load %arg6[%get3A_82, %get3A_83] : memref<1x1xf32, #tpu.memory_space<vmem>>, vector<1x1xf32>
    %add3A_85 = arith.addf %dot_general3A_81, %get3A_84 : vector<1x1xf32>
    %swap3A_86 = arith.constant 0 : index
    %swap3A_87 = arith.constant 0 : index
    %swap3A_88 = vector.load %arg8[%swap3A_86, %swap3A_87] : memref<1x1xf32, #tpu.memory_space<vmem>>, vector<1x1xf32>
    tpu.vector_store %arg8[%swap3A_86, %swap3A_87], %add3A_85 {strides = array<i32>} : memref<1x1xf32, #tpu.memory_space<vmem>>, vector<1x1xf32>,
    return
  }
}

</mosaic_0001>

<sc_bundles>
// kernel: kernel.13.cloned.1.call-start
scs
__scs_entry_jumppad:
0x0: {  	(pc) =	sbr.rel $0x88, $3  }
0x1: {  	(tag) =	ssettag $0x0;
	lr =	simm.s32 $0x1  }
0x2: {  	[smem:$0x3F90] =	sst lr;
	_ =	strace $0xD0000000  }
0x3: {  	_ = 	snop  }
0x4: {  	_ = 	snop  }
0x5: {  	_ = 	snop  }
0x6: {  	_ = 	snop  }
0x7: {  	_ = 	snop  }
__scs_overlays_trampoline_lowered:
0x8: {  	[smem:$0x3F9F] =	sst s0  }
0x9: {  	[smem:$0x3FA0] =	sst s1  }
0xa: {  	[smem:$0x3FA1] =	sst s2  }
0xb: {  	[smem:$0x3FA2] =	sst s3  }
0xc: {  	[smem:$0x3FA3] =	sst s4  }
0xd: {  	[smem:$0x3FA4] =	sst s5  }
0xe: {  	[smem:$0x3FA5] =	sst s6  }
0xf: {  	[smem:$0x3FA6] =	sst s7  }
0x10: {  	[smem:$0x3FA7] =	sst s8  }
0x11: {  	[smem:$0x3FA8] =	sst s9;
	s0 =	simm.s32 @!p0 $0x0  }
0x12: {  	s1 =	sld [smem:$0x3F8E];
	s0 =	simm.s32 @p0 $0x1  }
0x13: {  	[smem:$0x3FA9] =	sst s0;
	s0 =	simm.s32 @!p1 $0x0  }
0x14: {  	s2 =	sld [smem:$0x3F8D];
	s0 =	simm.s32 @p1 $0x1  }
0x15: {  	[smem:$0x3FAA] =	sst s0;
	s0 =	simm.s32 @!p2 $0x0  }
0x16: {  	s3 =	sld [smem:$0x3FDB];
	s0 =	simm.s32 @p2 $0x1  }
0x17: {  	s4 =	simm.s32 $0x1BF5;
	[smem:$0x3FAC] =	sst s0  }
0x18: {  	s0 =	sld [smem:$0x3F8F];
	_ =	swait.ge [sflag:s4], $0x0  }
0x19: {  	s7 =	sld [smem:$0x3F90]  }
0x1a: {  	s8 =	sadd.s32 $0xFFFFE003, lr  }
0x1b: {  	s9 =	sadd.s32 $0xFFFFFEF7, lr;
	s5 =	simm.s32 $0xFFFFFFFF;
	p2 =	slt.u32 s8, $0xFFFFF086  }
0x1c: {  	p1 =	slt.u32 s9, $0xF7A;
	s5 =	simm.s32 @!p2 $0x0  }
0x1d: {  	s5 =	simm.s32 @p1 $0x1;
	p0 =	seq.s32 s7, s2  }
0x1e: {  	s7 =	smul.u32 @!p0 $0xF7A, s2;
	p2 =	seq.s32 @!p0 s5, $0x0  }
0x1f: {  	s9 =	smul.u32 $0xF7A, s1;
	s8 =	simm.s32 @!p0 $0x1BF5;
	p2 =	por !p2, p0  }
0x20: {  	[sflag:s8] =	ssyncset.s32 @!p0 $0xFFFFF086;
	s6 =	sadd.s32 @!p0 s3, s7;
	s7 =	simm.s32 @!p0 $0x108  }
0x21: {  	s3 =	sadd.s32 s3, s9;
	s6 =	sadd.s32 @!p0 $0x88, s6;
	s7 =	simm.s32 @p2 $0x1082  }
0x22: {  	[simem:s7], [sflag:s8] =	dma.local @!p0 [hbm:s6], $0xF7A  }
0x23: {  	s9 =	sor.u32 $0xD0000000, s2;
	s6 =	simm.s32 $0x108;
	_ =	swait.ge @!p0 [sflag:s8], $0x0  }
0x24: {  	s3 =	sadd.s32 $0x88, s3;
	s6 =	simm.s32 @!p1 $0x1082;
	[sflag:s4] =	ssyncset.s32 $0xFFFFF086  }
0x25: {  	[simem:s6], [sflag:s4] =	dma.local [hbm:s3], $0xF7A  }
0x26: {  	[smem:$0x3F90] =	sst s1;
	(tag) =	ssettag s2;
	_ =	strace s9  }
0x27: {  	s1 =	sld [smem:$0x3FA0]  }
0x28: {  	s2 =	sld [smem:$0x3FA1]  }
0x29: {  	s4 =	sld [smem:$0x3FA3]  }
0x2a: {  	p0 =	seq.s32 s5, $0x0;
	s5 =	sld [smem:$0x3FA4]  }
0x2b: {  	s6 =	sld [smem:$0x3FA5]  }
0x2c: {  	s7 =	sld [smem:$0x3FA6]  }
0x2d: {  	s3 =	simm.s32 $0x108;
	s8 =	sld [smem:$0x3FA7]  }
0x2e: {  	s3 =	simm.s32 @!p0 $0x1082;
	s9 =	sld [smem:$0x3FA8]  }
0x2f: {  	lr =	sadd.s32 s0, s3;
	s0 =	sld [smem:$0x3F9F]  }
0x30: {  	s3 =	sld [smem:$0x3FA2]  }
0x31: {  	[smem:$0x3FAB] =	sst s10  }
0x32: {  	s10 =	sld [smem:$0x3FA9];
	_ =	sdelay $0x3  }
0x33: {  	p0 =	seq.s32 s10, $0x1;
	s10 =	sld [smem:$0x3FAB];
	_ =	sdelay $0x3  }
0x34: {  	[smem:$0x3FAB] =	sst s10  }
0x35: {  	s10 =	sld [smem:$0x3FAA];
	_ =	sdelay $0x3  }
0x36: {  	p1 =	seq.s32 s10, $0x1;
	s10 =	sld [smem:$0x3FAB];
	_ =	sdelay $0x3  }
0x37: {  	[smem:$0x3FAB] =	sst s10  }
0x38: {  	s10 =	sld [smem:$0x3FAC]  }
0x39: {  	_ = 	snop;
	(pc) =	sbr.ind lr, $3  }
0x3a: {  	_ = 	snop  }
0x3b: {  	_ = 	snop  }
0x3c: {  	p2 =	seq.s32 s10, $0x1;
	s10 =	sld [smem:$0x3FAB]  }
0x3d: {  	_ =	shalt  }
0x3e: {  	_ =	shalt  }
0x3f: {  	_ =	shalt  }
0x40: {  	_ =	shalt  }
0x41: {  	_ =	shalt  }
0x42: {  	_ =	shalt  }
0x43: {  	_ =	shalt  }
0x44: {  	_ =	shalt  }
0x45: {  	_ =	shalt  }
0x46: {  	_ =	shalt  }
0x47: {  	_ =	shalt  }
0x48: {  	_ =	shalt  }
0x49: {  	_ =	shalt  }
0x4a: {  	_ =	shalt  }
0x4b: {  	_ =	shalt  }
0x4c: {  	_ =	shalt  }
0x4d: {  	_ =	shalt  }
0x4e: {  	_ =	shalt  }
0x4f: {  	_ =	shalt  }
0x50: {  	_ =	shalt  }
0x51: {  	_ =	shalt  }
0x52: {  	_ =	shalt  }
0x53: {  	_ =	shalt  }
0x54: {  	_ =	shalt  }
0x55: {  	_ =	shalt  }
0x56: {  	_ =	shalt  }
0x57: {  	_ =	shalt  }
0x58: {  	_ =	shalt  }
0x59: {  	_ =	shalt  }
0x5a: {  	_ =	shalt  }
0x5b: {  	_ =	shalt  }
0x5c: {  	_ =	shalt  }
0x5d: {  	_ =	shalt  }
0x5e: {  	_ =	shalt  }
0x5f: {  	_ =	shalt  }
0x60: {  	_ =	shalt  }
0x61: {  	_ =	shalt  }
0x62: {  	_ =	shalt  }
0x63: {  	_ =	shalt  }
0x64: {  	_ =	shalt  }
0x65: {  	_ =	shalt  }
0x66: {  	_ =	shalt  }
0x67: {  	_ =	shalt  }
0x68: {  	_ =	shalt  }
0x69: {  	_ =	shalt  }
0x6a: {  	_ =	shalt  }
0x6b: {  	_ =	shalt  }
0x6c: {  	_ =	shalt  }
0x6d: {  	_ =	shalt  }
0x6e: {  	_ =	shalt  }
0x6f: {  	_ =	shalt  }
0x70: {  	_ =	shalt  }
0x71: {  	_ =	shalt  }
0x72: {  	_ =	shalt  }
0x73: {  	_ =	shalt  }
0x74: {  	_ =	shalt  }
0x75: {  	_ =	shalt  }
0x76: {  	_ =	shalt  }
0x77: {  	_ =	shalt  }
0x78: {  	_ =	shalt  }
0x79: {  	_ =	shalt  }
0x7a: {  	_ =	shalt  }
0x7b: {  	_ =	shalt  }
0x7c: {  	_ =	shalt  }
0x7d: {  	_ =	shalt  }
0x7e: {  	_ =	shalt  }
0x7f: {  	_ =	shalt  }
0x80: {  	_ =	shalt  }
0x81: {  	_ =	shalt  }
0x82: {  	_ =	shalt  }
0x83: {  	_ =	shalt  }
0x84: {  	_ =	shalt  }
0x85: {  	_ =	shalt  }
0x86: {  	_ =	shalt  }
0x87: {  	_ =	shalt  }
.Lfunc_end0:
.L_simem_size_0:
called_computation_lowered:
.L_overlay_start_0:
0x88: {  	s2 =	sld [smem:$0x3FD9]  }
0x89: {  	s3 =	sld [smem:$0x3FFE];
	_ =	sdelay $0x1  }
0x8a: {  	s1 =	srdreg.scid  }
0x8b: {  	s0 =	sand.u32 $0x1, s1  }
0x8c: {  	s16 =	sshll.u32 s0, $0xA;
	s2 =	sadd.s32 s3, s2  }
0x8d: {  	s2 =	sadd.s32 s2, s16  }
0x8e: {  	[smem:$0x3FB7] =	sst s2  }
0x8f: {  	_ = 	snop  }
0x90: {  	(tm) =	ssettm $0x1  }
0x91: {  	s17 =	sld [smem:$0x3FFB];
	_ =	sdelay $0x3  }
0x92: {  	_ =	strace s17  }
0x93: {  	s2 =	sld [smem:$0x3FFC];
	_ =	sdelay $0x3  }
0x94: {  	_ =	strace s2  }
0x95: {  	s2 =	sld [smem:$0x3FFD];
	_ =	sdelay $0x3  }
0x96: {  	_ =	strace s2  }
0x97: {  	_ =	strace $0x8FFFFFFF  }
0x98: {  	s18 =	sld [smem:$0x3FDB];
	_ =	sdelay $0x1  }
0x99: {  	s19 =	simm.s32 $_scs_section_size  }
0x9a: {  	s4 =	simm.s32 $_size__tile_overlayer_lowered;
	s5 =	simm.s32 $_tile_overlayer_lowered  }
0x9b: {  	s22 =	simm.s32 $0x1BFF;
	s21 =	sshll.u32 s5, $0x1;
	s2 =	sadd.s32 s19, s18  }
0x9c: {  	s6 =	simm.s32 $0x0;
	s20 =	sshll.u32 s4, $0x1;
	s4 =	sadd.s32 s21, s2  }
0x9d: {  	[timem:s6], [sflag:s22] =	dma.local [hbm:s4], s20  }
0x9e: {  	_ =	swait.ge [sflag:s22], s20  }
0x9f: {  	s3 =	ssub.s32 $0x0, s20;
	[sflag:s22] =	ssyncset.done $0x0  }
0xa0: {  	[sflag:s22] =	ssyncadd.s32 s3;
	_ =	sdelay $0x1  }
0xa1: {  	s23 =	simm.s32 $0x1B8B  }
0xa2: {  	_ =	swait.ge [sflag:s23], $0x1  }
0xa3: {  	[sflag:s23] =	ssyncset.done $0x0  }
0xa4: {  	s25 =	simm.s32 $0x1B8E;
	s24 =	sld [smem:$0x3FFE];
	[sflag:s23] =	ssyncadd.s32 $0xFFFFFFFF  }
0xa5: {  	s26 =	simm.s32 $execute0_lowered;
	[smem:$0x3FD2] =	sst s25  }
0xa6: {  	s4 =	sshll.u32 s26, $0x1;
	_ =	strace $0x80000046;
	[dreg:$0x1] =	wrdreg $0xFFFFFFFF  }
0xa7: {  	s28 =	simm.s32 $_size_execute0_lowered;
	s2 =	sadd.s32 s2, s4;
	[dreg:$0x0] =	wrdreg $0x0  }
0xa8: {  	s4 =	sshll.u32 s28, $0x1;
	[dreg:$0x2] =	wrdreg s2  }
0xa9: {  	[dreg:$0x3] =	wrdreg s4  }
0xaa: {  	[dreg:$0x4] =	wrdreg $0xC0  }
0xab: {  	_ =	task [dreg:s6], $0x5FFFF  }
0xac: {  	[dreg:$0x1] =	wrdreg $0xFFFFFFFF  }
0xad: {  	[dreg:$0x0] =	wrdreg $0x60  }
0xae: {  	[dreg:$0x2] =	wrdreg s24  }
0xaf: {  	[dreg:$0x3] =	wrdreg $0xE7400  }
0xb0: {  	[dreg:$0x4] =	wrdreg $0x9  }
0xb1: {  	_ =	task.clear_ibuf [dreg:s6], $0x5FFFF;
	_ =	strace $0x90000046  }
0xb2: {  	s29 =	simm.s32 $0x9;
	_ =	strace $0x80000048  }
0xb3: {  	_ =	swait.ge [sflag:s29], $0x1  }
0xb4: {  	[sflag:s29] =	ssyncadd.s32 $0xFFFFFFFF  }
0xb5: {  	_ =	strace $0x90000048  }
0xb6: {  	_ =	sfence  }
0xb7: {  	s30 =	sld [smem:$0x0];
	_ =	sdelay $0x2  }
0xb8: {  	s31 =	sshll.u32 s1, $0xD;
	s1 =	sshrl.u32 s1, $0x2  }
0xb9: {  	s3 =	sand.u32 $0x4000, s31;
	s1 =	sadd.s32 s1, s30  }
0xba: {  	s0 =	sor.u32 s3, s0;
	s1 =	sshll.u32 s1, $0x11  }
0xbb: {  	s0 =	sor.u32 s1, s0  }
0xbc: {  	s0 =	sadd.s32 $0x8F2B, s0  }
0xbd: {  	[sflag:s0] =	ssyncadd.remote.s32 $0x1  }
0xbe: {  	_ =	sfence.sel $0xFFFF  }
0xbf: {  	[dreg:$0x0] =	wrdreg $0xFFFFFFFF;
	(pc) =	sbr.abs _section_cstart, $3  }
0xc0: {  	[dreg:$0x1] =	wrdreg $0xFFFFFFFF  }
0xc1: {  	_ =	task.clear_ibuf [dreg:s6], $0x2FFFF;
	_ =	strace $0x9FFFFFFF  }
0xc2: {  	(tm) =	ssettm $0x7FFFFFFF  }
0xc3: {  	_ =	shalt  }
tec
execute0_lowered:
.L_overlay_start_1:
0x0: {  	(tag) =	ssettag $0x1  }
0x1: {  	s0 =	srdreg.scid  }
0x2: {  	s4 =	stileid.u32;
	s3 =	rddreg [dreg:$0x0]  }
0x3: {  	s2 =	rddreg [dreg:$0x1];
	s6 =	simm.s32 $0x0;
	s16 =	simm.s32 $0x6  }
0x4: {  	s17 =	simm.s32 $0x5140;
	s18 =	simm.s32 $0x50;
	s28 =	simm.s32 $0xC940  }
0x5: {  	s29 =	simm.s32 $0x1;
	s30 =	simm.s32 $0x4FB0;
	s31 =	simm.s32 $0x2  }
0x6: {  	s8 =	simm.s32 $0x5;
	s9 =	simm.s32 $0x50F0;
	s10 =	simm.s32 $0x0  }
0x7: {  	s0 =	sand.u32 $0x1, s0;
	s5 =	smul.u32 $0x1E00, s4;
	[smem:$0x7FF] =	sst s6  }
0x8: {  	s7 =	smul.u32 $0x3C000, s4;
	s6 =	simm.s32 $0x4;
	s1 =	sshll.u32 s0, $0x4  }
0x9: {  	s19 =	smul.u32 $0x1E000, s0;
	_ =	strace $0x80000047;
	s1 =	sor.u32 s4, s1  }
0xa: {  	s0 =	ssub.s32 $0x2, s0;
	s4 =	sadd.s32 $0x16E00, s3;
	s1 =	smul.u32 $0x9C4, s1  }
0xb: {  	s20 =	sshrl.u32 s0, $0x1;
	s7 =	sshrl.u32 s7, $0x2;
	s5 =	sadd.s32 s5, s19  }
0xc: {  	s0 =	ssub.s32 s0, s20;
	s19 =	simm.s32 $0x4E20;
	s1 =	sadd.s32 s1, s3  }
0xd: {  	s3 =	sadd.s32 s5, s3;
	s5 =	sadd.s32 s7, s2;
	s1 =	sadd.s32 $0x3400, s1  }
0xe: {  	s20 =	simm.s32 $0x4E70;
	s21 =	sadd.s32 $0x1E00, s5;
	[dreg:$0x3] =	wrdreg s1  }
0xf: {  	s15 =	smax.u32 s0, $0x1;
	s22 =	sadd.s32 $0x3C00, s5;
	[dreg:$0x4] =	wrdreg s21  }
0x10: {  	s0 =	simm.s32 $0x5050;
	s23 =	sadd.s32 $0x5A00, s5;
	[dreg:$0x5] =	wrdreg s22  }
0x11: {  	s7 =	simm.s32 $0x50A0;
	s24 =	sadd.s32 $0x7800, s5;
	[dreg:$0x6] =	wrdreg s23  }
0x12: {  	s25 =	sadd.s32 $0x9600, s5;
	s26 =	sadd.s32 $0xB400, s5;
	[dreg:$0x7] =	wrdreg s24  }
0x13: {  	s13 =	sadd.s32 $0xD200, s5;
	s14 =	sadd.s32 $0x51800, s3;
	[dreg:$0x8] =	wrdreg s25  }
0x14: {  	s3 =	simm.s32 $0x3;
	[dreg:$0x9] =	wrdreg s26;
	s21 =	simm.s32 $0x6F40  }
0x15: {  	s22 =	simm.s32 $0x4EC0;
	s23 =	simm.s32 $0x8D40;
	s24 =	simm.s32 $0x4F10  }
0x16: {  	v0 =	vimm.f32 $0.0e+00;
	s25 =	simm.s32 $0xAB40;
	s26 =	simm.s32 $0x4F60;
	s1 =	simm.s32 $0x5000  }
.LBB2_1:
0x17: {  	s11 =	simm.s32 $0x0;
	s12 =	rddreg [dreg:$0x3]  }
0x18: {  	[tilespmem:s11], [sflag:$0x6] =	stream.linear.gather [hbm4b:s12+s11], $0x4E20, $0x38;
	[tilespmem:$0x1D740] =	vst v63  }
0x19: {  	_ =	swait.ge [sflag:s16], $0x4E20  }
0x1a: {  	[sflag:s16] =	ssyncset.done $0x0  }
0x1b: {  	s11 =	simm.s32 $0x0;
	[sflag:s16] =	ssyncadd.s32 $0xFFFFB1E0  }
0x1c: {  	[tilespmem:s11+$0x5190] =	vst v0  }
0x1d: {  	[tilespmem:s11+$0x5140] =	vst v0  }
0x1e: {  	[tilespmem:s11+$0x5150] =	vst v0  }
0x1f: {  	[tilespmem:s11+$0x5160] =	vst v0  }
0x20: {  	s12 =	simm.s32 $0x180;
	[tilespmem:s11+$0x5170] =	vst v0  }
.LBB2_2:
0x21: {  	p0 =	sne.s32 s12, $0x7680;
	[tilespmem:s11+$0x5180] =	vst v0;
	s11 =	sshra.s32 s12, $0x2;
	s12 =	sadd.s32 $0x180, s12  }
.Ltmp0:
0x22: {  	[tilespmem:s11+$0x5190] =	vst v0;
	(pc) =	sbr.rel @p0 .LBB2_2-.Ltmp0, $4  }
0x23: {  	[tilespmem:s11+$0x5140] =	vst v0  }
0x24: {  	[tilespmem:s11+$0x5150] =	vst v0  }
0x25: {  	[tilespmem:s11+$0x5160] =	vst v0  }
0x26: {  	[tilespmem:s11+$0x5170] =	vst v0  }
0x27: {  	[tilespmem:s11+$0x5180] =	vst v0  }
0x28: {  	[spmem:s5] =	stream.linear.scatter [tilespmem:s17], [sflag:$0x6], $0x1E00, $0x38;
	[tilespmem:$0x1D740] =	vst v63  }
0x29: {  	_ =	swait.ge [sflag:s16], $0x1E00  }
0x2a: {  	[sflag:s16] =	ssyncset.done $0x0  }
0x2b: {  	s12 =	rddreg [dreg:$0x4];
	[sflag:s16] =	ssyncadd.s32 $0xFFFFE200  }
0x2c: {  	[spmem:s12] =	stream.linear.scatter [tilespmem:s17], [sflag:$0x6], $0x1E00, $0x38;
	[tilespmem:$0x1D740] =	vst v63  }
0x2d: {  	_ =	swait.ge [sflag:s16], $0x1E00  }
0x2e: {  	[sflag:s16] =	ssyncset.done $0x0  }
0x2f: {  	s12 =	rddreg [dreg:$0x5];
	[sflag:s16] =	ssyncadd.s32 $0xFFFFE200  }
0x30: {  	[spmem:s12] =	stream.linear.scatter [tilespmem:s17], [sflag:$0x6], $0x1E00, $0x38;
	[tilespmem:$0x1D740] =	vst v63  }
0x31: {  	_ =	swait.ge [sflag:s16], $0x1E00  }
0x32: {  	[sflag:s16] =	ssyncset.done $0x0  }
0x33: {  	s12 =	rddreg [dreg:$0x6];
	[sflag:s16] =	ssyncadd.s32 $0xFFFFE200  }
0x34: {  	[spmem:s12] =	stream.linear.scatter [tilespmem:s17], [sflag:$0x6], $0x1E00, $0x38;
	[tilespmem:$0x1D740] =	vst v63  }
0x35: {  	_ =	swait.ge [sflag:s16], $0x1E00  }
0x36: {  	[sflag:s16] =	ssyncset.done $0x0  }
0x37: {  	s12 =	rddreg [dreg:$0x7];
	[sflag:s16] =	ssyncadd.s32 $0xFFFFE200  }
0x38: {  	[spmem:s12] =	stream.linear.scatter [tilespmem:s17], [sflag:$0x6], $0x1E00, $0x38;
	[tilespmem:$0x1D740] =	vst v63  }
0x39: {  	_ =	swait.ge [sflag:s16], $0x1E00  }
0x3a: {  	[sflag:s16] =	ssyncset.done $0x0  }
0x3b: {  	s12 =	rddreg [dreg:$0x8];
	[sflag:s16] =	ssyncadd.s32 $0xFFFFE200  }
0x3c: {  	[spmem:s12] =	stream.linear.scatter [tilespmem:s17], [sflag:$0x6], $0x1E00, $0x38;
	[tilespmem:$0x1D740] =	vst v63  }
0x3d: {  	_ =	swait.ge [sflag:s16], $0x1E00  }
0x3e: {  	[sflag:s16] =	ssyncset.done $0x0  }
0x3f: {  	s12 =	rddreg [dreg:$0x9];
	[sflag:s16] =	ssyncadd.s32 $0xFFFFE200  }
0x40: {  	[spmem:s12] =	stream.linear.scatter [tilespmem:s17], [sflag:$0x6], $0x1E00, $0x38;
	[tilespmem:$0x1D740] =	vst v63  }
0x41: {  	_ =	swait.ge [sflag:s16], $0x1E00  }
0x42: {  	[sflag:s16] =	ssyncset.done $0x0  }
0x43: {  	[sflag:s16] =	ssyncadd.s32 $0xFFFFE200  }
0x44: {  	[spmem:s13] =	stream.linear.scatter [tilespmem:s17], [sflag:$0x6], $0x1E00, $0x38;
	[tilespmem:$0x1D740] =	vst v63  }
0x45: {  	_ =	swait.ge [sflag:s16], $0x1E00  }
0x46: {  	[sflag:s16] =	ssyncset.done $0x0  }
0x47: {  	[sflag:s16] =	ssyncadd.s32 $0xFFFFE200  }
0x48: {  	s12 =	simm.s32 $0x0;
	[bflag:$0x0] =	sbarrier.arrive $0xFFFF  }
0x49: {  	v1 =	vld [tilespmem:s12+$0x0];
	_ =	sdelay $0x4  }
0x4a: {  	v2 =	vand.u32 $0xFFFF, v1  }
0x4b: {  	v1 =	vshrl.u32 v1, $0x10;
	[tilespmem:$0x4E20] =	vst v2  }
0x4c: {  	[tilespmem:$0x4FB0] =	vst v1  }
0x4d: {  	v1 =	vld [tilespmem:s12+$0x10];
	_ =	sdelay $0x4  }
0x4e: {  	v2 =	vand.u32 $0xFFFF, v1  }
0x4f: {  	v1 =	vshrl.u32 v1, $0x10;
	[tilespmem:$0x4E30] =	vst v2  }
0x50: {  	[tilespmem:$0x4FC0] =	vst v1  }
0x51: {  	v1 =	vld [tilespmem:s12+$0x20];
	_ =	sdelay $0x4  }
0x52: {  	v2 =	vand.u32 $0xFFFF, v1  }
0x53: {  	v1 =	vshrl.u32 v1, $0x10;
	[tilespmem:$0x4E40] =	vst v2  }
0x54: {  	[tilespmem:$0x4FD0] =	vst v1  }
0x55: {  	v1 =	vld [tilespmem:s12+$0x30];
	_ =	sdelay $0x4  }
0x56: {  	v2 =	vand.u32 $0xFFFF, v1  }
0x57: {  	v1 =	vshrl.u32 v1, $0x10;
	[tilespmem:$0x4E50] =	vst v2  }
0x58: {  	[tilespmem:$0x4FE0] =	vst v1  }
0x59: {  	v1 =	vld [tilespmem:s12+$0x40];
	_ =	sdelay $0x4  }
0x5a: {  	v2 =	vand.u32 $0xFFFF, v1  }
0x5b: {  	v1 =	vshrl.u32 v1, $0x10;
	[tilespmem:$0x4E60] =	vst v2  }
0x5c: {  	[tilespmem:$0x4FF0] =	vst v1  }
0x5d: {  	[tilespmem:s17], [sflag:$0x1] =	stream.indirect.gather [hbm4b:s4+s18], $0x60, s19, s18, $0xb8;
	[tilespmem:$0x1D740] =	vst v63  }
0x5e: {  	v1 =	vld [tilespmem:s12+$0x50];
	_ =	sdelay $0x4  }
0x5f: {  	v2 =	vand.u32 $0xFFFF, v1  }
0x60: {  	v1 =	vshrl.u32 v1, $0x10;
	[tilespmem:$0x4E70] =	vst v2  }
0x61: {  	[tilespmem:$0x5000] =	vst v1  }
0x62: {  	v1 =	vld [tilespmem:s12+$0x60];
	_ =	sdelay $0x4  }
0x63: {  	v2 =	vand.u32 $0xFFFF, v1  }
0x64: {  	v1 =	vshrl.u32 v1, $0x10;
	[tilespmem:$0x4E80] =	vst v2  }
0x65: {  	[tilespmem:$0x5010] =	vst v1  }
0x66: {  	v1 =	vld [tilespmem:s12+$0x70];
	_ =	sdelay $0x4  }
0x67: {  	v2 =	vand.u32 $0xFFFF, v1  }
0x68: {  	v1 =	vshrl.u32 v1, $0x10;
	[tilespmem:$0x4E90] =	vst v2  }
0x69: {  	[tilespmem:$0x5020] =	vst v1  }
0x6a: {  	v1 =	vld [tilespmem:s12+$0x80];
	_ =	sdelay $0x4  }
0x6b: {  	v2 =	vand.u32 $0xFFFF, v1  }
0x6c: {  	v1 =	vshrl.u32 v1, $0x10;
	[tilespmem:$0x4EA0] =	vst v2  }
0x6d: {  	[tilespmem:$0x5030] =	vst v1  }
0x6e: {  	v1 =	vld [tilespmem:s12+$0x90];
	_ =	sdelay $0x4  }
0x6f: {  	v2 =	vand.u32 $0xFFFF, v1  }
0x70: {  	v1 =	vshrl.u32 v1, $0x10;
	[tilespmem:$0x4EB0] =	vst v2  }
0x71: {  	[tilespmem:$0x5040] =	vst v1  }
0x72: {  	[tilespmem:s21], [sflag:$0x2] =	stream.indirect.gather [hbm4b:s4+s18], $0x60, s20, s18, $0xb8;
	[tilespmem:$0x1D740] =	vst v63  }
0x73: {  	v1 =	vld [tilespmem:s12+$0xA0];
	_ =	sdelay $0x4  }
0x74: {  	v2 =	vand.u32 $0xFFFF, v1  }
0x75: {  	v1 =	vshrl.u32 v1, $0x10;
	[tilespmem:$0x4EC0] =	vst v2  }
0x76: {  	[tilespmem:$0x5050] =	vst v1  }
0x77: {  	v1 =	vld [tilespmem:s12+$0xB0];
	_ =	sdelay $0x4  }
0x78: {  	v2 =	vand.u32 $0xFFFF, v1  }
0x79: {  	v1 =	vshrl.u32 v1, $0x10;
	[tilespmem:$0x4ED0] =	vst v2  }
0x7a: {  	[tilespmem:$0x5060] =	vst v1  }
0x7b: {  	v1 =	vld [tilespmem:s12+$0xC0];
	_ =	sdelay $0x4  }
0x7c: {  	v2 =	vand.u32 $0xFFFF, v1  }
0x7d: {  	v1 =	vshrl.u32 v1, $0x10;
	[tilespmem:$0x4EE0] =	vst v2  }
0x7e: {  	[tilespmem:$0x5070] =	vst v1  }
0x7f: {  	v1 =	vld [tilespmem:s12+$0xD0];
	_ =	sdelay $0x4  }
0x80: {  	v2 =	vand.u32 $0xFFFF, v1  }
0x81: {  	v1 =	vshrl.u32 v1, $0x10;
	[tilespmem:$0x4EF0] =	vst v2  }
0x82: {  	[tilespmem:$0x5080] =	vst v1  }
0x83: {  	v1 =	vld [tilespmem:s12+$0xE0];
	_ =	sdelay $0x4  }
0x84: {  	v2 =	vand.u32 $0xFFFF, v1  }
0x85: {  	v1 =	vshrl.u32 v1, $0x10;
	[tilespmem:$0x4F00] =	vst v2  }
0x86: {  	[tilespmem:$0x5090] =	vst v1  }
0x87: {  	[tilespmem:s23], [sflag:$0x3] =	stream.indirect.gather [hbm4b:s4+s18], $0x60, s22, s18, $0xb8;
	[tilespmem:$0x1D740] =	vst v63  }
0x88: {  	v1 =	vld [tilespmem:s12+$0xF0];
	_ =	sdelay $0x4  }
0x89: {  	v2 =	vand.u32 $0xFFFF, v1  }
0x8a: {  	v1 =	vshrl.u32 v1, $0x10;
	[tilespmem:$0x4F10] =	vst v2  }
0x8b: {  	[tilespmem:$0x50A0] =	vst v1  }
0x8c: {  	v1 =	vld [tilespmem:s12+$0x100];
	_ =	sdelay $0x4  }
0x8d: {  	v2 =	vand.u32 $0xFFFF, v1  }
0x8e: {  	v1 =	vshrl.u32 v1, $0x10;
	[tilespmem:$0x4F20] =	vst v2  }
0x8f: {  	[tilespmem:$0x50B0] =	vst v1  }
0x90: {  	v1 =	vld [tilespmem:s12+$0x110];
	_ =	sdelay $0x4  }
0x91: {  	v2 =	vand.u32 $0xFFFF, v1  }
0x92: {  	v1 =	vshrl.u32 v1, $0x10;
	[tilespmem:$0x4F30] =	vst v2  }
0x93: {  	[tilespmem:$0x50C0] =	vst v1  }
0x94: {  	v1 =	vld [tilespmem:s12+$0x120];
	_ =	sdelay $0x4  }
0x95: {  	v2 =	vand.u32 $0xFFFF, v1  }
0x96: {  	v1 =	vshrl.u32 v1, $0x10;
	[tilespmem:$0x4F40] =	vst v2  }
0x97: {  	[tilespmem:$0x50D0] =	vst v1  }
0x98: {  	v1 =	vld [tilespmem:s12+$0x130];
	_ =	sdelay $0x4  }
0x99: {  	v2 =	vand.u32 $0xFFFF, v1  }
0x9a: {  	v1 =	vshrl.u32 v1, $0x10;
	[tilespmem:$0x4F50] =	vst v2  }
0x9b: {  	[tilespmem:$0x50E0] =	vst v1  }
0x9c: {  	[tilespmem:s25], [sflag:$0x4] =	stream.indirect.gather [hbm4b:s4+s18], $0x60, s24, s18, $0xb8;
	[tilespmem:$0x1D740] =	vst v63  }
0x9d: {  	v1 =	vld [tilespmem:s12+$0x140];
	_ =	sdelay $0x4  }
0x9e: {  	v2 =	vand.u32 $0xFFFF, v1  }
0x9f: {  	v1 =	vshrl.u32 v1, $0x10;
	[tilespmem:$0x4F60] =	vst v2  }
0xa0: {  	[tilespmem:$0x50F0] =	vst v1  }
0xa1: {  	v1 =	vld [tilespmem:s12+$0x150];
	_ =	sdelay $0x4  }
0xa2: {  	v2 =	vand.u32 $0xFFFF, v1  }
0xa3: {  	v1 =	vshrl.u32 v1, $0x10;
	[tilespmem:$0x4F70] =	vst v2  }
0xa4: {  	[tilespmem:$0x5100] =	vst v1  }
0xa5: {  	v1 =	vld [tilespmem:s12+$0x160];
	_ =	sdelay $0x4  }
0xa6: {  	v2 =	vand.u32 $0xFFFF, v1  }
0xa7: {  	v1 =	vshrl.u32 v1, $0x10;
	[tilespmem:$0x4F80] =	vst v2  }
0xa8: {  	[tilespmem:$0x5110] =	vst v1  }
0xa9: {  	v1 =	vld [tilespmem:s12+$0x170];
	_ =	sdelay $0x4  }
0xaa: {  	v2 =	vand.u32 $0xFFFF, v1  }
0xab: {  	v1 =	vshrl.u32 v1, $0x10;
	[tilespmem:$0x4F90] =	vst v2  }
0xac: {  	[tilespmem:$0x5120] =	vst v1  }
0xad: {  	v1 =	vld [tilespmem:s12+$0x180];
	_ =	sdelay $0x4  }
0xae: {  	v2 =	vand.u32 $0xFFFF, v1  }
0xaf: {  	v1 =	vshrl.u32 v1, $0x10;
	[tilespmem:$0x4FA0] =	vst v2  }
0xb0: {  	[tilespmem:$0x5130] =	vst v1  }
0xb1: {  	[tilespmem:s28], [sflag:$0x5] =	stream.indirect.gather [hbm4b:s4+s18], $0x60, s26, s18, $0xb8;
	[tilespmem:$0x1D740] =	vst v63  }
0xb2: {  	_ =	swait.ge [sflag:s29], $0x1E00  }
0xb3: {  	[sflag:s29] =	ssyncset.done $0x0  }
0xb4: {  	[sflag:s29] =	ssyncadd.s32 $0xFFFFE200  }
0xb5: {  	[spmem:s2] =	stream.indirect.scatter.add.f32 [tilespmem:s17], [sflag:$0x6], $0x60, s30, s18, $0xb8;
	[tilespmem:$0x1D740] =	vst v63  }
0xb6: {  	_ =	swait.ge [sflag:s16], $0x1E00  }
0xb7: {  	[sflag:s16] =	ssyncset.done $0x0  }
0xb8: {  	[sflag:s16] =	ssyncadd.s32 $0xFFFFE200  }
0xb9: {  	_ =	swait.ge [sflag:s31], $0x1E00  }
0xba: {  	s11 =	simm.s32 $0x640;
	[sflag:s31] =	ssyncset.done $0x0  }
.LBB2_4:
0xbb: {  	p0 =	sne.s32 s11, $0x13240  }
0xbc: {  	[sflag:s31] =	ssyncadd.s32 $0xFFFFE200;
	s12 =	smov.u32 s11;
	s11 =	sadd.s32 $0x640, s11  }
0xbd: {  	[spmem:s2] =	stream.indirect.scatter.add.f32 [tilespmem:s21], [sflag:$0x6], $0x60, s1, s18, $0xb8;
	[tilespmem:$0x1D740] =	vst v63  }
0xbe: {  	_ =	swait.ge [sflag:s16], $0x1E00  }
0xbf: {  	[sflag:s16] =	ssyncset.done $0x0  }
0xc0: {  	[sflag:s16] =	ssyncadd.s32 $0xFFFFE200  }
0xc1: {  	_ =	swait.ge [sflag:s3], $0x1E00  }
0xc2: {  	[sflag:s3] =	ssyncset.done $0x0  }
0xc3: {  	[sflag:s3] =	ssyncadd.s32 $0xFFFFE200  }
0xc4: {  	[spmem:s2] =	stream.indirect.scatter.add.f32 [tilespmem:s23], [sflag:$0x6], $0x60, s0, s18, $0xb8;
	[tilespmem:$0x1D740] =	vst v63  }
0xc5: {  	_ =	swait.ge [sflag:s16], $0x1E00  }
0xc6: {  	[sflag:s16] =	ssyncset.done $0x0  }
0xc7: {  	[sflag:s16] =	ssyncadd.s32 $0xFFFFE200  }
0xc8: {  	_ =	swait.ge [sflag:s6], $0x1E00  }
0xc9: {  	[sflag:s6] =	ssyncset.done $0x0  }
0xca: {  	[sflag:s6] =	ssyncadd.s32 $0xFFFFE200  }
0xcb: {  	[spmem:s2] =	stream.indirect.scatter.add.f32 [tilespmem:s25], [sflag:$0x6], $0x60, s7, s18, $0xb8;
	[tilespmem:$0x1D740] =	vst v63  }
0xcc: {  	_ =	swait.ge [sflag:s16], $0x1E00  }
0xcd: {  	[sflag:s16] =	ssyncset.done $0x0  }
0xce: {  	[sflag:s16] =	ssyncadd.s32 $0xFFFFE200  }
0xcf: {  	_ =	swait.ge [sflag:s8], $0x1E00  }
0xd0: {  	[sflag:s8] =	ssyncset.done $0x0  }
0xd1: {  	[sflag:s8] =	ssyncadd.s32 $0xFFFFE200  }
0xd2: {  	[spmem:s2] =	stream.indirect.scatter.add.f32 [tilespmem:s28], [sflag:$0x6], $0x60, s9, s18, $0xb8;
	[tilespmem:$0x1D740] =	vst v63  }
0xd3: {  	_ =	swait.ge [sflag:s16], $0x1E00  }
0xd4: {  	[sflag:s16] =	ssyncset.done $0x0  }
0xd5: {  	s12 =	sshra.s32 s12, $0x2;
	[sflag:s16] =	ssyncadd.s32 $0xFFFFE200  }
0xd6: {  	v1 =	vld [tilespmem:s12+$0x0];
	_ =	sdelay $0x4  }
0xd7: {  	v2 =	vand.u32 $0xFFFF, v1;
	v1 =	vshrl.u32 v1, $0x10  }
0xd8: {  	[tilespmem:$0x4E20] =	vst v2  }
0xd9: {  	[tilespmem:$0x4FB0] =	vst v1  }
0xda: {  	v1 =	vld [tilespmem:s12+$0x10];
	_ =	sdelay $0x4  }
0xdb: {  	v2 =	vand.u32 $0xFFFF, v1;
	v1 =	vshrl.u32 v1, $0x10  }
0xdc: {  	[tilespmem:$0x4E30] =	vst v2  }
0xdd: {  	[tilespmem:$0x4FC0] =	vst v1  }
0xde: {  	v1 =	vld [tilespmem:s12+$0x20];
	_ =	sdelay $0x4  }
0xdf: {  	v2 =	vand.u32 $0xFFFF, v1;
	v1 =	vshrl.u32 v1, $0x10  }
0xe0: {  	[tilespmem:$0x4E40] =	vst v2  }
0xe1: {  	[tilespmem:$0x4FD0] =	vst v1  }
0xe2: {  	v1 =	vld [tilespmem:s12+$0x30];
	_ =	sdelay $0x4  }
0xe3: {  	v2 =	vand.u32 $0xFFFF, v1;
	v1 =	vshrl.u32 v1, $0x10  }
0xe4: {  	[tilespmem:$0x4E50] =	vst v2  }
0xe5: {  	[tilespmem:$0x4FE0] =	vst v1  }
0xe6: {  	v1 =	vld [tilespmem:s12+$0x40];
	_ =	sdelay $0x4  }
0xe7: {  	v2 =	vand.u32 $0xFFFF, v1;
	v1 =	vshrl.u32 v1, $0x10  }
0xe8: {  	[tilespmem:$0x4E60] =	vst v2  }
0xe9: {  	[tilespmem:$0x4FF0] =	vst v1  }
0xea: {  	[tilespmem:s17], [sflag:$0x1] =	stream.indirect.gather [hbm4b:s4+s18], $0x60, s19, s18, $0xb8;
	[tilespmem:$0x1D740] =	vst v63  }
0xeb: {  	v1 =	vld [tilespmem:s12+$0x50];
	_ =	sdelay $0x4  }
0xec: {  	v2 =	vand.u32 $0xFFFF, v1;
	v1 =	vshrl.u32 v1, $0x10  }
0xed: {  	[tilespmem:$0x4E70] =	vst v2  }
0xee: {  	[tilespmem:$0x5000] =	vst v1  }
0xef: {  	v1 =	vld [tilespmem:s12+$0x60];
	_ =	sdelay $0x4  }
0xf0: {  	v2 =	vand.u32 $0xFFFF, v1;
	v1 =	vshrl.u32 v1, $0x10  }
0xf1: {  	[tilespmem:$0x4E80] =	vst v2  }
0xf2: {  	[tilespmem:$0x5010] =	vst v1  }
0xf3: {  	v1 =	vld [tilespmem:s12+$0x70];
	_ =	sdelay $0x4  }
0xf4: {  	v2 =	vand.u32 $0xFFFF, v1;
	v1 =	vshrl.u32 v1, $0x10  }
0xf5: {  	[tilespmem:$0x4E90] =	vst v2  }
0xf6: {  	[tilespmem:$0x5020] =	vst v1  }
0xf7: {  	v1 =	vld [tilespmem:s12+$0x80];
	_ =	sdelay $0x4  }
0xf8: {  	v2 =	vand.u32 $0xFFFF, v1;
	v1 =	vshrl.u32 v1, $0x10  }
0xf9: {  	[tilespmem:$0x4EA0] =	vst v2  }
0xfa: {  	[tilespmem:$0x5030] =	vst v1  }
0xfb: {  	v1 =	vld [tilespmem:s12+$0x90];
	_ =	sdelay $0x4  }
0xfc: {  	v2 =	vand.u32 $0xFFFF, v1;
	v1 =	vshrl.u32 v1, $0x10  }
0xfd: {  	[tilespmem:$0x4EB0] =	vst v2  }
0xfe: {  	[tilespmem:$0x5040] =	vst v1  }
0xff: {  	[tilespmem:s21], [sflag:$0x2] =	stream.indirect.gather [hbm4b:s4+s18], $0x60, s20, s18, $0xb8;
	[tilespmem:$0x1D740] =	vst v63  }
0x100: {  	v1 =	vld [tilespmem:s12+$0xA0];
	_ =	sdelay $0x4  }
0x101: {  	v2 =	vand.u32 $0xFFFF, v1;
	v1 =	vshrl.u32 v1, $0x10  }
0x102: {  	[tilespmem:$0x4EC0] =	vst v2  }
0x103: {  	[tilespmem:$0x5050] =	vst v1  }
0x104: {  	v1 =	vld [tilespmem:s12+$0xB0];
	_ =	sdelay $0x4  }
0x105: {  	v2 =	vand.u32 $0xFFFF, v1;
	v1 =	vshrl.u32 v1, $0x10  }
0x106: {  	[tilespmem:$0x4ED0] =	vst v2  }
0x107: {  	[tilespmem:$0x5060] =	vst v1  }
0x108: {  	v1 =	vld [tilespmem:s12+$0xC0];
	_ =	sdelay $0x4  }
0x109: {  	v2 =	vand.u32 $0xFFFF, v1;
	v1 =	vshrl.u32 v1, $0x10  }
0x10a: {  	[tilespmem:$0x4EE0] =	vst v2  }
0x10b: {  	[tilespmem:$0x5070] =	vst v1  }
0x10c: {  	v1 =	vld [tilespmem:s12+$0xD0];
	_ =	sdelay $0x4  }
0x10d: {  	v2 =	vand.u32 $0xFFFF, v1;
	v1 =	vshrl.u32 v1, $0x10  }
0x10e: {  	[tilespmem:$0x4EF0] =	vst v2  }
0x10f: {  	[tilespmem:$0x5080] =	vst v1  }
0x110: {  	v1 =	vld [tilespmem:s12+$0xE0];
	_ =	sdelay $0x4  }
0x111: {  	v2 =	vand.u32 $0xFFFF, v1;
	v1 =	vshrl.u32 v1, $0x10  }
0x112: {  	[tilespmem:$0x4F00] =	vst v2  }
0x113: {  	[tilespmem:$0x5090] =	vst v1  }
0x114: {  	[tilespmem:s23], [sflag:$0x3] =	stream.indirect.gather [hbm4b:s4+s18], $0x60, s22, s18, $0xb8;
	[tilespmem:$0x1D740] =	vst v63  }
0x115: {  	v1 =	vld [tilespmem:s12+$0xF0];
	_ =	sdelay $0x4  }
0x116: {  	v2 =	vand.u32 $0xFFFF, v1;
	v1 =	vshrl.u32 v1, $0x10  }
0x117: {  	[tilespmem:$0x4F10] =	vst v2  }
0x118: {  	[tilespmem:$0x50A0] =	vst v1  }
0x119: {  	v1 =	vld [tilespmem:s12+$0x100];
	_ =	sdelay $0x4  }
0x11a: {  	v2 =	vand.u32 $0xFFFF, v1;
	v1 =	vshrl.u32 v1, $0x10  }
0x11b: {  	[tilespmem:$0x4F20] =	vst v2  }
0x11c: {  	[tilespmem:$0x50B0] =	vst v1  }
0x11d: {  	v1 =	vld [tilespmem:s12+$0x110];
	_ =	sdelay $0x4  }
0x11e: {  	v2 =	vand.u32 $0xFFFF, v1;
	v1 =	vshrl.u32 v1, $0x10  }
0x11f: {  	[tilespmem:$0x4F30] =	vst v2  }
0x120: {  	[tilespmem:$0x50C0] =	vst v1  }
0x121: {  	v1 =	vld [tilespmem:s12+$0x120];
	_ =	sdelay $0x4  }
0x122: {  	v2 =	vand.u32 $0xFFFF, v1;
	v1 =	vshrl.u32 v1, $0x10  }
0x123: {  	[tilespmem:$0x4F40] =	vst v2  }
0x124: {  	[tilespmem:$0x50D0] =	vst v1  }
0x125: {  	v1 =	vld [tilespmem:s12+$0x130];
	_ =	sdelay $0x4  }
0x126: {  	v2 =	vand.u32 $0xFFFF, v1;
	v1 =	vshrl.u32 v1, $0x10  }
0x127: {  	[tilespmem:$0x4F50] =	vst v2  }
0x128: {  	[tilespmem:$0x50E0] =	vst v1  }
0x129: {  	[tilespmem:s25], [sflag:$0x4] =	stream.indirect.gather [hbm4b:s4+s18], $0x60, s24, s18, $0xb8;
	[tilespmem:$0x1D740] =	vst v63  }
0x12a: {  	v1 =	vld [tilespmem:s12+$0x140];
	_ =	sdelay $0x4  }
0x12b: {  	v2 =	vand.u32 $0xFFFF, v1;
	v1 =	vshrl.u32 v1, $0x10  }
0x12c: {  	[tilespmem:$0x4F60] =	vst v2  }
0x12d: {  	[tilespmem:$0x50F0] =	vst v1  }
0x12e: {  	v1 =	vld [tilespmem:s12+$0x150];
	_ =	sdelay $0x4  }
0x12f: {  	v2 =	vand.u32 $0xFFFF, v1;
	v1 =	vshrl.u32 v1, $0x10  }
0x130: {  	[tilespmem:$0x4F70] =	vst v2  }
0x131: {  	[tilespmem:$0x5100] =	vst v1  }
0x132: {  	v1 =	vld [tilespmem:s12+$0x160];
	_ =	sdelay $0x4  }
0x133: {  	v2 =	vand.u32 $0xFFFF, v1;
	v1 =	vshrl.u32 v1, $0x10  }
0x134: {  	[tilespmem:$0x4F80] =	vst v2  }
0x135: {  	[tilespmem:$0x5110] =	vst v1  }
0x136: {  	v1 =	vld [tilespmem:s12+$0x170];
	_ =	sdelay $0x4  }
0x137: {  	v2 =	vand.u32 $0xFFFF, v1;
	v1 =	vshrl.u32 v1, $0x10  }
0x138: {  	[tilespmem:$0x4F90] =	vst v2  }
0x139: {  	[tilespmem:$0x5120] =	vst v1  }
0x13a: {  	v1 =	vld [tilespmem:s12+$0x180];
	_ =	sdelay $0x4  }
0x13b: {  	v2 =	vand.u32 $0xFFFF, v1;
	v1 =	vshrl.u32 v1, $0x10  }
0x13c: {  	[tilespmem:$0x4FA0] =	vst v2  }
0x13d: {  	[tilespmem:$0x5130] =	vst v1  }
0x13e: {  	[tilespmem:s28], [sflag:$0x5] =	stream.indirect.gather [hbm4b:s4+s18], $0x60, s26, s18, $0xb8;
	[tilespmem:$0x1D740] =	vst v63  }
0x13f: {  	_ =	swait.ge [sflag:s29], $0x1E00  }
0x140: {  	[sflag:s29] =	ssyncset.done $0x0  }
0x141: {  	[sflag:s29] =	ssyncadd.s32 $0xFFFFE200  }
0x142: {  	[spmem:s2] =	stream.indirect.scatter.add.f32 [tilespmem:s17], [sflag:$0x6], $0x60, s30, s18, $0xb8;
	[tilespmem:$0x1D740] =	vst v63  }
.Ltmp1:
0x143: {  	_ =	swait.ge [sflag:s16], $0x1E00;
	(pc) =	sbr.rel @p0 .LBB2_4-.Ltmp1, $4  }
0x144: {  	[sflag:s16] =	ssyncset.done $0x0  }
0x145: {  	[sflag:s16] =	ssyncadd.s32 $0xFFFFE200  }
0x146: {  	_ =	swait.ge [sflag:s31], $0x1E00  }
0x147: {  	[sflag:s31] =	ssyncset.done $0x0  }
0x148: {  	[sflag:s31] =	ssyncadd.s32 $0xFFFFE200  }
0x149: {  	[spmem:s2] =	stream.indirect.scatter.add.f32 [tilespmem:s21], [sflag:$0x6], $0x60, s1, s18, $0xb8;
	[tilespmem:$0x1D740] =	vst v63  }
0x14a: {  	_ =	swait.ge [sflag:s16], $0x1E00  }
0x14b: {  	[sflag:s16] =	ssyncset.done $0x0  }
0x14c: {  	[sflag:s16] =	ssyncadd.s32 $0xFFFFE200  }
0x14d: {  	_ =	swait.ge [sflag:s3], $0x1E00  }
0x14e: {  	[sflag:s3] =	ssyncset.done $0x0  }
0x14f: {  	[sflag:s3] =	ssyncadd.s32 $0xFFFFE200  }
0x150: {  	[spmem:s2] =	stream.indirect.scatter.add.f32 [tilespmem:s23], [sflag:$0x6], $0x60, s0, s18, $0xb8;
	[tilespmem:$0x1D740] =	vst v63  }
0x151: {  	_ =	swait.ge [sflag:s16], $0x1E00  }
0x152: {  	[sflag:s16] =	ssyncset.done $0x0  }
0x153: {  	[sflag:s16] =	ssyncadd.s32 $0xFFFFE200  }
0x154: {  	_ =	swait.ge [sflag:s6], $0x1E00  }
0x155: {  	[sflag:s6] =	ssyncset.done $0x0  }
0x156: {  	[sflag:s6] =	ssyncadd.s32 $0xFFFFE200  }
0x157: {  	[spmem:s2] =	stream.indirect.scatter.add.f32 [tilespmem:s25], [sflag:$0x6], $0x60, s7, s18, $0xb8;
	[tilespmem:$0x1D740] =	vst v63  }
0x158: {  	_ =	swait.ge [sflag:s16], $0x1E00  }
0x159: {  	[sflag:s16] =	ssyncset.done $0x0  }
0x15a: {  	[sflag:s16] =	ssyncadd.s32 $0xFFFFE200  }
0x15b: {  	_ =	swait.ge [sflag:s8], $0x1E00  }
0x15c: {  	[sflag:s8] =	ssyncset.done $0x0  }
0x15d: {  	[sflag:s8] =	ssyncadd.s32 $0xFFFFE200  }
0x15e: {  	[spmem:s2] =	stream.indirect.scatter.add.f32 [tilespmem:s28], [sflag:$0x6], $0x60, s9, s18, $0xb8;
	[tilespmem:$0x1D740] =	vst v63  }
0x15f: {  	s11 =	stileid.u32;
	_ =	swait.ge [sflag:s16], $0x1E00  }
0x160: {  	s12 =	sshrl.u32 s5, $0x3;
	s10 =	sadd.s32 $0x1, s10;
	[sflag:s16] =	ssyncset.done $0x0  }
0x161: {  	s11 =	sshll.u32 s11, $0x6;
	p0 =	sne.s32 s10, s15;
	[sflag:s16] =	ssyncadd.s32 $0xFFFFE200  }
.Ltmp2:
0x162: {  	s11 =	sor.u32 $0x1C06, s11;
	[bflag:$0x0] =	sbarrier.arrive $0xFFFF;
	(pc) =	sbr.rel @p0 .LBB2_1-.Ltmp2, $4  }
0x163: {  	[hbm:s14], [sflag:s11] =	dma.local [spmem:s12], $0x1E00  }
0x164: {  	_ =	swait.ge [sflag:s16], $0x1E00  }
0x165: {  	[sflag:s16] =	ssyncset.done $0x0  }
0x166: {  	[sflag:s16] =	ssyncadd.s32 $0xFFFFE200  }
0x167: {  	_ =	sfence.sel $0x180000  }
0x168: {  	[bflag:$0x0] =	sbarrier.arrive $0xFFFF  }
0x169: {  	_ =	strace $0x90000047  }
0x16a: {  	s0 =	stileid.u32;
	[bflag:$0x2] =	sbarrier.arrive $0xFFFF  }
0x16b: {  	p0 =	sne.s32 s0, $0x0;
	s0 =	rddreg [dreg:$0x2]  }
0x16c: {  	s0 =	sadd.s32 @!p0 $0x100000, s0  }
0x16d: {  	[sflag:s0] =	ssyncadd.tile.s32 @!p0 $0x1;
	_ =	shalt  }
.Lfunc_end2:
_tile_overlayer_lowered:
.L_overlay_start_2:
0x16e: {  	(tag) =	ssettag $0x2  }
0x16f: {  	s0 =	rddreg [dreg:$0x0];
	s2 =	stileid.u32  }
0x170: {  	s1 =	rddreg [dreg:$0x1];
	p0 =	sne.s32 s2, $0x0  }
0x171: {  	s3 =	rddreg [dreg:$0x2];
	[bflag:$0x3] =	sbarrier.arrive $0xFFFF;
	s2 =	simm.s32 @!p0 $0x1C06  }
0x172: {  	[timem:s3], [sflag:s2] =	dma.local @!p0 [hbm:s0], s1  }
0x173: {  	s0 =	simm.s32 @!p0 $0x6  }
0x174: {  	_ =	swait.ge @!p0 [sflag:s0], s1  }
0x175: {  	s1 =	ssub.s32 @!p0 $0x0, s1;
	[sflag:s0] =	ssyncset.done @!p0 $0x0  }
0x176: {  	[sflag:s0] =	ssyncadd.s32 @!p0 s1  }
0x177: {  	[bflag:$0x3] =	sbarrier.arrive $0xFFFF  }
0x178: {  	_ =	shalt  }

// kernel: kernel.16.cloned.1.call-start
scs
__scs_entry_jumppad:
0x0: {  	(pc) =	sbr.rel $0x88, $3  }
0x1: {  	(tag) =	ssettag $0x0;
	lr =	simm.s32 $0x1  }
0x2: {  	[smem:$0x3F90] =	sst lr;
	_ =	strace $0xD0000000  }
0x3: {  	_ = 	snop  }
0x4: {  	_ = 	snop  }
0x5: {  	_ = 	snop  }
0x6: {  	_ = 	snop  }
0x7: {  	_ = 	snop  }
__scs_overlays_trampoline_lowered:
0x8: {  	[smem:$0x3F9F] =	sst s0  }
0x9: {  	[smem:$0x3FA0] =	sst s1  }
0xa: {  	[smem:$0x3FA1] =	sst s2  }
0xb: {  	[smem:$0x3FA2] =	sst s3  }
0xc: {  	[smem:$0x3FA3] =	sst s4  }
0xd: {  	[smem:$0x3FA4] =	sst s5  }
0xe: {  	[smem:$0x3FA5] =	sst s6  }
0xf: {  	[smem:$0x3FA6] =	sst s7  }
0x10: {  	[smem:$0x3FA7] =	sst s8  }
0x11: {  	[smem:$0x3FA8] =	sst s9;
	s0 =	simm.s32 @!p0 $0x0  }
0x12: {  	s1 =	sld [smem:$0x3F8E];
	s0 =	simm.s32 @p0 $0x1  }
0x13: {  	[smem:$0x3FA9] =	sst s0;
	s0 =	simm.s32 @!p1 $0x0  }
0x14: {  	s2 =	sld [smem:$0x3F8D];
	s0 =	simm.s32 @p1 $0x1  }
0x15: {  	[smem:$0x3FAA] =	sst s0;
	s0 =	simm.s32 @!p2 $0x0  }
0x16: {  	s3 =	sld [smem:$0x3FDB];
	s0 =	simm.s32 @p2 $0x1  }
0x17: {  	s4 =	simm.s32 $0x1BF5;
	[smem:$0x3FAC] =	sst s0  }
0x18: {  	s0 =	sld [smem:$0x3F8F];
	_ =	swait.ge [sflag:s4], $0x0  }
0x19: {  	s7 =	sld [smem:$0x3F90]  }
0x1a: {  	s8 =	sadd.s32 $0xFFFFE003, lr  }
0x1b: {  	s9 =	sadd.s32 $0xFFFFFEF7, lr;
	s5 =	simm.s32 $0xFFFFFFFF;
	p2 =	slt.u32 s8, $0xFFFFF086  }
0x1c: {  	p1 =	slt.u32 s9, $0xF7A;
	s5 =	simm.s32 @!p2 $0x0  }
0x1d: {  	s5 =	simm.s32 @p1 $0x1;
	p0 =	seq.s32 s7, s2  }
0x1e: {  	s7 =	smul.u32 @!p0 $0xF7A, s2;
	p2 =	seq.s32 @!p0 s5, $0x0  }
0x1f: {  	s9 =	smul.u32 $0xF7A, s1;
	s8 =	simm.s32 @!p0 $0x1BF5;
	p2 =	por !p2, p0  }
0x20: {  	[sflag:s8] =	ssyncset.s32 @!p0 $0xFFFFF086;
	s6 =	sadd.s32 @!p0 s3, s7;
	s7 =	simm.s32 @!p0 $0x108  }
0x21: {  	s3 =	sadd.s32 s3, s9;
	s6 =	sadd.s32 @!p0 $0x88, s6;
	s7 =	simm.s32 @p2 $0x1082  }
0x22: {  	[simem:s7], [sflag:s8] =	dma.local @!p0 [hbm:s6], $0xF7A  }
0x23: {  	s9 =	sor.u32 $0xD0000000, s2;
	s6 =	simm.s32 $0x108;
	_ =	swait.ge @!p0 [sflag:s8], $0x0  }
0x24: {  	s3 =	sadd.s32 $0x88, s3;
	s6 =	simm.s32 @!p1 $0x1082;
	[sflag:s4] =	ssyncset.s32 $0xFFFFF086  }
0x25: {  	[simem:s6], [sflag:s4] =	dma.local [hbm:s3], $0xF7A  }
0x26: {  	[smem:$0x3F90] =	sst s1;
	(tag) =	ssettag s2;
	_ =	strace s9  }
0x27: {  	s1 =	sld [smem:$0x3FA0]  }
0x28: {  	s2 =	sld [smem:$0x3FA1]  }
0x29: {  	s4 =	sld [smem:$0x3FA3]  }
0x2a: {  	p0 =	seq.s32 s5, $0x0;
	s5 =	sld [smem:$0x3FA4]  }
0x2b: {  	s6 =	sld [smem:$0x3FA5]  }
0x2c: {  	s7 =	sld [smem:$0x3FA6]  }
0x2d: {  	s3 =	simm.s32 $0x108;
	s8 =	sld [smem:$0x3FA7]  }
0x2e: {  	s3 =	simm.s32 @!p0 $0x1082;
	s9 =	sld [smem:$0x3FA8]  }
0x2f: {  	lr =	sadd.s32 s0, s3;
	s0 =	sld [smem:$0x3F9F]  }
0x30: {  	s3 =	sld [smem:$0x3FA2]  }
0x31: {  	[smem:$0x3FAB] =	sst s10  }
0x32: {  	s10 =	sld [smem:$0x3FA9];
	_ =	sdelay $0x3  }
0x33: {  	p0 =	seq.s32 s10, $0x1;
	s10 =	sld [smem:$0x3FAB];
	_ =	sdelay $0x3  }
0x34: {  	[smem:$0x3FAB] =	sst s10  }
0x35: {  	s10 =	sld [smem:$0x3FAA];
	_ =	sdelay $0x3  }
0x36: {  	p1 =	seq.s32 s10, $0x1;
	s10 =	sld [smem:$0x3FAB];
	_ =	sdelay $0x3  }
0x37: {  	[smem:$0x3FAB] =	sst s10  }
0x38: {  	s10 =	sld [smem:$0x3FAC]  }
0x39: {  	_ = 	snop;
	(pc) =	sbr.ind lr, $3  }
0x3a: {  	_ = 	snop  }
0x3b: {  	_ = 	snop  }
0x3c: {  	p2 =	seq.s32 s10, $0x1;
	s10 =	sld [smem:$0x3FAB]  }
0x3d: {  	_ =	shalt  }
0x3e: {  	_ =	shalt  }
0x3f: {  	_ =	shalt  }
0x40: {  	_ =	shalt  }
0x41: {  	_ =	shalt  }
0x42: {  	_ =	shalt  }
0x43: {  	_ =	shalt  }
0x44: {  	_ =	shalt  }
0x45: {  	_ =	shalt  }
0x46: {  	_ =	shalt  }
0x47: {  	_ =	shalt  }
0x48: {  	_ =	shalt  }
0x49: {  	_ =	shalt  }
0x4a: {  	_ =	shalt  }
0x4b: {  	_ =	shalt  }
0x4c: {  	_ =	shalt  }
0x4d: {  	_ =	shalt  }
0x4e: {  	_ =	shalt  }
0x4f: {  	_ =	shalt  }
0x50: {  	_ =	shalt  }
0x51: {  	_ =	shalt  }
0x52: {  	_ =	shalt  }
0x53: {  	_ =	shalt  }
0x54: {  	_ =	shalt  }
0x55: {  	_ =	shalt  }
0x56: {  	_ =	shalt  }
0x57: {  	_ =	shalt  }
0x58: {  	_ =	shalt  }
0x59: {  	_ =	shalt  }
0x5a: {  	_ =	shalt  }
0x5b: {  	_ =	shalt  }
0x5c: {  	_ =	shalt  }
0x5d: {  	_ =	shalt  }
0x5e: {  	_ =	shalt  }
0x5f: {  	_ =	shalt  }
0x60: {  	_ =	shalt  }
0x61: {  	_ =	shalt  }
0x62: {  	_ =	shalt  }
0x63: {  	_ =	shalt  }
0x64: {  	_ =	shalt  }
0x65: {  	_ =	shalt  }
0x66: {  	_ =	shalt  }
0x67: {  	_ =	shalt  }
0x68: {  	_ =	shalt  }
0x69: {  	_ =	shalt  }
0x6a: {  	_ =	shalt  }
0x6b: {  	_ =	shalt  }
0x6c: {  	_ =	shalt  }
0x6d: {  	_ =	shalt  }
0x6e: {  	_ =	shalt  }
0x6f: {  	_ =	shalt  }
0x70: {  	_ =	shalt  }
0x71: {  	_ =	shalt  }
0x72: {  	_ =	shalt  }
0x73: {  	_ =	shalt  }
0x74: {  	_ =	shalt  }
0x75: {  	_ =	shalt  }
0x76: {  	_ =	shalt  }
0x77: {  	_ =	shalt  }
0x78: {  	_ =	shalt  }
0x79: {  	_ =	shalt  }
0x7a: {  	_ =	shalt  }
0x7b: {  	_ =	shalt  }
0x7c: {  	_ =	shalt  }
0x7d: {  	_ =	shalt  }
0x7e: {  	_ =	shalt  }
0x7f: {  	_ =	shalt  }
0x80: {  	_ =	shalt  }
0x81: {  	_ =	shalt  }
0x82: {  	_ =	shalt  }
0x83: {  	_ =	shalt  }
0x84: {  	_ =	shalt  }
0x85: {  	_ =	shalt  }
0x86: {  	_ =	shalt  }
0x87: {  	_ =	shalt  }
.Lfunc_end0:
.L_simem_size_0:
called_computation.1_lowered:
.L_overlay_start_0:
0x88: {  	s2 =	sld [smem:$0x3FD9]  }
0x89: {  	s3 =	sld [smem:$0x3FFE];
	_ =	sdelay $0x1  }
0x8a: {  	s1 =	srdreg.scid  }
0x8b: {  	s0 =	sand.u32 $0x1, s1  }
0x8c: {  	s16 =	sshll.u32 s0, $0xA;
	s2 =	sadd.s32 s3, s2  }
0x8d: {  	s2 =	sadd.s32 s2, s16  }
0x8e: {  	[smem:$0x3FB7] =	sst s2  }
0x8f: {  	_ = 	snop  }
0x90: {  	(tm) =	ssettm $0x1  }
0x91: {  	s17 =	sld [smem:$0x3FFB];
	_ =	sdelay $0x3  }
0x92: {  	_ =	strace s17  }
0x93: {  	s2 =	sld [smem:$0x3FFC];
	_ =	sdelay $0x3  }
0x94: {  	_ =	strace s2  }
0x95: {  	s2 =	sld [smem:$0x3FFD];
	_ =	sdelay $0x3  }
0x96: {  	_ =	strace s2  }
0x97: {  	_ =	strace $0x8FFFFFFF  }
0x98: {  	s18 =	sld [smem:$0x3FDB];
	_ =	sdelay $0x1  }
0x99: {  	s19 =	simm.s32 $_scs_section_size  }
0x9a: {  	s4 =	simm.s32 $_size__tile_overlayer_lowered;
	s5 =	simm.s32 $_tile_overlayer_lowered  }
0x9b: {  	s22 =	simm.s32 $0x1BFF;
	s21 =	sshll.u32 s5, $0x1;
	s2 =	sadd.s32 s19, s18  }
0x9c: {  	s6 =	simm.s32 $0x0;
	s20 =	sshll.u32 s4, $0x1;
	s4 =	sadd.s32 s21, s2  }
0x9d: {  	[timem:s6], [sflag:s22] =	dma.local [hbm:s4], s20  }
0x9e: {  	_ =	swait.ge [sflag:s22], s20  }
0x9f: {  	s3 =	ssub.s32 $0x0, s20;
	[sflag:s22] =	ssyncset.done $0x0  }
0xa0: {  	[sflag:s22] =	ssyncadd.s32 s3;
	_ =	sdelay $0x1  }
0xa1: {  	s23 =	simm.s32 $0x1B8B  }
0xa2: {  	_ =	swait.ge [sflag:s23], $0x1  }
0xa3: {  	[sflag:s23] =	ssyncset.done $0x0  }
0xa4: {  	s25 =	simm.s32 $0x1B8E;
	s24 =	sld [smem:$0x3FFE];
	[sflag:s23] =	ssyncadd.s32 $0xFFFFFFFF  }
0xa5: {  	s26 =	simm.s32 $execute0_lowered;
	[smem:$0x3FD2] =	sst s25  }
0xa6: {  	s4 =	sshll.u32 s26, $0x1;
	_ =	strace $0x80000049;
	[dreg:$0x1] =	wrdreg $0xFFFFFFFF  }
0xa7: {  	s28 =	simm.s32 $_size_execute0_lowered;
	s2 =	sadd.s32 s2, s4;
	[dreg:$0x0] =	wrdreg $0x0  }
0xa8: {  	s4 =	sshll.u32 s28, $0x1;
	[dreg:$0x2] =	wrdreg s2  }
0xa9: {  	[dreg:$0x3] =	wrdreg s4  }
0xaa: {  	[dreg:$0x4] =	wrdreg $0xC0  }
0xab: {  	_ =	task [dreg:s6], $0x5FFFF  }
0xac: {  	[dreg:$0x1] =	wrdreg $0xFFFFFFFF  }
0xad: {  	[dreg:$0x0] =	wrdreg $0x60  }
0xae: {  	[dreg:$0x2] =	wrdreg s24  }
0xaf: {  	[dreg:$0x3] =	wrdreg $0xE7400  }
0xb0: {  	[dreg:$0x4] =	wrdreg $0x9  }
0xb1: {  	_ =	task.clear_ibuf [dreg:s6], $0x5FFFF;
	_ =	strace $0x90000049  }
0xb2: {  	s29 =	simm.s32 $0x9;
	_ =	strace $0x8000004B  }
0xb3: {  	_ =	swait.ge [sflag:s29], $0x1  }
0xb4: {  	[sflag:s29] =	ssyncadd.s32 $0xFFFFFFFF  }
0xb5: {  	_ =	strace $0x9000004B  }
0xb6: {  	_ =	sfence  }
0xb7: {  	s30 =	sld [smem:$0x0];
	_ =	sdelay $0x2  }
0xb8: {  	s31 =	sshll.u32 s1, $0xD;
	s1 =	sshrl.u32 s1, $0x2  }
0xb9: {  	s3 =	sand.u32 $0x4000, s31;
	s1 =	sadd.s32 s1, s30  }
0xba: {  	s0 =	sor.u32 s3, s0;
	s1 =	sshll.u32 s1, $0x11  }
0xbb: {  	s0 =	sor.u32 s1, s0  }
0xbc: {  	s0 =	sadd.s32 $0x8F2B, s0  }
0xbd: {  	[sflag:s0] =	ssyncadd.remote.s32 $0x1  }
0xbe: {  	_ =	sfence.sel $0xFFFF  }
0xbf: {  	[dreg:$0x0] =	wrdreg $0xFFFFFFFF;
	(pc) =	sbr.abs _section_cstart, $3  }
0xc0: {  	[dreg:$0x1] =	wrdreg $0xFFFFFFFF  }
0xc1: {  	_ =	task.clear_ibuf [dreg:s6], $0x2FFFF;
	_ =	strace $0x9FFFFFFF  }
0xc2: {  	(tm) =	ssettm $0x7FFFFFFF  }
0xc3: {  	_ =	shalt  }
tec
execute0_lowered:
.L_overlay_start_1:
0x0: {  	(tag) =	ssettag $0x1  }
0x1: {  	s0 =	srdreg.scid  }
0x2: {  	s4 =	stileid.u32;
	s3 =	rddreg [dreg:$0x0]  }
0x3: {  	s2 =	rddreg [dreg:$0x1];
	s6 =	simm.s32 $0x0;
	s16 =	simm.s32 $0x6  }
0x4: {  	s17 =	simm.s32 $0x5140;
	s18 =	simm.s32 $0x50;
	s28 =	simm.s32 $0xC940  }
0x5: {  	s29 =	simm.s32 $0x1;
	s30 =	simm.s32 $0x4FB0;
	s31 =	simm.s32 $0x2  }
0x6: {  	s8 =	simm.s32 $0x5;
	s9 =	simm.s32 $0x50F0;
	s10 =	simm.s32 $0x0  }
0x7: {  	s0 =	sand.u32 $0x1, s0;
	s5 =	smul.u32 $0x1E00, s4;
	[smem:$0x7FF] =	sst s6  }
0x8: {  	s7 =	smul.u32 $0x3C000, s4;
	s6 =	simm.s32 $0x4;
	s1 =	sshll.u32 s0, $0x4  }
0x9: {  	s19 =	smul.u32 $0x1E000, s0;
	_ =	strace $0x8000004A;
	s1 =	sor.u32 s4, s1  }
0xa: {  	s0 =	ssub.s32 $0x2, s0;
	s4 =	sadd.s32 $0x16E00, s3;
	s1 =	smul.u32 $0x9C4, s1  }
0xb: {  	s20 =	sshrl.u32 s0, $0x1;
	s7 =	sshrl.u32 s7, $0x2;
	s5 =	sadd.s32 s5, s19  }
0xc: {  	s0 =	ssub.s32 s0, s20;
	s19 =	simm.s32 $0x4E20;
	s1 =	sadd.s32 s1, s3  }
0xd: {  	s3 =	sadd.s32 s5, s3;
	s5 =	sadd.s32 s7, s2;
	s1 =	sadd.s32 $0x3400, s1  }
0xe: {  	s20 =	simm.s32 $0x4E70;
	s21 =	sadd.s32 $0x1E00, s5;
	[dreg:$0x3] =	wrdreg s1  }
0xf: {  	s15 =	smax.u32 s0, $0x1;
	s22 =	sadd.s32 $0x3C00, s5;
	[dreg:$0x4] =	wrdreg s21  }
0x10: {  	s0 =	simm.s32 $0x5050;
	s23 =	sadd.s32 $0x5A00, s5;
	[dreg:$0x5] =	wrdreg s22  }
0x11: {  	s7 =	simm.s32 $0x50A0;
	s24 =	sadd.s32 $0x7800, s5;
	[dreg:$0x6] =	wrdreg s23  }
0x12: {  	s25 =	sadd.s32 $0x9600, s5;
	s26 =	sadd.s32 $0xB400, s5;
	[dreg:$0x7] =	wrdreg s24  }
0x13: {  	s13 =	sadd.s32 $0xD200, s5;
	s14 =	sadd.s32 $0x51800, s3;
	[dreg:$0x8] =	wrdreg s25  }
0x14: {  	s3 =	simm.s32 $0x3;
	[dreg:$0x9] =	wrdreg s26;
	s21 =	simm.s32 $0x6F40  }
0x15: {  	s22 =	simm.s32 $0x4EC0;
	s23 =	simm.s32 $0x8D40;
	s24 =	simm.s32 $0x4F10  }
0x16: {  	v0 =	vimm.f32 $0.0e+00;
	s25 =	simm.s32 $0xAB40;
	s26 =	simm.s32 $0x4F60;
	s1 =	simm.s32 $0x5000  }
.LBB2_1:
0x17: {  	s11 =	simm.s32 $0x0;
	s12 =	rddreg [dreg:$0x3]  }
0x18: {  	[tilespmem:s11], [sflag:$0x6] =	stream.linear.gather [hbm4b:s12+s11], $0x4E20, $0x38;
	[tilespmem:$0x1D740] =	vst v63  }
0x19: {  	_ =	swait.ge [sflag:s16], $0x4E20  }
0x1a: {  	[sflag:s16] =	ssyncset.done $0x0  }
0x1b: {  	s11 =	simm.s32 $0x0;
	[sflag:s16] =	ssyncadd.s32 $0xFFFFB1E0  }
0x1c: {  	[tilespmem:s11+$0x5190] =	vst v0  }
0x1d: {  	[tilespmem:s11+$0x5140] =	vst v0  }
0x1e: {  	[tilespmem:s11+$0x5150] =	vst v0  }
0x1f: {  	[tilespmem:s11+$0x5160] =	vst v0  }
0x20: {  	s12 =	simm.s32 $0x180;
	[tilespmem:s11+$0x5170] =	vst v0  }
.LBB2_2:
0x21: {  	p0 =	sne.s32 s12, $0x7680;
	[tilespmem:s11+$0x5180] =	vst v0;
	s11 =	sshra.s32 s12, $0x2;
	s12 =	sadd.s32 $0x180, s12  }
.Ltmp0:
0x22: {  	[tilespmem:s11+$0x5190] =	vst v0;
	(pc) =	sbr.rel @p0 .LBB2_2-.Ltmp0, $4  }
0x23: {  	[tilespmem:s11+$0x5140] =	vst v0  }
0x24: {  	[tilespmem:s11+$0x5150] =	vst v0  }
0x25: {  	[tilespmem:s11+$0x5160] =	vst v0  }
0x26: {  	[tilespmem:s11+$0x5170] =	vst v0  }
0x27: {  	[tilespmem:s11+$0x5180] =	vst v0  }
0x28: {  	[spmem:s5] =	stream.linear.scatter [tilespmem:s17], [sflag:$0x6], $0x1E00, $0x38;
	[tilespmem:$0x1D740] =	vst v63  }
0x29: {  	_ =	swait.ge [sflag:s16], $0x1E00  }
0x2a: {  	[sflag:s16] =	ssyncset.done $0x0  }
0x2b: {  	s12 =	rddreg [dreg:$0x4];
	[sflag:s16] =	ssyncadd.s32 $0xFFFFE200  }
0x2c: {  	[spmem:s12] =	stream.linear.scatter [tilespmem:s17], [sflag:$0x6], $0x1E00, $0x38;
	[tilespmem:$0x1D740] =	vst v63  }
0x2d: {  	_ =	swait.ge [sflag:s16], $0x1E00  }
0x2e: {  	[sflag:s16] =	ssyncset.done $0x0  }
0x2f: {  	s12 =	rddreg [dreg:$0x5];
	[sflag:s16] =	ssyncadd.s32 $0xFFFFE200  }
0x30: {  	[spmem:s12] =	stream.linear.scatter [tilespmem:s17], [sflag:$0x6], $0x1E00, $0x38;
	[tilespmem:$0x1D740] =	vst v63  }
0x31: {  	_ =	swait.ge [sflag:s16], $0x1E00  }
0x32: {  	[sflag:s16] =	ssyncset.done $0x0  }
0x33: {  	s12 =	rddreg [dreg:$0x6];
	[sflag:s16] =	ssyncadd.s32 $0xFFFFE200  }
0x34: {  	[spmem:s12] =	stream.linear.scatter [tilespmem:s17], [sflag:$0x6], $0x1E00, $0x38;
	[tilespmem:$0x1D740] =	vst v63  }
0x35: {  	_ =	swait.ge [sflag:s16], $0x1E00  }
0x36: {  	[sflag:s16] =	ssyncset.done $0x0  }
0x37: {  	s12 =	rddreg [dreg:$0x7];
	[sflag:s16] =	ssyncadd.s32 $0xFFFFE200  }
0x38: {  	[spmem:s12] =	stream.linear.scatter [tilespmem:s17], [sflag:$0x6], $0x1E00, $0x38;
	[tilespmem:$0x1D740] =	vst v63  }
0x39: {  	_ =	swait.ge [sflag:s16], $0x1E00  }
0x3a: {  	[sflag:s16] =	ssyncset.done $0x0  }
0x3b: {  	s12 =	rddreg [dreg:$0x8];
	[sflag:s16] =	ssyncadd.s32 $0xFFFFE200  }
0x3c: {  	[spmem:s12] =	stream.linear.scatter [tilespmem:s17], [sflag:$0x6], $0x1E00, $0x38;
	[tilespmem:$0x1D740] =	vst v63  }
0x3d: {  	_ =	swait.ge [sflag:s16], $0x1E00  }
0x3e: {  	[sflag:s16] =	ssyncset.done $0x0  }
0x3f: {  	s12 =	rddreg [dreg:$0x9];
	[sflag:s16] =	ssyncadd.s32 $0xFFFFE200  }
0x40: {  	[spmem:s12] =	stream.linear.scatter [tilespmem:s17], [sflag:$0x6], $0x1E00, $0x38;
	[tilespmem:$0x1D740] =	vst v63  }
0x41: {  	_ =	swait.ge [sflag:s16], $0x1E00  }
0x42: {  	[sflag:s16] =	ssyncset.done $0x0  }
0x43: {  	[sflag:s16] =	ssyncadd.s32 $0xFFFFE200  }
0x44: {  	[spmem:s13] =	stream.linear.scatter [tilespmem:s17], [sflag:$0x6], $0x1E00, $0x38;
	[tilespmem:$0x1D740] =	vst v63  }
0x45: {  	_ =	swait.ge [sflag:s16], $0x1E00  }
0x46: {  	[sflag:s16] =	ssyncset.done $0x0  }
0x47: {  	[sflag:s16] =	ssyncadd.s32 $0xFFFFE200  }
0x48: {  	s12 =	simm.s32 $0x0;
	[bflag:$0x0] =	sbarrier.arrive $0xFFFF  }
0x49: {  	v1 =	vld [tilespmem:s12+$0x0];
	_ =	sdelay $0x4  }
0x4a: {  	v2 =	vand.u32 $0xFFFF, v1  }
0x4b: {  	v1 =	vshrl.u32 v1, $0x10;
	[tilespmem:$0x4E20] =	vst v2  }
0x4c: {  	[tilespmem:$0x4FB0] =	vst v1  }
0x4d: {  	v1 =	vld [tilespmem:s12+$0x10];
	_ =	sdelay $0x4  }
0x4e: {  	v2 =	vand.u32 $0xFFFF, v1  }
0x4f: {  	v1 =	vshrl.u32 v1, $0x10;
	[tilespmem:$0x4E30] =	vst v2  }
0x50: {  	[tilespmem:$0x4FC0] =	vst v1  }
0x51: {  	v1 =	vld [tilespmem:s12+$0x20];
	_ =	sdelay $0x4  }
0x52: {  	v2 =	vand.u32 $0xFFFF, v1  }
0x53: {  	v1 =	vshrl.u32 v1, $0x10;
	[tilespmem:$0x4E40] =	vst v2  }
0x54: {  	[tilespmem:$0x4FD0] =	vst v1  }
0x55: {  	v1 =	vld [tilespmem:s12+$0x30];
	_ =	sdelay $0x4  }
0x56: {  	v2 =	vand.u32 $0xFFFF, v1  }
0x57: {  	v1 =	vshrl.u32 v1, $0x10;
	[tilespmem:$0x4E50] =	vst v2  }
0x58: {  	[tilespmem:$0x4FE0] =	vst v1  }
0x59: {  	v1 =	vld [tilespmem:s12+$0x40];
	_ =	sdelay $0x4  }
0x5a: {  	v2 =	vand.u32 $0xFFFF, v1  }
0x5b: {  	v1 =	vshrl.u32 v1, $0x10;
	[tilespmem:$0x4E60] =	vst v2  }
0x5c: {  	[tilespmem:$0x4FF0] =	vst v1  }
0x5d: {  	[tilespmem:s17], [sflag:$0x1] =	stream.indirect.gather [hbm4b:s4+s18], $0x60, s19, s18, $0xb8;
	[tilespmem:$0x1D740] =	vst v63  }
0x5e: {  	v1 =	vld [tilespmem:s12+$0x50];
	_ =	sdelay $0x4  }
0x5f: {  	v2 =	vand.u32 $0xFFFF, v1  }
0x60: {  	v1 =	vshrl.u32 v1, $0x10;
	[tilespmem:$0x4E70] =	vst v2  }
0x61: {  	[tilespmem:$0x5000] =	vst v1  }
0x62: {  	v1 =	vld [tilespmem:s12+$0x60];
	_ =	sdelay $0x4  }
0x63: {  	v2 =	vand.u32 $0xFFFF, v1  }
0x64: {  	v1 =	vshrl.u32 v1, $0x10;
	[tilespmem:$0x4E80] =	vst v2  }
0x65: {  	[tilespmem:$0x5010] =	vst v1  }
0x66: {  	v1 =	vld [tilespmem:s12+$0x70];
	_ =	sdelay $0x4  }
0x67: {  	v2 =	vand.u32 $0xFFFF, v1  }
0x68: {  	v1 =	vshrl.u32 v1, $0x10;
	[tilespmem:$0x4E90] =	vst v2  }
0x69: {  	[tilespmem:$0x5020] =	vst v1  }
0x6a: {  	v1 =	vld [tilespmem:s12+$0x80];
	_ =	sdelay $0x4  }
0x6b: {  	v2 =	vand.u32 $0xFFFF, v1  }
0x6c: {  	v1 =	vshrl.u32 v1, $0x10;
	[tilespmem:$0x4EA0] =	vst v2  }
0x6d: {  	[tilespmem:$0x5030] =	vst v1  }
0x6e: {  	v1 =	vld [tilespmem:s12+$0x90];
	_ =	sdelay $0x4  }
0x6f: {  	v2 =	vand.u32 $0xFFFF, v1  }
0x70: {  	v1 =	vshrl.u32 v1, $0x10;
	[tilespmem:$0x4EB0] =	vst v2  }
0x71: {  	[tilespmem:$0x5040] =	vst v1  }
0x72: {  	[tilespmem:s21], [sflag:$0x2] =	stream.indirect.gather [hbm4b:s4+s18], $0x60, s20, s18, $0xb8;
	[tilespmem:$0x1D740] =	vst v63  }
0x73: {  	v1 =	vld [tilespmem:s12+$0xA0];
	_ =	sdelay $0x4  }
0x74: {  	v2 =	vand.u32 $0xFFFF, v1  }
0x75: {  	v1 =	vshrl.u32 v1, $0x10;
	[tilespmem:$0x4EC0] =	vst v2  }
0x76: {  	[tilespmem:$0x5050] =	vst v1  }
0x77: {  	v1 =	vld [tilespmem:s12+$0xB0];
	_ =	sdelay $0x4  }
0x78: {  	v2 =	vand.u32 $0xFFFF, v1  }
0x79: {  	v1 =	vshrl.u32 v1, $0x10;
	[tilespmem:$0x4ED0] =	vst v2  }
0x7a: {  	[tilespmem:$0x5060] =	vst v1  }
0x7b: {  	v1 =	vld [tilespmem:s12+$0xC0];
	_ =	sdelay $0x4  }
0x7c: {  	v2 =	vand.u32 $0xFFFF, v1  }
0x7d: {  	v1 =	vshrl.u32 v1, $0x10;
	[tilespmem:$0x4EE0] =	vst v2  }
0x7e: {  	[tilespmem:$0x5070] =	vst v1  }
0x7f: {  	v1 =	vld [tilespmem:s12+$0xD0];
	_ =	sdelay $0x4  }
0x80: {  	v2 =	vand.u32 $0xFFFF, v1  }
0x81: {  	v1 =	vshrl.u32 v1, $0x10;
	[tilespmem:$0x4EF0] =	vst v2  }
0x82: {  	[tilespmem:$0x5080] =	vst v1  }
0x83: {  	v1 =	vld [tilespmem:s12+$0xE0];
	_ =	sdelay $0x4  }
0x84: {  	v2 =	vand.u32 $0xFFFF, v1  }
0x85: {  	v1 =	vshrl.u32 v1, $0x10;
	[tilespmem:$0x4F00] =	vst v2  }
0x86: {  	[tilespmem:$0x5090] =	vst v1  }
0x87: {  	[tilespmem:s23], [sflag:$0x3] =	stream.indirect.gather [hbm4b:s4+s18], $0x60, s22, s18, $0xb8;
	[tilespmem:$0x1D740] =	vst v63  }
0x88: {  	v1 =	vld [tilespmem:s12+$0xF0];
	_ =	sdelay $0x4  }
0x89: {  	v2 =	vand.u32 $0xFFFF, v1  }
0x8a: {  	v1 =	vshrl.u32 v1, $0x10;
	[tilespmem:$0x4F10] =	vst v2  }
0x8b: {  	[tilespmem:$0x50A0] =	vst v1  }
0x8c: {  	v1 =	vld [tilespmem:s12+$0x100];
	_ =	sdelay $0x4  }
0x8d: {  	v2 =	vand.u32 $0xFFFF, v1  }
0x8e: {  	v1 =	vshrl.u32 v1, $0x10;
	[tilespmem:$0x4F20] =	vst v2  }
0x8f: {  	[tilespmem:$0x50B0] =	vst v1  }
0x90: {  	v1 =	vld [tilespmem:s12+$0x110];
	_ =	sdelay $0x4  }
0x91: {  	v2 =	vand.u32 $0xFFFF, v1  }
0x92: {  	v1 =	vshrl.u32 v1, $0x10;
	[tilespmem:$0x4F30] =	vst v2  }
0x93: {  	[tilespmem:$0x50C0] =	vst v1  }
0x94: {  	v1 =	vld [tilespmem:s12+$0x120];
	_ =	sdelay $0x4  }
0x95: {  	v2 =	vand.u32 $0xFFFF, v1  }
0x96: {  	v1 =	vshrl.u32 v1, $0x10;
	[tilespmem:$0x4F40] =	vst v2  }
0x97: {  	[tilespmem:$0x50D0] =	vst v1  }
0x98: {  	v1 =	vld [tilespmem:s12+$0x130];
	_ =	sdelay $0x4  }
0x99: {  	v2 =	vand.u32 $0xFFFF, v1  }
0x9a: {  	v1 =	vshrl.u32 v1, $0x10;
	[tilespmem:$0x4F50] =	vst v2  }
0x9b: {  	[tilespmem:$0x50E0] =	vst v1  }
0x9c: {  	[tilespmem:s25], [sflag:$0x4] =	stream.indirect.gather [hbm4b:s4+s18], $0x60, s24, s18, $0xb8;
	[tilespmem:$0x1D740] =	vst v63  }
0x9d: {  	v1 =	vld [tilespmem:s12+$0x140];
	_ =	sdelay $0x4  }
0x9e: {  	v2 =	vand.u32 $0xFFFF, v1  }
0x9f: {  	v1 =	vshrl.u32 v1, $0x10;
	[tilespmem:$0x4F60] =	vst v2  }
0xa0: {  	[tilespmem:$0x50F0] =	vst v1  }
0xa1: {  	v1 =	vld [tilespmem:s12+$0x150];
	_ =	sdelay $0x4  }
0xa2: {  	v2 =	vand.u32 $0xFFFF, v1  }
0xa3: {  	v1 =	vshrl.u32 v1, $0x10;
	[tilespmem:$0x4F70] =	vst v2  }
0xa4: {  	[tilespmem:$0x5100] =	vst v1  }
0xa5: {  	v1 =	vld [tilespmem:s12+$0x160];
	_ =	sdelay $0x4  }
0xa6: {  	v2 =	vand.u32 $0xFFFF, v1  }
0xa7: {  	v1 =	vshrl.u32 v1, $0x10;
	[tilespmem:$0x4F80] =	vst v2  }
0xa8: {  	[tilespmem:$0x5110] =	vst v1  }
0xa9: {  	v1 =	vld [tilespmem:s12+$0x170];
	_ =	sdelay $0x4  }
0xaa: {  	v2 =	vand.u32 $0xFFFF, v1  }
0xab: {  	v1 =	vshrl.u32 v1, $0x10;
	[tilespmem:$0x4F90] =	vst v2  }
0xac: {  	[tilespmem:$0x5120] =	vst v1  }
0xad: {  	v1 =	vld [tilespmem:s12+$0x180];
	_ =	sdelay $0x4  }
0xae: {  	v2 =	vand.u32 $0xFFFF, v1  }
0xaf: {  	v1 =	vshrl.u32 v1, $0x10;
	[tilespmem:$0x4FA0] =	vst v2  }
0xb0: {  	[tilespmem:$0x5130] =	vst v1  }
0xb1: {  	[tilespmem:s28], [sflag:$0x5] =	stream.indirect.gather [hbm4b:s4+s18], $0x60, s26, s18, $0xb8;
	[tilespmem:$0x1D740] =	vst v63  }
0xb2: {  	_ =	swait.ge [sflag:s29], $0x1E00  }
0xb3: {  	[sflag:s29] =	ssyncset.done $0x0  }
0xb4: {  	[sflag:s29] =	ssyncadd.s32 $0xFFFFE200  }
0xb5: {  	[spmem:s2] =	stream.indirect.scatter.add.f32 [tilespmem:s17], [sflag:$0x6], $0x60, s30, s18, $0xb8;
	[tilespmem:$0x1D740] =	vst v63  }
0xb6: {  	_ =	swait.ge [sflag:s16], $0x1E00  }
0xb7: {  	[sflag:s16] =	ssyncset.done $0x0  }
0xb8: {  	[sflag:s16] =	ssyncadd.s32 $0xFFFFE200  }
0xb9: {  	_ =	swait.ge [sflag:s31], $0x1E00  }
0xba: {  	s11 =	simm.s32 $0x640;
	[sflag:s31] =	ssyncset.done $0x0  }
.LBB2_4:
0xbb: {  	p0 =	sne.s32 s11, $0x13240  }
0xbc: {  	[sflag:s31] =	ssyncadd.s32 $0xFFFFE200;
	s12 =	smov.u32 s11;
	s11 =	sadd.s32 $0x640, s11  }
0xbd: {  	[spmem:s2] =	stream.indirect.scatter.add.f32 [tilespmem:s21], [sflag:$0x6], $0x60, s1, s18, $0xb8;
	[tilespmem:$0x1D740] =	vst v63  }
0xbe: {  	_ =	swait.ge [sflag:s16], $0x1E00  }
0xbf: {  	[sflag:s16] =	ssyncset.done $0x0  }
0xc0: {  	[sflag:s16] =	ssyncadd.s32 $0xFFFFE200  }
0xc1: {  	_ =	swait.ge [sflag:s3], $0x1E00  }
0xc2: {  	[sflag:s3] =	ssyncset.done $0x0  }
0xc3: {  	[sflag:s3] =	ssyncadd.s32 $0xFFFFE200  }
0xc4: {  	[spmem:s2] =	stream.indirect.scatter.add.f32 [tilespmem:s23], [sflag:$0x6], $0x60, s0, s18, $0xb8;
	[tilespmem:$0x1D740] =	vst v63  }
0xc5: {  	_ =	swait.ge [sflag:s16], $0x1E00  }
0xc6: {  	[sflag:s16] =	ssyncset.done $0x0  }
0xc7: {  	[sflag:s16] =	ssyncadd.s32 $0xFFFFE200  }
0xc8: {  	_ =	swait.ge [sflag:s6], $0x1E00  }
0xc9: {  	[sflag:s6] =	ssyncset.done $0x0  }
0xca: {  	[sflag:s6] =	ssyncadd.s32 $0xFFFFE200  }
0xcb: {  	[spmem:s2] =	stream.indirect.scatter.add.f32 [tilespmem:s25], [sflag:$0x6], $0x60, s7, s18, $0xb8;
	[tilespmem:$0x1D740] =	vst v63  }
0xcc: {  	_ =	swait.ge [sflag:s16], $0x1E00  }
0xcd: {  	[sflag:s16] =	ssyncset.done $0x0  }
0xce: {  	[sflag:s16] =	ssyncadd.s32 $0xFFFFE200  }
0xcf: {  	_ =	swait.ge [sflag:s8], $0x1E00  }
0xd0: {  	[sflag:s8] =	ssyncset.done $0x0  }
0xd1: {  	[sflag:s8] =	ssyncadd.s32 $0xFFFFE200  }
0xd2: {  	[spmem:s2] =	stream.indirect.scatter.add.f32 [tilespmem:s28], [sflag:$0x6], $0x60, s9, s18, $0xb8;
	[tilespmem:$0x1D740] =	vst v63  }
0xd3: {  	_ =	swait.ge [sflag:s16], $0x1E00  }
0xd4: {  	[sflag:s16] =	ssyncset.done $0x0  }
0xd5: {  	s12 =	sshra.s32 s12, $0x2;
	[sflag:s16] =	ssyncadd.s32 $0xFFFFE200  }
0xd6: {  	v1 =	vld [tilespmem:s12+$0x0];
	_ =	sdelay $0x4  }
0xd7: {  	v2 =	vand.u32 $0xFFFF, v1;
	v1 =	vshrl.u32 v1, $0x10  }
0xd8: {  	[tilespmem:$0x4E20] =	vst v2  }
0xd9: {  	[tilespmem:$0x4FB0] =	vst v1  }
0xda: {  	v1 =	vld [tilespmem:s12+$0x10];
	_ =	sdelay $0x4  }
0xdb: {  	v2 =	vand.u32 $0xFFFF, v1;
	v1 =	vshrl.u32 v1, $0x10  }
0xdc: {  	[tilespmem:$0x4E30] =	vst v2  }
0xdd: {  	[tilespmem:$0x4FC0] =	vst v1  }
0xde: {  	v1 =	vld [tilespmem:s12+$0x20];
	_ =	sdelay $0x4  }
0xdf: {  	v2 =	vand.u32 $0xFFFF, v1;
	v1 =	vshrl.u32 v1, $0x10  }
0xe0: {  	[tilespmem:$0x4E40] =	vst v2  }
0xe1: {  	[tilespmem:$0x4FD0] =	vst v1  }
0xe2: {  	v1 =	vld [tilespmem:s12+$0x30];
	_ =	sdelay $0x4  }
0xe3: {  	v2 =	vand.u32 $0xFFFF, v1;
	v1 =	vshrl.u32 v1, $0x10  }
0xe4: {  	[tilespmem:$0x4E50] =	vst v2  }
0xe5: {  	[tilespmem:$0x4FE0] =	vst v1  }
0xe6: {  	v1 =	vld [tilespmem:s12+$0x40];
	_ =	sdelay $0x4  }
0xe7: {  	v2 =	vand.u32 $0xFFFF, v1;
	v1 =	vshrl.u32 v1, $0x10  }
0xe8: {  	[tilespmem:$0x4E60] =	vst v2  }
0xe9: {  	[tilespmem:$0x4FF0] =	vst v1  }
0xea: {  	[tilespmem:s17], [sflag:$0x1] =	stream.indirect.gather [hbm4b:s4+s18], $0x60, s19, s18, $0xb8;
	[tilespmem:$0x1D740] =	vst v63  }
0xeb: {  	v1 =	vld [tilespmem:s12+$0x50];
	_ =	sdelay $0x4  }
0xec: {  	v2 =	vand.u32 $0xFFFF, v1;
	v1 =	vshrl.u32 v1, $0x10  }
0xed: {  	[tilespmem:$0x4E70] =	vst v2  }
0xee: {  	[tilespmem:$0x5000] =	vst v1  }
0xef: {  	v1 =	vld [tilespmem:s12+$0x60];
	_ =	sdelay $0x4  }
0xf0: {  	v2 =	vand.u32 $0xFFFF, v1;
	v1 =	vshrl.u32 v1, $0x10  }
0xf1: {  	[tilespmem:$0x4E80] =	vst v2  }
0xf2: {  	[tilespmem:$0x5010] =	vst v1  }
0xf3: {  	v1 =	vld [tilespmem:s12+$0x70];
	_ =	sdelay $0x4  }
0xf4: {  	v2 =	vand.u32 $0xFFFF, v1;
	v1 =	vshrl.u32 v1, $0x10  }
0xf5: {  	[tilespmem:$0x4E90] =	vst v2  }
0xf6: {  	[tilespmem:$0x5020] =	vst v1  }
0xf7: {  	v1 =	vld [tilespmem:s12+$0x80];
	_ =	sdelay $0x4  }
0xf8: {  	v2 =	vand.u32 $0xFFFF, v1;
	v1 =	vshrl.u32 v1, $0x10  }
0xf9: {  	[tilespmem:$0x4EA0] =	vst v2  }
0xfa: {  	[tilespmem:$0x5030] =	vst v1  }
0xfb: {  	v1 =	vld [tilespmem:s12+$0x90];
	_ =	sdelay $0x4  }
0xfc: {  	v2 =	vand.u32 $0xFFFF, v1;
	v1 =	vshrl.u32 v1, $0x10  }
0xfd: {  	[tilespmem:$0x4EB0] =	vst v2  }
0xfe: {  	[tilespmem:$0x5040] =	vst v1  }
0xff: {  	[tilespmem:s21], [sflag:$0x2] =	stream.indirect.gather [hbm4b:s4+s18], $0x60, s20, s18, $0xb8;
	[tilespmem:$0x1D740] =	vst v63  }
0x100: {  	v1 =	vld [tilespmem:s12+$0xA0];
	_ =	sdelay $0x4  }
0x101: {  	v2 =	vand.u32 $0xFFFF, v1;
	v1 =	vshrl.u32 v1, $0x10  }
0x102: {  	[tilespmem:$0x4EC0] =	vst v2  }
0x103: {  	[tilespmem:$0x5050] =	vst v1  }
0x104: {  	v1 =	vld [tilespmem:s12+$0xB0];
	_ =	sdelay $0x4  }
0x105: {  	v2 =	vand.u32 $0xFFFF, v1;
	v1 =	vshrl.u32 v1, $0x10  }
0x106: {  	[tilespmem:$0x4ED0] =	vst v2  }
0x107: {  	[tilespmem:$0x5060] =	vst v1  }
0x108: {  	v1 =	vld [tilespmem:s12+$0xC0];
	_ =	sdelay $0x4  }
0x109: {  	v2 =	vand.u32 $0xFFFF, v1;
	v1 =	vshrl.u32 v1, $0x10  }
0x10a: {  	[tilespmem:$0x4EE0] =	vst v2  }
0x10b: {  	[tilespmem:$0x5070] =	vst v1  }
0x10c: {  	v1 =	vld [tilespmem:s12+$0xD0];
	_ =	sdelay $0x4  }
0x10d: {  	v2 =	vand.u32 $0xFFFF, v1;
	v1 =	vshrl.u32 v1, $0x10  }
0x10e: {  	[tilespmem:$0x4EF0] =	vst v2  }
0x10f: {  	[tilespmem:$0x5080] =	vst v1  }
0x110: {  	v1 =	vld [tilespmem:s12+$0xE0];
	_ =	sdelay $0x4  }
0x111: {  	v2 =	vand.u32 $0xFFFF, v1;
	v1 =	vshrl.u32 v1, $0x10  }
0x112: {  	[tilespmem:$0x4F00] =	vst v2  }
0x113: {  	[tilespmem:$0x5090] =	vst v1  }
0x114: {  	[tilespmem:s23], [sflag:$0x3] =	stream.indirect.gather [hbm4b:s4+s18], $0x60, s22, s18, $0xb8;
	[tilespmem:$0x1D740] =	vst v63  }
0x115: {  	v1 =	vld [tilespmem:s12+$0xF0];
	_ =	sdelay $0x4  }
0x116: {  	v2 =	vand.u32 $0xFFFF, v1;
	v1 =	vshrl.u32 v1, $0x10  }
0x117: {  	[tilespmem:$0x4F10] =	vst v2  }
0x118: {  	[tilespmem:$0x50A0] =	vst v1  }
0x119: {  	v1 =	vld [tilespmem:s12+$0x100];
	_ =	sdelay $0x4  }
0x11a: {  	v2 =	vand.u32 $0xFFFF, v1;
	v1 =	vshrl.u32 v1, $0x10  }
0x11b: {  	[tilespmem:$0x4F20] =	vst v2  }
0x11c: {  	[tilespmem:$0x50B0] =	vst v1  }
0x11d: {  	v1 =	vld [tilespmem:s12+$0x110];
	_ =	sdelay $0x4  }
0x11e: {  	v2 =	vand.u32 $0xFFFF, v1;
	v1 =	vshrl.u32 v1, $0x10  }
0x11f: {  	[tilespmem:$0x4F30] =	vst v2  }
0x120: {  	[tilespmem:$0x50C0] =	vst v1  }
0x121: {  	v1 =	vld [tilespmem:s12+$0x120];
	_ =	sdelay $0x4  }
0x122: {  	v2 =	vand.u32 $0xFFFF, v1;
	v1 =	vshrl.u32 v1, $0x10  }
0x123: {  	[tilespmem:$0x4F40] =	vst v2  }
0x124: {  	[tilespmem:$0x50D0] =	vst v1  }
0x125: {  	v1 =	vld [tilespmem:s12+$0x130];
	_ =	sdelay $0x4  }
0x126: {  	v2 =	vand.u32 $0xFFFF, v1;
	v1 =	vshrl.u32 v1, $0x10  }
0x127: {  	[tilespmem:$0x4F50] =	vst v2  }
0x128: {  	[tilespmem:$0x50E0] =	vst v1  }
0x129: {  	[tilespmem:s25], [sflag:$0x4] =	stream.indirect.gather [hbm4b:s4+s18], $0x60, s24, s18, $0xb8;
	[tilespmem:$0x1D740] =	vst v63  }
0x12a: {  	v1 =	vld [tilespmem:s12+$0x140];
	_ =	sdelay $0x4  }
0x12b: {  	v2 =	vand.u32 $0xFFFF, v1;
	v1 =	vshrl.u32 v1, $0x10  }
0x12c: {  	[tilespmem:$0x4F60] =	vst v2  }
0x12d: {  	[tilespmem:$0x50F0] =	vst v1  }
0x12e: {  	v1 =	vld [tilespmem:s12+$0x150];
	_ =	sdelay $0x4  }
0x12f: {  	v2 =	vand.u32 $0xFFFF, v1;
	v1 =	vshrl.u32 v1, $0x10  }
0x130: {  	[tilespmem:$0x4F70] =	vst v2  }
0x131: {  	[tilespmem:$0x5100] =	vst v1  }
0x132: {  	v1 =	vld [tilespmem:s12+$0x160];
	_ =	sdelay $0x4  }
0x133: {  	v2 =	vand.u32 $0xFFFF, v1;
	v1 =	vshrl.u32 v1, $0x10  }
0x134: {  	[tilespmem:$0x4F80] =	vst v2  }
0x135: {  	[tilespmem:$0x5110] =	vst v1  }
0x136: {  	v1 =	vld [tilespmem:s12+$0x170];
	_ =	sdelay $0x4  }
0x137: {  	v2 =	vand.u32 $0xFFFF, v1;
	v1 =	vshrl.u32 v1, $0x10  }
0x138: {  	[tilespmem:$0x4F90] =	vst v2  }
0x139: {  	[tilespmem:$0x5120] =	vst v1  }
0x13a: {  	v1 =	vld [tilespmem:s12+$0x180];
	_ =	sdelay $0x4  }
0x13b: {  	v2 =	vand.u32 $0xFFFF, v1;
	v1 =	vshrl.u32 v1, $0x10  }
0x13c: {  	[tilespmem:$0x4FA0] =	vst v2  }
0x13d: {  	[tilespmem:$0x5130] =	vst v1  }
0x13e: {  	[tilespmem:s28], [sflag:$0x5] =	stream.indirect.gather [hbm4b:s4+s18], $0x60, s26, s18, $0xb8;
	[tilespmem:$0x1D740] =	vst v63  }
0x13f: {  	_ =	swait.ge [sflag:s29], $0x1E00  }
0x140: {  	[sflag:s29] =	ssyncset.done $0x0  }
0x141: {  	[sflag:s29] =	ssyncadd.s32 $0xFFFFE200  }
0x142: {  	[spmem:s2] =	stream.indirect.scatter.add.f32 [tilespmem:s17], [sflag:$0x6], $0x60, s30, s18, $0xb8;
	[tilespmem:$0x1D740] =	vst v63  }
.Ltmp1:
0x143: {  	_ =	swait.ge [sflag:s16], $0x1E00;
	(pc) =	sbr.rel @p0 .LBB2_4-.Ltmp1, $4  }
0x144: {  	[sflag:s16] =	ssyncset.done $0x0  }
0x145: {  	[sflag:s16] =	ssyncadd.s32 $0xFFFFE200  }
0x146: {  	_ =	swait.ge [sflag:s31], $0x1E00  }
0x147: {  	[sflag:s31] =	ssyncset.done $0x0  }
0x148: {  	[sflag:s31] =	ssyncadd.s32 $0xFFFFE200  }
0x149: {  	[spmem:s2] =	stream.indirect.scatter.add.f32 [tilespmem:s21], [sflag:$0x6], $0x60, s1, s18, $0xb8;
	[tilespmem:$0x1D740] =	vst v63  }
0x14a: {  	_ =	swait.ge [sflag:s16], $0x1E00  }
0x14b: {  	[sflag:s16] =	ssyncset.done $0x0  }
0x14c: {  	[sflag:s16] =	ssyncadd.s32 $0xFFFFE200  }
0x14d: {  	_ =	swait.ge [sflag:s3], $0x1E00  }
0x14e: {  	[sflag:s3] =	ssyncset.done $0x0  }
0x14f: {  	[sflag:s3] =	ssyncadd.s32 $0xFFFFE200  }
0x150: {  	[spmem:s2] =	stream.indirect.scatter.add.f32 [tilespmem:s23], [sflag:$0x6], $0x60, s0, s18, $0xb8;
	[tilespmem:$0x1D740] =	vst v63  }
0x151: {  	_ =	swait.ge [sflag:s16], $0x1E00  }
0x152: {  	[sflag:s16] =	ssyncset.done $0x0  }
0x153: {  	[sflag:s16] =	ssyncadd.s32 $0xFFFFE200  }
0x154: {  	_ =	swait.ge [sflag:s6], $0x1E00  }
0x155: {  	[sflag:s6] =	ssyncset.done $0x0  }
0x156: {  	[sflag:s6] =	ssyncadd.s32 $0xFFFFE200  }
0x157: {  	[spmem:s2] =	stream.indirect.scatter.add.f32 [tilespmem:s25], [sflag:$0x6], $0x60, s7, s18, $0xb8;
	[tilespmem:$0x1D740] =	vst v63  }
0x158: {  	_ =	swait.ge [sflag:s16], $0x1E00  }
0x159: {  	[sflag:s16] =	ssyncset.done $0x0  }
0x15a: {  	[sflag:s16] =	ssyncadd.s32 $0xFFFFE200  }
0x15b: {  	_ =	swait.ge [sflag:s8], $0x1E00  }
0x15c: {  	[sflag:s8] =	ssyncset.done $0x0  }
0x15d: {  	[sflag:s8] =	ssyncadd.s32 $0xFFFFE200  }
0x15e: {  	[spmem:s2] =	stream.indirect.scatter.add.f32 [tilespmem:s28], [sflag:$0x6], $0x60, s9, s18, $0xb8;
	[tilespmem:$0x1D740] =	vst v63  }
0x15f: {  	s11 =	stileid.u32;
	_ =	swait.ge [sflag:s16], $0x1E00  }
0x160: {  	s12 =	sshrl.u32 s5, $0x3;
	s10 =	sadd.s32 $0x1, s10;
	[sflag:s16] =	ssyncset.done $0x0  }
0x161: {  	s11 =	sshll.u32 s11, $0x6;
	p0 =	sne.s32 s10, s15;
	[sflag:s16] =	ssyncadd.s32 $0xFFFFE200  }
.Ltmp2:
0x162: {  	s11 =	sor.u32 $0x1C06, s11;
	[bflag:$0x0] =	sbarrier.arrive $0xFFFF;
	(pc) =	sbr.rel @p0 .LBB2_1-.Ltmp2, $4  }
0x163: {  	[hbm:s14], [sflag:s11] =	dma.local [spmem:s12], $0x1E00  }
0x164: {  	_ =	swait.ge [sflag:s16], $0x1E00  }
0x165: {  	[sflag:s16] =	ssyncset.done $0x0  }
0x166: {  	[sflag:s16] =	ssyncadd.s32 $0xFFFFE200  }
0x167: {  	_ =	sfence.sel $0x180000  }
0x168: {  	[bflag:$0x0] =	sbarrier.arrive $0xFFFF  }
0x169: {  	_ =	strace $0x9000004A  }
0x16a: {  	s0 =	stileid.u32;
	[bflag:$0x2] =	sbarrier.arrive $0xFFFF  }
0x16b: {  	p0 =	sne.s32 s0, $0x0;
	s0 =	rddreg [dreg:$0x2]  }
0x16c: {  	s0 =	sadd.s32 @!p0 $0x100000, s0  }
0x16d: {  	[sflag:s0] =	ssyncadd.tile.s32 @!p0 $0x1;
	_ =	shalt  }
.Lfunc_end2:
_tile_overlayer_lowered:
.L_overlay_start_2:
0x16e: {  	(tag) =	ssettag $0x2  }
0x16f: {  	s0 =	rddreg [dreg:$0x0];
	s2 =	stileid.u32  }
0x170: {  	s1 =	rddreg [dreg:$0x1];
	p0 =	sne.s32 s2, $0x0  }
0x171: {  	s3 =	rddreg [dreg:$0x2];
	[bflag:$0x3] =	sbarrier.arrive $0xFFFF;
	s2 =	simm.s32 @!p0 $0x1C06  }
0x172: {  	[timem:s3], [sflag:s2] =	dma.local @!p0 [hbm:s0], s1  }
0x173: {  	s0 =	simm.s32 @!p0 $0x6  }
0x174: {  	_ =	swait.ge @!p0 [sflag:s0], s1  }
0x175: {  	s1 =	ssub.s32 @!p0 $0x0, s1;
	[sflag:s0] =	ssyncset.done @!p0 $0x0  }
0x176: {  	[sflag:s0] =	ssyncadd.s32 @!p0 s1  }
0x177: {  	[bflag:$0x3] =	sbarrier.arrive $0xFFFF  }
0x178: {  	_ =	shalt  }

// kernel: kernel.19.cloned.1.call-start
scs
__scs_entry_jumppad:
0x0: {  	(pc) =	sbr.rel $0x88, $3  }
0x1: {  	(tag) =	ssettag $0x0;
	lr =	simm.s32 $0x1  }
0x2: {  	[smem:$0x3F90] =	sst lr;
	_ =	strace $0xD0000000  }
0x3: {  	_ = 	snop  }
0x4: {  	_ = 	snop  }
0x5: {  	_ = 	snop  }
0x6: {  	_ = 	snop  }
0x7: {  	_ = 	snop  }
__scs_overlays_trampoline_lowered:
0x8: {  	[smem:$0x3F9F] =	sst s0  }
0x9: {  	[smem:$0x3FA0] =	sst s1  }
0xa: {  	[smem:$0x3FA1] =	sst s2  }
0xb: {  	[smem:$0x3FA2] =	sst s3  }
0xc: {  	[smem:$0x3FA3] =	sst s4  }
0xd: {  	[smem:$0x3FA4] =	sst s5  }
0xe: {  	[smem:$0x3FA5] =	sst s6  }
0xf: {  	[smem:$0x3FA6] =	sst s7  }
0x10: {  	[smem:$0x3FA7] =	sst s8  }
0x11: {  	[smem:$0x3FA8] =	sst s9;
	s0 =	simm.s32 @!p0 $0x0  }
0x12: {  	s1 =	sld [smem:$0x3F8E];
	s0 =	simm.s32 @p0 $0x1  }
0x13: {  	[smem:$0x3FA9] =	sst s0;
	s0 =	simm.s32 @!p1 $0x0  }
0x14: {  	s2 =	sld [smem:$0x3F8D];
	s0 =	simm.s32 @p1 $0x1  }
0x15: {  	[smem:$0x3FAA] =	sst s0;
	s0 =	simm.s32 @!p2 $0x0  }
0x16: {  	s3 =	sld [smem:$0x3FDB];
	s0 =	simm.s32 @p2 $0x1  }
0x17: {  	s4 =	simm.s32 $0x1BF5;
	[smem:$0x3FAC] =	sst s0  }
0x18: {  	s0 =	sld [smem:$0x3F8F];
	_ =	swait.ge [sflag:s4], $0x0  }
0x19: {  	s7 =	sld [smem:$0x3F90]  }
0x1a: {  	s8 =	sadd.s32 $0xFFFFE003, lr  }
0x1b: {  	s9 =	sadd.s32 $0xFFFFFEF7, lr;
	s5 =	simm.s32 $0xFFFFFFFF;
	p2 =	slt.u32 s8, $0xFFFFF086  }
0x1c: {  	p1 =	slt.u32 s9, $0xF7A;
	s5 =	simm.s32 @!p2 $0x0  }
0x1d: {  	s5 =	simm.s32 @p1 $0x1;
	p0 =	seq.s32 s7, s2  }
0x1e: {  	s7 =	smul.u32 @!p0 $0xF7A, s2;
	p2 =	seq.s32 @!p0 s5, $0x0  }
0x1f: {  	s9 =	smul.u32 $0xF7A, s1;
	s8 =	simm.s32 @!p0 $0x1BF5;
	p2 =	por !p2, p0  }
0x20: {  	[sflag:s8] =	ssyncset.s32 @!p0 $0xFFFFF086;
	s6 =	sadd.s32 @!p0 s3, s7;
	s7 =	simm.s32 @!p0 $0x108  }
0x21: {  	s3 =	sadd.s32 s3, s9;
	s6 =	sadd.s32 @!p0 $0x88, s6;
	s7 =	simm.s32 @p2 $0x1082  }
0x22: {  	[simem:s7], [sflag:s8] =	dma.local @!p0 [hbm:s6], $0xF7A  }
0x23: {  	s9 =	sor.u32 $0xD0000000, s2;
	s6 =	simm.s32 $0x108;
	_ =	swait.ge @!p0 [sflag:s8], $0x0  }
0x24: {  	s3 =	sadd.s32 $0x88, s3;
	s6 =	simm.s32 @!p1 $0x1082;
	[sflag:s4] =	ssyncset.s32 $0xFFFFF086  }
0x25: {  	[simem:s6], [sflag:s4] =	dma.local [hbm:s3], $0xF7A  }
0x26: {  	[smem:$0x3F90] =	sst s1;
	(tag) =	ssettag s2;
	_ =	strace s9  }
0x27: {  	s1 =	sld [smem:$0x3FA0]  }
0x28: {  	s2 =	sld [smem:$0x3FA1]  }
0x29: {  	s4 =	sld [smem:$0x3FA3]  }
0x2a: {  	p0 =	seq.s32 s5, $0x0;
	s5 =	sld [smem:$0x3FA4]  }
0x2b: {  	s6 =	sld [smem:$0x3FA5]  }
0x2c: {  	s7 =	sld [smem:$0x3FA6]  }
0x2d: {  	s3 =	simm.s32 $0x108;
	s8 =	sld [smem:$0x3FA7]  }
0x2e: {  	s3 =	simm.s32 @!p0 $0x1082;
	s9 =	sld [smem:$0x3FA8]  }
0x2f: {  	lr =	sadd.s32 s0, s3;
	s0 =	sld [smem:$0x3F9F]  }
0x30: {  	s3 =	sld [smem:$0x3FA2]  }
0x31: {  	[smem:$0x3FAB] =	sst s10  }
0x32: {  	s10 =	sld [smem:$0x3FA9];
	_ =	sdelay $0x3  }
0x33: {  	p0 =	seq.s32 s10, $0x1;
	s10 =	sld [smem:$0x3FAB];
	_ =	sdelay $0x3  }
0x34: {  	[smem:$0x3FAB] =	sst s10  }
0x35: {  	s10 =	sld [smem:$0x3FAA];
	_ =	sdelay $0x3  }
0x36: {  	p1 =	seq.s32 s10, $0x1;
	s10 =	sld [smem:$0x3FAB];
	_ =	sdelay $0x3  }
0x37: {  	[smem:$0x3FAB] =	sst s10  }
0x38: {  	s10 =	sld [smem:$0x3FAC]  }
0x39: {  	_ = 	snop;
	(pc) =	sbr.ind lr, $3  }
0x3a: {  	_ = 	snop  }
0x3b: {  	_ = 	snop  }
0x3c: {  	p2 =	seq.s32 s10, $0x1;
	s10 =	sld [smem:$0x3FAB]  }
0x3d: {  	_ =	shalt  }
0x3e: {  	_ =	shalt  }
0x3f: {  	_ =	shalt  }
0x40: {  	_ =	shalt  }
0x41: {  	_ =	shalt  }
0x42: {  	_ =	shalt  }
0x43: {  	_ =	shalt  }
0x44: {  	_ =	shalt  }
0x45: {  	_ =	shalt  }
0x46: {  	_ =	shalt  }
0x47: {  	_ =	shalt  }
0x48: {  	_ =	shalt  }
0x49: {  	_ =	shalt  }
0x4a: {  	_ =	shalt  }
0x4b: {  	_ =	shalt  }
0x4c: {  	_ =	shalt  }
0x4d: {  	_ =	shalt  }
0x4e: {  	_ =	shalt  }
0x4f: {  	_ =	shalt  }
0x50: {  	_ =	shalt  }
0x51: {  	_ =	shalt  }
0x52: {  	_ =	shalt  }
0x53: {  	_ =	shalt  }
0x54: {  	_ =	shalt  }
0x55: {  	_ =	shalt  }
0x56: {  	_ =	shalt  }
0x57: {  	_ =	shalt  }
0x58: {  	_ =	shalt  }
0x59: {  	_ =	shalt  }
0x5a: {  	_ =	shalt  }
0x5b: {  	_ =	shalt  }
0x5c: {  	_ =	shalt  }
0x5d: {  	_ =	shalt  }
0x5e: {  	_ =	shalt  }
0x5f: {  	_ =	shalt  }
0x60: {  	_ =	shalt  }
0x61: {  	_ =	shalt  }
0x62: {  	_ =	shalt  }
0x63: {  	_ =	shalt  }
0x64: {  	_ =	shalt  }
0x65: {  	_ =	shalt  }
0x66: {  	_ =	shalt  }
0x67: {  	_ =	shalt  }
0x68: {  	_ =	shalt  }
0x69: {  	_ =	shalt  }
0x6a: {  	_ =	shalt  }
0x6b: {  	_ =	shalt  }
0x6c: {  	_ =	shalt  }
0x6d: {  	_ =	shalt  }
0x6e: {  	_ =	shalt  }
0x6f: {  	_ =	shalt  }
0x70: {  	_ =	shalt  }
0x71: {  	_ =	shalt  }
0x72: {  	_ =	shalt  }
0x73: {  	_ =	shalt  }
0x74: {  	_ =	shalt  }
0x75: {  	_ =	shalt  }
0x76: {  	_ =	shalt  }
0x77: {  	_ =	shalt  }
0x78: {  	_ =	shalt  }
0x79: {  	_ =	shalt  }
0x7a: {  	_ =	shalt  }
0x7b: {  	_ =	shalt  }
0x7c: {  	_ =	shalt  }
0x7d: {  	_ =	shalt  }
0x7e: {  	_ =	shalt  }
0x7f: {  	_ =	shalt  }
0x80: {  	_ =	shalt  }
0x81: {  	_ =	shalt  }
0x82: {  	_ =	shalt  }
0x83: {  	_ =	shalt  }
0x84: {  	_ =	shalt  }
0x85: {  	_ =	shalt  }
0x86: {  	_ =	shalt  }
0x87: {  	_ =	shalt  }
.Lfunc_end0:
.L_simem_size_0:
called_computation.2_lowered:
.L_overlay_start_0:
0x88: {  	s2 =	sld [smem:$0x3FD9]  }
0x89: {  	s3 =	sld [smem:$0x3FFE];
	_ =	sdelay $0x1  }
0x8a: {  	s1 =	srdreg.scid  }
0x8b: {  	s0 =	sand.u32 $0x1, s1  }
0x8c: {  	s16 =	sshll.u32 s0, $0xA;
	s2 =	sadd.s32 s3, s2  }
0x8d: {  	s2 =	sadd.s32 s2, s16  }
0x8e: {  	[smem:$0x3FB7] =	sst s2  }
0x8f: {  	_ = 	snop  }
0x90: {  	(tm) =	ssettm $0x1  }
0x91: {  	s17 =	sld [smem:$0x3FFB];
	_ =	sdelay $0x3  }
0x92: {  	_ =	strace s17  }
0x93: {  	s2 =	sld [smem:$0x3FFC];
	_ =	sdelay $0x3  }
0x94: {  	_ =	strace s2  }
0x95: {  	s2 =	sld [smem:$0x3FFD];
	_ =	sdelay $0x3  }
0x96: {  	_ =	strace s2  }
0x97: {  	_ =	strace $0x8FFFFFFF  }
0x98: {  	s18 =	sld [smem:$0x3FDB];
	_ =	sdelay $0x1  }
0x99: {  	s19 =	simm.s32 $_scs_section_size  }
0x9a: {  	s4 =	simm.s32 $_size__tile_overlayer_lowered;
	s5 =	simm.s32 $_tile_overlayer_lowered  }
0x9b: {  	s22 =	simm.s32 $0x1BFF;
	s21 =	sshll.u32 s5, $0x1;
	s2 =	sadd.s32 s19, s18  }
0x9c: {  	s6 =	simm.s32 $0x0;
	s20 =	sshll.u32 s4, $0x1;
	s4 =	sadd.s32 s21, s2  }
0x9d: {  	[timem:s6], [sflag:s22] =	dma.local [hbm:s4], s20  }
0x9e: {  	_ =	swait.ge [sflag:s22], s20  }
0x9f: {  	s3 =	ssub.s32 $0x0, s20;
	[sflag:s22] =	ssyncset.done $0x0  }
0xa0: {  	[sflag:s22] =	ssyncadd.s32 s3;
	_ =	sdelay $0x1  }
0xa1: {  	s23 =	simm.s32 $0x1B8B  }
0xa2: {  	_ =	swait.ge [sflag:s23], $0x1  }
0xa3: {  	[sflag:s23] =	ssyncset.done $0x0  }
0xa4: {  	s25 =	simm.s32 $0x1B8E;
	s24 =	sld [smem:$0x3FFE];
	[sflag:s23] =	ssyncadd.s32 $0xFFFFFFFF  }
0xa5: {  	s26 =	simm.s32 $execute0_lowered;
	[smem:$0x3FD2] =	sst s25  }
0xa6: {  	s4 =	sshll.u32 s26, $0x1;
	_ =	strace $0x8000004C;
	[dreg:$0x1] =	wrdreg $0xFFFFFFFF  }
0xa7: {  	s28 =	simm.s32 $_size_execute0_lowered;
	s2 =	sadd.s32 s2, s4;
	[dreg:$0x0] =	wrdreg $0x0  }
0xa8: {  	s4 =	sshll.u32 s28, $0x1;
	[dreg:$0x2] =	wrdreg s2  }
0xa9: {  	[dreg:$0x3] =	wrdreg s4  }
0xaa: {  	[dreg:$0x4] =	wrdreg $0xC0  }
0xab: {  	_ =	task [dreg:s6], $0x5FFFF  }
0xac: {  	[dreg:$0x1] =	wrdreg $0xFFFFFFFF  }
0xad: {  	[dreg:$0x0] =	wrdreg $0x60  }
0xae: {  	[dreg:$0x2] =	wrdreg s24  }
0xaf: {  	[dreg:$0x3] =	wrdreg $0xE7400  }
0xb0: {  	[dreg:$0x4] =	wrdreg $0x9  }
0xb1: {  	_ =	task.clear_ibuf [dreg:s6], $0x5FFFF;
	_ =	strace $0x9000004C  }
0xb2: {  	s29 =	simm.s32 $0x9;
	_ =	strace $0x8000004E  }
0xb3: {  	_ =	swait.ge [sflag:s29], $0x1  }
0xb4: {  	[sflag:s29] =	ssyncadd.s32 $0xFFFFFFFF  }
0xb5: {  	_ =	strace $0x9000004E  }
0xb6: {  	_ =	sfence  }
0xb7: {  	s30 =	sld [smem:$0x0];
	_ =	sdelay $0x2  }
0xb8: {  	s31 =	sshll.u32 s1, $0xD;
	s1 =	sshrl.u32 s1, $0x2  }
0xb9: {  	s3 =	sand.u32 $0x4000, s31;
	s1 =	sadd.s32 s1, s30  }
0xba: {  	s0 =	sor.u32 s3, s0;
	s1 =	sshll.u32 s1, $0x11  }
0xbb: {  	s0 =	sor.u32 s1, s0  }
0xbc: {  	s0 =	sadd.s32 $0x8F2B, s0  }
0xbd: {  	[sflag:s0] =	ssyncadd.remote.s32 $0x1  }
0xbe: {  	_ =	sfence.sel $0xFFFF  }
0xbf: {  	[dreg:$0x0] =	wrdreg $0xFFFFFFFF;
	(pc) =	sbr.abs _section_cstart, $3  }
0xc0: {  	[dreg:$0x1] =	wrdreg $0xFFFFFFFF  }
0xc1: {  	_ =	task.clear_ibuf [dreg:s6], $0x2FFFF;
	_ =	strace $0x9FFFFFFF  }
0xc2: {  	(tm) =	ssettm $0x7FFFFFFF  }
0xc3: {  	_ =	shalt  }
tec
execute0_lowered:
.L_overlay_start_1:
0x0: {  	(tag) =	ssettag $0x1  }
0x1: {  	s0 =	srdreg.scid  }
0x2: {  	s4 =	stileid.u32;
	s3 =	rddreg [dreg:$0x0]  }
0x3: {  	s2 =	rddreg [dreg:$0x1];
	s6 =	simm.s32 $0x0;
	s16 =	simm.s32 $0x6  }
0x4: {  	s17 =	simm.s32 $0x5140;
	s18 =	simm.s32 $0x50;
	s28 =	simm.s32 $0xC940  }
0x5: {  	s29 =	simm.s32 $0x1;
	s30 =	simm.s32 $0x4FB0;
	s31 =	simm.s32 $0x2  }
0x6: {  	s8 =	simm.s32 $0x5;
	s9 =	simm.s32 $0x50F0;
	s10 =	simm.s32 $0x0  }
0x7: {  	s0 =	sand.u32 $0x1, s0;
	s5 =	smul.u32 $0x1E00, s4;
	[smem:$0x7FF] =	sst s6  }
0x8: {  	s7 =	smul.u32 $0x3C000, s4;
	s6 =	simm.s32 $0x4;
	s1 =	sshll.u32 s0, $0x4  }
0x9: {  	s19 =	smul.u32 $0x1E000, s0;
	_ =	strace $0x8000004D;
	s1 =	sor.u32 s4, s1  }
0xa: {  	s0 =	ssub.s32 $0x2, s0;
	s4 =	sadd.s32 $0x16E00, s3;
	s1 =	smul.u32 $0x9C4, s1  }
0xb: {  	s20 =	sshrl.u32 s0, $0x1;
	s7 =	sshrl.u32 s7, $0x2;
	s5 =	sadd.s32 s5, s19  }
0xc: {  	s0 =	ssub.s32 s0, s20;
	s19 =	simm.s32 $0x4E20;
	s1 =	sadd.s32 s1, s3  }
0xd: {  	s3 =	sadd.s32 s5, s3;
	s5 =	sadd.s32 s7, s2;
	s1 =	sadd.s32 $0x3400, s1  }
0xe: {  	s20 =	simm.s32 $0x4E70;
	s21 =	sadd.s32 $0x1E00, s5;
	[dreg:$0x3] =	wrdreg s1  }
0xf: {  	s15 =	smax.u32 s0, $0x1;
	s22 =	sadd.s32 $0x3C00, s5;
	[dreg:$0x4] =	wrdreg s21  }
0x10: {  	s0 =	simm.s32 $0x5050;
	s23 =	sadd.s32 $0x5A00, s5;
	[dreg:$0x5] =	wrdreg s22  }
0x11: {  	s7 =	simm.s32 $0x50A0;
	s24 =	sadd.s32 $0x7800, s5;
	[dreg:$0x6] =	wrdreg s23  }
0x12: {  	s25 =	sadd.s32 $0x9600, s5;
	s26 =	sadd.s32 $0xB400, s5;
	[dreg:$0x7] =	wrdreg s24  }
0x13: {  	s13 =	sadd.s32 $0xD200, s5;
	s14 =	sadd.s32 $0x51800, s3;
	[dreg:$0x8] =	wrdreg s25  }
0x14: {  	s3 =	simm.s32 $0x3;
	[dreg:$0x9] =	wrdreg s26;
	s21 =	simm.s32 $0x6F40  }
0x15: {  	s22 =	simm.s32 $0x4EC0;
	s23 =	simm.s32 $0x8D40;
	s24 =	simm.s32 $0x4F10  }
0x16: {  	v0 =	vimm.f32 $0.0e+00;
	s25 =	simm.s32 $0xAB40;
	s26 =	simm.s32 $0x4F60;
	s1 =	simm.s32 $0x5000  }
.LBB2_1:
0x17: {  	s11 =	simm.s32 $0x0;
	s12 =	rddreg [dreg:$0x3]  }
0x18: {  	[tilespmem:s11], [sflag:$0x6] =	stream.linear.gather [hbm4b:s12+s11], $0x4E20, $0x38;
	[tilespmem:$0x1D740] =	vst v63  }
0x19: {  	_ =	swait.ge [sflag:s16], $0x4E20  }
0x1a: {  	[sflag:s16] =	ssyncset.done $0x0  }
0x1b: {  	s11 =	simm.s32 $0x0;
	[sflag:s16] =	ssyncadd.s32 $0xFFFFB1E0  }
0x1c: {  	[tilespmem:s11+$0x5190] =	vst v0  }
0x1d: {  	[tilespmem:s11+$0x5140] =	vst v0  }
0x1e: {  	[tilespmem:s11+$0x5150] =	vst v0  }
0x1f: {  	[tilespmem:s11+$0x5160] =	vst v0  }
0x20: {  	s12 =	simm.s32 $0x180;
	[tilespmem:s11+$0x5170] =	vst v0  }
.LBB2_2:
0x21: {  	p0 =	sne.s32 s12, $0x7680;
	[tilespmem:s11+$0x5180] =	vst v0;
	s11 =	sshra.s32 s12, $0x2;
	s12 =	sadd.s32 $0x180, s12  }
.Ltmp0:
0x22: {  	[tilespmem:s11+$0x5190] =	vst v0;
	(pc) =	sbr.rel @p0 .LBB2_2-.Ltmp0, $4  }
0x23: {  	[tilespmem:s11+$0x5140] =	vst v0  }
0x24: {  	[tilespmem:s11+$0x5150] =	vst v0  }
0x25: {  	[tilespmem:s11+$0x5160] =	vst v0  }
0x26: {  	[tilespmem:s11+$0x5170] =	vst v0  }
0x27: {  	[tilespmem:s11+$0x5180] =	vst v0  }
0x28: {  	[spmem:s5] =	stream.linear.scatter [tilespmem:s17], [sflag:$0x6], $0x1E00, $0x38;
	[tilespmem:$0x1D740] =	vst v63  }
0x29: {  	_ =	swait.ge [sflag:s16], $0x1E00  }
0x2a: {  	[sflag:s16] =	ssyncset.done $0x0  }
0x2b: {  	s12 =	rddreg [dreg:$0x4];
	[sflag:s16] =	ssyncadd.s32 $0xFFFFE200  }
0x2c: {  	[spmem:s12] =	stream.linear.scatter [tilespmem:s17], [sflag:$0x6], $0x1E00, $0x38;
	[tilespmem:$0x1D740] =	vst v63  }
0x2d: {  	_ =	swait.ge [sflag:s16], $0x1E00  }
0x2e: {  	[sflag:s16] =	ssyncset.done $0x0  }
0x2f: {  	s12 =	rddreg [dreg:$0x5];
	[sflag:s16] =	ssyncadd.s32 $0xFFFFE200  }
0x30: {  	[spmem:s12] =	stream.linear.scatter [tilespmem:s17], [sflag:$0x6], $0x1E00, $0x38;
	[tilespmem:$0x1D740] =	vst v63  }
0x31: {  	_ =	swait.ge [sflag:s16], $0x1E00  }
0x32: {  	[sflag:s16] =	ssyncset.done $0x0  }
0x33: {  	s12 =	rddreg [dreg:$0x6];
	[sflag:s16] =	ssyncadd.s32 $0xFFFFE200  }
0x34: {  	[spmem:s12] =	stream.linear.scatter [tilespmem:s17], [sflag:$0x6], $0x1E00, $0x38;
	[tilespmem:$0x1D740] =	vst v63  }
0x35: {  	_ =	swait.ge [sflag:s16], $0x1E00  }
0x36: {  	[sflag:s16] =	ssyncset.done $0x0  }
0x37: {  	s12 =	rddreg [dreg:$0x7];
	[sflag:s16] =	ssyncadd.s32 $0xFFFFE200  }
0x38: {  	[spmem:s12] =	stream.linear.scatter [tilespmem:s17], [sflag:$0x6], $0x1E00, $0x38;
	[tilespmem:$0x1D740] =	vst v63  }
0x39: {  	_ =	swait.ge [sflag:s16], $0x1E00  }
0x3a: {  	[sflag:s16] =	ssyncset.done $0x0  }
0x3b: {  	s12 =	rddreg [dreg:$0x8];
	[sflag:s16] =	ssyncadd.s32 $0xFFFFE200  }
0x3c: {  	[spmem:s12] =	stream.linear.scatter [tilespmem:s17], [sflag:$0x6], $0x1E00, $0x38;
	[tilespmem:$0x1D740] =	vst v63  }
0x3d: {  	_ =	swait.ge [sflag:s16], $0x1E00  }
0x3e: {  	[sflag:s16] =	ssyncset.done $0x0  }
0x3f: {  	s12 =	rddreg [dreg:$0x9];
	[sflag:s16] =	ssyncadd.s32 $0xFFFFE200  }
0x40: {  	[spmem:s12] =	stream.linear.scatter [tilespmem:s17], [sflag:$0x6], $0x1E00, $0x38;
	[tilespmem:$0x1D740] =	vst v63  }
0x41: {  	_ =	swait.ge [sflag:s16], $0x1E00  }
0x42: {  	[sflag:s16] =	ssyncset.done $0x0  }
0x43: {  	[sflag:s16] =	ssyncadd.s32 $0xFFFFE200  }
0x44: {  	[spmem:s13] =	stream.linear.scatter [tilespmem:s17], [sflag:$0x6], $0x1E00, $0x38;
	[tilespmem:$0x1D740] =	vst v63  }
0x45: {  	_ =	swait.ge [sflag:s16], $0x1E00  }
0x46: {  	[sflag:s16] =	ssyncset.done $0x0  }
0x47: {  	[sflag:s16] =	ssyncadd.s32 $0xFFFFE200  }
0x48: {  	s12 =	simm.s32 $0x0;
	[bflag:$0x0] =	sbarrier.arrive $0xFFFF  }
0x49: {  	v1 =	vld [tilespmem:s12+$0x0];
	_ =	sdelay $0x4  }
0x4a: {  	v2 =	vand.u32 $0xFFFF, v1  }
0x4b: {  	v1 =	vshrl.u32 v1, $0x10;
	[tilespmem:$0x4E20] =	vst v2  }
0x4c: {  	[tilespmem:$0x4FB0] =	vst v1  }
0x4d: {  	v1 =	vld [tilespmem:s12+$0x10];
	_ =	sdelay $0x4  }
0x4e: {  	v2 =	vand.u32 $0xFFFF, v1  }
0x4f: {  	v1 =	vshrl.u32 v1, $0x10;
	[tilespmem:$0x4E30] =	vst v2  }
0x50: {  	[tilespmem:$0x4FC0] =	vst v1  }
0x51: {  	v1 =	vld [tilespmem:s12+$0x20];
	_ =	sdelay $0x4  }
0x52: {  	v2 =	vand.u32 $0xFFFF, v1  }
0x53: {  	v1 =	vshrl.u32 v1, $0x10;
	[tilespmem:$0x4E40] =	vst v2  }
0x54: {  	[tilespmem:$0x4FD0] =	vst v1  }
0x55: {  	v1 =	vld [tilespmem:s12+$0x30];
	_ =	sdelay $0x4  }
0x56: {  	v2 =	vand.u32 $0xFFFF, v1  }
0x57: {  	v1 =	vshrl.u32 v1, $0x10;
	[tilespmem:$0x4E50] =	vst v2  }
0x58: {  	[tilespmem:$0x4FE0] =	vst v1  }
0x59: {  	v1 =	vld [tilespmem:s12+$0x40];
	_ =	sdelay $0x4  }
0x5a: {  	v2 =	vand.u32 $0xFFFF, v1  }
0x5b: {  	v1 =	vshrl.u32 v1, $0x10;
	[tilespmem:$0x4E60] =	vst v2  }
0x5c: {  	[tilespmem:$0x4FF0] =	vst v1  }
0x5d: {  	[tilespmem:s17], [sflag:$0x1] =	stream.indirect.gather [hbm4b:s4+s18], $0x60, s19, s18, $0xb8;
	[tilespmem:$0x1D740] =	vst v63  }
0x5e: {  	v1 =	vld [tilespmem:s12+$0x50];
	_ =	sdelay $0x4  }
0x5f: {  	v2 =	vand.u32 $0xFFFF, v1  }
0x60: {  	v1 =	vshrl.u32 v1, $0x10;
	[tilespmem:$0x4E70] =	vst v2  }
0x61: {  	[tilespmem:$0x5000] =	vst v1  }
0x62: {  	v1 =	vld [tilespmem:s12+$0x60];
	_ =	sdelay $0x4  }
0x63: {  	v2 =	vand.u32 $0xFFFF, v1  }
0x64: {  	v1 =	vshrl.u32 v1, $0x10;
	[tilespmem:$0x4E80] =	vst v2  }
0x65: {  	[tilespmem:$0x5010] =	vst v1  }
0x66: {  	v1 =	vld [tilespmem:s12+$0x70];
	_ =	sdelay $0x4  }
0x67: {  	v2 =	vand.u32 $0xFFFF, v1  }
0x68: {  	v1 =	vshrl.u32 v1, $0x10;
	[tilespmem:$0x4E90] =	vst v2  }
0x69: {  	[tilespmem:$0x5020] =	vst v1  }
0x6a: {  	v1 =	vld [tilespmem:s12+$0x80];
	_ =	sdelay $0x4  }
0x6b: {  	v2 =	vand.u32 $0xFFFF, v1  }
0x6c: {  	v1 =	vshrl.u32 v1, $0x10;
	[tilespmem:$0x4EA0] =	vst v2  }
0x6d: {  	[tilespmem:$0x5030] =	vst v1  }
0x6e: {  	v1 =	vld [tilespmem:s12+$0x90];
	_ =	sdelay $0x4  }
0x6f: {  	v2 =	vand.u32 $0xFFFF, v1  }
0x70: {  	v1 =	vshrl.u32 v1, $0x10;
	[tilespmem:$0x4EB0] =	vst v2  }
0x71: {  	[tilespmem:$0x5040] =	vst v1  }
0x72: {  	[tilespmem:s21], [sflag:$0x2] =	stream.indirect.gather [hbm4b:s4+s18], $0x60, s20, s18, $0xb8;
	[tilespmem:$0x1D740] =	vst v63  }
0x73: {  	v1 =	vld [tilespmem:s12+$0xA0];
	_ =	sdelay $0x4  }
0x74: {  	v2 =	vand.u32 $0xFFFF, v1  }
0x75: {  	v1 =	vshrl.u32 v1, $0x10;
	[tilespmem:$0x4EC0] =	vst v2  }
0x76: {  	[tilespmem:$0x5050] =	vst v1  }
0x77: {  	v1 =	vld [tilespmem:s12+$0xB0];
	_ =	sdelay $0x4  }
0x78: {  	v2 =	vand.u32 $0xFFFF, v1  }
0x79: {  	v1 =	vshrl.u32 v1, $0x10;
	[tilespmem:$0x4ED0] =	vst v2  }
0x7a: {  	[tilespmem:$0x5060] =	vst v1  }
0x7b: {  	v1 =	vld [tilespmem:s12+$0xC0];
	_ =	sdelay $0x4  }
0x7c: {  	v2 =	vand.u32 $0xFFFF, v1  }
0x7d: {  	v1 =	vshrl.u32 v1, $0x10;
	[tilespmem:$0x4EE0] =	vst v2  }
0x7e: {  	[tilespmem:$0x5070] =	vst v1  }
0x7f: {  	v1 =	vld [tilespmem:s12+$0xD0];
	_ =	sdelay $0x4  }
0x80: {  	v2 =	vand.u32 $0xFFFF, v1  }
0x81: {  	v1 =	vshrl.u32 v1, $0x10;
	[tilespmem:$0x4EF0] =	vst v2  }
0x82: {  	[tilespmem:$0x5080] =	vst v1  }
0x83: {  	v1 =	vld [tilespmem:s12+$0xE0];
	_ =	sdelay $0x4  }
0x84: {  	v2 =	vand.u32 $0xFFFF, v1  }
0x85: {  	v1 =	vshrl.u32 v1, $0x10;
	[tilespmem:$0x4F00] =	vst v2  }
0x86: {  	[tilespmem:$0x5090] =	vst v1  }
0x87: {  	[tilespmem:s23], [sflag:$0x3] =	stream.indirect.gather [hbm4b:s4+s18], $0x60, s22, s18, $0xb8;
	[tilespmem:$0x1D740] =	vst v63  }
0x88: {  	v1 =	vld [tilespmem:s12+$0xF0];
	_ =	sdelay $0x4  }
0x89: {  	v2 =	vand.u32 $0xFFFF, v1  }
0x8a: {  	v1 =	vshrl.u32 v1, $0x10;
	[tilespmem:$0x4F10] =	vst v2  }
0x8b: {  	[tilespmem:$0x50A0] =	vst v1  }
0x8c: {  	v1 =	vld [tilespmem:s12+$0x100];
	_ =	sdelay $0x4  }
0x8d: {  	v2 =	vand.u32 $0xFFFF, v1  }
0x8e: {  	v1 =	vshrl.u32 v1, $0x10;
	[tilespmem:$0x4F20] =	vst v2  }
0x8f: {  	[tilespmem:$0x50B0] =	vst v1  }
0x90: {  	v1 =	vld [tilespmem:s12+$0x110];
	_ =	sdelay $0x4  }
0x91: {  	v2 =	vand.u32 $0xFFFF, v1  }
0x92: {  	v1 =	vshrl.u32 v1, $0x10;
	[tilespmem:$0x4F30] =	vst v2  }
0x93: {  	[tilespmem:$0x50C0] =	vst v1  }
0x94: {  	v1 =	vld [tilespmem:s12+$0x120];
	_ =	sdelay $0x4  }
0x95: {  	v2 =	vand.u32 $0xFFFF, v1  }
0x96: {  	v1 =	vshrl.u32 v1, $0x10;
	[tilespmem:$0x4F40] =	vst v2  }
0x97: {  	[tilespmem:$0x50D0] =	vst v1  }
0x98: {  	v1 =	vld [tilespmem:s12+$0x130];
	_ =	sdelay $0x4  }
0x99: {  	v2 =	vand.u32 $0xFFFF, v1  }
0x9a: {  	v1 =	vshrl.u32 v1, $0x10;
	[tilespmem:$0x4F50] =	vst v2  }
0x9b: {  	[tilespmem:$0x50E0] =	vst v1  }
0x9c: {  	[tilespmem:s25], [sflag:$0x4] =	stream.indirect.gather [hbm4b:s4+s18], $0x60, s24, s18, $0xb8;
	[tilespmem:$0x1D740] =	vst v63  }
0x9d: {  	v1 =	vld [tilespmem:s12+$0x140];
	_ =	sdelay $0x4  }
0x9e: {  	v2 =	vand.u32 $0xFFFF, v1  }
0x9f: {  	v1 =	vshrl.u32 v1, $0x10;
	[tilespmem:$0x4F60] =	vst v2  }
0xa0: {  	[tilespmem:$0x50F0] =	vst v1  }
0xa1: {  	v1 =	vld [tilespmem:s12+$0x150];
	_ =	sdelay $0x4  }
0xa2: {  	v2 =	vand.u32 $0xFFFF, v1  }
0xa3: {  	v1 =	vshrl.u32 v1, $0x10;
	[tilespmem:$0x4F70] =	vst v2  }
0xa4: {  	[tilespmem:$0x5100] =	vst v1  }
0xa5: {  	v1 =	vld [tilespmem:s12+$0x160];
	_ =	sdelay $0x4  }
0xa6: {  	v2 =	vand.u32 $0xFFFF, v1  }
0xa7: {  	v1 =	vshrl.u32 v1, $0x10;
	[tilespmem:$0x4F80] =	vst v2  }
0xa8: {  	[tilespmem:$0x5110] =	vst v1  }
0xa9: {  	v1 =	vld [tilespmem:s12+$0x170];
	_ =	sdelay $0x4  }
0xaa: {  	v2 =	vand.u32 $0xFFFF, v1  }
0xab: {  	v1 =	vshrl.u32 v1, $0x10;
	[tilespmem:$0x4F90] =	vst v2  }
0xac: {  	[tilespmem:$0x5120] =	vst v1  }
0xad: {  	v1 =	vld [tilespmem:s12+$0x180];
	_ =	sdelay $0x4  }
0xae: {  	v2 =	vand.u32 $0xFFFF, v1  }
0xaf: {  	v1 =	vshrl.u32 v1, $0x10;
	[tilespmem:$0x4FA0] =	vst v2  }
0xb0: {  	[tilespmem:$0x5130] =	vst v1  }
0xb1: {  	[tilespmem:s28], [sflag:$0x5] =	stream.indirect.gather [hbm4b:s4+s18], $0x60, s26, s18, $0xb8;
	[tilespmem:$0x1D740] =	vst v63  }
0xb2: {  	_ =	swait.ge [sflag:s29], $0x1E00  }
0xb3: {  	[sflag:s29] =	ssyncset.done $0x0  }
0xb4: {  	[sflag:s29] =	ssyncadd.s32 $0xFFFFE200  }
0xb5: {  	[spmem:s2] =	stream.indirect.scatter.add.f32 [tilespmem:s17], [sflag:$0x6], $0x60, s30, s18, $0xb8;
	[tilespmem:$0x1D740] =	vst v63  }
0xb6: {  	_ =	swait.ge [sflag:s16], $0x1E00  }
0xb7: {  	[sflag:s16] =	ssyncset.done $0x0  }
0xb8: {  	[sflag:s16] =	ssyncadd.s32 $0xFFFFE200  }
0xb9: {  	_ =	swait.ge [sflag:s31], $0x1E00  }
0xba: {  	s11 =	simm.s32 $0x640;
	[sflag:s31] =	ssyncset.done $0x0  }
.LBB2_4:
0xbb: {  	p0 =	sne.s32 s11, $0x13240  }
0xbc: {  	[sflag:s31] =	ssyncadd.s32 $0xFFFFE200;
	s12 =	smov.u32 s11;
	s11 =	sadd.s32 $0x640, s11  }
0xbd: {  	[spmem:s2] =	stream.indirect.scatter.add.f32 [tilespmem:s21], [sflag:$0x6], $0x60, s1, s18, $0xb8;
	[tilespmem:$0x1D740] =	vst v63  }
0xbe: {  	_ =	swait.ge [sflag:s16], $0x1E00  }
0xbf: {  	[sflag:s16] =	ssyncset.done $0x0  }
0xc0: {  	[sflag:s16] =	ssyncadd.s32 $0xFFFFE200  }
0xc1: {  	_ =	swait.ge [sflag:s3], $0x1E00  }
0xc2: {  	[sflag:s3] =	ssyncset.done $0x0  }
0xc3: {  	[sflag:s3] =	ssyncadd.s32 $0xFFFFE200  }
0xc4: {  	[spmem:s2] =	stream.indirect.scatter.add.f32 [tilespmem:s23], [sflag:$0x6], $0x60, s0, s18, $0xb8;
	[tilespmem:$0x1D740] =	vst v63  }
0xc5: {  	_ =	swait.ge [sflag:s16], $0x1E00  }
0xc6: {  	[sflag:s16] =	ssyncset.done $0x0  }
0xc7: {  	[sflag:s16] =	ssyncadd.s32 $0xFFFFE200  }
0xc8: {  	_ =	swait.ge [sflag:s6], $0x1E00  }
0xc9: {  	[sflag:s6] =	ssyncset.done $0x0  }
0xca: {  	[sflag:s6] =	ssyncadd.s32 $0xFFFFE200  }
0xcb: {  	[spmem:s2] =	stream.indirect.scatter.add.f32 [tilespmem:s25], [sflag:$0x6], $0x60, s7, s18, $0xb8;
	[tilespmem:$0x1D740] =	vst v63  }
0xcc: {  	_ =	swait.ge [sflag:s16], $0x1E00  }
0xcd: {  	[sflag:s16] =	ssyncset.done $0x0  }
0xce: {  	[sflag:s16] =	ssyncadd.s32 $0xFFFFE200  }
0xcf: {  	_ =	swait.ge [sflag:s8], $0x1E00  }
0xd0: {  	[sflag:s8] =	ssyncset.done $0x0  }
0xd1: {  	[sflag:s8] =	ssyncadd.s32 $0xFFFFE200  }
0xd2: {  	[spmem:s2] =	stream.indirect.scatter.add.f32 [tilespmem:s28], [sflag:$0x6], $0x60, s9, s18, $0xb8;
	[tilespmem:$0x1D740] =	vst v63  }
0xd3: {  	_ =	swait.ge [sflag:s16], $0x1E00  }
0xd4: {  	[sflag:s16] =	ssyncset.done $0x0  }
0xd5: {  	s12 =	sshra.s32 s12, $0x2;
	[sflag:s16] =	ssyncadd.s32 $0xFFFFE200  }
0xd6: {  	v1 =	vld [tilespmem:s12+$0x0];
	_ =	sdelay $0x4  }
0xd7: {  	v2 =	vand.u32 $0xFFFF, v1;
	v1 =	vshrl.u32 v1, $0x10  }
0xd8: {  	[tilespmem:$0x4E20] =	vst v2  }
0xd9: {  	[tilespmem:$0x4FB0] =	vst v1  }
0xda: {  	v1 =	vld [tilespmem:s12+$0x10];
	_ =	sdelay $0x4  }
0xdb: {  	v2 =	vand.u32 $0xFFFF, v1;
	v1 =	vshrl.u32 v1, $0x10  }
0xdc: {  	[tilespmem:$0x4E30] =	vst v2  }
0xdd: {  	[tilespmem:$0x4FC0] =	vst v1  }
0xde: {  	v1 =	vld [tilespmem:s12+$0x20];
	_ =	sdelay $0x4  }
0xdf: {  	v2 =	vand.u32 $0xFFFF, v1;
	v1 =	vshrl.u32 v1, $0x10  }
0xe0: {  	[tilespmem:$0x4E40] =	vst v2  }
0xe1: {  	[tilespmem:$0x4FD0] =	vst v1  }
0xe2: {  	v1 =	vld [tilespmem:s12+$0x30];
	_ =	sdelay $0x4  }
0xe3: {  	v2 =	vand.u32 $0xFFFF, v1;
	v1 =	vshrl.u32 v1, $0x10  }
0xe4: {  	[tilespmem:$0x4E50] =	vst v2  }
0xe5: {  	[tilespmem:$0x4FE0] =	vst v1  }
0xe6: {  	v1 =	vld [tilespmem:s12+$0x40];
	_ =	sdelay $0x4  }
0xe7: {  	v2 =	vand.u32 $0xFFFF, v1;
	v1 =	vshrl.u32 v1, $0x10  }
0xe8: {  	[tilespmem:$0x4E60] =	vst v2  }
0xe9: {  	[tilespmem:$0x4FF0] =	vst v1  }
0xea: {  	[tilespmem:s17], [sflag:$0x1] =	stream.indirect.gather [hbm4b:s4+s18], $0x60, s19, s18, $0xb8;
	[tilespmem:$0x1D740] =	vst v63  }
0xeb: {  	v1 =	vld [tilespmem:s12+$0x50];
	_ =	sdelay $0x4  }
0xec: {  	v2 =	vand.u32 $0xFFFF, v1;
	v1 =	vshrl.u32 v1, $0x10  }
0xed: {  	[tilespmem:$0x4E70] =	vst v2  }
0xee: {  	[tilespmem:$0x5000] =	vst v1  }
0xef: {  	v1 =	vld [tilespmem:s12+$0x60];
	_ =	sdelay $0x4  }
0xf0: {  	v2 =	vand.u32 $0xFFFF, v1;
	v1 =	vshrl.u32 v1, $0x10  }
0xf1: {  	[tilespmem:$0x4E80] =	vst v2  }
0xf2: {  	[tilespmem:$0x5010] =	vst v1  }
0xf3: {  	v1 =	vld [tilespmem:s12+$0x70];
	_ =	sdelay $0x4  }
0xf4: {  	v2 =	vand.u32 $0xFFFF, v1;
	v1 =	vshrl.u32 v1, $0x10  }
0xf5: {  	[tilespmem:$0x4E90] =	vst v2  }
0xf6: {  	[tilespmem:$0x5020] =	vst v1  }
0xf7: {  	v1 =	vld [tilespmem:s12+$0x80];
	_ =	sdelay $0x4  }
0xf8: {  	v2 =	vand.u32 $0xFFFF, v1;
	v1 =	vshrl.u32 v1, $0x10  }
0xf9: {  	[tilespmem:$0x4EA0] =	vst v2  }
0xfa: {  	[tilespmem:$0x5030] =	vst v1  }
0xfb: {  	v1 =	vld [tilespmem:s12+$0x90];
	_ =	sdelay $0x4  }
0xfc: {  	v2 =	vand.u32 $0xFFFF, v1;
	v1 =	vshrl.u32 v1, $0x10  }
0xfd: {  	[tilespmem:$0x4EB0] =	vst v2  }
0xfe: {  	[tilespmem:$0x5040] =	vst v1  }
0xff: {  	[tilespmem:s21], [sflag:$0x2] =	stream.indirect.gather [hbm4b:s4+s18], $0x60, s20, s18, $0xb8;
	[tilespmem:$0x1D740] =	vst v63  }
0x100: {  	v1 =	vld [tilespmem:s12+$0xA0];
	_ =	sdelay $0x4  }
0x101: {  	v2 =	vand.u32 $0xFFFF, v1;
	v1 =	vshrl.u32 v1, $0x10  }
0x102: {  	[tilespmem:$0x4EC0] =	vst v2  }
0x103: {  	[tilespmem:$0x5050] =	vst v1  }
0x104: {  	v1 =	vld [tilespmem:s12+$0xB0];
	_ =	sdelay $0x4  }
0x105: {  	v2 =	vand.u32 $0xFFFF, v1;
	v1 =	vshrl.u32 v1, $0x10  }
0x106: {  	[tilespmem:$0x4ED0] =	vst v2  }
0x107: {  	[tilespmem:$0x5060] =	vst v1  }
0x108: {  	v1 =	vld [tilespmem:s12+$0xC0];
	_ =	sdelay $0x4  }
0x109: {  	v2 =	vand.u32 $0xFFFF, v1;
	v1 =	vshrl.u32 v1, $0x10  }
0x10a: {  	[tilespmem:$0x4EE0] =	vst v2  }
0x10b: {  	[tilespmem:$0x5070] =	vst v1  }
0x10c: {  	v1 =	vld [tilespmem:s12+$0xD0];
	_ =	sdelay $0x4  }
0x10d: {  	v2 =	vand.u32 $0xFFFF, v1;
	v1 =	vshrl.u32 v1, $0x10  }
0x10e: {  	[tilespmem:$0x4EF0] =	vst v2  }
0x10f: {  	[tilespmem:$0x5080] =	vst v1  }
0x110: {  	v1 =	vld [tilespmem:s12+$0xE0];
	_ =	sdelay $0x4  }
0x111: {  	v2 =	vand.u32 $0xFFFF, v1;
	v1 =	vshrl.u32 v1, $0x10  }
0x112: {  	[tilespmem:$0x4F00] =	vst v2  }
0x113: {  	[tilespmem:$0x5090] =	vst v1  }
0x114: {  	[tilespmem:s23], [sflag:$0x3] =	stream.indirect.gather [hbm4b:s4+s18], $0x60, s22, s18, $0xb8;
	[tilespmem:$0x1D740] =	vst v63  }
0x115: {  	v1 =	vld [tilespmem:s12+$0xF0];
	_ =	sdelay $0x4  }
0x116: {  	v2 =	vand.u32 $0xFFFF, v1;
	v1 =	vshrl.u32 v1, $0x10  }
0x117: {  	[tilespmem:$0x4F10] =	vst v2  }
0x118: {  	[tilespmem:$0x50A0] =	vst v1  }
0x119: {  	v1 =	vld [tilespmem:s12+$0x100];
	_ =	sdelay $0x4  }
0x11a: {  	v2 =	vand.u32 $0xFFFF, v1;
	v1 =	vshrl.u32 v1, $0x10  }
0x11b: {  	[tilespmem:$0x4F20] =	vst v2  }
0x11c: {  	[tilespmem:$0x50B0] =	vst v1  }
0x11d: {  	v1 =	vld [tilespmem:s12+$0x110];
	_ =	sdelay $0x4  }
0x11e: {  	v2 =	vand.u32 $0xFFFF, v1;
	v1 =	vshrl.u32 v1, $0x10  }
0x11f: {  	[tilespmem:$0x4F30] =	vst v2  }
0x120: {  	[tilespmem:$0x50C0] =	vst v1  }
0x121: {  	v1 =	vld [tilespmem:s12+$0x120];
	_ =	sdelay $0x4  }
0x122: {  	v2 =	vand.u32 $0xFFFF, v1;
	v1 =	vshrl.u32 v1, $0x10  }
0x123: {  	[tilespmem:$0x4F40] =	vst v2  }
0x124: {  	[tilespmem:$0x50D0] =	vst v1  }
0x125: {  	v1 =	vld [tilespmem:s12+$0x130];
	_ =	sdelay $0x4  }
0x126: {  	v2 =	vand.u32 $0xFFFF, v1;
	v1 =	vshrl.u32 v1, $0x10  }
0x127: {  	[tilespmem:$0x4F50] =	vst v2  }
0x128: {  	[tilespmem:$0x50E0] =	vst v1  }
0x129: {  	[tilespmem:s25], [sflag:$0x4] =	stream.indirect.gather [hbm4b:s4+s18], $0x60, s24, s18, $0xb8;
	[tilespmem:$0x1D740] =	vst v63  }
0x12a: {  	v1 =	vld [tilespmem:s12+$0x140];
	_ =	sdelay $0x4  }
0x12b: {  	v2 =	vand.u32 $0xFFFF, v1;
	v1 =	vshrl.u32 v1, $0x10  }
0x12c: {  	[tilespmem:$0x4F60] =	vst v2  }
0x12d: {  	[tilespmem:$0x50F0] =	vst v1  }
0x12e: {  	v1 =	vld [tilespmem:s12+$0x150];
	_ =	sdelay $0x4  }
0x12f: {  	v2 =	vand.u32 $0xFFFF, v1;
	v1 =	vshrl.u32 v1, $0x10  }
0x130: {  	[tilespmem:$0x4F70] =	vst v2  }
0x131: {  	[tilespmem:$0x5100] =	vst v1  }
0x132: {  	v1 =	vld [tilespmem:s12+$0x160];
	_ =	sdelay $0x4  }
0x133: {  	v2 =	vand.u32 $0xFFFF, v1;
	v1 =	vshrl.u32 v1, $0x10  }
0x134: {  	[tilespmem:$0x4F80] =	vst v2  }
0x135: {  	[tilespmem:$0x5110] =	vst v1  }
0x136: {  	v1 =	vld [tilespmem:s12+$0x170];
	_ =	sdelay $0x4  }
0x137: {  	v2 =	vand.u32 $0xFFFF, v1;
	v1 =	vshrl.u32 v1, $0x10  }
0x138: {  	[tilespmem:$0x4F90] =	vst v2  }
0x139: {  	[tilespmem:$0x5120] =	vst v1  }
0x13a: {  	v1 =	vld [tilespmem:s12+$0x180];
	_ =	sdelay $0x4  }
0x13b: {  	v2 =	vand.u32 $0xFFFF, v1;
	v1 =	vshrl.u32 v1, $0x10  }
0x13c: {  	[tilespmem:$0x4FA0] =	vst v2  }
0x13d: {  	[tilespmem:$0x5130] =	vst v1  }
0x13e: {  	[tilespmem:s28], [sflag:$0x5] =	stream.indirect.gather [hbm4b:s4+s18], $0x60, s26, s18, $0xb8;
	[tilespmem:$0x1D740] =	vst v63  }
0x13f: {  	_ =	swait.ge [sflag:s29], $0x1E00  }
0x140: {  	[sflag:s29] =	ssyncset.done $0x0  }
0x141: {  	[sflag:s29] =	ssyncadd.s32 $0xFFFFE200  }
0x142: {  	[spmem:s2] =	stream.indirect.scatter.add.f32 [tilespmem:s17], [sflag:$0x6], $0x60, s30, s18, $0xb8;
	[tilespmem:$0x1D740] =	vst v63  }
.Ltmp1:
0x143: {  	_ =	swait.ge [sflag:s16], $0x1E00;
	(pc) =	sbr.rel @p0 .LBB2_4-.Ltmp1, $4  }
0x144: {  	[sflag:s16] =	ssyncset.done $0x0  }
0x145: {  	[sflag:s16] =	ssyncadd.s32 $0xFFFFE200  }
0x146: {  	_ =	swait.ge [sflag:s31], $0x1E00  }
0x147: {  	[sflag:s31] =	ssyncset.done $0x0  }
0x148: {  	[sflag:s31] =	ssyncadd.s32 $0xFFFFE200  }
0x149: {  	[spmem:s2] =	stream.indirect.scatter.add.f32 [tilespmem:s21], [sflag:$0x6], $0x60, s1, s18, $0xb8;
	[tilespmem:$0x1D740] =	vst v63  }
0x14a: {  	_ =	swait.ge [sflag:s16], $0x1E00  }
0x14b: {  	[sflag:s16] =	ssyncset.done $0x0  }
0x14c: {  	[sflag:s16] =	ssyncadd.s32 $0xFFFFE200  }
0x14d: {  	_ =	swait.ge [sflag:s3], $0x1E00  }
0x14e: {  	[sflag:s3] =	ssyncset.done $0x0  }
0x14f: {  	[sflag:s3] =	ssyncadd.s32 $0xFFFFE200  }
0x150: {  	[spmem:s2] =	stream.indirect.scatter.add.f32 [tilespmem:s23], [sflag:$0x6], $0x60, s0, s18, $0xb8;
	[tilespmem:$0x1D740] =	vst v63  }
0x151: {  	_ =	swait.ge [sflag:s16], $0x1E00  }
0x152: {  	[sflag:s16] =	ssyncset.done $0x0  }
0x153: {  	[sflag:s16] =	ssyncadd.s32 $0xFFFFE200  }
0x154: {  	_ =	swait.ge [sflag:s6], $0x1E00  }
0x155: {  	[sflag:s6] =	ssyncset.done $0x0  }
0x156: {  	[sflag:s6] =	ssyncadd.s32 $0xFFFFE200  }
0x157: {  	[spmem:s2] =	stream.indirect.scatter.add.f32 [tilespmem:s25], [sflag:$0x6], $0x60, s7, s18, $0xb8;
	[tilespmem:$0x1D740] =	vst v63  }
0x158: {  	_ =	swait.ge [sflag:s16], $0x1E00  }
0x159: {  	[sflag:s16] =	ssyncset.done $0x0  }
0x15a: {  	[sflag:s16] =	ssyncadd.s32 $0xFFFFE200  }
0x15b: {  	_ =	swait.ge [sflag:s8], $0x1E00  }
0x15c: {  	[sflag:s8] =	ssyncset.done $0x0  }
0x15d: {  	[sflag:s8] =	ssyncadd.s32 $0xFFFFE200  }
0x15e: {  	[spmem:s2] =	stream.indirect.scatter.add.f32 [tilespmem:s28], [sflag:$0x6], $0x60, s9, s18, $0xb8;
	[tilespmem:$0x1D740] =	vst v63  }
0x15f: {  	s11 =	stileid.u32;
	_ =	swait.ge [sflag:s16], $0x1E00  }
0x160: {  	s12 =	sshrl.u32 s5, $0x3;
	s10 =	sadd.s32 $0x1, s10;
	[sflag:s16] =	ssyncset.done $0x0  }
0x161: {  	s11 =	sshll.u32 s11, $0x6;
	p0 =	sne.s32 s10, s15;
	[sflag:s16] =	ssyncadd.s32 $0xFFFFE200  }
.Ltmp2:
0x162: {  	s11 =	sor.u32 $0x1C06, s11;
	[bflag:$0x0] =	sbarrier.arrive $0xFFFF;
	(pc) =	sbr.rel @p0 .LBB2_1-.Ltmp2, $4  }
0x163: {  	[hbm:s14], [sflag:s11] =	dma.local [spmem:s12], $0x1E00  }
0x164: {  	_ =	swait.ge [sflag:s16], $0x1E00  }
0x165: {  	[sflag:s16] =	ssyncset.done $0x0  }
0x166: {  	[sflag:s16] =	ssyncadd.s32 $0xFFFFE200  }
0x167: {  	_ =	sfence.sel $0x180000  }
0x168: {  	[bflag:$0x0] =	sbarrier.arrive $0xFFFF  }
0x169: {  	_ =	strace $0x9000004D  }
0x16a: {  	s0 =	stileid.u32;
	[bflag:$0x2] =	sbarrier.arrive $0xFFFF  }
0x16b: {  	p0 =	sne.s32 s0, $0x0;
	s0 =	rddreg [dreg:$0x2]  }
0x16c: {  	s0 =	sadd.s32 @!p0 $0x100000, s0  }
0x16d: {  	[sflag:s0] =	ssyncadd.tile.s32 @!p0 $0x1;
	_ =	shalt  }
.Lfunc_end2:
_tile_overlayer_lowered:
.L_overlay_start_2:
0x16e: {  	(tag) =	ssettag $0x2  }
0x16f: {  	s0 =	rddreg [dreg:$0x0];
	s2 =	stileid.u32  }
0x170: {  	s1 =	rddreg [dreg:$0x1];
	p0 =	sne.s32 s2, $0x0  }
0x171: {  	s3 =	rddreg [dreg:$0x2];
	[bflag:$0x3] =	sbarrier.arrive $0xFFFF;
	s2 =	simm.s32 @!p0 $0x1C06  }
0x172: {  	[timem:s3], [sflag:s2] =	dma.local @!p0 [hbm:s0], s1  }
0x173: {  	s0 =	simm.s32 @!p0 $0x6  }
0x174: {  	_ =	swait.ge @!p0 [sflag:s0], s1  }
0x175: {  	s1 =	ssub.s32 @!p0 $0x0, s1;
	[sflag:s0] =	ssyncset.done @!p0 $0x0  }
0x176: {  	[sflag:s0] =	ssyncadd.s32 @!p0 s1  }
0x177: {  	[bflag:$0x3] =	sbarrier.arrive $0xFFFF  }
0x178: {  	_ =	shalt  }

</sc_bundles>
